<compile_context>
chip_gen: v7x
topology: tpu7x:2x2x1
jax: 0.10.2.dev20260603
libtpu: 0.0.44.dev20260713+nightly
codegen_flags: <defaults>
</compile_context>

<pallas_src>
import functools

import jax
import jax.numpy as jnp
from jax import lax
from jax.experimental import pallas as pl
from jax.experimental.pallas import tpu as pltpu
from jax.experimental.pallas import tpu_sc as plsc

BOX_H = 16
BOX_W = 16


def _iota16():
    return lax.broadcasted_iota(jnp.int32, (16,), 0)


def kernel(feature_map, bbox_yx, sample_association):
    B, C, H, W = feature_map.shape
    N = bbox_yx.shape[0]
    assoc = sample_association.astype(jnp.int32)
    bbox_flat = bbox_yx.astype(jnp.int32).reshape(-1)

    NW = 32
    npw = N // NW

    mesh = plsc.VectorSubcoreMesh(core_axis_name="c", subcore_axis_name="s")

    @functools.partial(
        pl.kernel,
        mesh=mesh,
        compiler_params=pltpu.CompilerParams(use_tc_tiling_on_sc=False, needs_layout_passes=False),
        out_type=(
            jax.ShapeDtypeStruct((N, BOX_H, BOX_W // 8, C // 128, 8, 128),
                                 jnp.float32),
            jax.ShapeDtypeStruct((N * 4,), jnp.int32),
            jax.ShapeDtypeStruct((B,), jnp.int32),
        ),
        scratch_types=[
            pltpu.VMEM((npw * 2 + 16,), jnp.int32),
            pltpu.VMEM((N + 16,), jnp.int32),
            pltpu.VMEM((npw * 4,), jnp.int32),
            pltpu.VMEM((16,), jnp.int32),
            pltpu.VMEM((C // 4, BOX_H, BOX_W + 8), jnp.float32),
            pltpu.VMEM((C // 4, BOX_H, BOX_W + 8), jnp.float32),
            pltpu.VMEM((BOX_H, BOX_W // 8, 8, 129), jnp.float32),
            pltpu.VMEM((BOX_H, BOX_W // 8, 8, 129), jnp.float32),
            pltpu.SemaphoreType.DMA,
            pltpu.SemaphoreType.DMA,
        ],
    )
    def roi_cut(fm, bbox_h, assoc_h, out_h, bt_h, cnt_h,
                bbox_v, assoc_v, bt_v, cnt_v, in0, in1, tb0, tb1,
                sem_in, sem_out):
        cid = lax.axis_index("c")
        sid = lax.axis_index("s")
        wid = sid * 2 + cid
        base = wid * npw

        pltpu.sync_copy(bbox_h.at[pl.ds(base * 2, npw * 2)],
                        bbox_v.at[pl.ds(0, npw * 2)])
        pltpu.sync_copy(assoc_h, assoc_v.at[pl.ds(0, N)])

        NCH = 4
        CH = C // NCH
        T = npw * NCH

        lanes16 = _iota16()
        jt_idx = lanes16 >> 3
        js_idx = lanes16 & 7

        def params(t):
            i = t >> 2
            k = t & 3
            bvec = bbox_v[pl.ds(2 * i, 16)]
            avec = assoc_v[pl.ds(base + i, 16)]
            y0 = jnp.minimum(jnp.maximum(bvec[0], 0), H - BOX_H)
            x0 = jnp.minimum(jnp.maximum(bvec[1], 0), W - BOX_W)
            b = avec[0]
            x0a = pl.multiple_of((x0 >> 3) << 3, 8)
            r = x0 - x0a
            return i, k, b, y0, x0a, r

        def start_in(t, inb):
            i, k, b, y0, x0a, r = params(t)
            pltpu.async_copy(
                fm.at[b, pl.ds(k * CH, CH), pl.ds(y0, BOX_H),
                      pl.ds(x0a, BOX_W + 8)],
                inb, sem_in)

        def process(t, kmod, inb, tb):
            ct = kmod >> 1
            cs0 = (kmod & 1) * CH

            pltpu.make_async_copy(
                fm.at[0, pl.ds(0, CH), pl.ds(0, BOX_H), pl.ds(0, BOX_W + 8)],
                inb, sem_in).wait()

            if kmod & 1 == 0:
                @pl.when(t >= 4)
                def _():
                    pltpu.make_async_copy(
                        tb.at[:, :, :, pl.ds(0, 128)],
                        out_h.at[0, :, :, 0], sem_out).wait()

            i, k, b, y0, x0a, r = params(t)

            @plsc.parallel_loop(0, CH, unroll=4)
            def _(c):
                cs_idx = lanes16 * 0 + (cs0 + c)
                for row in range(BOX_H):
                    v = inb[c, row, pl.ds(r, BOX_W)]
                    plsc.store_scatter(
                        tb, [lanes16 * 0 + row, jt_idx, js_idx, cs_idx], v)

            @pl.when(t + 2 < T)
            def _():
                start_in(t + 2, inb)

            if kmod & 1 == 1:
                pltpu.async_copy(
                    tb.at[:, :, :, pl.ds(0, 128)],
                    out_h.at[base + i, :, :, ct], sem_out)

        start_in(0, in0)
        start_in(1, in1)

        def quad_body(u, _):
            t0 = 4 * u
            process(t0, 0, in0, tb0)
            process(t0 + 1, 1, in1, tb0)
            process(t0 + 2, 2, in0, tb1)
            process(t0 + 3, 3, in1, tb1)
            return 0

        lax.fori_loop(0, T // 4, quad_body, 0)
        pltpu.make_async_copy(tb0.at[:, :, :, pl.ds(0, 128)],
                              out_h.at[0, :, :, 0], sem_out).wait()
        pltpu.make_async_copy(tb1.at[:, :, :, pl.ds(0, 128)],
                              out_h.at[0, :, :, 0], sem_out).wait()

        lanes = _iota16()
        comp = lanes & 3
        quad = lanes >> 2
        for k in range(npw // 4):
            chunk = lanes * 0
            bvecs = bbox_v[pl.ds(8 * k, 16)]
            for q in range(4):
                y = bvecs[2 * q]
                x = bvecs[2 * q + 1]
                y0 = jnp.minimum(jnp.maximum(y, 0), H - BOX_H)
                x0 = jnp.minimum(jnp.maximum(x, 0), W - BOX_W)
                bvec_q = jnp.where(
                    comp == 0, y0,
                    jnp.where(comp == 1, x0,
                              jnp.where(comp == 2, y0 + BOX_H, x0 + BOX_W)))
                chunk = jnp.where(quad == q, bvec_q, chunk)
            bt_v[pl.ds(16 * k, 16)] = chunk
        pltpu.sync_copy(bt_v, bt_h.at[pl.ds(base * 4, npw * 4)])
        @pl.when(wid == 0)
        def _():
            def upper_bound(bb):
                def step(t, lohi):
                    lo, hi = lohi
                    mid = (lo + hi) >> 1
                    v = assoc_v[pl.ds(mid, 16)][0]
                    gt = v > bb
                    return (jnp.where(gt, lo, mid + 1), jnp.where(gt, mid, hi))

                lo, _hi = lax.fori_loop(0, 10, step, (0, N))
                return lo

            cnt = lanes * 0
            prev = 0
            for bb in range(B):
                ub = upper_bound(bb)
                cnt = jnp.where(lanes == bb, ub - prev, cnt)
                prev = ub
            cnt_v[...] = cnt
            pltpu.sync_copy(cnt_v.at[pl.ds(0, B)], cnt_h)

    out6, bt_flat, counts = roi_cut(feature_map, bbox_flat, assoc)
    box_features = out6.transpose(0, 3, 5, 1, 2, 4).reshape(N, C, BOX_H, BOX_W)
    return (box_features, (bt_flat.reshape(N, 4), counts, (H, W)))

# --- scband reference (transcript-rebuilt; emitter-appended) ---
"""Pipeline reference for scband-roi-cut-8358006358564 (READ-ONLY COPY).

The authoritative reference and input builder live on the scoring server;
editing this copy changes nothing except your own understanding.
"""

import jax, jax.numpy as jnp
import numpy as np

BOX_H = 16
BOX_W = 16

def setup_inputs(seed: int = 0) -> dict:
    key = jax.random.key(seed)
    k1, k2, k3 = jax.random.split(key, 3)
    feature_map = jax.random.normal(k1, (8, 256, 128, 128), dtype=jnp.float32)
    bbox_yx = jax.random.randint(k2, (1024, 2), 0, 112, dtype=jnp.int32)
    sample_association = jnp.sort(jax.random.randint(k3, (1024,), 0, 8, dtype=jnp.int64))
    return {"feature_map": feature_map, "bbox_yx": bbox_yx, "sample_association": sample_association}

def reference(feature_map, bbox_yx, sample_association):
    # BBoxTransformerSlice: clip boxes to the scene shape so every crop is in-bounds
    B, C, H, W = feature_map.shape
    y0 = jnp.clip(bbox_yx[:, 0], 0, H - BOX_H)
    x0 = jnp.clip(bbox_yx[:, 1], 0, W - BOX_W)
    # select_mask(feature_map[assoc], box): gather the associated sample's feature
    # map and slice out the RoI window (fixed-size boxes so shapes are static)
    def crop_one(assoc, y, x):
        fm = feature_map[assoc]  # gather [C, H, W]
        return jax.lax.dynamic_slice(fm, (0, y, x), (C, BOX_H, BOX_W))
    box_features = jax.vmap(crop_one)(sample_association, y0, x0)  # [N, C, bh, bw]
    bbox_sample_count = jnp.bincount(sample_association, length=B)
    bbox_tensor = jnp.stack([y0, x0, y0 + BOX_H, x0 + BOX_W], axis=1)
    scene_shape = (H, W)
    return (box_features, (bbox_tensor, bbox_sample_count, scene_shape))

if __name__ == "__main__":
    import jax
    _d = setup_inputs()
    print(jax.jit(kernel)(*tuple(_d.values())))

</pallas_src>

<mosaic_0001>
#map = affine_map<(d0, d1) -> (0, 0, 0, 0)>
#map1 = affine_map<(d0, d1) -> (0)>
#map2 = affine_map<(d0, d1) -> (0, 0, 0, 0, 0, 0)>
module attributes {stable_mosaic.version = 14 : i64} {
  func.func @roi_cut(%arg0: i32, %arg1: i32, %arg2: memref<8x256x128x128xf32, #tpu.memory_space<hbm>>, %arg3: memref<2048xi32, #tpu.memory_space<hbm>>, %arg4: memref<1024xi32, #tpu.memory_space<hbm>>, %arg5: memref<1024x16x2x2x8x128xf32, #tpu.memory_space<hbm>>, %arg6: memref<4096xi32, #tpu.memory_space<hbm>>, %arg7: memref<8xi32, #tpu.memory_space<hbm>>, %arg8: memref<80xi32, #tpu.memory_space<vmem>>, %arg9: memref<1040xi32, #tpu.memory_space<vmem>>, %arg10: memref<128xi32, #tpu.memory_space<vmem>>, %arg11: memref<16xi32, #tpu.memory_space<vmem>>, %arg12: memref<64x16x24xf32, #tpu.memory_space<vmem>>, %arg13: memref<64x16x24xf32, #tpu.memory_space<vmem>>, %arg14: memref<16x2x8x129xf32, #tpu.memory_space<vmem>>, %arg15: memref<16x2x8x129xf32, #tpu.memory_space<vmem>>, %arg16: memref<!tpu.dma_semaphore, #tpu.memory_space<semaphore_mem>>, %arg17: memref<!tpu.dma_semaphore, #tpu.memory_space<semaphore_mem>>) attributes {dimension_semantics = [#tpu.dimension_semantics<core_parallel>, #tpu.dimension_semantics<subcore_parallel>], iteration_bounds = array<i64: 2, 16>, scalar_prefetch = 0 : i64, scratch_operands = 10 : i64, tpu.core_type = #tpu.core_type<sc_vector_subcore>, window_params = [{transform_indices = #map}, {transform_indices = #map1}, {transform_indices = #map1}, {transform_indices = #map2}, {transform_indices = #map1}, {transform_indices = #map1}]} {
    %mul3A = arith.constant 2 : i32
    %mul3A_0 = arith.muli %arg1, %mul3A : i32
    %add3A = arith.addi %mul3A_0, %arg0 : i32
    %mul3A_1 = arith.constant 32 : i32
    %mul3A_2 = arith.muli %add3A, %mul3A_1 : i32
    %mul3A_3 = arith.constant 2 : i32
    %mul3A_4 = arith.muli %mul3A_2, %mul3A_3 : i32
    "tpu.region"() ({
      %run_scoped3A = tpu.sem_alloc : memref<!tpu.dma_semaphore, #tpu.memory_space<semaphore_mem>>
      %dma_start3A_1333 = arith.constant 0 : i32
      %dma_start3A_1334 = tpu.memref_slice %arg8[%dma_start3A_1333] : memref<80xi32, #tpu.memory_space<vmem>> -> memref<64xi32, #tpu.memory_space<vmem>>
      %dma_start3A_1335 = tpu.memref_slice %arg3[%mul3A_4] : memref<2048xi32, #tpu.memory_space<hbm>> -> memref<64xi32, #tpu.memory_space<hbm>>
      %dma_start3A_1336 = arith.constant 0 : i32
      %dma_start3A_1337 = tpu.memref_slice %arg8[%dma_start3A_1336] : memref<80xi32, #tpu.memory_space<vmem>> -> memref<64xi32, #tpu.memory_space<vmem>>
      %dma_start3A_1338 = tpu.memref_slice %arg3[%mul3A_4] : memref<2048xi32, #tpu.memory_space<hbm>> -> memref<64xi32, #tpu.memory_space<hbm>>
      tpu.enqueue_dma source(%dma_start3A_1338 : memref<64xi32, #tpu.memory_space<hbm>>) target(%dma_start3A_1337 : memref<64xi32, #tpu.memory_space<vmem>>) target_semaphore(%run_scoped3A : memref<!tpu.dma_semaphore, #tpu.memory_space<semaphore_mem>>)
      %dma_wait3A_1339 = arith.constant 0 : i32
      %dma_wait3A_1340 = tpu.memref_slice %arg8[%dma_wait3A_1339] : memref<80xi32, #tpu.memory_space<vmem>> -> memref<64xi32, #tpu.memory_space<vmem>>
      %dma_wait3A_1341 = tpu.memref_slice %arg3[%mul3A_4] : memref<2048xi32, #tpu.memory_space<hbm>> -> memref<64xi32, #tpu.memory_space<hbm>>
      %dma_wait3A_1342 = arith.constant 0 : i32
      %dma_wait3A_1343 = tpu.memref_slice %arg8[%dma_wait3A_1342] : memref<80xi32, #tpu.memory_space<vmem>> -> memref<64xi32, #tpu.memory_space<vmem>>
      %dma_wait3A_1344 = tpu.memref_slice %arg3[%mul3A_4] : memref<2048xi32, #tpu.memory_space<hbm>> -> memref<64xi32, #tpu.memory_space<hbm>>
      tpu.wait_dma2 semaphore(%run_scoped3A : memref<!tpu.dma_semaphore, #tpu.memory_space<semaphore_mem>>) src(%dma_wait3A_1344 : memref<64xi32, #tpu.memory_space<hbm>>) dst(%dma_wait3A_1343 : memref<64xi32, #tpu.memory_space<vmem>>)
      tpu.yield
    }) : () -> ()
    "tpu.region"() ({
      %run_scoped3A = tpu.sem_alloc : memref<!tpu.dma_semaphore, #tpu.memory_space<semaphore_mem>>
      %dma_start3A_1333 = arith.constant 0 : i32
      %dma_start3A_1334 = tpu.memref_slice %arg9[%dma_start3A_1333] : memref<1040xi32, #tpu.memory_space<vmem>> -> memref<1024xi32, #tpu.memory_space<vmem>>
      %dma_start3A_1335 = arith.constant 0 : i32
      %dma_start3A_1336 = tpu.memref_slice %arg9[%dma_start3A_1335] : memref<1040xi32, #tpu.memory_space<vmem>> -> memref<1024xi32, #tpu.memory_space<vmem>>
      tpu.enqueue_dma source(%arg4 : memref<1024xi32, #tpu.memory_space<hbm>>) target(%dma_start3A_1336 : memref<1024xi32, #tpu.memory_space<vmem>>) target_semaphore(%run_scoped3A : memref<!tpu.dma_semaphore, #tpu.memory_space<semaphore_mem>>)
      %dma_wait3A_1337 = arith.constant 0 : i32
      %dma_wait3A_1338 = tpu.memref_slice %arg9[%dma_wait3A_1337] : memref<1040xi32, #tpu.memory_space<vmem>> -> memref<1024xi32, #tpu.memory_space<vmem>>
      %dma_wait3A_1339 = arith.constant 0 : i32
      %dma_wait3A_1340 = tpu.memref_slice %arg9[%dma_wait3A_1339] : memref<1040xi32, #tpu.memory_space<vmem>> -> memref<1024xi32, #tpu.memory_space<vmem>>
      tpu.wait_dma2 semaphore(%run_scoped3A : memref<!tpu.dma_semaphore, #tpu.memory_space<semaphore_mem>>) src(%arg4 : memref<1024xi32, #tpu.memory_space<hbm>>) dst(%dma_wait3A_1340 : memref<1024xi32, #tpu.memory_space<vmem>>)
      tpu.yield
    }) : () -> ()
    %iota3A = tpu.iota {dimensions = array<i32: 0>} : vector<16xi32>
    %shift_right_arithmetic3A = arith.constant 3 : i32
    %shift_right_arithmetic3A_5 = vector.broadcast %shift_right_arithmetic3A : i32 to vector<16xi32>
    %shift_right_arithmetic3A_6 = arith.shrsi %iota3A, %shift_right_arithmetic3A_5 : vector<16xi32>
    %and3A = arith.constant 7 : i32
    %and3A_7 = vector.broadcast %and3A : i32 to vector<16xi32>
    %and3A_8 = arith.andi %iota3A, %and3A_7 : vector<16xi32>
    %get3A = arith.constant 0 : index
    %get3A_9 = tpu.vector_load %arg8[%get3A] {strides = array<i32>} : memref<80xi32, #tpu.memory_space<vmem>>, vector<16xi32>,
    %add3A_10 = arith.constant 0 : i32
    %add3A_11 = arith.addi %mul3A_2, %add3A_10 : i32
    %get3A_12 = arith.index_cast %add3A_11 : i32 to index
    %get3A_13 = tpu.vector_load %arg9[%get3A_12] {strides = array<i32>} : memref<1040xi32, #tpu.memory_space<vmem>>, vector<16xi32>,
    %slice3A = vector.extract_strided_slice %get3A_9 {offsets = [0], sizes = [1], strides = [1]} : vector<16xi32> to vector<1xi32>
    %squeeze3A = vector.extract %slice3A[0] : i32 from vector<1xi32>
    %max3A = arith.constant 0 : i32
    %max3A_14 = arith.maxsi %squeeze3A, %max3A : i32
    %min3A = arith.constant 112 : i32
    %min3A_15 = arith.minsi %max3A_14, %min3A : i32
    %slice3A_16 = vector.extract_strided_slice %get3A_9 {offsets = [1], sizes = [1], strides = [1]} : vector<16xi32> to vector<1xi32>
    %squeeze3A_17 = vector.extract %slice3A_16[0] : i32 from vector<1xi32>
    %max3A_18 = arith.constant 0 : i32
    %max3A_19 = arith.maxsi %squeeze3A_17, %max3A_18 : i32
    %min3A_20 = arith.constant 112 : i32
    %min3A_21 = arith.minsi %max3A_19, %min3A_20 : i32
    %slice3A_22 = vector.extract_strided_slice %get3A_13 {offsets = [0], sizes = [1], strides = [1]} : vector<16xi32> to vector<1xi32>
    %squeeze3A_23 = vector.extract %slice3A_22[0] : i32 from vector<1xi32>
    %shift_right_arithmetic3A_24 = arith.constant 3 : i32
    %shift_right_arithmetic3A_25 = arith.shrsi %min3A_21, %shift_right_arithmetic3A_24 : i32
    %shift_left3A = arith.constant 3 : i32
    %shift_left3A_26 = arith.shli %shift_right_arithmetic3A_25, %shift_left3A : i32
    %multiple_of3A = tpu.assume_multiple %shift_left3A_26, 8 : i32
    %sub3A = arith.subi %min3A_21, %multiple_of3A : i32
    %dma_start3A = arith.constant 0 : i32
    %dma_start3A_27 = tpu.memref_slice %arg2[%squeeze3A_23, %dma_start3A, %min3A_15, %multiple_of3A] : memref<8x256x128x128xf32, #tpu.memory_space<hbm>> -> memref<1x64x16x24xf32, #tpu.memory_space<hbm>>
    %dma_start3A_28 = tpu.memref_squeeze %dma_start3A_27 : memref<1x64x16x24xf32, #tpu.memory_space<hbm>> -> memref<64x16x24xf32, #tpu.memory_space<hbm>>
    %dma_start3A_29 = arith.constant 0 : i32
    %dma_start3A_30 = tpu.memref_slice %arg2[%squeeze3A_23, %dma_start3A_29, %min3A_15, %multiple_of3A] : memref<8x256x128x128xf32, #tpu.memory_space<hbm>> -> memref<1x64x16x24xf32, #tpu.memory_space<hbm>>
    %dma_start3A_31 = tpu.memref_squeeze %dma_start3A_30 : memref<1x64x16x24xf32, #tpu.memory_space<hbm>> -> memref<64x16x24xf32, #tpu.memory_space<hbm>>
    tpu.enqueue_dma source(%dma_start3A_31 : memref<64x16x24xf32, #tpu.memory_space<hbm>>) target(%arg12 : memref<64x16x24xf32, #tpu.memory_space<vmem>>) target_semaphore(%arg16 : memref<!tpu.dma_semaphore, #tpu.memory_space<semaphore_mem>>)
    %get3A_32 = arith.constant 0 : index
    %get3A_33 = tpu.vector_load %arg8[%get3A_32] {strides = array<i32>} : memref<80xi32, #tpu.memory_space<vmem>>, vector<16xi32>,
    %add3A_34 = arith.constant 0 : i32
    %add3A_35 = arith.addi %mul3A_2, %add3A_34 : i32
    %get3A_36 = arith.index_cast %add3A_35 : i32 to index
    %get3A_37 = tpu.vector_load %arg9[%get3A_36] {strides = array<i32>} : memref<1040xi32, #tpu.memory_space<vmem>>, vector<16xi32>,
    %slice3A_38 = vector.extract_strided_slice %get3A_33 {offsets = [0], sizes = [1], strides = [1]} : vector<16xi32> to vector<1xi32>
    %squeeze3A_39 = vector.extract %slice3A_38[0] : i32 from vector<1xi32>
    %max3A_40 = arith.constant 0 : i32
    %max3A_41 = arith.maxsi %squeeze3A_39, %max3A_40 : i32
    %min3A_42 = arith.constant 112 : i32
    %min3A_43 = arith.minsi %max3A_41, %min3A_42 : i32
    %slice3A_44 = vector.extract_strided_slice %get3A_33 {offsets = [1], sizes = [1], strides = [1]} : vector<16xi32> to vector<1xi32>
    %squeeze3A_45 = vector.extract %slice3A_44[0] : i32 from vector<1xi32>
    %max3A_46 = arith.constant 0 : i32
    %max3A_47 = arith.maxsi %squeeze3A_45, %max3A_46 : i32
    %min3A_48 = arith.constant 112 : i32
    %min3A_49 = arith.minsi %max3A_47, %min3A_48 : i32
    %slice3A_50 = vector.extract_strided_slice %get3A_37 {offsets = [0], sizes = [1], strides = [1]} : vector<16xi32> to vector<1xi32>
    %squeeze3A_51 = vector.extract %slice3A_50[0] : i32 from vector<1xi32>
    %shift_right_arithmetic3A_52 = arith.constant 3 : i32
    %shift_right_arithmetic3A_53 = arith.shrsi %min3A_49, %shift_right_arithmetic3A_52 : i32
    %shift_left3A_54 = arith.constant 3 : i32
    %shift_left3A_55 = arith.shli %shift_right_arithmetic3A_53, %shift_left3A_54 : i32
    %multiple_of3A_56 = tpu.assume_multiple %shift_left3A_55, 8 : i32
    %sub3A_57 = arith.subi %min3A_49, %multiple_of3A_56 : i32
    %dma_start3A_58 = arith.constant 64 : i32
    %dma_start3A_59 = tpu.memref_slice %arg2[%squeeze3A_51, %dma_start3A_58, %min3A_43, %multiple_of3A_56] : memref<8x256x128x128xf32, #tpu.memory_space<hbm>> -> memref<1x64x16x24xf32, #tpu.memory_space<hbm>>
    %dma_start3A_60 = tpu.memref_squeeze %dma_start3A_59 : memref<1x64x16x24xf32, #tpu.memory_space<hbm>> -> memref<64x16x24xf32, #tpu.memory_space<hbm>>
    %dma_start3A_61 = arith.constant 64 : i32
    %dma_start3A_62 = tpu.memref_slice %arg2[%squeeze3A_51, %dma_start3A_61, %min3A_43, %multiple_of3A_56] : memref<8x256x128x128xf32, #tpu.memory_space<hbm>> -> memref<1x64x16x24xf32, #tpu.memory_space<hbm>>
    %dma_start3A_63 = tpu.memref_squeeze %dma_start3A_62 : memref<1x64x16x24xf32, #tpu.memory_space<hbm>> -> memref<64x16x24xf32, #tpu.memory_space<hbm>>
    tpu.enqueue_dma source(%dma_start3A_63 : memref<64x16x24xf32, #tpu.memory_space<hbm>>) target(%arg13 : memref<64x16x24xf32, #tpu.memory_space<vmem>>) target_semaphore(%arg16 : memref<!tpu.dma_semaphore, #tpu.memory_space<semaphore_mem>>)
    %scan3A = arith.constant 0 : i32
    %scan3A_64 = arith.constant 0 : i32
    %scan3A_65 = arith.constant 32 : i32
    %scan3A_66 = arith.addi %scan3A_64, %scan3A_65 : i32
    %scan3A_67 = arith.constant 1 : i32
    %scan3A_68 = scf.for %scan3A_1333 = %scan3A_64 to %scan3A_66 step %scan3A_67 iter_args(%scan3A_1334 = %scan3A) -> (i32)  : i32 {
      %mul3A_1335 = arith.constant 4 : i32
      %mul3A_1336 = arith.muli %mul3A_1335, %scan3A_1333 : i32
      %dma_wait3A_1337 = arith.constant 0 : i32
      %dma_wait3A_1338 = arith.constant 0 : i32
      %dma_wait3A_1339 = arith.constant 0 : i32
      %dma_wait3A_1340 = arith.constant 0 : i32
      %dma_wait3A_1341 = tpu.memref_slice %arg2[%dma_wait3A_1337, %dma_wait3A_1338, %dma_wait3A_1339, %dma_wait3A_1340] : memref<8x256x128x128xf32, #tpu.memory_space<hbm>> -> memref<1x64x16x24xf32, #tpu.memory_space<hbm>>
      %dma_wait3A_1342 = tpu.memref_squeeze %dma_wait3A_1341 : memref<1x64x16x24xf32, #tpu.memory_space<hbm>> -> memref<64x16x24xf32, #tpu.memory_space<hbm>>
      %dma_wait3A_1343 = arith.constant 0 : i32
      %dma_wait3A_1344 = arith.constant 0 : i32
      %dma_wait3A_1345 = arith.constant 0 : i32
      %dma_wait3A_1346 = tpu.memref_slice %arg2[%dma_wait3A_1337, %dma_wait3A_1343, %dma_wait3A_1344, %dma_wait3A_1345] : memref<8x256x128x128xf32, #tpu.memory_space<hbm>> -> memref<1x64x16x24xf32, #tpu.memory_space<hbm>>
      %dma_wait3A_1347 = tpu.memref_squeeze %dma_wait3A_1346 : memref<1x64x16x24xf32, #tpu.memory_space<hbm>> -> memref<64x16x24xf32, #tpu.memory_space<hbm>>
      tpu.wait_dma2 semaphore(%arg16 : memref<!tpu.dma_semaphore, #tpu.memory_space<semaphore_mem>>) src(%dma_wait3A_1347 : memref<64x16x24xf32, #tpu.memory_space<hbm>>) dst(%arg12 : memref<64x16x24xf32, #tpu.memory_space<vmem>>)
      %ge3A = arith.constant 4 : i32
      %ge3A_1348 = arith.cmpi sge, %mul3A_1336, %ge3A : i32
      %convert_element_type3A_1349 = arith.extui %ge3A_1348 : i1 to i32
      %cond3A_1350 = arith.constant 0 : i32
      %cond3A_1351 = arith.cmpi ne, %convert_element_type3A_1349, %cond3A_1350 : i32
      scf.if %cond3A_1351 {
        %dma_wait3A_1607 = arith.constant 0 : i32
        %dma_wait3A_1608 = arith.constant 0 : i32
        %dma_wait3A_1609 = arith.constant 0 : i32
        %dma_wait3A_1610 = arith.constant 0 : i32
        %dma_wait3A_1611 = arith.constant 0 : i32
        %dma_wait3A_1612 = arith.constant 0 : i32
        %dma_wait3A_1613 = tpu.memref_slice %arg14[%dma_wait3A_1609, %dma_wait3A_1610, %dma_wait3A_1611, %dma_wait3A_1612] : memref<16x2x8x129xf32, #tpu.memory_space<vmem>> -> memref<16x2x8x128xf32, #tpu.memory_space<vmem>>
        %dma_wait3A_1614 = arith.constant 0 : i32
        %dma_wait3A_1615 = arith.constant 0 : i32
        %dma_wait3A_1616 = arith.constant 0 : i32
        %dma_wait3A_1617 = arith.constant 0 : i32
        %dma_wait3A_1618 = tpu.memref_slice %arg5[%dma_wait3A_1607, %dma_wait3A_1614, %dma_wait3A_1615, %dma_wait3A_1608, %dma_wait3A_1616, %dma_wait3A_1617] : memref<1024x16x2x2x8x128xf32, #tpu.memory_space<hbm>> -> memref<1x16x2x1x8x128xf32, #tpu.memory_space<hbm>>
        %dma_wait3A_1619 = tpu.memref_squeeze %dma_wait3A_1618 : memref<1x16x2x1x8x128xf32, #tpu.memory_space<hbm>> -> memref<16x2x8x128xf32, #tpu.memory_space<hbm>>
        %dma_wait3A_1620 = arith.constant 0 : i32
        %dma_wait3A_1621 = arith.constant 0 : i32
        %dma_wait3A_1622 = arith.constant 0 : i32
        %dma_wait3A_1623 = arith.constant 0 : i32
        %dma_wait3A_1624 = tpu.memref_slice %arg5[%dma_wait3A_1607, %dma_wait3A_1620, %dma_wait3A_1621, %dma_wait3A_1608, %dma_wait3A_1622, %dma_wait3A_1623] : memref<1024x16x2x2x8x128xf32, #tpu.memory_space<hbm>> -> memref<1x16x2x1x8x128xf32, #tpu.memory_space<hbm>>
        %dma_wait3A_1625 = tpu.memref_squeeze %dma_wait3A_1624 : memref<1x16x2x1x8x128xf32, #tpu.memory_space<hbm>> -> memref<16x2x8x128xf32, #tpu.memory_space<hbm>>
        %dma_wait3A_1626 = arith.constant 0 : i32
        %dma_wait3A_1627 = arith.constant 0 : i32
        %dma_wait3A_1628 = arith.constant 0 : i32
        %dma_wait3A_1629 = arith.constant 0 : i32
        %dma_wait3A_1630 = tpu.memref_slice %arg14[%dma_wait3A_1626, %dma_wait3A_1627, %dma_wait3A_1628, %dma_wait3A_1629] : memref<16x2x8x129xf32, #tpu.memory_space<vmem>> -> memref<16x2x8x128xf32, #tpu.memory_space<vmem>>
        tpu.wait_dma2 semaphore(%arg17 : memref<!tpu.dma_semaphore, #tpu.memory_space<semaphore_mem>>) src(%dma_wait3A_1630 : memref<16x2x8x128xf32, #tpu.memory_space<vmem>>) dst(%dma_wait3A_1625 : memref<16x2x8x128xf32, #tpu.memory_space<hbm>>)
      } else {
      }
      %shift_right_arithmetic3A_1352 = arith.constant 2 : i32
      %shift_right_arithmetic3A_1353 = arith.shrsi %mul3A_1336, %shift_right_arithmetic3A_1352 : i32
      %and3A_1354 = arith.constant 3 : i32
      %and3A_1355 = arith.andi %mul3A_1336, %and3A_1354 : i32
      %mul3A_1356 = arith.constant 2 : i32
      %mul3A_1357 = arith.muli %mul3A_1356, %shift_right_arithmetic3A_1353 : i32
      %get3A_1358 = arith.index_cast %mul3A_1357 : i32 to index
      %get3A_1359 = tpu.vector_load %arg8[%get3A_1358] {strides = array<i32>} : memref<80xi32, #tpu.memory_space<vmem>>, vector<16xi32>,
      %add3A_1360 = arith.addi %mul3A_2, %shift_right_arithmetic3A_1353 : i32
      %get3A_1361 = arith.index_cast %add3A_1360 : i32 to index
      %get3A_1362 = tpu.vector_load %arg9[%get3A_1361] {strides = array<i32>} : memref<1040xi32, #tpu.memory_space<vmem>>, vector<16xi32>,
      %slice3A_1363 = vector.extract_strided_slice %get3A_1359 {offsets = [0], sizes = [1], strides = [1]} : vector<16xi32> to vector<1xi32>
      %squeeze3A_1364 = vector.extract %slice3A_1363[0] : i32 from vector<1xi32>
      %max3A_1365 = arith.constant 0 : i32
      %max3A_1366 = arith.maxsi %squeeze3A_1364, %max3A_1365 : i32
      %min3A_1367 = arith.constant 112 : i32
      %min3A_1368 = arith.minsi %max3A_1366, %min3A_1367 : i32
      %slice3A_1369 = vector.extract_strided_slice %get3A_1359 {offsets = [1], sizes = [1], strides = [1]} : vector<16xi32> to vector<1xi32>
      %squeeze3A_1370 = vector.extract %slice3A_1369[0] : i32 from vector<1xi32>
      %max3A_1371 = arith.constant 0 : i32
      %max3A_1372 = arith.maxsi %squeeze3A_1370, %max3A_1371 : i32
      %min3A_1373 = arith.constant 112 : i32
      %min3A_1374 = arith.minsi %max3A_1372, %min3A_1373 : i32
      %slice3A_1375 = vector.extract_strided_slice %get3A_1362 {offsets = [0], sizes = [1], strides = [1]} : vector<16xi32> to vector<1xi32>
      %squeeze3A_1376 = vector.extract %slice3A_1375[0] : i32 from vector<1xi32>
      %shift_right_arithmetic3A_1377 = arith.constant 3 : i32
      %shift_right_arithmetic3A_1378 = arith.shrsi %min3A_1374, %shift_right_arithmetic3A_1377 : i32
      %shift_left3A_1379 = arith.constant 3 : i32
      %shift_left3A_1380 = arith.shli %shift_right_arithmetic3A_1378, %shift_left3A_1379 : i32
      %multiple_of3A_1381 = tpu.assume_multiple %shift_left3A_1380, 8 : i32
      %sub3A_1382 = arith.subi %min3A_1374, %multiple_of3A_1381 : i32
      %parallel_loop3A = arith.constant 0 : i32
      %parallel_loop3A_1383 = arith.constant 64 : i32
      %parallel_loop3A_1384 = arith.constant 1 : i32
      scf.for %parallel_loop3A_1607 = %parallel_loop3A to %parallel_loop3A_1383 step %parallel_loop3A_1384  : i32 {
        %parallel_loop3A_1608 = arith.constant 0 : i32
        %parallel_loop3A_1609 = vector.broadcast %parallel_loop3A_1608 : i32 to vector<16xi32>
        %parallel_loop3A_1610 = arith.muli %iota3A, %parallel_loop3A_1609 : vector<16xi32>
        %parallel_loop3A_1611 = arith.constant 0 : i32
        %parallel_loop3A_1612 = arith.addi %parallel_loop3A_1611, %parallel_loop3A_1607 : i32
        %parallel_loop3A_1613 = vector.broadcast %parallel_loop3A_1612 : i32 to vector<16xi32>
        %parallel_loop3A_1614 = arith.addi %parallel_loop3A_1610, %parallel_loop3A_1613 : vector<16xi32>
        %parallel_loop3A_1615 = arith.constant 0 : i32
        %parallel_loop3A_1616 = arith.index_cast %parallel_loop3A_1607 : i32 to index
        %parallel_loop3A_1617 = arith.index_cast %parallel_loop3A_1615 : i32 to index
        %parallel_loop3A_1618 = arith.index_cast %sub3A_1382 : i32 to index
        %parallel_loop3A_1619 = tpu.vector_load %arg12[%parallel_loop3A_1616, %parallel_loop3A_1617, %parallel_loop3A_1618] {strides = array<i32>} : memref<64x16x24xf32, #tpu.memory_space<vmem>>, vector<16xf32>,
        %parallel_loop3A_1620 = arith.constant 0 : i32
        %parallel_loop3A_1621 = vector.broadcast %parallel_loop3A_1620 : i32 to vector<16xi32>
        %parallel_loop3A_1622 = arith.muli %iota3A, %parallel_loop3A_1621 : vector<16xi32>
        %parallel_loop3A_1623 = arith.constant 0 : i32
        %parallel_loop3A_1624 = vector.broadcast %parallel_loop3A_1623 : i32 to vector<16xi32>
        %parallel_loop3A_1625 = arith.addi %parallel_loop3A_1622, %parallel_loop3A_1624 : vector<16xi32>
        tpu.vector_store_idx %arg14[%parallel_loop3A_1625, %shift_right_arithmetic3A_6, %and3A_8, %parallel_loop3A_1614], %parallel_loop3A_1619 : memref<16x2x8x129xf32, #tpu.memory_space<vmem>>[vector<16xi32>, vector<16xi32>, vector<16xi32>, vector<16xi32>], vector<16xf32>,
        %parallel_loop3A_1626 = arith.constant 1 : i32
        %parallel_loop3A_1627 = arith.index_cast %parallel_loop3A_1607 : i32 to index
        %parallel_loop3A_1628 = arith.index_cast %parallel_loop3A_1626 : i32 to index
        %parallel_loop3A_1629 = arith.index_cast %sub3A_1382 : i32 to index
        %parallel_loop3A_1630 = tpu.vector_load %arg12[%parallel_loop3A_1627, %parallel_loop3A_1628, %parallel_loop3A_1629] {strides = array<i32>} : memref<64x16x24xf32, #tpu.memory_space<vmem>>, vector<16xf32>,
        %parallel_loop3A_1631 = arith.constant 0 : i32
        %parallel_loop3A_1632 = vector.broadcast %parallel_loop3A_1631 : i32 to vector<16xi32>
        %parallel_loop3A_1633 = arith.muli %iota3A, %parallel_loop3A_1632 : vector<16xi32>
        %parallel_loop3A_1634 = arith.constant 1 : i32
        %parallel_loop3A_1635 = vector.broadcast %parallel_loop3A_1634 : i32 to vector<16xi32>
        %parallel_loop3A_1636 = arith.addi %parallel_loop3A_1633, %parallel_loop3A_1635 : vector<16xi32>
        tpu.vector_store_idx %arg14[%parallel_loop3A_1636, %shift_right_arithmetic3A_6, %and3A_8, %parallel_loop3A_1614], %parallel_loop3A_1630 : memref<16x2x8x129xf32, #tpu.memory_space<vmem>>[vector<16xi32>, vector<16xi32>, vector<16xi32>, vector<16xi32>], vector<16xf32>,
        %parallel_loop3A_1637 = arith.constant 2 : i32
        %parallel_loop3A_1638 = arith.index_cast %parallel_loop3A_1607 : i32 to index
        %parallel_loop3A_1639 = arith.index_cast %parallel_loop3A_1637 : i32 to index
        %parallel_loop3A_1640 = arith.index_cast %sub3A_1382 : i32 to index
        %parallel_loop3A_1641 = tpu.vector_load %arg12[%parallel_loop3A_1638, %parallel_loop3A_1639, %parallel_loop3A_1640] {strides = array<i32>} : memref<64x16x24xf32, #tpu.memory_space<vmem>>, vector<16xf32>,
        %parallel_loop3A_1642 = arith.constant 0 : i32
        %parallel_loop3A_1643 = vector.broadcast %parallel_loop3A_1642 : i32 to vector<16xi32>
        %parallel_loop3A_1644 = arith.muli %iota3A, %parallel_loop3A_1643 : vector<16xi32>
        %parallel_loop3A_1645 = arith.constant 2 : i32
        %parallel_loop3A_1646 = vector.broadcast %parallel_loop3A_1645 : i32 to vector<16xi32>
        %parallel_loop3A_1647 = arith.addi %parallel_loop3A_1644, %parallel_loop3A_1646 : vector<16xi32>
        tpu.vector_store_idx %arg14[%parallel_loop3A_1647, %shift_right_arithmetic3A_6, %and3A_8, %parallel_loop3A_1614], %parallel_loop3A_1641 : memref<16x2x8x129xf32, #tpu.memory_space<vmem>>[vector<16xi32>, vector<16xi32>, vector<16xi32>, vector<16xi32>], vector<16xf32>,
        %parallel_loop3A_1648 = arith.constant 3 : i32
        %parallel_loop3A_1649 = arith.index_cast %parallel_loop3A_1607 : i32 to index
        %parallel_loop3A_1650 = arith.index_cast %parallel_loop3A_1648 : i32 to index
        %parallel_loop3A_1651 = arith.index_cast %sub3A_1382 : i32 to index
        %parallel_loop3A_1652 = tpu.vector_load %arg12[%parallel_loop3A_1649, %parallel_loop3A_1650, %parallel_loop3A_1651] {strides = array<i32>} : memref<64x16x24xf32, #tpu.memory_space<vmem>>, vector<16xf32>,
        %parallel_loop3A_1653 = arith.constant 0 : i32
        %parallel_loop3A_1654 = vector.broadcast %parallel_loop3A_1653 : i32 to vector<16xi32>
        %parallel_loop3A_1655 = arith.muli %iota3A, %parallel_loop3A_1654 : vector<16xi32>
        %parallel_loop3A_1656 = arith.constant 3 : i32
        %parallel_loop3A_1657 = vector.broadcast %parallel_loop3A_1656 : i32 to vector<16xi32>
        %parallel_loop3A_1658 = arith.addi %parallel_loop3A_1655, %parallel_loop3A_1657 : vector<16xi32>
        tpu.vector_store_idx %arg14[%parallel_loop3A_1658, %shift_right_arithmetic3A_6, %and3A_8, %parallel_loop3A_1614], %parallel_loop3A_1652 : memref<16x2x8x129xf32, #tpu.memory_space<vmem>>[vector<16xi32>, vector<16xi32>, vector<16xi32>, vector<16xi32>], vector<16xf32>,
        %parallel_loop3A_1659 = arith.constant 4 : i32
        %parallel_loop3A_1660 = arith.index_cast %parallel_loop3A_1607 : i32 to index
        %parallel_loop3A_1661 = arith.index_cast %parallel_loop3A_1659 : i32 to index
        %parallel_loop3A_1662 = arith.index_cast %sub3A_1382 : i32 to index
        %parallel_loop3A_1663 = tpu.vector_load %arg12[%parallel_loop3A_1660, %parallel_loop3A_1661, %parallel_loop3A_1662] {strides = array<i32>} : memref<64x16x24xf32, #tpu.memory_space<vmem>>, vector<16xf32>,
        %parallel_loop3A_1664 = arith.constant 0 : i32
        %parallel_loop3A_1665 = vector.broadcast %parallel_loop3A_1664 : i32 to vector<16xi32>
        %parallel_loop3A_1666 = arith.muli %iota3A, %parallel_loop3A_1665 : vector<16xi32>
        %parallel_loop3A_1667 = arith.constant 4 : i32
        %parallel_loop3A_1668 = vector.broadcast %parallel_loop3A_1667 : i32 to vector<16xi32>
        %parallel_loop3A_1669 = arith.addi %parallel_loop3A_1666, %parallel_loop3A_1668 : vector<16xi32>
        tpu.vector_store_idx %arg14[%parallel_loop3A_1669, %shift_right_arithmetic3A_6, %and3A_8, %parallel_loop3A_1614], %parallel_loop3A_1663 : memref<16x2x8x129xf32, #tpu.memory_space<vmem>>[vector<16xi32>, vector<16xi32>, vector<16xi32>, vector<16xi32>], vector<16xf32>,
        %parallel_loop3A_1670 = arith.constant 5 : i32
        %parallel_loop3A_1671 = arith.index_cast %parallel_loop3A_1607 : i32 to index
        %parallel_loop3A_1672 = arith.index_cast %parallel_loop3A_1670 : i32 to index
        %parallel_loop3A_1673 = arith.index_cast %sub3A_1382 : i32 to index
        %parallel_loop3A_1674 = tpu.vector_load %arg12[%parallel_loop3A_1671, %parallel_loop3A_1672, %parallel_loop3A_1673] {strides = array<i32>} : memref<64x16x24xf32, #tpu.memory_space<vmem>>, vector<16xf32>,
        %parallel_loop3A_1675 = arith.constant 0 : i32
        %parallel_loop3A_1676 = vector.broadcast %parallel_loop3A_1675 : i32 to vector<16xi32>
        %parallel_loop3A_1677 = arith.muli %iota3A, %parallel_loop3A_1676 : vector<16xi32>
        %parallel_loop3A_1678 = arith.constant 5 : i32
        %parallel_loop3A_1679 = vector.broadcast %parallel_loop3A_1678 : i32 to vector<16xi32>
        %parallel_loop3A_1680 = arith.addi %parallel_loop3A_1677, %parallel_loop3A_1679 : vector<16xi32>
        tpu.vector_store_idx %arg14[%parallel_loop3A_1680, %shift_right_arithmetic3A_6, %and3A_8, %parallel_loop3A_1614], %parallel_loop3A_1674 : memref<16x2x8x129xf32, #tpu.memory_space<vmem>>[vector<16xi32>, vector<16xi32>, vector<16xi32>, vector<16xi32>], vector<16xf32>,
        %parallel_loop3A_1681 = arith.constant 6 : i32
        %parallel_loop3A_1682 = arith.index_cast %parallel_loop3A_1607 : i32 to index
        %parallel_loop3A_1683 = arith.index_cast %parallel_loop3A_1681 : i32 to index
        %parallel_loop3A_1684 = arith.index_cast %sub3A_1382 : i32 to index
        %parallel_loop3A_1685 = tpu.vector_load %arg12[%parallel_loop3A_1682, %parallel_loop3A_1683, %parallel_loop3A_1684] {strides = array<i32>} : memref<64x16x24xf32, #tpu.memory_space<vmem>>, vector<16xf32>,
        %parallel_loop3A_1686 = arith.constant 0 : i32
        %parallel_loop3A_1687 = vector.broadcast %parallel_loop3A_1686 : i32 to vector<16xi32>
        %parallel_loop3A_1688 = arith.muli %iota3A, %parallel_loop3A_1687 : vector<16xi32>
        %parallel_loop3A_1689 = arith.constant 6 : i32
        %parallel_loop3A_1690 = vector.broadcast %parallel_loop3A_1689 : i32 to vector<16xi32>
        %parallel_loop3A_1691 = arith.addi %parallel_loop3A_1688, %parallel_loop3A_1690 : vector<16xi32>
        tpu.vector_store_idx %arg14[%parallel_loop3A_1691, %shift_right_arithmetic3A_6, %and3A_8, %parallel_loop3A_1614], %parallel_loop3A_1685 : memref<16x2x8x129xf32, #tpu.memory_space<vmem>>[vector<16xi32>, vector<16xi32>, vector<16xi32>, vector<16xi32>], vector<16xf32>,
        %parallel_loop3A_1692 = arith.constant 7 : i32
        %parallel_loop3A_1693 = arith.index_cast %parallel_loop3A_1607 : i32 to index
        %parallel_loop3A_1694 = arith.index_cast %parallel_loop3A_1692 : i32 to index
        %parallel_loop3A_1695 = arith.index_cast %sub3A_1382 : i32 to index
        %parallel_loop3A_1696 = tpu.vector_load %arg12[%parallel_loop3A_1693, %parallel_loop3A_1694, %parallel_loop3A_1695] {strides = array<i32>} : memref<64x16x24xf32, #tpu.memory_space<vmem>>, vector<16xf32>,
        %parallel_loop3A_1697 = arith.constant 0 : i32
        %parallel_loop3A_1698 = vector.broadcast %parallel_loop3A_1697 : i32 to vector<16xi32>
        %parallel_loop3A_1699 = arith.muli %iota3A, %parallel_loop3A_1698 : vector<16xi32>
        %parallel_loop3A_1700 = arith.constant 7 : i32
        %parallel_loop3A_1701 = vector.broadcast %parallel_loop3A_1700 : i32 to vector<16xi32>
        %parallel_loop3A_1702 = arith.addi %parallel_loop3A_1699, %parallel_loop3A_1701 : vector<16xi32>
        tpu.vector_store_idx %arg14[%parallel_loop3A_1702, %shift_right_arithmetic3A_6, %and3A_8, %parallel_loop3A_1614], %parallel_loop3A_1696 : memref<16x2x8x129xf32, #tpu.memory_space<vmem>>[vector<16xi32>, vector<16xi32>, vector<16xi32>, vector<16xi32>], vector<16xf32>,
        %parallel_loop3A_1703 = arith.constant 8 : i32
        %parallel_loop3A_1704 = arith.index_cast %parallel_loop3A_1607 : i32 to index
        %parallel_loop3A_1705 = arith.index_cast %parallel_loop3A_1703 : i32 to index
        %parallel_loop3A_1706 = arith.index_cast %sub3A_1382 : i32 to index
        %parallel_loop3A_1707 = tpu.vector_load %arg12[%parallel_loop3A_1704, %parallel_loop3A_1705, %parallel_loop3A_1706] {strides = array<i32>} : memref<64x16x24xf32, #tpu.memory_space<vmem>>, vector<16xf32>,
        %parallel_loop3A_1708 = arith.constant 0 : i32
        %parallel_loop3A_1709 = vector.broadcast %parallel_loop3A_1708 : i32 to vector<16xi32>
        %parallel_loop3A_1710 = arith.muli %iota3A, %parallel_loop3A_1709 : vector<16xi32>
        %parallel_loop3A_1711 = arith.constant 8 : i32
        %parallel_loop3A_1712 = vector.broadcast %parallel_loop3A_1711 : i32 to vector<16xi32>
        %parallel_loop3A_1713 = arith.addi %parallel_loop3A_1710, %parallel_loop3A_1712 : vector<16xi32>
        tpu.vector_store_idx %arg14[%parallel_loop3A_1713, %shift_right_arithmetic3A_6, %and3A_8, %parallel_loop3A_1614], %parallel_loop3A_1707 : memref<16x2x8x129xf32, #tpu.memory_space<vmem>>[vector<16xi32>, vector<16xi32>, vector<16xi32>, vector<16xi32>], vector<16xf32>,
        %parallel_loop3A_1714 = arith.constant 9 : i32
        %parallel_loop3A_1715 = arith.index_cast %parallel_loop3A_1607 : i32 to index
        %parallel_loop3A_1716 = arith.index_cast %parallel_loop3A_1714 : i32 to index
        %parallel_loop3A_1717 = arith.index_cast %sub3A_1382 : i32 to index
        %parallel_loop3A_1718 = tpu.vector_load %arg12[%parallel_loop3A_1715, %parallel_loop3A_1716, %parallel_loop3A_1717] {strides = array<i32>} : memref<64x16x24xf32, #tpu.memory_space<vmem>>, vector<16xf32>,
        %parallel_loop3A_1719 = arith.constant 0 : i32
        %parallel_loop3A_1720 = vector.broadcast %parallel_loop3A_1719 : i32 to vector<16xi32>
        %parallel_loop3A_1721 = arith.muli %iota3A, %parallel_loop3A_1720 : vector<16xi32>
        %parallel_loop3A_1722 = arith.constant 9 : i32
        %parallel_loop3A_1723 = vector.broadcast %parallel_loop3A_1722 : i32 to vector<16xi32>
        %parallel_loop3A_1724 = arith.addi %parallel_loop3A_1721, %parallel_loop3A_1723 : vector<16xi32>
        tpu.vector_store_idx %arg14[%parallel_loop3A_1724, %shift_right_arithmetic3A_6, %and3A_8, %parallel_loop3A_1614], %parallel_loop3A_1718 : memref<16x2x8x129xf32, #tpu.memory_space<vmem>>[vector<16xi32>, vector<16xi32>, vector<16xi32>, vector<16xi32>], vector<16xf32>,
        %parallel_loop3A_1725 = arith.constant 10 : i32
        %parallel_loop3A_1726 = arith.index_cast %parallel_loop3A_1607 : i32 to index
        %parallel_loop3A_1727 = arith.index_cast %parallel_loop3A_1725 : i32 to index
        %parallel_loop3A_1728 = arith.index_cast %sub3A_1382 : i32 to index
        %parallel_loop3A_1729 = tpu.vector_load %arg12[%parallel_loop3A_1726, %parallel_loop3A_1727, %parallel_loop3A_1728] {strides = array<i32>} : memref<64x16x24xf32, #tpu.memory_space<vmem>>, vector<16xf32>,
        %parallel_loop3A_1730 = arith.constant 0 : i32
        %parallel_loop3A_1731 = vector.broadcast %parallel_loop3A_1730 : i32 to vector<16xi32>
        %parallel_loop3A_1732 = arith.muli %iota3A, %parallel_loop3A_1731 : vector<16xi32>
        %parallel_loop3A_1733 = arith.constant 10 : i32
        %parallel_loop3A_1734 = vector.broadcast %parallel_loop3A_1733 : i32 to vector<16xi32>
        %parallel_loop3A_1735 = arith.addi %parallel_loop3A_1732, %parallel_loop3A_1734 : vector<16xi32>
        tpu.vector_store_idx %arg14[%parallel_loop3A_1735, %shift_right_arithmetic3A_6, %and3A_8, %parallel_loop3A_1614], %parallel_loop3A_1729 : memref<16x2x8x129xf32, #tpu.memory_space<vmem>>[vector<16xi32>, vector<16xi32>, vector<16xi32>, vector<16xi32>], vector<16xf32>,
        %parallel_loop3A_1736 = arith.constant 11 : i32
        %parallel_loop3A_1737 = arith.index_cast %parallel_loop3A_1607 : i32 to index
        %parallel_loop3A_1738 = arith.index_cast %parallel_loop3A_1736 : i32 to index
        %parallel_loop3A_1739 = arith.index_cast %sub3A_1382 : i32 to index
        %parallel_loop3A_1740 = tpu.vector_load %arg12[%parallel_loop3A_1737, %parallel_loop3A_1738, %parallel_loop3A_1739] {strides = array<i32>} : memref<64x16x24xf32, #tpu.memory_space<vmem>>, vector<16xf32>,
        %parallel_loop3A_1741 = arith.constant 0 : i32
        %parallel_loop3A_1742 = vector.broadcast %parallel_loop3A_1741 : i32 to vector<16xi32>
        %parallel_loop3A_1743 = arith.muli %iota3A, %parallel_loop3A_1742 : vector<16xi32>
        %parallel_loop3A_1744 = arith.constant 11 : i32
        %parallel_loop3A_1745 = vector.broadcast %parallel_loop3A_1744 : i32 to vector<16xi32>
        %parallel_loop3A_1746 = arith.addi %parallel_loop3A_1743, %parallel_loop3A_1745 : vector<16xi32>
        tpu.vector_store_idx %arg14[%parallel_loop3A_1746, %shift_right_arithmetic3A_6, %and3A_8, %parallel_loop3A_1614], %parallel_loop3A_1740 : memref<16x2x8x129xf32, #tpu.memory_space<vmem>>[vector<16xi32>, vector<16xi32>, vector<16xi32>, vector<16xi32>], vector<16xf32>,
        %parallel_loop3A_1747 = arith.constant 12 : i32
        %parallel_loop3A_1748 = arith.index_cast %parallel_loop3A_1607 : i32 to index
        %parallel_loop3A_1749 = arith.index_cast %parallel_loop3A_1747 : i32 to index
        %parallel_loop3A_1750 = arith.index_cast %sub3A_1382 : i32 to index
        %parallel_loop3A_1751 = tpu.vector_load %arg12[%parallel_loop3A_1748, %parallel_loop3A_1749, %parallel_loop3A_1750] {strides = array<i32>} : memref<64x16x24xf32, #tpu.memory_space<vmem>>, vector<16xf32>,
        %parallel_loop3A_1752 = arith.constant 0 : i32
        %parallel_loop3A_1753 = vector.broadcast %parallel_loop3A_1752 : i32 to vector<16xi32>
        %parallel_loop3A_1754 = arith.muli %iota3A, %parallel_loop3A_1753 : vector<16xi32>
        %parallel_loop3A_1755 = arith.constant 12 : i32
        %parallel_loop3A_1756 = vector.broadcast %parallel_loop3A_1755 : i32 to vector<16xi32>
        %parallel_loop3A_1757 = arith.addi %parallel_loop3A_1754, %parallel_loop3A_1756 : vector<16xi32>
        tpu.vector_store_idx %arg14[%parallel_loop3A_1757, %shift_right_arithmetic3A_6, %and3A_8, %parallel_loop3A_1614], %parallel_loop3A_1751 : memref<16x2x8x129xf32, #tpu.memory_space<vmem>>[vector<16xi32>, vector<16xi32>, vector<16xi32>, vector<16xi32>], vector<16xf32>,
        %parallel_loop3A_1758 = arith.constant 13 : i32
        %parallel_loop3A_1759 = arith.index_cast %parallel_loop3A_1607 : i32 to index
        %parallel_loop3A_1760 = arith.index_cast %parallel_loop3A_1758 : i32 to index
        %parallel_loop3A_1761 = arith.index_cast %sub3A_1382 : i32 to index
        %parallel_loop3A_1762 = tpu.vector_load %arg12[%parallel_loop3A_1759, %parallel_loop3A_1760, %parallel_loop3A_1761] {strides = array<i32>} : memref<64x16x24xf32, #tpu.memory_space<vmem>>, vector<16xf32>,
        %parallel_loop3A_1763 = arith.constant 0 : i32
        %parallel_loop3A_1764 = vector.broadcast %parallel_loop3A_1763 : i32 to vector<16xi32>
        %parallel_loop3A_1765 = arith.muli %iota3A, %parallel_loop3A_1764 : vector<16xi32>
        %parallel_loop3A_1766 = arith.constant 13 : i32
        %parallel_loop3A_1767 = vector.broadcast %parallel_loop3A_1766 : i32 to vector<16xi32>
        %parallel_loop3A_1768 = arith.addi %parallel_loop3A_1765, %parallel_loop3A_1767 : vector<16xi32>
        tpu.vector_store_idx %arg14[%parallel_loop3A_1768, %shift_right_arithmetic3A_6, %and3A_8, %parallel_loop3A_1614], %parallel_loop3A_1762 : memref<16x2x8x129xf32, #tpu.memory_space<vmem>>[vector<16xi32>, vector<16xi32>, vector<16xi32>, vector<16xi32>], vector<16xf32>,
        %parallel_loop3A_1769 = arith.constant 14 : i32
        %parallel_loop3A_1770 = arith.index_cast %parallel_loop3A_1607 : i32 to index
        %parallel_loop3A_1771 = arith.index_cast %parallel_loop3A_1769 : i32 to index
        %parallel_loop3A_1772 = arith.index_cast %sub3A_1382 : i32 to index
        %parallel_loop3A_1773 = tpu.vector_load %arg12[%parallel_loop3A_1770, %parallel_loop3A_1771, %parallel_loop3A_1772] {strides = array<i32>} : memref<64x16x24xf32, #tpu.memory_space<vmem>>, vector<16xf32>,
        %parallel_loop3A_1774 = arith.constant 0 : i32
        %parallel_loop3A_1775 = vector.broadcast %parallel_loop3A_1774 : i32 to vector<16xi32>
        %parallel_loop3A_1776 = arith.muli %iota3A, %parallel_loop3A_1775 : vector<16xi32>
        %parallel_loop3A_1777 = arith.constant 14 : i32
        %parallel_loop3A_1778 = vector.broadcast %parallel_loop3A_1777 : i32 to vector<16xi32>
        %parallel_loop3A_1779 = arith.addi %parallel_loop3A_1776, %parallel_loop3A_1778 : vector<16xi32>
        tpu.vector_store_idx %arg14[%parallel_loop3A_1779, %shift_right_arithmetic3A_6, %and3A_8, %parallel_loop3A_1614], %parallel_loop3A_1773 : memref<16x2x8x129xf32, #tpu.memory_space<vmem>>[vector<16xi32>, vector<16xi32>, vector<16xi32>, vector<16xi32>], vector<16xf32>,
        %parallel_loop3A_1780 = arith.constant 15 : i32
        %parallel_loop3A_1781 = arith.index_cast %parallel_loop3A_1607 : i32 to index
        %parallel_loop3A_1782 = arith.index_cast %parallel_loop3A_1780 : i32 to index
        %parallel_loop3A_1783 = arith.index_cast %sub3A_1382 : i32 to index
        %parallel_loop3A_1784 = tpu.vector_load %arg12[%parallel_loop3A_1781, %parallel_loop3A_1782, %parallel_loop3A_1783] {strides = array<i32>} : memref<64x16x24xf32, #tpu.memory_space<vmem>>, vector<16xf32>,
        %parallel_loop3A_1785 = arith.constant 0 : i32
        %parallel_loop3A_1786 = vector.broadcast %parallel_loop3A_1785 : i32 to vector<16xi32>
        %parallel_loop3A_1787 = arith.muli %iota3A, %parallel_loop3A_1786 : vector<16xi32>
        %parallel_loop3A_1788 = arith.constant 15 : i32
        %parallel_loop3A_1789 = vector.broadcast %parallel_loop3A_1788 : i32 to vector<16xi32>
        %parallel_loop3A_1790 = arith.addi %parallel_loop3A_1787, %parallel_loop3A_1789 : vector<16xi32>
        tpu.vector_store_idx %arg14[%parallel_loop3A_1790, %shift_right_arithmetic3A_6, %and3A_8, %parallel_loop3A_1614], %parallel_loop3A_1784 : memref<16x2x8x129xf32, #tpu.memory_space<vmem>>[vector<16xi32>, vector<16xi32>, vector<16xi32>, vector<16xi32>], vector<16xf32>,
      } {sc.loop_unroll_factor = 4 : i64, sc.parallel_access}
      %add3A_1385 = arith.constant 2 : i32
      %add3A_1386 = arith.addi %mul3A_1336, %add3A_1385 : i32
      %lt3A = arith.constant 128 : i32
      %lt3A_1387 = arith.cmpi slt, %add3A_1386, %lt3A : i32
      %convert_element_type3A_1388 = arith.extui %lt3A_1387 : i1 to i32
      %cond3A_1389 = arith.constant 0 : i32
      %cond3A_1390 = arith.cmpi ne, %convert_element_type3A_1388, %cond3A_1389 : i32
      scf.if %cond3A_1390 {
        %add3A_1607 = arith.constant 2 : i32
        %add3A_1608 = arith.addi %mul3A_1336, %add3A_1607 : i32
        %shift_right_arithmetic3A_1609 = arith.constant 2 : i32
        %shift_right_arithmetic3A_1610 = arith.shrsi %add3A_1608, %shift_right_arithmetic3A_1609 : i32
        %and3A_1611 = arith.constant 3 : i32
        %and3A_1612 = arith.andi %add3A_1608, %and3A_1611 : i32
        %mul3A_1613 = arith.constant 2 : i32
        %mul3A_1614 = arith.muli %mul3A_1613, %shift_right_arithmetic3A_1610 : i32
        %get3A_1615 = arith.index_cast %mul3A_1614 : i32 to index
        %get3A_1616 = tpu.vector_load %arg8[%get3A_1615] {strides = array<i32>} : memref<80xi32, #tpu.memory_space<vmem>>, vector<16xi32>,
        %add3A_1617 = arith.addi %mul3A_2, %shift_right_arithmetic3A_1610 : i32
        %get3A_1618 = arith.index_cast %add3A_1617 : i32 to index
        %get3A_1619 = tpu.vector_load %arg9[%get3A_1618] {strides = array<i32>} : memref<1040xi32, #tpu.memory_space<vmem>>, vector<16xi32>,
        %slice3A_1620 = vector.extract_strided_slice %get3A_1616 {offsets = [0], sizes = [1], strides = [1]} : vector<16xi32> to vector<1xi32>
        %squeeze3A_1621 = vector.extract %slice3A_1620[0] : i32 from vector<1xi32>
        %max3A_1622 = arith.constant 0 : i32
        %max3A_1623 = arith.maxsi %squeeze3A_1621, %max3A_1622 : i32
        %min3A_1624 = arith.constant 112 : i32
        %min3A_1625 = arith.minsi %max3A_1623, %min3A_1624 : i32
        %slice3A_1626 = vector.extract_strided_slice %get3A_1616 {offsets = [1], sizes = [1], strides = [1]} : vector<16xi32> to vector<1xi32>
        %squeeze3A_1627 = vector.extract %slice3A_1626[0] : i32 from vector<1xi32>
        %max3A_1628 = arith.constant 0 : i32
        %max3A_1629 = arith.maxsi %squeeze3A_1627, %max3A_1628 : i32
        %min3A_1630 = arith.constant 112 : i32
        %min3A_1631 = arith.minsi %max3A_1629, %min3A_1630 : i32
        %slice3A_1632 = vector.extract_strided_slice %get3A_1619 {offsets = [0], sizes = [1], strides = [1]} : vector<16xi32> to vector<1xi32>
        %squeeze3A_1633 = vector.extract %slice3A_1632[0] : i32 from vector<1xi32>
        %shift_right_arithmetic3A_1634 = arith.constant 3 : i32
        %shift_right_arithmetic3A_1635 = arith.shrsi %min3A_1631, %shift_right_arithmetic3A_1634 : i32
        %shift_left3A_1636 = arith.constant 3 : i32
        %shift_left3A_1637 = arith.shli %shift_right_arithmetic3A_1635, %shift_left3A_1636 : i32
        %multiple_of3A_1638 = tpu.assume_multiple %shift_left3A_1637, 8 : i32
        %sub3A_1639 = arith.subi %min3A_1631, %multiple_of3A_1638 : i32
        %mul3A_1640 = arith.constant 64 : i32
        %mul3A_1641 = arith.muli %and3A_1612, %mul3A_1640 : i32
        %dma_start3A_1642 = tpu.memref_slice %arg2[%squeeze3A_1633, %mul3A_1641, %min3A_1625, %multiple_of3A_1638] : memref<8x256x128x128xf32, #tpu.memory_space<hbm>> -> memref<1x64x16x24xf32, #tpu.memory_space<hbm>>
        %dma_start3A_1643 = tpu.memref_squeeze %dma_start3A_1642 : memref<1x64x16x24xf32, #tpu.memory_space<hbm>> -> memref<64x16x24xf32, #tpu.memory_space<hbm>>
        %dma_start3A_1644 = tpu.memref_slice %arg2[%squeeze3A_1633, %mul3A_1641, %min3A_1625, %multiple_of3A_1638] : memref<8x256x128x128xf32, #tpu.memory_space<hbm>> -> memref<1x64x16x24xf32, #tpu.memory_space<hbm>>
        %dma_start3A_1645 = tpu.memref_squeeze %dma_start3A_1644 : memref<1x64x16x24xf32, #tpu.memory_space<hbm>> -> memref<64x16x24xf32, #tpu.memory_space<hbm>>
        tpu.enqueue_dma source(%dma_start3A_1645 : memref<64x16x24xf32, #tpu.memory_space<hbm>>) target(%arg12 : memref<64x16x24xf32, #tpu.memory_space<vmem>>) target_semaphore(%arg16 : memref<!tpu.dma_semaphore, #tpu.memory_space<semaphore_mem>>)
      } else {
      }
      %add3A_1391 = arith.constant 1 : i32
      %add3A_1392 = arith.addi %mul3A_1336, %add3A_1391 : i32
      %dma_wait3A_1393 = arith.constant 0 : i32
      %dma_wait3A_1394 = arith.constant 0 : i32
      %dma_wait3A_1395 = arith.constant 0 : i32
      %dma_wait3A_1396 = arith.constant 0 : i32
      %dma_wait3A_1397 = tpu.memref_slice %arg2[%dma_wait3A_1393, %dma_wait3A_1394, %dma_wait3A_1395, %dma_wait3A_1396] : memref<8x256x128x128xf32, #tpu.memory_space<hbm>> -> memref<1x64x16x24xf32, #tpu.memory_space<hbm>>
      %dma_wait3A_1398 = tpu.memref_squeeze %dma_wait3A_1397 : memref<1x64x16x24xf32, #tpu.memory_space<hbm>> -> memref<64x16x24xf32, #tpu.memory_space<hbm>>
      %dma_wait3A_1399 = arith.constant 0 : i32
      %dma_wait3A_1400 = arith.constant 0 : i32
      %dma_wait3A_1401 = arith.constant 0 : i32
      %dma_wait3A_1402 = tpu.memref_slice %arg2[%dma_wait3A_1393, %dma_wait3A_1399, %dma_wait3A_1400, %dma_wait3A_1401] : memref<8x256x128x128xf32, #tpu.memory_space<hbm>> -> memref<1x64x16x24xf32, #tpu.memory_space<hbm>>
      %dma_wait3A_1403 = tpu.memref_squeeze %dma_wait3A_1402 : memref<1x64x16x24xf32, #tpu.memory_space<hbm>> -> memref<64x16x24xf32, #tpu.memory_space<hbm>>
      tpu.wait_dma2 semaphore(%arg16 : memref<!tpu.dma_semaphore, #tpu.memory_space<semaphore_mem>>) src(%dma_wait3A_1403 : memref<64x16x24xf32, #tpu.memory_space<hbm>>) dst(%arg13 : memref<64x16x24xf32, #tpu.memory_space<vmem>>)
      %shift_right_arithmetic3A_1404 = arith.constant 2 : i32
      %shift_right_arithmetic3A_1405 = arith.shrsi %add3A_1392, %shift_right_arithmetic3A_1404 : i32
      %and3A_1406 = arith.constant 3 : i32
      %and3A_1407 = arith.andi %add3A_1392, %and3A_1406 : i32
      %mul3A_1408 = arith.constant 2 : i32
      %mul3A_1409 = arith.muli %mul3A_1408, %shift_right_arithmetic3A_1405 : i32
      %get3A_1410 = arith.index_cast %mul3A_1409 : i32 to index
      %get3A_1411 = tpu.vector_load %arg8[%get3A_1410] {strides = array<i32>} : memref<80xi32, #tpu.memory_space<vmem>>, vector<16xi32>,
      %add3A_1412 = arith.addi %mul3A_2, %shift_right_arithmetic3A_1405 : i32
      %get3A_1413 = arith.index_cast %add3A_1412 : i32 to index
      %get3A_1414 = tpu.vector_load %arg9[%get3A_1413] {strides = array<i32>} : memref<1040xi32, #tpu.memory_space<vmem>>, vector<16xi32>,
      %slice3A_1415 = vector.extract_strided_slice %get3A_1411 {offsets = [0], sizes = [1], strides = [1]} : vector<16xi32> to vector<1xi32>
      %squeeze3A_1416 = vector.extract %slice3A_1415[0] : i32 from vector<1xi32>
      %max3A_1417 = arith.constant 0 : i32
      %max3A_1418 = arith.maxsi %squeeze3A_1416, %max3A_1417 : i32
      %min3A_1419 = arith.constant 112 : i32
      %min3A_1420 = arith.minsi %max3A_1418, %min3A_1419 : i32
      %slice3A_1421 = vector.extract_strided_slice %get3A_1411 {offsets = [1], sizes = [1], strides = [1]} : vector<16xi32> to vector<1xi32>
      %squeeze3A_1422 = vector.extract %slice3A_1421[0] : i32 from vector<1xi32>
      %max3A_1423 = arith.constant 0 : i32
      %max3A_1424 = arith.maxsi %squeeze3A_1422, %max3A_1423 : i32
      %min3A_1425 = arith.constant 112 : i32
      %min3A_1426 = arith.minsi %max3A_1424, %min3A_1425 : i32
      %slice3A_1427 = vector.extract_strided_slice %get3A_1414 {offsets = [0], sizes = [1], strides = [1]} : vector<16xi32> to vector<1xi32>
      %squeeze3A_1428 = vector.extract %slice3A_1427[0] : i32 from vector<1xi32>
      %shift_right_arithmetic3A_1429 = arith.constant 3 : i32
      %shift_right_arithmetic3A_1430 = arith.shrsi %min3A_1426, %shift_right_arithmetic3A_1429 : i32
      %shift_left3A_1431 = arith.constant 3 : i32
      %shift_left3A_1432 = arith.shli %shift_right_arithmetic3A_1430, %shift_left3A_1431 : i32
      %multiple_of3A_1433 = tpu.assume_multiple %shift_left3A_1432, 8 : i32
      %sub3A_1434 = arith.subi %min3A_1426, %multiple_of3A_1433 : i32
      %parallel_loop3A_1435 = arith.constant 0 : i32
      %parallel_loop3A_1436 = arith.constant 64 : i32
      %parallel_loop3A_1437 = arith.constant 1 : i32
      scf.for %parallel_loop3A_1607 = %parallel_loop3A_1435 to %parallel_loop3A_1436 step %parallel_loop3A_1437  : i32 {
        %parallel_loop3A_1608 = arith.constant 0 : i32
        %parallel_loop3A_1609 = vector.broadcast %parallel_loop3A_1608 : i32 to vector<16xi32>
        %parallel_loop3A_1610 = arith.muli %iota3A, %parallel_loop3A_1609 : vector<16xi32>
        %parallel_loop3A_1611 = arith.constant 64 : i32
        %parallel_loop3A_1612 = arith.addi %parallel_loop3A_1611, %parallel_loop3A_1607 : i32
        %parallel_loop3A_1613 = vector.broadcast %parallel_loop3A_1612 : i32 to vector<16xi32>
        %parallel_loop3A_1614 = arith.addi %parallel_loop3A_1610, %parallel_loop3A_1613 : vector<16xi32>
        %parallel_loop3A_1615 = arith.constant 0 : i32
        %parallel_loop3A_1616 = arith.index_cast %parallel_loop3A_1607 : i32 to index
        %parallel_loop3A_1617 = arith.index_cast %parallel_loop3A_1615 : i32 to index
        %parallel_loop3A_1618 = arith.index_cast %sub3A_1434 : i32 to index
        %parallel_loop3A_1619 = tpu.vector_load %arg13[%parallel_loop3A_1616, %parallel_loop3A_1617, %parallel_loop3A_1618] {strides = array<i32>} : memref<64x16x24xf32, #tpu.memory_space<vmem>>, vector<16xf32>,
        %parallel_loop3A_1620 = arith.constant 0 : i32
        %parallel_loop3A_1621 = vector.broadcast %parallel_loop3A_1620 : i32 to vector<16xi32>
        %parallel_loop3A_1622 = arith.muli %iota3A, %parallel_loop3A_1621 : vector<16xi32>
        %parallel_loop3A_1623 = arith.constant 0 : i32
        %parallel_loop3A_1624 = vector.broadcast %parallel_loop3A_1623 : i32 to vector<16xi32>
        %parallel_loop3A_1625 = arith.addi %parallel_loop3A_1622, %parallel_loop3A_1624 : vector<16xi32>
        tpu.vector_store_idx %arg14[%parallel_loop3A_1625, %shift_right_arithmetic3A_6, %and3A_8, %parallel_loop3A_1614], %parallel_loop3A_1619 : memref<16x2x8x129xf32, #tpu.memory_space<vmem>>[vector<16xi32>, vector<16xi32>, vector<16xi32>, vector<16xi32>], vector<16xf32>,
        %parallel_loop3A_1626 = arith.constant 1 : i32
        %parallel_loop3A_1627 = arith.index_cast %parallel_loop3A_1607 : i32 to index
        %parallel_loop3A_1628 = arith.index_cast %parallel_loop3A_1626 : i32 to index
        %parallel_loop3A_1629 = arith.index_cast %sub3A_1434 : i32 to index
        %parallel_loop3A_1630 = tpu.vector_load %arg13[%parallel_loop3A_1627, %parallel_loop3A_1628, %parallel_loop3A_1629] {strides = array<i32>} : memref<64x16x24xf32, #tpu.memory_space<vmem>>, vector<16xf32>,
        %parallel_loop3A_1631 = arith.constant 0 : i32
        %parallel_loop3A_1632 = vector.broadcast %parallel_loop3A_1631 : i32 to vector<16xi32>
        %parallel_loop3A_1633 = arith.muli %iota3A, %parallel_loop3A_1632 : vector<16xi32>
        %parallel_loop3A_1634 = arith.constant 1 : i32
        %parallel_loop3A_1635 = vector.broadcast %parallel_loop3A_1634 : i32 to vector<16xi32>
        %parallel_loop3A_1636 = arith.addi %parallel_loop3A_1633, %parallel_loop3A_1635 : vector<16xi32>
        tpu.vector_store_idx %arg14[%parallel_loop3A_1636, %shift_right_arithmetic3A_6, %and3A_8, %parallel_loop3A_1614], %parallel_loop3A_1630 : memref<16x2x8x129xf32, #tpu.memory_space<vmem>>[vector<16xi32>, vector<16xi32>, vector<16xi32>, vector<16xi32>], vector<16xf32>,
        %parallel_loop3A_1637 = arith.constant 2 : i32
        %parallel_loop3A_1638 = arith.index_cast %parallel_loop3A_1607 : i32 to index
        %parallel_loop3A_1639 = arith.index_cast %parallel_loop3A_1637 : i32 to index
        %parallel_loop3A_1640 = arith.index_cast %sub3A_1434 : i32 to index
        %parallel_loop3A_1641 = tpu.vector_load %arg13[%parallel_loop3A_1638, %parallel_loop3A_1639, %parallel_loop3A_1640] {strides = array<i32>} : memref<64x16x24xf32, #tpu.memory_space<vmem>>, vector<16xf32>,
        %parallel_loop3A_1642 = arith.constant 0 : i32
        %parallel_loop3A_1643 = vector.broadcast %parallel_loop3A_1642 : i32 to vector<16xi32>
        %parallel_loop3A_1644 = arith.muli %iota3A, %parallel_loop3A_1643 : vector<16xi32>
        %parallel_loop3A_1645 = arith.constant 2 : i32
        %parallel_loop3A_1646 = vector.broadcast %parallel_loop3A_1645 : i32 to vector<16xi32>
        %parallel_loop3A_1647 = arith.addi %parallel_loop3A_1644, %parallel_loop3A_1646 : vector<16xi32>
        tpu.vector_store_idx %arg14[%parallel_loop3A_1647, %shift_right_arithmetic3A_6, %and3A_8, %parallel_loop3A_1614], %parallel_loop3A_1641 : memref<16x2x8x129xf32, #tpu.memory_space<vmem>>[vector<16xi32>, vector<16xi32>, vector<16xi32>, vector<16xi32>], vector<16xf32>,
        %parallel_loop3A_1648 = arith.constant 3 : i32
        %parallel_loop3A_1649 = arith.index_cast %parallel_loop3A_1607 : i32 to index
        %parallel_loop3A_1650 = arith.index_cast %parallel_loop3A_1648 : i32 to index
        %parallel_loop3A_1651 = arith.index_cast %sub3A_1434 : i32 to index
        %parallel_loop3A_1652 = tpu.vector_load %arg13[%parallel_loop3A_1649, %parallel_loop3A_1650, %parallel_loop3A_1651] {strides = array<i32>} : memref<64x16x24xf32, #tpu.memory_space<vmem>>, vector<16xf32>,
        %parallel_loop3A_1653 = arith.constant 0 : i32
        %parallel_loop3A_1654 = vector.broadcast %parallel_loop3A_1653 : i32 to vector<16xi32>
        %parallel_loop3A_1655 = arith.muli %iota3A, %parallel_loop3A_1654 : vector<16xi32>
        %parallel_loop3A_1656 = arith.constant 3 : i32
        %parallel_loop3A_1657 = vector.broadcast %parallel_loop3A_1656 : i32 to vector<16xi32>
        %parallel_loop3A_1658 = arith.addi %parallel_loop3A_1655, %parallel_loop3A_1657 : vector<16xi32>
        tpu.vector_store_idx %arg14[%parallel_loop3A_1658, %shift_right_arithmetic3A_6, %and3A_8, %parallel_loop3A_1614], %parallel_loop3A_1652 : memref<16x2x8x129xf32, #tpu.memory_space<vmem>>[vector<16xi32>, vector<16xi32>, vector<16xi32>, vector<16xi32>], vector<16xf32>,
        %parallel_loop3A_1659 = arith.constant 4 : i32
        %parallel_loop3A_1660 = arith.index_cast %parallel_loop3A_1607 : i32 to index
        %parallel_loop3A_1661 = arith.index_cast %parallel_loop3A_1659 : i32 to index
        %parallel_loop3A_1662 = arith.index_cast %sub3A_1434 : i32 to index
        %parallel_loop3A_1663 = tpu.vector_load %arg13[%parallel_loop3A_1660, %parallel_loop3A_1661, %parallel_loop3A_1662] {strides = array<i32>} : memref<64x16x24xf32, #tpu.memory_space<vmem>>, vector<16xf32>,
        %parallel_loop3A_1664 = arith.constant 0 : i32
        %parallel_loop3A_1665 = vector.broadcast %parallel_loop3A_1664 : i32 to vector<16xi32>
        %parallel_loop3A_1666 = arith.muli %iota3A, %parallel_loop3A_1665 : vector<16xi32>
        %parallel_loop3A_1667 = arith.constant 4 : i32
        %parallel_loop3A_1668 = vector.broadcast %parallel_loop3A_1667 : i32 to vector<16xi32>
        %parallel_loop3A_1669 = arith.addi %parallel_loop3A_1666, %parallel_loop3A_1668 : vector<16xi32>
        tpu.vector_store_idx %arg14[%parallel_loop3A_1669, %shift_right_arithmetic3A_6, %and3A_8, %parallel_loop3A_1614], %parallel_loop3A_1663 : memref<16x2x8x129xf32, #tpu.memory_space<vmem>>[vector<16xi32>, vector<16xi32>, vector<16xi32>, vector<16xi32>], vector<16xf32>,
        %parallel_loop3A_1670 = arith.constant 5 : i32
        %parallel_loop3A_1671 = arith.index_cast %parallel_loop3A_1607 : i32 to index
        %parallel_loop3A_1672 = arith.index_cast %parallel_loop3A_1670 : i32 to index
        %parallel_loop3A_1673 = arith.index_cast %sub3A_1434 : i32 to index
        %parallel_loop3A_1674 = tpu.vector_load %arg13[%parallel_loop3A_1671, %parallel_loop3A_1672, %parallel_loop3A_1673] {strides = array<i32>} : memref<64x16x24xf32, #tpu.memory_space<vmem>>, vector<16xf32>,
        %parallel_loop3A_1675 = arith.constant 0 : i32
        %parallel_loop3A_1676 = vector.broadcast %parallel_loop3A_1675 : i32 to vector<16xi32>
        %parallel_loop3A_1677 = arith.muli %iota3A, %parallel_loop3A_1676 : vector<16xi32>
        %parallel_loop3A_1678 = arith.constant 5 : i32
        %parallel_loop3A_1679 = vector.broadcast %parallel_loop3A_1678 : i32 to vector<16xi32>
        %parallel_loop3A_1680 = arith.addi %parallel_loop3A_1677, %parallel_loop3A_1679 : vector<16xi32>
        tpu.vector_store_idx %arg14[%parallel_loop3A_1680, %shift_right_arithmetic3A_6, %and3A_8, %parallel_loop3A_1614], %parallel_loop3A_1674 : memref<16x2x8x129xf32, #tpu.memory_space<vmem>>[vector<16xi32>, vector<16xi32>, vector<16xi32>, vector<16xi32>], vector<16xf32>,
        %parallel_loop3A_1681 = arith.constant 6 : i32
        %parallel_loop3A_1682 = arith.index_cast %parallel_loop3A_1607 : i32 to index
        %parallel_loop3A_1683 = arith.index_cast %parallel_loop3A_1681 : i32 to index
        %parallel_loop3A_1684 = arith.index_cast %sub3A_1434 : i32 to index
        %parallel_loop3A_1685 = tpu.vector_load %arg13[%parallel_loop3A_1682, %parallel_loop3A_1683, %parallel_loop3A_1684] {strides = array<i32>} : memref<64x16x24xf32, #tpu.memory_space<vmem>>, vector<16xf32>,
        %parallel_loop3A_1686 = arith.constant 0 : i32
        %parallel_loop3A_1687 = vector.broadcast %parallel_loop3A_1686 : i32 to vector<16xi32>
        %parallel_loop3A_1688 = arith.muli %iota3A, %parallel_loop3A_1687 : vector<16xi32>
        %parallel_loop3A_1689 = arith.constant 6 : i32
        %parallel_loop3A_1690 = vector.broadcast %parallel_loop3A_1689 : i32 to vector<16xi32>
        %parallel_loop3A_1691 = arith.addi %parallel_loop3A_1688, %parallel_loop3A_1690 : vector<16xi32>
        tpu.vector_store_idx %arg14[%parallel_loop3A_1691, %shift_right_arithmetic3A_6, %and3A_8, %parallel_loop3A_1614], %parallel_loop3A_1685 : memref<16x2x8x129xf32, #tpu.memory_space<vmem>>[vector<16xi32>, vector<16xi32>, vector<16xi32>, vector<16xi32>], vector<16xf32>,
        %parallel_loop3A_1692 = arith.constant 7 : i32
        %parallel_loop3A_1693 = arith.index_cast %parallel_loop3A_1607 : i32 to index
        %parallel_loop3A_1694 = arith.index_cast %parallel_loop3A_1692 : i32 to index
        %parallel_loop3A_1695 = arith.index_cast %sub3A_1434 : i32 to index
        %parallel_loop3A_1696 = tpu.vector_load %arg13[%parallel_loop3A_1693, %parallel_loop3A_1694, %parallel_loop3A_1695] {strides = array<i32>} : memref<64x16x24xf32, #tpu.memory_space<vmem>>, vector<16xf32>,
        %parallel_loop3A_1697 = arith.constant 0 : i32
        %parallel_loop3A_1698 = vector.broadcast %parallel_loop3A_1697 : i32 to vector<16xi32>
        %parallel_loop3A_1699 = arith.muli %iota3A, %parallel_loop3A_1698 : vector<16xi32>
        %parallel_loop3A_1700 = arith.constant 7 : i32
        %parallel_loop3A_1701 = vector.broadcast %parallel_loop3A_1700 : i32 to vector<16xi32>
        %parallel_loop3A_1702 = arith.addi %parallel_loop3A_1699, %parallel_loop3A_1701 : vector<16xi32>
        tpu.vector_store_idx %arg14[%parallel_loop3A_1702, %shift_right_arithmetic3A_6, %and3A_8, %parallel_loop3A_1614], %parallel_loop3A_1696 : memref<16x2x8x129xf32, #tpu.memory_space<vmem>>[vector<16xi32>, vector<16xi32>, vector<16xi32>, vector<16xi32>], vector<16xf32>,
        %parallel_loop3A_1703 = arith.constant 8 : i32
        %parallel_loop3A_1704 = arith.index_cast %parallel_loop3A_1607 : i32 to index
        %parallel_loop3A_1705 = arith.index_cast %parallel_loop3A_1703 : i32 to index
        %parallel_loop3A_1706 = arith.index_cast %sub3A_1434 : i32 to index
        %parallel_loop3A_1707 = tpu.vector_load %arg13[%parallel_loop3A_1704, %parallel_loop3A_1705, %parallel_loop3A_1706] {strides = array<i32>} : memref<64x16x24xf32, #tpu.memory_space<vmem>>, vector<16xf32>,
        %parallel_loop3A_1708 = arith.constant 0 : i32
        %parallel_loop3A_1709 = vector.broadcast %parallel_loop3A_1708 : i32 to vector<16xi32>
        %parallel_loop3A_1710 = arith.muli %iota3A, %parallel_loop3A_1709 : vector<16xi32>
        %parallel_loop3A_1711 = arith.constant 8 : i32
        %parallel_loop3A_1712 = vector.broadcast %parallel_loop3A_1711 : i32 to vector<16xi32>
        %parallel_loop3A_1713 = arith.addi %parallel_loop3A_1710, %parallel_loop3A_1712 : vector<16xi32>
        tpu.vector_store_idx %arg14[%parallel_loop3A_1713, %shift_right_arithmetic3A_6, %and3A_8, %parallel_loop3A_1614], %parallel_loop3A_1707 : memref<16x2x8x129xf32, #tpu.memory_space<vmem>>[vector<16xi32>, vector<16xi32>, vector<16xi32>, vector<16xi32>], vector<16xf32>,
        %parallel_loop3A_1714 = arith.constant 9 : i32
        %parallel_loop3A_1715 = arith.index_cast %parallel_loop3A_1607 : i32 to index
        %parallel_loop3A_1716 = arith.index_cast %parallel_loop3A_1714 : i32 to index
        %parallel_loop3A_1717 = arith.index_cast %sub3A_1434 : i32 to index
        %parallel_loop3A_1718 = tpu.vector_load %arg13[%parallel_loop3A_1715, %parallel_loop3A_1716, %parallel_loop3A_1717] {strides = array<i32>} : memref<64x16x24xf32, #tpu.memory_space<vmem>>, vector<16xf32>,
        %parallel_loop3A_1719 = arith.constant 0 : i32
        %parallel_loop3A_1720 = vector.broadcast %parallel_loop3A_1719 : i32 to vector<16xi32>
        %parallel_loop3A_1721 = arith.muli %iota3A, %parallel_loop3A_1720 : vector<16xi32>
        %parallel_loop3A_1722 = arith.constant 9 : i32
        %parallel_loop3A_1723 = vector.broadcast %parallel_loop3A_1722 : i32 to vector<16xi32>
        %parallel_loop3A_1724 = arith.addi %parallel_loop3A_1721, %parallel_loop3A_1723 : vector<16xi32>
        tpu.vector_store_idx %arg14[%parallel_loop3A_1724, %shift_right_arithmetic3A_6, %and3A_8, %parallel_loop3A_1614], %parallel_loop3A_1718 : memref<16x2x8x129xf32, #tpu.memory_space<vmem>>[vector<16xi32>, vector<16xi32>, vector<16xi32>, vector<16xi32>], vector<16xf32>,
        %parallel_loop3A_1725 = arith.constant 10 : i32
        %parallel_loop3A_1726 = arith.index_cast %parallel_loop3A_1607 : i32 to index
        %parallel_loop3A_1727 = arith.index_cast %parallel_loop3A_1725 : i32 to index
        %parallel_loop3A_1728 = arith.index_cast %sub3A_1434 : i32 to index
        %parallel_loop3A_1729 = tpu.vector_load %arg13[%parallel_loop3A_1726, %parallel_loop3A_1727, %parallel_loop3A_1728] {strides = array<i32>} : memref<64x16x24xf32, #tpu.memory_space<vmem>>, vector<16xf32>,
        %parallel_loop3A_1730 = arith.constant 0 : i32
        %parallel_loop3A_1731 = vector.broadcast %parallel_loop3A_1730 : i32 to vector<16xi32>
        %parallel_loop3A_1732 = arith.muli %iota3A, %parallel_loop3A_1731 : vector<16xi32>
        %parallel_loop3A_1733 = arith.constant 10 : i32
        %parallel_loop3A_1734 = vector.broadcast %parallel_loop3A_1733 : i32 to vector<16xi32>
        %parallel_loop3A_1735 = arith.addi %parallel_loop3A_1732, %parallel_loop3A_1734 : vector<16xi32>
        tpu.vector_store_idx %arg14[%parallel_loop3A_1735, %shift_right_arithmetic3A_6, %and3A_8, %parallel_loop3A_1614], %parallel_loop3A_1729 : memref<16x2x8x129xf32, #tpu.memory_space<vmem>>[vector<16xi32>, vector<16xi32>, vector<16xi32>, vector<16xi32>], vector<16xf32>,
        %parallel_loop3A_1736 = arith.constant 11 : i32
        %parallel_loop3A_1737 = arith.index_cast %parallel_loop3A_1607 : i32 to index
        %parallel_loop3A_1738 = arith.index_cast %parallel_loop3A_1736 : i32 to index
        %parallel_loop3A_1739 = arith.index_cast %sub3A_1434 : i32 to index
        %parallel_loop3A_1740 = tpu.vector_load %arg13[%parallel_loop3A_1737, %parallel_loop3A_1738, %parallel_loop3A_1739] {strides = array<i32>} : memref<64x16x24xf32, #tpu.memory_space<vmem>>, vector<16xf32>,
        %parallel_loop3A_1741 = arith.constant 0 : i32
        %parallel_loop3A_1742 = vector.broadcast %parallel_loop3A_1741 : i32 to vector<16xi32>
        %parallel_loop3A_1743 = arith.muli %iota3A, %parallel_loop3A_1742 : vector<16xi32>
        %parallel_loop3A_1744 = arith.constant 11 : i32
        %parallel_loop3A_1745 = vector.broadcast %parallel_loop3A_1744 : i32 to vector<16xi32>
        %parallel_loop3A_1746 = arith.addi %parallel_loop3A_1743, %parallel_loop3A_1745 : vector<16xi32>
        tpu.vector_store_idx %arg14[%parallel_loop3A_1746, %shift_right_arithmetic3A_6, %and3A_8, %parallel_loop3A_1614], %parallel_loop3A_1740 : memref<16x2x8x129xf32, #tpu.memory_space<vmem>>[vector<16xi32>, vector<16xi32>, vector<16xi32>, vector<16xi32>], vector<16xf32>,
        %parallel_loop3A_1747 = arith.constant 12 : i32
        %parallel_loop3A_1748 = arith.index_cast %parallel_loop3A_1607 : i32 to index
        %parallel_loop3A_1749 = arith.index_cast %parallel_loop3A_1747 : i32 to index
        %parallel_loop3A_1750 = arith.index_cast %sub3A_1434 : i32 to index
        %parallel_loop3A_1751 = tpu.vector_load %arg13[%parallel_loop3A_1748, %parallel_loop3A_1749, %parallel_loop3A_1750] {strides = array<i32>} : memref<64x16x24xf32, #tpu.memory_space<vmem>>, vector<16xf32>,
        %parallel_loop3A_1752 = arith.constant 0 : i32
        %parallel_loop3A_1753 = vector.broadcast %parallel_loop3A_1752 : i32 to vector<16xi32>
        %parallel_loop3A_1754 = arith.muli %iota3A, %parallel_loop3A_1753 : vector<16xi32>
        %parallel_loop3A_1755 = arith.constant 12 : i32
        %parallel_loop3A_1756 = vector.broadcast %parallel_loop3A_1755 : i32 to vector<16xi32>
        %parallel_loop3A_1757 = arith.addi %parallel_loop3A_1754, %parallel_loop3A_1756 : vector<16xi32>
        tpu.vector_store_idx %arg14[%parallel_loop3A_1757, %shift_right_arithmetic3A_6, %and3A_8, %parallel_loop3A_1614], %parallel_loop3A_1751 : memref<16x2x8x129xf32, #tpu.memory_space<vmem>>[vector<16xi32>, vector<16xi32>, vector<16xi32>, vector<16xi32>], vector<16xf32>,
        %parallel_loop3A_1758 = arith.constant 13 : i32
        %parallel_loop3A_1759 = arith.index_cast %parallel_loop3A_1607 : i32 to index
        %parallel_loop3A_1760 = arith.index_cast %parallel_loop3A_1758 : i32 to index
        %parallel_loop3A_1761 = arith.index_cast %sub3A_1434 : i32 to index
        %parallel_loop3A_1762 = tpu.vector_load %arg13[%parallel_loop3A_1759, %parallel_loop3A_1760, %parallel_loop3A_1761] {strides = array<i32>} : memref<64x16x24xf32, #tpu.memory_space<vmem>>, vector<16xf32>,
        %parallel_loop3A_1763 = arith.constant 0 : i32
        %parallel_loop3A_1764 = vector.broadcast %parallel_loop3A_1763 : i32 to vector<16xi32>
        %parallel_loop3A_1765 = arith.muli %iota3A, %parallel_loop3A_1764 : vector<16xi32>
        %parallel_loop3A_1766 = arith.constant 13 : i32
        %parallel_loop3A_1767 = vector.broadcast %parallel_loop3A_1766 : i32 to vector<16xi32>
        %parallel_loop3A_1768 = arith.addi %parallel_loop3A_1765, %parallel_loop3A_1767 : vector<16xi32>
        tpu.vector_store_idx %arg14[%parallel_loop3A_1768, %shift_right_arithmetic3A_6, %and3A_8, %parallel_loop3A_1614], %parallel_loop3A_1762 : memref<16x2x8x129xf32, #tpu.memory_space<vmem>>[vector<16xi32>, vector<16xi32>, vector<16xi32>, vector<16xi32>], vector<16xf32>,
        %parallel_loop3A_1769 = arith.constant 14 : i32
        %parallel_loop3A_1770 = arith.index_cast %parallel_loop3A_1607 : i32 to index
        %parallel_loop3A_1771 = arith.index_cast %parallel_loop3A_1769 : i32 to index
        %parallel_loop3A_1772 = arith.index_cast %sub3A_1434 : i32 to index
        %parallel_loop3A_1773 = tpu.vector_load %arg13[%parallel_loop3A_1770, %parallel_loop3A_1771, %parallel_loop3A_1772] {strides = array<i32>} : memref<64x16x24xf32, #tpu.memory_space<vmem>>, vector<16xf32>,
        %parallel_loop3A_1774 = arith.constant 0 : i32
        %parallel_loop3A_1775 = vector.broadcast %parallel_loop3A_1774 : i32 to vector<16xi32>
        %parallel_loop3A_1776 = arith.muli %iota3A, %parallel_loop3A_1775 : vector<16xi32>
        %parallel_loop3A_1777 = arith.constant 14 : i32
        %parallel_loop3A_1778 = vector.broadcast %parallel_loop3A_1777 : i32 to vector<16xi32>
        %parallel_loop3A_1779 = arith.addi %parallel_loop3A_1776, %parallel_loop3A_1778 : vector<16xi32>
        tpu.vector_store_idx %arg14[%parallel_loop3A_1779, %shift_right_arithmetic3A_6, %and3A_8, %parallel_loop3A_1614], %parallel_loop3A_1773 : memref<16x2x8x129xf32, #tpu.memory_space<vmem>>[vector<16xi32>, vector<16xi32>, vector<16xi32>, vector<16xi32>], vector<16xf32>,
        %parallel_loop3A_1780 = arith.constant 15 : i32
        %parallel_loop3A_1781 = arith.index_cast %parallel_loop3A_1607 : i32 to index
        %parallel_loop3A_1782 = arith.index_cast %parallel_loop3A_1780 : i32 to index
        %parallel_loop3A_1783 = arith.index_cast %sub3A_1434 : i32 to index
        %parallel_loop3A_1784 = tpu.vector_load %arg13[%parallel_loop3A_1781, %parallel_loop3A_1782, %parallel_loop3A_1783] {strides = array<i32>} : memref<64x16x24xf32, #tpu.memory_space<vmem>>, vector<16xf32>,
        %parallel_loop3A_1785 = arith.constant 0 : i32
        %parallel_loop3A_1786 = vector.broadcast %parallel_loop3A_1785 : i32 to vector<16xi32>
        %parallel_loop3A_1787 = arith.muli %iota3A, %parallel_loop3A_1786 : vector<16xi32>
        %parallel_loop3A_1788 = arith.constant 15 : i32
        %parallel_loop3A_1789 = vector.broadcast %parallel_loop3A_1788 : i32 to vector<16xi32>
        %parallel_loop3A_1790 = arith.addi %parallel_loop3A_1787, %parallel_loop3A_1789 : vector<16xi32>
        tpu.vector_store_idx %arg14[%parallel_loop3A_1790, %shift_right_arithmetic3A_6, %and3A_8, %parallel_loop3A_1614], %parallel_loop3A_1784 : memref<16x2x8x129xf32, #tpu.memory_space<vmem>>[vector<16xi32>, vector<16xi32>, vector<16xi32>, vector<16xi32>], vector<16xf32>,
      } {sc.loop_unroll_factor = 4 : i64, sc.parallel_access}
      %add3A_1438 = arith.constant 2 : i32
      %add3A_1439 = arith.addi %add3A_1392, %add3A_1438 : i32
      %lt3A_1440 = arith.constant 128 : i32
      %lt3A_1441 = arith.cmpi slt, %add3A_1439, %lt3A_1440 : i32
      %convert_element_type3A_1442 = arith.extui %lt3A_1441 : i1 to i32
      %cond3A_1443 = arith.constant 0 : i32
      %cond3A_1444 = arith.cmpi ne, %convert_element_type3A_1442, %cond3A_1443 : i32
      scf.if %cond3A_1444 {
        %add3A_1607 = arith.constant 2 : i32
        %add3A_1608 = arith.addi %add3A_1392, %add3A_1607 : i32
        %shift_right_arithmetic3A_1609 = arith.constant 2 : i32
        %shift_right_arithmetic3A_1610 = arith.shrsi %add3A_1608, %shift_right_arithmetic3A_1609 : i32
        %and3A_1611 = arith.constant 3 : i32
        %and3A_1612 = arith.andi %add3A_1608, %and3A_1611 : i32
        %mul3A_1613 = arith.constant 2 : i32
        %mul3A_1614 = arith.muli %mul3A_1613, %shift_right_arithmetic3A_1610 : i32
        %get3A_1615 = arith.index_cast %mul3A_1614 : i32 to index
        %get3A_1616 = tpu.vector_load %arg8[%get3A_1615] {strides = array<i32>} : memref<80xi32, #tpu.memory_space<vmem>>, vector<16xi32>,
        %add3A_1617 = arith.addi %mul3A_2, %shift_right_arithmetic3A_1610 : i32
        %get3A_1618 = arith.index_cast %add3A_1617 : i32 to index
        %get3A_1619 = tpu.vector_load %arg9[%get3A_1618] {strides = array<i32>} : memref<1040xi32, #tpu.memory_space<vmem>>, vector<16xi32>,
        %slice3A_1620 = vector.extract_strided_slice %get3A_1616 {offsets = [0], sizes = [1], strides = [1]} : vector<16xi32> to vector<1xi32>
        %squeeze3A_1621 = vector.extract %slice3A_1620[0] : i32 from vector<1xi32>
        %max3A_1622 = arith.constant 0 : i32
        %max3A_1623 = arith.maxsi %squeeze3A_1621, %max3A_1622 : i32
        %min3A_1624 = arith.constant 112 : i32
        %min3A_1625 = arith.minsi %max3A_1623, %min3A_1624 : i32
        %slice3A_1626 = vector.extract_strided_slice %get3A_1616 {offsets = [1], sizes = [1], strides = [1]} : vector<16xi32> to vector<1xi32>
        %squeeze3A_1627 = vector.extract %slice3A_1626[0] : i32 from vector<1xi32>
        %max3A_1628 = arith.constant 0 : i32
        %max3A_1629 = arith.maxsi %squeeze3A_1627, %max3A_1628 : i32
        %min3A_1630 = arith.constant 112 : i32
        %min3A_1631 = arith.minsi %max3A_1629, %min3A_1630 : i32
        %slice3A_1632 = vector.extract_strided_slice %get3A_1619 {offsets = [0], sizes = [1], strides = [1]} : vector<16xi32> to vector<1xi32>
        %squeeze3A_1633 = vector.extract %slice3A_1632[0] : i32 from vector<1xi32>
        %shift_right_arithmetic3A_1634 = arith.constant 3 : i32
        %shift_right_arithmetic3A_1635 = arith.shrsi %min3A_1631, %shift_right_arithmetic3A_1634 : i32
        %shift_left3A_1636 = arith.constant 3 : i32
        %shift_left3A_1637 = arith.shli %shift_right_arithmetic3A_1635, %shift_left3A_1636 : i32
        %multiple_of3A_1638 = tpu.assume_multiple %shift_left3A_1637, 8 : i32
        %sub3A_1639 = arith.subi %min3A_1631, %multiple_of3A_1638 : i32
        %mul3A_1640 = arith.constant 64 : i32
        %mul3A_1641 = arith.muli %and3A_1612, %mul3A_1640 : i32
        %dma_start3A_1642 = tpu.memref_slice %arg2[%squeeze3A_1633, %mul3A_1641, %min3A_1625, %multiple_of3A_1638] : memref<8x256x128x128xf32, #tpu.memory_space<hbm>> -> memref<1x64x16x24xf32, #tpu.memory_space<hbm>>
        %dma_start3A_1643 = tpu.memref_squeeze %dma_start3A_1642 : memref<1x64x16x24xf32, #tpu.memory_space<hbm>> -> memref<64x16x24xf32, #tpu.memory_space<hbm>>
        %dma_start3A_1644 = tpu.memref_slice %arg2[%squeeze3A_1633, %mul3A_1641, %min3A_1625, %multiple_of3A_1638] : memref<8x256x128x128xf32, #tpu.memory_space<hbm>> -> memref<1x64x16x24xf32, #tpu.memory_space<hbm>>
        %dma_start3A_1645 = tpu.memref_squeeze %dma_start3A_1644 : memref<1x64x16x24xf32, #tpu.memory_space<hbm>> -> memref<64x16x24xf32, #tpu.memory_space<hbm>>
        tpu.enqueue_dma source(%dma_start3A_1645 : memref<64x16x24xf32, #tpu.memory_space<hbm>>) target(%arg13 : memref<64x16x24xf32, #tpu.memory_space<vmem>>) target_semaphore(%arg16 : memref<!tpu.dma_semaphore, #tpu.memory_space<semaphore_mem>>)
      } else {
      }
      %add3A_1445 = arith.addi %mul3A_2, %shift_right_arithmetic3A_1405 : i32
      %dma_start3A_1446 = arith.constant 0 : i32
      %dma_start3A_1447 = arith.constant 0 : i32
      %dma_start3A_1448 = arith.constant 0 : i32
      %dma_start3A_1449 = arith.constant 0 : i32
      %dma_start3A_1450 = arith.constant 0 : i32
      %dma_start3A_1451 = tpu.memref_slice %arg14[%dma_start3A_1447, %dma_start3A_1448, %dma_start3A_1449, %dma_start3A_1450] : memref<16x2x8x129xf32, #tpu.memory_space<vmem>> -> memref<16x2x8x128xf32, #tpu.memory_space<vmem>>
      %dma_start3A_1452 = arith.constant 0 : i32
      %dma_start3A_1453 = arith.constant 0 : i32
      %dma_start3A_1454 = arith.constant 0 : i32
      %dma_start3A_1455 = arith.constant 0 : i32
      %dma_start3A_1456 = tpu.memref_slice %arg5[%add3A_1445, %dma_start3A_1452, %dma_start3A_1453, %dma_start3A_1446, %dma_start3A_1454, %dma_start3A_1455] : memref<1024x16x2x2x8x128xf32, #tpu.memory_space<hbm>> -> memref<1x16x2x1x8x128xf32, #tpu.memory_space<hbm>>
      %dma_start3A_1457 = tpu.memref_squeeze %dma_start3A_1456 : memref<1x16x2x1x8x128xf32, #tpu.memory_space<hbm>> -> memref<16x2x8x128xf32, #tpu.memory_space<hbm>>
      %dma_start3A_1458 = arith.constant 0 : i32
      %dma_start3A_1459 = arith.constant 0 : i32
      %dma_start3A_1460 = arith.constant 0 : i32
      %dma_start3A_1461 = arith.constant 0 : i32
      %dma_start3A_1462 = tpu.memref_slice %arg5[%add3A_1445, %dma_start3A_1458, %dma_start3A_1459, %dma_start3A_1446, %dma_start3A_1460, %dma_start3A_1461] : memref<1024x16x2x2x8x128xf32, #tpu.memory_space<hbm>> -> memref<1x16x2x1x8x128xf32, #tpu.memory_space<hbm>>
      %dma_start3A_1463 = tpu.memref_squeeze %dma_start3A_1462 : memref<1x16x2x1x8x128xf32, #tpu.memory_space<hbm>> -> memref<16x2x8x128xf32, #tpu.memory_space<hbm>>
      %dma_start3A_1464 = arith.constant 0 : i32
      %dma_start3A_1465 = arith.constant 0 : i32
      %dma_start3A_1466 = arith.constant 0 : i32
      %dma_start3A_1467 = arith.constant 0 : i32
      %dma_start3A_1468 = tpu.memref_slice %arg14[%dma_start3A_1464, %dma_start3A_1465, %dma_start3A_1466, %dma_start3A_1467] : memref<16x2x8x129xf32, #tpu.memory_space<vmem>> -> memref<16x2x8x128xf32, #tpu.memory_space<vmem>>
      tpu.enqueue_dma source(%dma_start3A_1468 : memref<16x2x8x128xf32, #tpu.memory_space<vmem>>) target(%dma_start3A_1463 : memref<16x2x8x128xf32, #tpu.memory_space<hbm>>) target_semaphore(%arg17 : memref<!tpu.dma_semaphore, #tpu.memory_space<semaphore_mem>>)
      %add3A_1469 = arith.constant 2 : i32
      %add3A_1470 = arith.addi %mul3A_1336, %add3A_1469 : i32
      %dma_wait3A_1471 = arith.constant 0 : i32
      %dma_wait3A_1472 = arith.constant 0 : i32
      %dma_wait3A_1473 = arith.constant 0 : i32
      %dma_wait3A_1474 = arith.constant 0 : i32
      %dma_wait3A_1475 = tpu.memref_slice %arg2[%dma_wait3A_1471, %dma_wait3A_1472, %dma_wait3A_1473, %dma_wait3A_1474] : memref<8x256x128x128xf32, #tpu.memory_space<hbm>> -> memref<1x64x16x24xf32, #tpu.memory_space<hbm>>
      %dma_wait3A_1476 = tpu.memref_squeeze %dma_wait3A_1475 : memref<1x64x16x24xf32, #tpu.memory_space<hbm>> -> memref<64x16x24xf32, #tpu.memory_space<hbm>>
      %dma_wait3A_1477 = arith.constant 0 : i32
      %dma_wait3A_1478 = arith.constant 0 : i32
      %dma_wait3A_1479 = arith.constant 0 : i32
      %dma_wait3A_1480 = tpu.memref_slice %arg2[%dma_wait3A_1471, %dma_wait3A_1477, %dma_wait3A_1478, %dma_wait3A_1479] : memref<8x256x128x128xf32, #tpu.memory_space<hbm>> -> memref<1x64x16x24xf32, #tpu.memory_space<hbm>>
      %dma_wait3A_1481 = tpu.memref_squeeze %dma_wait3A_1480 : memref<1x64x16x24xf32, #tpu.memory_space<hbm>> -> memref<64x16x24xf32, #tpu.memory_space<hbm>>
      tpu.wait_dma2 semaphore(%arg16 : memref<!tpu.dma_semaphore, #tpu.memory_space<semaphore_mem>>) src(%dma_wait3A_1481 : memref<64x16x24xf32, #tpu.memory_space<hbm>>) dst(%arg12 : memref<64x16x24xf32, #tpu.memory_space<vmem>>)
      %ge3A_1482 = arith.constant 4 : i32
      %ge3A_1483 = arith.cmpi sge, %add3A_1470, %ge3A_1482 : i32
      %convert_element_type3A_1484 = arith.extui %ge3A_1483 : i1 to i32
      %cond3A_1485 = arith.constant 0 : i32
      %cond3A_1486 = arith.cmpi ne, %convert_element_type3A_1484, %cond3A_1485 : i32
      scf.if %cond3A_1486 {
        %dma_wait3A_1607 = arith.constant 0 : i32
        %dma_wait3A_1608 = arith.constant 0 : i32
        %dma_wait3A_1609 = arith.constant 0 : i32
        %dma_wait3A_1610 = arith.constant 0 : i32
        %dma_wait3A_1611 = arith.constant 0 : i32
        %dma_wait3A_1612 = arith.constant 0 : i32
        %dma_wait3A_1613 = tpu.memref_slice %arg15[%dma_wait3A_1609, %dma_wait3A_1610, %dma_wait3A_1611, %dma_wait3A_1612] : memref<16x2x8x129xf32, #tpu.memory_space<vmem>> -> memref<16x2x8x128xf32, #tpu.memory_space<vmem>>
        %dma_wait3A_1614 = arith.constant 0 : i32
        %dma_wait3A_1615 = arith.constant 0 : i32
        %dma_wait3A_1616 = arith.constant 0 : i32
        %dma_wait3A_1617 = arith.constant 0 : i32
        %dma_wait3A_1618 = tpu.memref_slice %arg5[%dma_wait3A_1607, %dma_wait3A_1614, %dma_wait3A_1615, %dma_wait3A_1608, %dma_wait3A_1616, %dma_wait3A_1617] : memref<1024x16x2x2x8x128xf32, #tpu.memory_space<hbm>> -> memref<1x16x2x1x8x128xf32, #tpu.memory_space<hbm>>
        %dma_wait3A_1619 = tpu.memref_squeeze %dma_wait3A_1618 : memref<1x16x2x1x8x128xf32, #tpu.memory_space<hbm>> -> memref<16x2x8x128xf32, #tpu.memory_space<hbm>>
        %dma_wait3A_1620 = arith.constant 0 : i32
        %dma_wait3A_1621 = arith.constant 0 : i32
        %dma_wait3A_1622 = arith.constant 0 : i32
        %dma_wait3A_1623 = arith.constant 0 : i32
        %dma_wait3A_1624 = tpu.memref_slice %arg5[%dma_wait3A_1607, %dma_wait3A_1620, %dma_wait3A_1621, %dma_wait3A_1608, %dma_wait3A_1622, %dma_wait3A_1623] : memref<1024x16x2x2x8x128xf32, #tpu.memory_space<hbm>> -> memref<1x16x2x1x8x128xf32, #tpu.memory_space<hbm>>
        %dma_wait3A_1625 = tpu.memref_squeeze %dma_wait3A_1624 : memref<1x16x2x1x8x128xf32, #tpu.memory_space<hbm>> -> memref<16x2x8x128xf32, #tpu.memory_space<hbm>>
        %dma_wait3A_1626 = arith.constant 0 : i32
        %dma_wait3A_1627 = arith.constant 0 : i32
        %dma_wait3A_1628 = arith.constant 0 : i32
        %dma_wait3A_1629 = arith.constant 0 : i32
        %dma_wait3A_1630 = tpu.memref_slice %arg15[%dma_wait3A_1626, %dma_wait3A_1627, %dma_wait3A_1628, %dma_wait3A_1629] : memref<16x2x8x129xf32, #tpu.memory_space<vmem>> -> memref<16x2x8x128xf32, #tpu.memory_space<vmem>>
        tpu.wait_dma2 semaphore(%arg17 : memref<!tpu.dma_semaphore, #tpu.memory_space<semaphore_mem>>) src(%dma_wait3A_1630 : memref<16x2x8x128xf32, #tpu.memory_space<vmem>>) dst(%dma_wait3A_1625 : memref<16x2x8x128xf32, #tpu.memory_space<hbm>>)
      } else {
      }
      %shift_right_arithmetic3A_1487 = arith.constant 2 : i32
      %shift_right_arithmetic3A_1488 = arith.shrsi %add3A_1470, %shift_right_arithmetic3A_1487 : i32
      %and3A_1489 = arith.constant 3 : i32
      %and3A_1490 = arith.andi %add3A_1470, %and3A_1489 : i32
      %mul3A_1491 = arith.constant 2 : i32
      %mul3A_1492 = arith.muli %mul3A_1491, %shift_right_arithmetic3A_1488 : i32
      %get3A_1493 = arith.index_cast %mul3A_1492 : i32 to index
      %get3A_1494 = tpu.vector_load %arg8[%get3A_1493] {strides = array<i32>} : memref<80xi32, #tpu.memory_space<vmem>>, vector<16xi32>,
      %add3A_1495 = arith.addi %mul3A_2, %shift_right_arithmetic3A_1488 : i32
      %get3A_1496 = arith.index_cast %add3A_1495 : i32 to index
      %get3A_1497 = tpu.vector_load %arg9[%get3A_1496] {strides = array<i32>} : memref<1040xi32, #tpu.memory_space<vmem>>, vector<16xi32>,
      %slice3A_1498 = vector.extract_strided_slice %get3A_1494 {offsets = [0], sizes = [1], strides = [1]} : vector<16xi32> to vector<1xi32>
      %squeeze3A_1499 = vector.extract %slice3A_1498[0] : i32 from vector<1xi32>
      %max3A_1500 = arith.constant 0 : i32
      %max3A_1501 = arith.maxsi %squeeze3A_1499, %max3A_1500 : i32
      %min3A_1502 = arith.constant 112 : i32
      %min3A_1503 = arith.minsi %max3A_1501, %min3A_1502 : i32
      %slice3A_1504 = vector.extract_strided_slice %get3A_1494 {offsets = [1], sizes = [1], strides = [1]} : vector<16xi32> to vector<1xi32>
      %squeeze3A_1505 = vector.extract %slice3A_1504[0] : i32 from vector<1xi32>
      %max3A_1506 = arith.constant 0 : i32
      %max3A_1507 = arith.maxsi %squeeze3A_1505, %max3A_1506 : i32
      %min3A_1508 = arith.constant 112 : i32
      %min3A_1509 = arith.minsi %max3A_1507, %min3A_1508 : i32
      %slice3A_1510 = vector.extract_strided_slice %get3A_1497 {offsets = [0], sizes = [1], strides = [1]} : vector<16xi32> to vector<1xi32>
      %squeeze3A_1511 = vector.extract %slice3A_1510[0] : i32 from vector<1xi32>
      %shift_right_arithmetic3A_1512 = arith.constant 3 : i32
      %shift_right_arithmetic3A_1513 = arith.shrsi %min3A_1509, %shift_right_arithmetic3A_1512 : i32
      %shift_left3A_1514 = arith.constant 3 : i32
      %shift_left3A_1515 = arith.shli %shift_right_arithmetic3A_1513, %shift_left3A_1514 : i32
      %multiple_of3A_1516 = tpu.assume_multiple %shift_left3A_1515, 8 : i32
      %sub3A_1517 = arith.subi %min3A_1509, %multiple_of3A_1516 : i32
      %parallel_loop3A_1518 = arith.constant 0 : i32
      %parallel_loop3A_1519 = arith.constant 64 : i32
      %parallel_loop3A_1520 = arith.constant 1 : i32
      scf.for %parallel_loop3A_1607 = %parallel_loop3A_1518 to %parallel_loop3A_1519 step %parallel_loop3A_1520  : i32 {
        %parallel_loop3A_1608 = arith.constant 0 : i32
        %parallel_loop3A_1609 = vector.broadcast %parallel_loop3A_1608 : i32 to vector<16xi32>
        %parallel_loop3A_1610 = arith.muli %iota3A, %parallel_loop3A_1609 : vector<16xi32>
        %parallel_loop3A_1611 = arith.constant 0 : i32
        %parallel_loop3A_1612 = arith.addi %parallel_loop3A_1611, %parallel_loop3A_1607 : i32
        %parallel_loop3A_1613 = vector.broadcast %parallel_loop3A_1612 : i32 to vector<16xi32>
        %parallel_loop3A_1614 = arith.addi %parallel_loop3A_1610, %parallel_loop3A_1613 : vector<16xi32>
        %parallel_loop3A_1615 = arith.constant 0 : i32
        %parallel_loop3A_1616 = arith.index_cast %parallel_loop3A_1607 : i32 to index
        %parallel_loop3A_1617 = arith.index_cast %parallel_loop3A_1615 : i32 to index
        %parallel_loop3A_1618 = arith.index_cast %sub3A_1517 : i32 to index
        %parallel_loop3A_1619 = tpu.vector_load %arg12[%parallel_loop3A_1616, %parallel_loop3A_1617, %parallel_loop3A_1618] {strides = array<i32>} : memref<64x16x24xf32, #tpu.memory_space<vmem>>, vector<16xf32>,
        %parallel_loop3A_1620 = arith.constant 0 : i32
        %parallel_loop3A_1621 = vector.broadcast %parallel_loop3A_1620 : i32 to vector<16xi32>
        %parallel_loop3A_1622 = arith.muli %iota3A, %parallel_loop3A_1621 : vector<16xi32>
        %parallel_loop3A_1623 = arith.constant 0 : i32
        %parallel_loop3A_1624 = vector.broadcast %parallel_loop3A_1623 : i32 to vector<16xi32>
        %parallel_loop3A_1625 = arith.addi %parallel_loop3A_1622, %parallel_loop3A_1624 : vector<16xi32>
        tpu.vector_store_idx %arg15[%parallel_loop3A_1625, %shift_right_arithmetic3A_6, %and3A_8, %parallel_loop3A_1614], %parallel_loop3A_1619 : memref<16x2x8x129xf32, #tpu.memory_space<vmem>>[vector<16xi32>, vector<16xi32>, vector<16xi32>, vector<16xi32>], vector<16xf32>,
        %parallel_loop3A_1626 = arith.constant 1 : i32
        %parallel_loop3A_1627 = arith.index_cast %parallel_loop3A_1607 : i32 to index
        %parallel_loop3A_1628 = arith.index_cast %parallel_loop3A_1626 : i32 to index
        %parallel_loop3A_1629 = arith.index_cast %sub3A_1517 : i32 to index
        %parallel_loop3A_1630 = tpu.vector_load %arg12[%parallel_loop3A_1627, %parallel_loop3A_1628, %parallel_loop3A_1629] {strides = array<i32>} : memref<64x16x24xf32, #tpu.memory_space<vmem>>, vector<16xf32>,
        %parallel_loop3A_1631 = arith.constant 0 : i32
        %parallel_loop3A_1632 = vector.broadcast %parallel_loop3A_1631 : i32 to vector<16xi32>
        %parallel_loop3A_1633 = arith.muli %iota3A, %parallel_loop3A_1632 : vector<16xi32>
        %parallel_loop3A_1634 = arith.constant 1 : i32
        %parallel_loop3A_1635 = vector.broadcast %parallel_loop3A_1634 : i32 to vector<16xi32>
        %parallel_loop3A_1636 = arith.addi %parallel_loop3A_1633, %parallel_loop3A_1635 : vector<16xi32>
        tpu.vector_store_idx %arg15[%parallel_loop3A_1636, %shift_right_arithmetic3A_6, %and3A_8, %parallel_loop3A_1614], %parallel_loop3A_1630 : memref<16x2x8x129xf32, #tpu.memory_space<vmem>>[vector<16xi32>, vector<16xi32>, vector<16xi32>, vector<16xi32>], vector<16xf32>,
        %parallel_loop3A_1637 = arith.constant 2 : i32
        %parallel_loop3A_1638 = arith.index_cast %parallel_loop3A_1607 : i32 to index
        %parallel_loop3A_1639 = arith.index_cast %parallel_loop3A_1637 : i32 to index
        %parallel_loop3A_1640 = arith.index_cast %sub3A_1517 : i32 to index
        %parallel_loop3A_1641 = tpu.vector_load %arg12[%parallel_loop3A_1638, %parallel_loop3A_1639, %parallel_loop3A_1640] {strides = array<i32>} : memref<64x16x24xf32, #tpu.memory_space<vmem>>, vector<16xf32>,
        %parallel_loop3A_1642 = arith.constant 0 : i32
        %parallel_loop3A_1643 = vector.broadcast %parallel_loop3A_1642 : i32 to vector<16xi32>
        %parallel_loop3A_1644 = arith.muli %iota3A, %parallel_loop3A_1643 : vector<16xi32>
        %parallel_loop3A_1645 = arith.constant 2 : i32
        %parallel_loop3A_1646 = vector.broadcast %parallel_loop3A_1645 : i32 to vector<16xi32>
        %parallel_loop3A_1647 = arith.addi %parallel_loop3A_1644, %parallel_loop3A_1646 : vector<16xi32>
        tpu.vector_store_idx %arg15[%parallel_loop3A_1647, %shift_right_arithmetic3A_6, %and3A_8, %parallel_loop3A_1614], %parallel_loop3A_1641 : memref<16x2x8x129xf32, #tpu.memory_space<vmem>>[vector<16xi32>, vector<16xi32>, vector<16xi32>, vector<16xi32>], vector<16xf32>,
        %parallel_loop3A_1648 = arith.constant 3 : i32
        %parallel_loop3A_1649 = arith.index_cast %parallel_loop3A_1607 : i32 to index
        %parallel_loop3A_1650 = arith.index_cast %parallel_loop3A_1648 : i32 to index
        %parallel_loop3A_1651 = arith.index_cast %sub3A_1517 : i32 to index
        %parallel_loop3A_1652 = tpu.vector_load %arg12[%parallel_loop3A_1649, %parallel_loop3A_1650, %parallel_loop3A_1651] {strides = array<i32>} : memref<64x16x24xf32, #tpu.memory_space<vmem>>, vector<16xf32>,
        %parallel_loop3A_1653 = arith.constant 0 : i32
        %parallel_loop3A_1654 = vector.broadcast %parallel_loop3A_1653 : i32 to vector<16xi32>
        %parallel_loop3A_1655 = arith.muli %iota3A, %parallel_loop3A_1654 : vector<16xi32>
        %parallel_loop3A_1656 = arith.constant 3 : i32
        %parallel_loop3A_1657 = vector.broadcast %parallel_loop3A_1656 : i32 to vector<16xi32>
        %parallel_loop3A_1658 = arith.addi %parallel_loop3A_1655, %parallel_loop3A_1657 : vector<16xi32>
        tpu.vector_store_idx %arg15[%parallel_loop3A_1658, %shift_right_arithmetic3A_6, %and3A_8, %parallel_loop3A_1614], %parallel_loop3A_1652 : memref<16x2x8x129xf32, #tpu.memory_space<vmem>>[vector<16xi32>, vector<16xi32>, vector<16xi32>, vector<16xi32>], vector<16xf32>,
        %parallel_loop3A_1659 = arith.constant 4 : i32
        %parallel_loop3A_1660 = arith.index_cast %parallel_loop3A_1607 : i32 to index
        %parallel_loop3A_1661 = arith.index_cast %parallel_loop3A_1659 : i32 to index
        %parallel_loop3A_1662 = arith.index_cast %sub3A_1517 : i32 to index
        %parallel_loop3A_1663 = tpu.vector_load %arg12[%parallel_loop3A_1660, %parallel_loop3A_1661, %parallel_loop3A_1662] {strides = array<i32>} : memref<64x16x24xf32, #tpu.memory_space<vmem>>, vector<16xf32>,
        %parallel_loop3A_1664 = arith.constant 0 : i32
        %parallel_loop3A_1665 = vector.broadcast %parallel_loop3A_1664 : i32 to vector<16xi32>
        %parallel_loop3A_1666 = arith.muli %iota3A, %parallel_loop3A_1665 : vector<16xi32>
        %parallel_loop3A_1667 = arith.constant 4 : i32
        %parallel_loop3A_1668 = vector.broadcast %parallel_loop3A_1667 : i32 to vector<16xi32>
        %parallel_loop3A_1669 = arith.addi %parallel_loop3A_1666, %parallel_loop3A_1668 : vector<16xi32>
        tpu.vector_store_idx %arg15[%parallel_loop3A_1669, %shift_right_arithmetic3A_6, %and3A_8, %parallel_loop3A_1614], %parallel_loop3A_1663 : memref<16x2x8x129xf32, #tpu.memory_space<vmem>>[vector<16xi32>, vector<16xi32>, vector<16xi32>, vector<16xi32>], vector<16xf32>,
        %parallel_loop3A_1670 = arith.constant 5 : i32
        %parallel_loop3A_1671 = arith.index_cast %parallel_loop3A_1607 : i32 to index
        %parallel_loop3A_1672 = arith.index_cast %parallel_loop3A_1670 : i32 to index
        %parallel_loop3A_1673 = arith.index_cast %sub3A_1517 : i32 to index
        %parallel_loop3A_1674 = tpu.vector_load %arg12[%parallel_loop3A_1671, %parallel_loop3A_1672, %parallel_loop3A_1673] {strides = array<i32>} : memref<64x16x24xf32, #tpu.memory_space<vmem>>, vector<16xf32>,
        %parallel_loop3A_1675 = arith.constant 0 : i32
        %parallel_loop3A_1676 = vector.broadcast %parallel_loop3A_1675 : i32 to vector<16xi32>
        %parallel_loop3A_1677 = arith.muli %iota3A, %parallel_loop3A_1676 : vector<16xi32>
        %parallel_loop3A_1678 = arith.constant 5 : i32
        %parallel_loop3A_1679 = vector.broadcast %parallel_loop3A_1678 : i32 to vector<16xi32>
        %parallel_loop3A_1680 = arith.addi %parallel_loop3A_1677, %parallel_loop3A_1679 : vector<16xi32>
        tpu.vector_store_idx %arg15[%parallel_loop3A_1680, %shift_right_arithmetic3A_6, %and3A_8, %parallel_loop3A_1614], %parallel_loop3A_1674 : memref<16x2x8x129xf32, #tpu.memory_space<vmem>>[vector<16xi32>, vector<16xi32>, vector<16xi32>, vector<16xi32>], vector<16xf32>,
        %parallel_loop3A_1681 = arith.constant 6 : i32
        %parallel_loop3A_1682 = arith.index_cast %parallel_loop3A_1607 : i32 to index
        %parallel_loop3A_1683 = arith.index_cast %parallel_loop3A_1681 : i32 to index
        %parallel_loop3A_1684 = arith.index_cast %sub3A_1517 : i32 to index
        %parallel_loop3A_1685 = tpu.vector_load %arg12[%parallel_loop3A_1682, %parallel_loop3A_1683, %parallel_loop3A_1684] {strides = array<i32>} : memref<64x16x24xf32, #tpu.memory_space<vmem>>, vector<16xf32>,
        %parallel_loop3A_1686 = arith.constant 0 : i32
        %parallel_loop3A_1687 = vector.broadcast %parallel_loop3A_1686 : i32 to vector<16xi32>
        %parallel_loop3A_1688 = arith.muli %iota3A, %parallel_loop3A_1687 : vector<16xi32>
        %parallel_loop3A_1689 = arith.constant 6 : i32
        %parallel_loop3A_1690 = vector.broadcast %parallel_loop3A_1689 : i32 to vector<16xi32>
        %parallel_loop3A_1691 = arith.addi %parallel_loop3A_1688, %parallel_loop3A_1690 : vector<16xi32>
        tpu.vector_store_idx %arg15[%parallel_loop3A_1691, %shift_right_arithmetic3A_6, %and3A_8, %parallel_loop3A_1614], %parallel_loop3A_1685 : memref<16x2x8x129xf32, #tpu.memory_space<vmem>>[vector<16xi32>, vector<16xi32>, vector<16xi32>, vector<16xi32>], vector<16xf32>,
        %parallel_loop3A_1692 = arith.constant 7 : i32
        %parallel_loop3A_1693 = arith.index_cast %parallel_loop3A_1607 : i32 to index
        %parallel_loop3A_1694 = arith.index_cast %parallel_loop3A_1692 : i32 to index
        %parallel_loop3A_1695 = arith.index_cast %sub3A_1517 : i32 to index
        %parallel_loop3A_1696 = tpu.vector_load %arg12[%parallel_loop3A_1693, %parallel_loop3A_1694, %parallel_loop3A_1695] {strides = array<i32>} : memref<64x16x24xf32, #tpu.memory_space<vmem>>, vector<16xf32>,
        %parallel_loop3A_1697 = arith.constant 0 : i32
        %parallel_loop3A_1698 = vector.broadcast %parallel_loop3A_1697 : i32 to vector<16xi32>
        %parallel_loop3A_1699 = arith.muli %iota3A, %parallel_loop3A_1698 : vector<16xi32>
        %parallel_loop3A_1700 = arith.constant 7 : i32
        %parallel_loop3A_1701 = vector.broadcast %parallel_loop3A_1700 : i32 to vector<16xi32>
        %parallel_loop3A_1702 = arith.addi %parallel_loop3A_1699, %parallel_loop3A_1701 : vector<16xi32>
        tpu.vector_store_idx %arg15[%parallel_loop3A_1702, %shift_right_arithmetic3A_6, %and3A_8, %parallel_loop3A_1614], %parallel_loop3A_1696 : memref<16x2x8x129xf32, #tpu.memory_space<vmem>>[vector<16xi32>, vector<16xi32>, vector<16xi32>, vector<16xi32>], vector<16xf32>,
        %parallel_loop3A_1703 = arith.constant 8 : i32
        %parallel_loop3A_1704 = arith.index_cast %parallel_loop3A_1607 : i32 to index
        %parallel_loop3A_1705 = arith.index_cast %parallel_loop3A_1703 : i32 to index
        %parallel_loop3A_1706 = arith.index_cast %sub3A_1517 : i32 to index
        %parallel_loop3A_1707 = tpu.vector_load %arg12[%parallel_loop3A_1704, %parallel_loop3A_1705, %parallel_loop3A_1706] {strides = array<i32>} : memref<64x16x24xf32, #tpu.memory_space<vmem>>, vector<16xf32>,
        %parallel_loop3A_1708 = arith.constant 0 : i32
        %parallel_loop3A_1709 = vector.broadcast %parallel_loop3A_1708 : i32 to vector<16xi32>
        %parallel_loop3A_1710 = arith.muli %iota3A, %parallel_loop3A_1709 : vector<16xi32>
        %parallel_loop3A_1711 = arith.constant 8 : i32
        %parallel_loop3A_1712 = vector.broadcast %parallel_loop3A_1711 : i32 to vector<16xi32>
        %parallel_loop3A_1713 = arith.addi %parallel_loop3A_1710, %parallel_loop3A_1712 : vector<16xi32>
        tpu.vector_store_idx %arg15[%parallel_loop3A_1713, %shift_right_arithmetic3A_6, %and3A_8, %parallel_loop3A_1614], %parallel_loop3A_1707 : memref<16x2x8x129xf32, #tpu.memory_space<vmem>>[vector<16xi32>, vector<16xi32>, vector<16xi32>, vector<16xi32>], vector<16xf32>,
        %parallel_loop3A_1714 = arith.constant 9 : i32
        %parallel_loop3A_1715 = arith.index_cast %parallel_loop3A_1607 : i32 to index
        %parallel_loop3A_1716 = arith.index_cast %parallel_loop3A_1714 : i32 to index
        %parallel_loop3A_1717 = arith.index_cast %sub3A_1517 : i32 to index
        %parallel_loop3A_1718 = tpu.vector_load %arg12[%parallel_loop3A_1715, %parallel_loop3A_1716, %parallel_loop3A_1717] {strides = array<i32>} : memref<64x16x24xf32, #tpu.memory_space<vmem>>, vector<16xf32>,
        %parallel_loop3A_1719 = arith.constant 0 : i32
        %parallel_loop3A_1720 = vector.broadcast %parallel_loop3A_1719 : i32 to vector<16xi32>
        %parallel_loop3A_1721 = arith.muli %iota3A, %parallel_loop3A_1720 : vector<16xi32>
        %parallel_loop3A_1722 = arith.constant 9 : i32
        %parallel_loop3A_1723 = vector.broadcast %parallel_loop3A_1722 : i32 to vector<16xi32>
        %parallel_loop3A_1724 = arith.addi %parallel_loop3A_1721, %parallel_loop3A_1723 : vector<16xi32>
        tpu.vector_store_idx %arg15[%parallel_loop3A_1724, %shift_right_arithmetic3A_6, %and3A_8, %parallel_loop3A_1614], %parallel_loop3A_1718 : memref<16x2x8x129xf32, #tpu.memory_space<vmem>>[vector<16xi32>, vector<16xi32>, vector<16xi32>, vector<16xi32>], vector<16xf32>,
        %parallel_loop3A_1725 = arith.constant 10 : i32
        %parallel_loop3A_1726 = arith.index_cast %parallel_loop3A_1607 : i32 to index
        %parallel_loop3A_1727 = arith.index_cast %parallel_loop3A_1725 : i32 to index
        %parallel_loop3A_1728 = arith.index_cast %sub3A_1517 : i32 to index
        %parallel_loop3A_1729 = tpu.vector_load %arg12[%parallel_loop3A_1726, %parallel_loop3A_1727, %parallel_loop3A_1728] {strides = array<i32>} : memref<64x16x24xf32, #tpu.memory_space<vmem>>, vector<16xf32>,
        %parallel_loop3A_1730 = arith.constant 0 : i32
        %parallel_loop3A_1731 = vector.broadcast %parallel_loop3A_1730 : i32 to vector<16xi32>
        %parallel_loop3A_1732 = arith.muli %iota3A, %parallel_loop3A_1731 : vector<16xi32>
        %parallel_loop3A_1733 = arith.constant 10 : i32
        %parallel_loop3A_1734 = vector.broadcast %parallel_loop3A_1733 : i32 to vector<16xi32>
        %parallel_loop3A_1735 = arith.addi %parallel_loop3A_1732, %parallel_loop3A_1734 : vector<16xi32>
        tpu.vector_store_idx %arg15[%parallel_loop3A_1735, %shift_right_arithmetic3A_6, %and3A_8, %parallel_loop3A_1614], %parallel_loop3A_1729 : memref<16x2x8x129xf32, #tpu.memory_space<vmem>>[vector<16xi32>, vector<16xi32>, vector<16xi32>, vector<16xi32>], vector<16xf32>,
        %parallel_loop3A_1736 = arith.constant 11 : i32
        %parallel_loop3A_1737 = arith.index_cast %parallel_loop3A_1607 : i32 to index
        %parallel_loop3A_1738 = arith.index_cast %parallel_loop3A_1736 : i32 to index
        %parallel_loop3A_1739 = arith.index_cast %sub3A_1517 : i32 to index
        %parallel_loop3A_1740 = tpu.vector_load %arg12[%parallel_loop3A_1737, %parallel_loop3A_1738, %parallel_loop3A_1739] {strides = array<i32>} : memref<64x16x24xf32, #tpu.memory_space<vmem>>, vector<16xf32>,
        %parallel_loop3A_1741 = arith.constant 0 : i32
        %parallel_loop3A_1742 = vector.broadcast %parallel_loop3A_1741 : i32 to vector<16xi32>
        %parallel_loop3A_1743 = arith.muli %iota3A, %parallel_loop3A_1742 : vector<16xi32>
        %parallel_loop3A_1744 = arith.constant 11 : i32
        %parallel_loop3A_1745 = vector.broadcast %parallel_loop3A_1744 : i32 to vector<16xi32>
        %parallel_loop3A_1746 = arith.addi %parallel_loop3A_1743, %parallel_loop3A_1745 : vector<16xi32>
        tpu.vector_store_idx %arg15[%parallel_loop3A_1746, %shift_right_arithmetic3A_6, %and3A_8, %parallel_loop3A_1614], %parallel_loop3A_1740 : memref<16x2x8x129xf32, #tpu.memory_space<vmem>>[vector<16xi32>, vector<16xi32>, vector<16xi32>, vector<16xi32>], vector<16xf32>,
        %parallel_loop3A_1747 = arith.constant 12 : i32
        %parallel_loop3A_1748 = arith.index_cast %parallel_loop3A_1607 : i32 to index
        %parallel_loop3A_1749 = arith.index_cast %parallel_loop3A_1747 : i32 to index
        %parallel_loop3A_1750 = arith.index_cast %sub3A_1517 : i32 to index
        %parallel_loop3A_1751 = tpu.vector_load %arg12[%parallel_loop3A_1748, %parallel_loop3A_1749, %parallel_loop3A_1750] {strides = array<i32>} : memref<64x16x24xf32, #tpu.memory_space<vmem>>, vector<16xf32>,
        %parallel_loop3A_1752 = arith.constant 0 : i32
        %parallel_loop3A_1753 = vector.broadcast %parallel_loop3A_1752 : i32 to vector<16xi32>
        %parallel_loop3A_1754 = arith.muli %iota3A, %parallel_loop3A_1753 : vector<16xi32>
        %parallel_loop3A_1755 = arith.constant 12 : i32
        %parallel_loop3A_1756 = vector.broadcast %parallel_loop3A_1755 : i32 to vector<16xi32>
        %parallel_loop3A_1757 = arith.addi %parallel_loop3A_1754, %parallel_loop3A_1756 : vector<16xi32>
        tpu.vector_store_idx %arg15[%parallel_loop3A_1757, %shift_right_arithmetic3A_6, %and3A_8, %parallel_loop3A_1614], %parallel_loop3A_1751 : memref<16x2x8x129xf32, #tpu.memory_space<vmem>>[vector<16xi32>, vector<16xi32>, vector<16xi32>, vector<16xi32>], vector<16xf32>,
        %parallel_loop3A_1758 = arith.constant 13 : i32
        %parallel_loop3A_1759 = arith.index_cast %parallel_loop3A_1607 : i32 to index
        %parallel_loop3A_1760 = arith.index_cast %parallel_loop3A_1758 : i32 to index
        %parallel_loop3A_1761 = arith.index_cast %sub3A_1517 : i32 to index
        %parallel_loop3A_1762 = tpu.vector_load %arg12[%parallel_loop3A_1759, %parallel_loop3A_1760, %parallel_loop3A_1761] {strides = array<i32>} : memref<64x16x24xf32, #tpu.memory_space<vmem>>, vector<16xf32>,
        %parallel_loop3A_1763 = arith.constant 0 : i32
        %parallel_loop3A_1764 = vector.broadcast %parallel_loop3A_1763 : i32 to vector<16xi32>
        %parallel_loop3A_1765 = arith.muli %iota3A, %parallel_loop3A_1764 : vector<16xi32>
        %parallel_loop3A_1766 = arith.constant 13 : i32
        %parallel_loop3A_1767 = vector.broadcast %parallel_loop3A_1766 : i32 to vector<16xi32>
        %parallel_loop3A_1768 = arith.addi %parallel_loop3A_1765, %parallel_loop3A_1767 : vector<16xi32>
        tpu.vector_store_idx %arg15[%parallel_loop3A_1768, %shift_right_arithmetic3A_6, %and3A_8, %parallel_loop3A_1614], %parallel_loop3A_1762 : memref<16x2x8x129xf32, #tpu.memory_space<vmem>>[vector<16xi32>, vector<16xi32>, vector<16xi32>, vector<16xi32>], vector<16xf32>,
        %parallel_loop3A_1769 = arith.constant 14 : i32
        %parallel_loop3A_1770 = arith.index_cast %parallel_loop3A_1607 : i32 to index
        %parallel_loop3A_1771 = arith.index_cast %parallel_loop3A_1769 : i32 to index
        %parallel_loop3A_1772 = arith.index_cast %sub3A_1517 : i32 to index
        %parallel_loop3A_1773 = tpu.vector_load %arg12[%parallel_loop3A_1770, %parallel_loop3A_1771, %parallel_loop3A_1772] {strides = array<i32>} : memref<64x16x24xf32, #tpu.memory_space<vmem>>, vector<16xf32>,
        %parallel_loop3A_1774 = arith.constant 0 : i32
        %parallel_loop3A_1775 = vector.broadcast %parallel_loop3A_1774 : i32 to vector<16xi32>
        %parallel_loop3A_1776 = arith.muli %iota3A, %parallel_loop3A_1775 : vector<16xi32>
        %parallel_loop3A_1777 = arith.constant 14 : i32
        %parallel_loop3A_1778 = vector.broadcast %parallel_loop3A_1777 : i32 to vector<16xi32>
        %parallel_loop3A_1779 = arith.addi %parallel_loop3A_1776, %parallel_loop3A_1778 : vector<16xi32>
        tpu.vector_store_idx %arg15[%parallel_loop3A_1779, %shift_right_arithmetic3A_6, %and3A_8, %parallel_loop3A_1614], %parallel_loop3A_1773 : memref<16x2x8x129xf32, #tpu.memory_space<vmem>>[vector<16xi32>, vector<16xi32>, vector<16xi32>, vector<16xi32>], vector<16xf32>,
        %parallel_loop3A_1780 = arith.constant 15 : i32
        %parallel_loop3A_1781 = arith.index_cast %parallel_loop3A_1607 : i32 to index
        %parallel_loop3A_1782 = arith.index_cast %parallel_loop3A_1780 : i32 to index
        %parallel_loop3A_1783 = arith.index_cast %sub3A_1517 : i32 to index
        %parallel_loop3A_1784 = tpu.vector_load %arg12[%parallel_loop3A_1781, %parallel_loop3A_1782, %parallel_loop3A_1783] {strides = array<i32>} : memref<64x16x24xf32, #tpu.memory_space<vmem>>, vector<16xf32>,
        %parallel_loop3A_1785 = arith.constant 0 : i32
        %parallel_loop3A_1786 = vector.broadcast %parallel_loop3A_1785 : i32 to vector<16xi32>
        %parallel_loop3A_1787 = arith.muli %iota3A, %parallel_loop3A_1786 : vector<16xi32>
        %parallel_loop3A_1788 = arith.constant 15 : i32
        %parallel_loop3A_1789 = vector.broadcast %parallel_loop3A_1788 : i32 to vector<16xi32>
        %parallel_loop3A_1790 = arith.addi %parallel_loop3A_1787, %parallel_loop3A_1789 : vector<16xi32>
        tpu.vector_store_idx %arg15[%parallel_loop3A_1790, %shift_right_arithmetic3A_6, %and3A_8, %parallel_loop3A_1614], %parallel_loop3A_1784 : memref<16x2x8x129xf32, #tpu.memory_space<vmem>>[vector<16xi32>, vector<16xi32>, vector<16xi32>, vector<16xi32>], vector<16xf32>,
      } {sc.loop_unroll_factor = 4 : i64, sc.parallel_access}
      %add3A_1521 = arith.constant 2 : i32
      %add3A_1522 = arith.addi %add3A_1470, %add3A_1521 : i32
      %lt3A_1523 = arith.constant 128 : i32
      %lt3A_1524 = arith.cmpi slt, %add3A_1522, %lt3A_1523 : i32
      %convert_element_type3A_1525 = arith.extui %lt3A_1524 : i1 to i32
      %cond3A_1526 = arith.constant 0 : i32
      %cond3A_1527 = arith.cmpi ne, %convert_element_type3A_1525, %cond3A_1526 : i32
      scf.if %cond3A_1527 {
        %add3A_1607 = arith.constant 2 : i32
        %add3A_1608 = arith.addi %add3A_1470, %add3A_1607 : i32
        %shift_right_arithmetic3A_1609 = arith.constant 2 : i32
        %shift_right_arithmetic3A_1610 = arith.shrsi %add3A_1608, %shift_right_arithmetic3A_1609 : i32
        %and3A_1611 = arith.constant 3 : i32
        %and3A_1612 = arith.andi %add3A_1608, %and3A_1611 : i32
        %mul3A_1613 = arith.constant 2 : i32
        %mul3A_1614 = arith.muli %mul3A_1613, %shift_right_arithmetic3A_1610 : i32
        %get3A_1615 = arith.index_cast %mul3A_1614 : i32 to index
        %get3A_1616 = tpu.vector_load %arg8[%get3A_1615] {strides = array<i32>} : memref<80xi32, #tpu.memory_space<vmem>>, vector<16xi32>,
        %add3A_1617 = arith.addi %mul3A_2, %shift_right_arithmetic3A_1610 : i32
        %get3A_1618 = arith.index_cast %add3A_1617 : i32 to index
        %get3A_1619 = tpu.vector_load %arg9[%get3A_1618] {strides = array<i32>} : memref<1040xi32, #tpu.memory_space<vmem>>, vector<16xi32>,
        %slice3A_1620 = vector.extract_strided_slice %get3A_1616 {offsets = [0], sizes = [1], strides = [1]} : vector<16xi32> to vector<1xi32>
        %squeeze3A_1621 = vector.extract %slice3A_1620[0] : i32 from vector<1xi32>
        %max3A_1622 = arith.constant 0 : i32
        %max3A_1623 = arith.maxsi %squeeze3A_1621, %max3A_1622 : i32
        %min3A_1624 = arith.constant 112 : i32
        %min3A_1625 = arith.minsi %max3A_1623, %min3A_1624 : i32
        %slice3A_1626 = vector.extract_strided_slice %get3A_1616 {offsets = [1], sizes = [1], strides = [1]} : vector<16xi32> to vector<1xi32>
        %squeeze3A_1627 = vector.extract %slice3A_1626[0] : i32 from vector<1xi32>
        %max3A_1628 = arith.constant 0 : i32
        %max3A_1629 = arith.maxsi %squeeze3A_1627, %max3A_1628 : i32
        %min3A_1630 = arith.constant 112 : i32
        %min3A_1631 = arith.minsi %max3A_1629, %min3A_1630 : i32
        %slice3A_1632 = vector.extract_strided_slice %get3A_1619 {offsets = [0], sizes = [1], strides = [1]} : vector<16xi32> to vector<1xi32>
        %squeeze3A_1633 = vector.extract %slice3A_1632[0] : i32 from vector<1xi32>
        %shift_right_arithmetic3A_1634 = arith.constant 3 : i32
        %shift_right_arithmetic3A_1635 = arith.shrsi %min3A_1631, %shift_right_arithmetic3A_1634 : i32
        %shift_left3A_1636 = arith.constant 3 : i32
        %shift_left3A_1637 = arith.shli %shift_right_arithmetic3A_1635, %shift_left3A_1636 : i32
        %multiple_of3A_1638 = tpu.assume_multiple %shift_left3A_1637, 8 : i32
        %sub3A_1639 = arith.subi %min3A_1631, %multiple_of3A_1638 : i32
        %mul3A_1640 = arith.constant 64 : i32
        %mul3A_1641 = arith.muli %and3A_1612, %mul3A_1640 : i32
        %dma_start3A_1642 = tpu.memref_slice %arg2[%squeeze3A_1633, %mul3A_1641, %min3A_1625, %multiple_of3A_1638] : memref<8x256x128x128xf32, #tpu.memory_space<hbm>> -> memref<1x64x16x24xf32, #tpu.memory_space<hbm>>
        %dma_start3A_1643 = tpu.memref_squeeze %dma_start3A_1642 : memref<1x64x16x24xf32, #tpu.memory_space<hbm>> -> memref<64x16x24xf32, #tpu.memory_space<hbm>>
        %dma_start3A_1644 = tpu.memref_slice %arg2[%squeeze3A_1633, %mul3A_1641, %min3A_1625, %multiple_of3A_1638] : memref<8x256x128x128xf32, #tpu.memory_space<hbm>> -> memref<1x64x16x24xf32, #tpu.memory_space<hbm>>
        %dma_start3A_1645 = tpu.memref_squeeze %dma_start3A_1644 : memref<1x64x16x24xf32, #tpu.memory_space<hbm>> -> memref<64x16x24xf32, #tpu.memory_space<hbm>>
        tpu.enqueue_dma source(%dma_start3A_1645 : memref<64x16x24xf32, #tpu.memory_space<hbm>>) target(%arg12 : memref<64x16x24xf32, #tpu.memory_space<vmem>>) target_semaphore(%arg16 : memref<!tpu.dma_semaphore, #tpu.memory_space<semaphore_mem>>)
      } else {
      }
      %add3A_1528 = arith.constant 3 : i32
      %add3A_1529 = arith.addi %mul3A_1336, %add3A_1528 : i32
      %dma_wait3A_1530 = arith.constant 0 : i32
      %dma_wait3A_1531 = arith.constant 0 : i32
      %dma_wait3A_1532 = arith.constant 0 : i32
      %dma_wait3A_1533 = arith.constant 0 : i32
      %dma_wait3A_1534 = tpu.memref_slice %arg2[%dma_wait3A_1530, %dma_wait3A_1531, %dma_wait3A_1532, %dma_wait3A_1533] : memref<8x256x128x128xf32, #tpu.memory_space<hbm>> -> memref<1x64x16x24xf32, #tpu.memory_space<hbm>>
      %dma_wait3A_1535 = tpu.memref_squeeze %dma_wait3A_1534 : memref<1x64x16x24xf32, #tpu.memory_space<hbm>> -> memref<64x16x24xf32, #tpu.memory_space<hbm>>
      %dma_wait3A_1536 = arith.constant 0 : i32
      %dma_wait3A_1537 = arith.constant 0 : i32
      %dma_wait3A_1538 = arith.constant 0 : i32
      %dma_wait3A_1539 = tpu.memref_slice %arg2[%dma_wait3A_1530, %dma_wait3A_1536, %dma_wait3A_1537, %dma_wait3A_1538] : memref<8x256x128x128xf32, #tpu.memory_space<hbm>> -> memref<1x64x16x24xf32, #tpu.memory_space<hbm>>
      %dma_wait3A_1540 = tpu.memref_squeeze %dma_wait3A_1539 : memref<1x64x16x24xf32, #tpu.memory_space<hbm>> -> memref<64x16x24xf32, #tpu.memory_space<hbm>>
      tpu.wait_dma2 semaphore(%arg16 : memref<!tpu.dma_semaphore, #tpu.memory_space<semaphore_mem>>) src(%dma_wait3A_1540 : memref<64x16x24xf32, #tpu.memory_space<hbm>>) dst(%arg13 : memref<64x16x24xf32, #tpu.memory_space<vmem>>)
      %shift_right_arithmetic3A_1541 = arith.constant 2 : i32
      %shift_right_arithmetic3A_1542 = arith.shrsi %add3A_1529, %shift_right_arithmetic3A_1541 : i32
      %and3A_1543 = arith.constant 3 : i32
      %and3A_1544 = arith.andi %add3A_1529, %and3A_1543 : i32
      %mul3A_1545 = arith.constant 2 : i32
      %mul3A_1546 = arith.muli %mul3A_1545, %shift_right_arithmetic3A_1542 : i32
      %get3A_1547 = arith.index_cast %mul3A_1546 : i32 to index
      %get3A_1548 = tpu.vector_load %arg8[%get3A_1547] {strides = array<i32>} : memref<80xi32, #tpu.memory_space<vmem>>, vector<16xi32>,
      %add3A_1549 = arith.addi %mul3A_2, %shift_right_arithmetic3A_1542 : i32
      %get3A_1550 = arith.index_cast %add3A_1549 : i32 to index
      %get3A_1551 = tpu.vector_load %arg9[%get3A_1550] {strides = array<i32>} : memref<1040xi32, #tpu.memory_space<vmem>>, vector<16xi32>,
      %slice3A_1552 = vector.extract_strided_slice %get3A_1548 {offsets = [0], sizes = [1], strides = [1]} : vector<16xi32> to vector<1xi32>
      %squeeze3A_1553 = vector.extract %slice3A_1552[0] : i32 from vector<1xi32>
      %max3A_1554 = arith.constant 0 : i32
      %max3A_1555 = arith.maxsi %squeeze3A_1553, %max3A_1554 : i32
      %min3A_1556 = arith.constant 112 : i32
      %min3A_1557 = arith.minsi %max3A_1555, %min3A_1556 : i32
      %slice3A_1558 = vector.extract_strided_slice %get3A_1548 {offsets = [1], sizes = [1], strides = [1]} : vector<16xi32> to vector<1xi32>
      %squeeze3A_1559 = vector.extract %slice3A_1558[0] : i32 from vector<1xi32>
      %max3A_1560 = arith.constant 0 : i32
      %max3A_1561 = arith.maxsi %squeeze3A_1559, %max3A_1560 : i32
      %min3A_1562 = arith.constant 112 : i32
      %min3A_1563 = arith.minsi %max3A_1561, %min3A_1562 : i32
      %slice3A_1564 = vector.extract_strided_slice %get3A_1551 {offsets = [0], sizes = [1], strides = [1]} : vector<16xi32> to vector<1xi32>
      %squeeze3A_1565 = vector.extract %slice3A_1564[0] : i32 from vector<1xi32>
      %shift_right_arithmetic3A_1566 = arith.constant 3 : i32
      %shift_right_arithmetic3A_1567 = arith.shrsi %min3A_1563, %shift_right_arithmetic3A_1566 : i32
      %shift_left3A_1568 = arith.constant 3 : i32
      %shift_left3A_1569 = arith.shli %shift_right_arithmetic3A_1567, %shift_left3A_1568 : i32
      %multiple_of3A_1570 = tpu.assume_multiple %shift_left3A_1569, 8 : i32
      %sub3A_1571 = arith.subi %min3A_1563, %multiple_of3A_1570 : i32
      %parallel_loop3A_1572 = arith.constant 0 : i32
      %parallel_loop3A_1573 = arith.constant 64 : i32
      %parallel_loop3A_1574 = arith.constant 1 : i32
      scf.for %parallel_loop3A_1607 = %parallel_loop3A_1572 to %parallel_loop3A_1573 step %parallel_loop3A_1574  : i32 {
        %parallel_loop3A_1608 = arith.constant 0 : i32
        %parallel_loop3A_1609 = vector.broadcast %parallel_loop3A_1608 : i32 to vector<16xi32>
        %parallel_loop3A_1610 = arith.muli %iota3A, %parallel_loop3A_1609 : vector<16xi32>
        %parallel_loop3A_1611 = arith.constant 64 : i32
        %parallel_loop3A_1612 = arith.addi %parallel_loop3A_1611, %parallel_loop3A_1607 : i32
        %parallel_loop3A_1613 = vector.broadcast %parallel_loop3A_1612 : i32 to vector<16xi32>
        %parallel_loop3A_1614 = arith.addi %parallel_loop3A_1610, %parallel_loop3A_1613 : vector<16xi32>
        %parallel_loop3A_1615 = arith.constant 0 : i32
        %parallel_loop3A_1616 = arith.index_cast %parallel_loop3A_1607 : i32 to index
        %parallel_loop3A_1617 = arith.index_cast %parallel_loop3A_1615 : i32 to index
        %parallel_loop3A_1618 = arith.index_cast %sub3A_1571 : i32 to index
        %parallel_loop3A_1619 = tpu.vector_load %arg13[%parallel_loop3A_1616, %parallel_loop3A_1617, %parallel_loop3A_1618] {strides = array<i32>} : memref<64x16x24xf32, #tpu.memory_space<vmem>>, vector<16xf32>,
        %parallel_loop3A_1620 = arith.constant 0 : i32
        %parallel_loop3A_1621 = vector.broadcast %parallel_loop3A_1620 : i32 to vector<16xi32>
        %parallel_loop3A_1622 = arith.muli %iota3A, %parallel_loop3A_1621 : vector<16xi32>
        %parallel_loop3A_1623 = arith.constant 0 : i32
        %parallel_loop3A_1624 = vector.broadcast %parallel_loop3A_1623 : i32 to vector<16xi32>
        %parallel_loop3A_1625 = arith.addi %parallel_loop3A_1622, %parallel_loop3A_1624 : vector<16xi32>
        tpu.vector_store_idx %arg15[%parallel_loop3A_1625, %shift_right_arithmetic3A_6, %and3A_8, %parallel_loop3A_1614], %parallel_loop3A_1619 : memref<16x2x8x129xf32, #tpu.memory_space<vmem>>[vector<16xi32>, vector<16xi32>, vector<16xi32>, vector<16xi32>], vector<16xf32>,
        %parallel_loop3A_1626 = arith.constant 1 : i32
        %parallel_loop3A_1627 = arith.index_cast %parallel_loop3A_1607 : i32 to index
        %parallel_loop3A_1628 = arith.index_cast %parallel_loop3A_1626 : i32 to index
        %parallel_loop3A_1629 = arith.index_cast %sub3A_1571 : i32 to index
        %parallel_loop3A_1630 = tpu.vector_load %arg13[%parallel_loop3A_1627, %parallel_loop3A_1628, %parallel_loop3A_1629] {strides = array<i32>} : memref<64x16x24xf32, #tpu.memory_space<vmem>>, vector<16xf32>,
        %parallel_loop3A_1631 = arith.constant 0 : i32
        %parallel_loop3A_1632 = vector.broadcast %parallel_loop3A_1631 : i32 to vector<16xi32>
        %parallel_loop3A_1633 = arith.muli %iota3A, %parallel_loop3A_1632 : vector<16xi32>
        %parallel_loop3A_1634 = arith.constant 1 : i32
        %parallel_loop3A_1635 = vector.broadcast %parallel_loop3A_1634 : i32 to vector<16xi32>
        %parallel_loop3A_1636 = arith.addi %parallel_loop3A_1633, %parallel_loop3A_1635 : vector<16xi32>
        tpu.vector_store_idx %arg15[%parallel_loop3A_1636, %shift_right_arithmetic3A_6, %and3A_8, %parallel_loop3A_1614], %parallel_loop3A_1630 : memref<16x2x8x129xf32, #tpu.memory_space<vmem>>[vector<16xi32>, vector<16xi32>, vector<16xi32>, vector<16xi32>], vector<16xf32>,
        %parallel_loop3A_1637 = arith.constant 2 : i32
        %parallel_loop3A_1638 = arith.index_cast %parallel_loop3A_1607 : i32 to index
        %parallel_loop3A_1639 = arith.index_cast %parallel_loop3A_1637 : i32 to index
        %parallel_loop3A_1640 = arith.index_cast %sub3A_1571 : i32 to index
        %parallel_loop3A_1641 = tpu.vector_load %arg13[%parallel_loop3A_1638, %parallel_loop3A_1639, %parallel_loop3A_1640] {strides = array<i32>} : memref<64x16x24xf32, #tpu.memory_space<vmem>>, vector<16xf32>,
        %parallel_loop3A_1642 = arith.constant 0 : i32
        %parallel_loop3A_1643 = vector.broadcast %parallel_loop3A_1642 : i32 to vector<16xi32>
        %parallel_loop3A_1644 = arith.muli %iota3A, %parallel_loop3A_1643 : vector<16xi32>
        %parallel_loop3A_1645 = arith.constant 2 : i32
        %parallel_loop3A_1646 = vector.broadcast %parallel_loop3A_1645 : i32 to vector<16xi32>
        %parallel_loop3A_1647 = arith.addi %parallel_loop3A_1644, %parallel_loop3A_1646 : vector<16xi32>
        tpu.vector_store_idx %arg15[%parallel_loop3A_1647, %shift_right_arithmetic3A_6, %and3A_8, %parallel_loop3A_1614], %parallel_loop3A_1641 : memref<16x2x8x129xf32, #tpu.memory_space<vmem>>[vector<16xi32>, vector<16xi32>, vector<16xi32>, vector<16xi32>], vector<16xf32>,
        %parallel_loop3A_1648 = arith.constant 3 : i32
        %parallel_loop3A_1649 = arith.index_cast %parallel_loop3A_1607 : i32 to index
        %parallel_loop3A_1650 = arith.index_cast %parallel_loop3A_1648 : i32 to index
        %parallel_loop3A_1651 = arith.index_cast %sub3A_1571 : i32 to index
        %parallel_loop3A_1652 = tpu.vector_load %arg13[%parallel_loop3A_1649, %parallel_loop3A_1650, %parallel_loop3A_1651] {strides = array<i32>} : memref<64x16x24xf32, #tpu.memory_space<vmem>>, vector<16xf32>,
        %parallel_loop3A_1653 = arith.constant 0 : i32
        %parallel_loop3A_1654 = vector.broadcast %parallel_loop3A_1653 : i32 to vector<16xi32>
        %parallel_loop3A_1655 = arith.muli %iota3A, %parallel_loop3A_1654 : vector<16xi32>
        %parallel_loop3A_1656 = arith.constant 3 : i32
        %parallel_loop3A_1657 = vector.broadcast %parallel_loop3A_1656 : i32 to vector<16xi32>
        %parallel_loop3A_1658 = arith.addi %parallel_loop3A_1655, %parallel_loop3A_1657 : vector<16xi32>
        tpu.vector_store_idx %arg15[%parallel_loop3A_1658, %shift_right_arithmetic3A_6, %and3A_8, %parallel_loop3A_1614], %parallel_loop3A_1652 : memref<16x2x8x129xf32, #tpu.memory_space<vmem>>[vector<16xi32>, vector<16xi32>, vector<16xi32>, vector<16xi32>], vector<16xf32>,
        %parallel_loop3A_1659 = arith.constant 4 : i32
        %parallel_loop3A_1660 = arith.index_cast %parallel_loop3A_1607 : i32 to index
        %parallel_loop3A_1661 = arith.index_cast %parallel_loop3A_1659 : i32 to index
        %parallel_loop3A_1662 = arith.index_cast %sub3A_1571 : i32 to index
        %parallel_loop3A_1663 = tpu.vector_load %arg13[%parallel_loop3A_1660, %parallel_loop3A_1661, %parallel_loop3A_1662] {strides = array<i32>} : memref<64x16x24xf32, #tpu.memory_space<vmem>>, vector<16xf32>,
        %parallel_loop3A_1664 = arith.constant 0 : i32
        %parallel_loop3A_1665 = vector.broadcast %parallel_loop3A_1664 : i32 to vector<16xi32>
        %parallel_loop3A_1666 = arith.muli %iota3A, %parallel_loop3A_1665 : vector<16xi32>
        %parallel_loop3A_1667 = arith.constant 4 : i32
        %parallel_loop3A_1668 = vector.broadcast %parallel_loop3A_1667 : i32 to vector<16xi32>
        %parallel_loop3A_1669 = arith.addi %parallel_loop3A_1666, %parallel_loop3A_1668 : vector<16xi32>
        tpu.vector_store_idx %arg15[%parallel_loop3A_1669, %shift_right_arithmetic3A_6, %and3A_8, %parallel_loop3A_1614], %parallel_loop3A_1663 : memref<16x2x8x129xf32, #tpu.memory_space<vmem>>[vector<16xi32>, vector<16xi32>, vector<16xi32>, vector<16xi32>], vector<16xf32>,
        %parallel_loop3A_1670 = arith.constant 5 : i32
        %parallel_loop3A_1671 = arith.index_cast %parallel_loop3A_1607 : i32 to index
        %parallel_loop3A_1672 = arith.index_cast %parallel_loop3A_1670 : i32 to index
        %parallel_loop3A_1673 = arith.index_cast %sub3A_1571 : i32 to index
        %parallel_loop3A_1674 = tpu.vector_load %arg13[%parallel_loop3A_1671, %parallel_loop3A_1672, %parallel_loop3A_1673] {strides = array<i32>} : memref<64x16x24xf32, #tpu.memory_space<vmem>>, vector<16xf32>,
        %parallel_loop3A_1675 = arith.constant 0 : i32
        %parallel_loop3A_1676 = vector.broadcast %parallel_loop3A_1675 : i32 to vector<16xi32>
        %parallel_loop3A_1677 = arith.muli %iota3A, %parallel_loop3A_1676 : vector<16xi32>
        %parallel_loop3A_1678 = arith.constant 5 : i32
        %parallel_loop3A_1679 = vector.broadcast %parallel_loop3A_1678 : i32 to vector<16xi32>
        %parallel_loop3A_1680 = arith.addi %parallel_loop3A_1677, %parallel_loop3A_1679 : vector<16xi32>
        tpu.vector_store_idx %arg15[%parallel_loop3A_1680, %shift_right_arithmetic3A_6, %and3A_8, %parallel_loop3A_1614], %parallel_loop3A_1674 : memref<16x2x8x129xf32, #tpu.memory_space<vmem>>[vector<16xi32>, vector<16xi32>, vector<16xi32>, vector<16xi32>], vector<16xf32>,
        %parallel_loop3A_1681 = arith.constant 6 : i32
        %parallel_loop3A_1682 = arith.index_cast %parallel_loop3A_1607 : i32 to index
        %parallel_loop3A_1683 = arith.index_cast %parallel_loop3A_1681 : i32 to index
        %parallel_loop3A_1684 = arith.index_cast %sub3A_1571 : i32 to index
        %parallel_loop3A_1685 = tpu.vector_load %arg13[%parallel_loop3A_1682, %parallel_loop3A_1683, %parallel_loop3A_1684] {strides = array<i32>} : memref<64x16x24xf32, #tpu.memory_space<vmem>>, vector<16xf32>,
        %parallel_loop3A_1686 = arith.constant 0 : i32
        %parallel_loop3A_1687 = vector.broadcast %parallel_loop3A_1686 : i32 to vector<16xi32>
        %parallel_loop3A_1688 = arith.muli %iota3A, %parallel_loop3A_1687 : vector<16xi32>
        %parallel_loop3A_1689 = arith.constant 6 : i32
        %parallel_loop3A_1690 = vector.broadcast %parallel_loop3A_1689 : i32 to vector<16xi32>
        %parallel_loop3A_1691 = arith.addi %parallel_loop3A_1688, %parallel_loop3A_1690 : vector<16xi32>
        tpu.vector_store_idx %arg15[%parallel_loop3A_1691, %shift_right_arithmetic3A_6, %and3A_8, %parallel_loop3A_1614], %parallel_loop3A_1685 : memref<16x2x8x129xf32, #tpu.memory_space<vmem>>[vector<16xi32>, vector<16xi32>, vector<16xi32>, vector<16xi32>], vector<16xf32>,
        %parallel_loop3A_1692 = arith.constant 7 : i32
        %parallel_loop3A_1693 = arith.index_cast %parallel_loop3A_1607 : i32 to index
        %parallel_loop3A_1694 = arith.index_cast %parallel_loop3A_1692 : i32 to index
        %parallel_loop3A_1695 = arith.index_cast %sub3A_1571 : i32 to index
        %parallel_loop3A_1696 = tpu.vector_load %arg13[%parallel_loop3A_1693, %parallel_loop3A_1694, %parallel_loop3A_1695] {strides = array<i32>} : memref<64x16x24xf32, #tpu.memory_space<vmem>>, vector<16xf32>,
        %parallel_loop3A_1697 = arith.constant 0 : i32
        %parallel_loop3A_1698 = vector.broadcast %parallel_loop3A_1697 : i32 to vector<16xi32>
        %parallel_loop3A_1699 = arith.muli %iota3A, %parallel_loop3A_1698 : vector<16xi32>
        %parallel_loop3A_1700 = arith.constant 7 : i32
        %parallel_loop3A_1701 = vector.broadcast %parallel_loop3A_1700 : i32 to vector<16xi32>
        %parallel_loop3A_1702 = arith.addi %parallel_loop3A_1699, %parallel_loop3A_1701 : vector<16xi32>
        tpu.vector_store_idx %arg15[%parallel_loop3A_1702, %shift_right_arithmetic3A_6, %and3A_8, %parallel_loop3A_1614], %parallel_loop3A_1696 : memref<16x2x8x129xf32, #tpu.memory_space<vmem>>[vector<16xi32>, vector<16xi32>, vector<16xi32>, vector<16xi32>], vector<16xf32>,
        %parallel_loop3A_1703 = arith.constant 8 : i32
        %parallel_loop3A_1704 = arith.index_cast %parallel_loop3A_1607 : i32 to index
        %parallel_loop3A_1705 = arith.index_cast %parallel_loop3A_1703 : i32 to index
        %parallel_loop3A_1706 = arith.index_cast %sub3A_1571 : i32 to index
        %parallel_loop3A_1707 = tpu.vector_load %arg13[%parallel_loop3A_1704, %parallel_loop3A_1705, %parallel_loop3A_1706] {strides = array<i32>} : memref<64x16x24xf32, #tpu.memory_space<vmem>>, vector<16xf32>,
        %parallel_loop3A_1708 = arith.constant 0 : i32
        %parallel_loop3A_1709 = vector.broadcast %parallel_loop3A_1708 : i32 to vector<16xi32>
        %parallel_loop3A_1710 = arith.muli %iota3A, %parallel_loop3A_1709 : vector<16xi32>
        %parallel_loop3A_1711 = arith.constant 8 : i32
        %parallel_loop3A_1712 = vector.broadcast %parallel_loop3A_1711 : i32 to vector<16xi32>
        %parallel_loop3A_1713 = arith.addi %parallel_loop3A_1710, %parallel_loop3A_1712 : vector<16xi32>
        tpu.vector_store_idx %arg15[%parallel_loop3A_1713, %shift_right_arithmetic3A_6, %and3A_8, %parallel_loop3A_1614], %parallel_loop3A_1707 : memref<16x2x8x129xf32, #tpu.memory_space<vmem>>[vector<16xi32>, vector<16xi32>, vector<16xi32>, vector<16xi32>], vector<16xf32>,
        %parallel_loop3A_1714 = arith.constant 9 : i32
        %parallel_loop3A_1715 = arith.index_cast %parallel_loop3A_1607 : i32 to index
        %parallel_loop3A_1716 = arith.index_cast %parallel_loop3A_1714 : i32 to index
        %parallel_loop3A_1717 = arith.index_cast %sub3A_1571 : i32 to index
        %parallel_loop3A_1718 = tpu.vector_load %arg13[%parallel_loop3A_1715, %parallel_loop3A_1716, %parallel_loop3A_1717] {strides = array<i32>} : memref<64x16x24xf32, #tpu.memory_space<vmem>>, vector<16xf32>,
        %parallel_loop3A_1719 = arith.constant 0 : i32
        %parallel_loop3A_1720 = vector.broadcast %parallel_loop3A_1719 : i32 to vector<16xi32>
        %parallel_loop3A_1721 = arith.muli %iota3A, %parallel_loop3A_1720 : vector<16xi32>
        %parallel_loop3A_1722 = arith.constant 9 : i32
        %parallel_loop3A_1723 = vector.broadcast %parallel_loop3A_1722 : i32 to vector<16xi32>
        %parallel_loop3A_1724 = arith.addi %parallel_loop3A_1721, %parallel_loop3A_1723 : vector<16xi32>
        tpu.vector_store_idx %arg15[%parallel_loop3A_1724, %shift_right_arithmetic3A_6, %and3A_8, %parallel_loop3A_1614], %parallel_loop3A_1718 : memref<16x2x8x129xf32, #tpu.memory_space<vmem>>[vector<16xi32>, vector<16xi32>, vector<16xi32>, vector<16xi32>], vector<16xf32>,
        %parallel_loop3A_1725 = arith.constant 10 : i32
        %parallel_loop3A_1726 = arith.index_cast %parallel_loop3A_1607 : i32 to index
        %parallel_loop3A_1727 = arith.index_cast %parallel_loop3A_1725 : i32 to index
        %parallel_loop3A_1728 = arith.index_cast %sub3A_1571 : i32 to index
        %parallel_loop3A_1729 = tpu.vector_load %arg13[%parallel_loop3A_1726, %parallel_loop3A_1727, %parallel_loop3A_1728] {strides = array<i32>} : memref<64x16x24xf32, #tpu.memory_space<vmem>>, vector<16xf32>,
        %parallel_loop3A_1730 = arith.constant 0 : i32
        %parallel_loop3A_1731 = vector.broadcast %parallel_loop3A_1730 : i32 to vector<16xi32>
        %parallel_loop3A_1732 = arith.muli %iota3A, %parallel_loop3A_1731 : vector<16xi32>
        %parallel_loop3A_1733 = arith.constant 10 : i32
        %parallel_loop3A_1734 = vector.broadcast %parallel_loop3A_1733 : i32 to vector<16xi32>
        %parallel_loop3A_1735 = arith.addi %parallel_loop3A_1732, %parallel_loop3A_1734 : vector<16xi32>
        tpu.vector_store_idx %arg15[%parallel_loop3A_1735, %shift_right_arithmetic3A_6, %and3A_8, %parallel_loop3A_1614], %parallel_loop3A_1729 : memref<16x2x8x129xf32, #tpu.memory_space<vmem>>[vector<16xi32>, vector<16xi32>, vector<16xi32>, vector<16xi32>], vector<16xf32>,
        %parallel_loop3A_1736 = arith.constant 11 : i32
        %parallel_loop3A_1737 = arith.index_cast %parallel_loop3A_1607 : i32 to index
        %parallel_loop3A_1738 = arith.index_cast %parallel_loop3A_1736 : i32 to index
        %parallel_loop3A_1739 = arith.index_cast %sub3A_1571 : i32 to index
        %parallel_loop3A_1740 = tpu.vector_load %arg13[%parallel_loop3A_1737, %parallel_loop3A_1738, %parallel_loop3A_1739] {strides = array<i32>} : memref<64x16x24xf32, #tpu.memory_space<vmem>>, vector<16xf32>,
        %parallel_loop3A_1741 = arith.constant 0 : i32
        %parallel_loop3A_1742 = vector.broadcast %parallel_loop3A_1741 : i32 to vector<16xi32>
        %parallel_loop3A_1743 = arith.muli %iota3A, %parallel_loop3A_1742 : vector<16xi32>
        %parallel_loop3A_1744 = arith.constant 11 : i32
        %parallel_loop3A_1745 = vector.broadcast %parallel_loop3A_1744 : i32 to vector<16xi32>
        %parallel_loop3A_1746 = arith.addi %parallel_loop3A_1743, %parallel_loop3A_1745 : vector<16xi32>
        tpu.vector_store_idx %arg15[%parallel_loop3A_1746, %shift_right_arithmetic3A_6, %and3A_8, %parallel_loop3A_1614], %parallel_loop3A_1740 : memref<16x2x8x129xf32, #tpu.memory_space<vmem>>[vector<16xi32>, vector<16xi32>, vector<16xi32>, vector<16xi32>], vector<16xf32>,
        %parallel_loop3A_1747 = arith.constant 12 : i32
        %parallel_loop3A_1748 = arith.index_cast %parallel_loop3A_1607 : i32 to index
        %parallel_loop3A_1749 = arith.index_cast %parallel_loop3A_1747 : i32 to index
        %parallel_loop3A_1750 = arith.index_cast %sub3A_1571 : i32 to index
        %parallel_loop3A_1751 = tpu.vector_load %arg13[%parallel_loop3A_1748, %parallel_loop3A_1749, %parallel_loop3A_1750] {strides = array<i32>} : memref<64x16x24xf32, #tpu.memory_space<vmem>>, vector<16xf32>,
        %parallel_loop3A_1752 = arith.constant 0 : i32
        %parallel_loop3A_1753 = vector.broadcast %parallel_loop3A_1752 : i32 to vector<16xi32>
        %parallel_loop3A_1754 = arith.muli %iota3A, %parallel_loop3A_1753 : vector<16xi32>
        %parallel_loop3A_1755 = arith.constant 12 : i32
        %parallel_loop3A_1756 = vector.broadcast %parallel_loop3A_1755 : i32 to vector<16xi32>
        %parallel_loop3A_1757 = arith.addi %parallel_loop3A_1754, %parallel_loop3A_1756 : vector<16xi32>
        tpu.vector_store_idx %arg15[%parallel_loop3A_1757, %shift_right_arithmetic3A_6, %and3A_8, %parallel_loop3A_1614], %parallel_loop3A_1751 : memref<16x2x8x129xf32, #tpu.memory_space<vmem>>[vector<16xi32>, vector<16xi32>, vector<16xi32>, vector<16xi32>], vector<16xf32>,
        %parallel_loop3A_1758 = arith.constant 13 : i32
        %parallel_loop3A_1759 = arith.index_cast %parallel_loop3A_1607 : i32 to index
        %parallel_loop3A_1760 = arith.index_cast %parallel_loop3A_1758 : i32 to index
        %parallel_loop3A_1761 = arith.index_cast %sub3A_1571 : i32 to index
        %parallel_loop3A_1762 = tpu.vector_load %arg13[%parallel_loop3A_1759, %parallel_loop3A_1760, %parallel_loop3A_1761] {strides = array<i32>} : memref<64x16x24xf32, #tpu.memory_space<vmem>>, vector<16xf32>,
        %parallel_loop3A_1763 = arith.constant 0 : i32
        %parallel_loop3A_1764 = vector.broadcast %parallel_loop3A_1763 : i32 to vector<16xi32>
        %parallel_loop3A_1765 = arith.muli %iota3A, %parallel_loop3A_1764 : vector<16xi32>
        %parallel_loop3A_1766 = arith.constant 13 : i32
        %parallel_loop3A_1767 = vector.broadcast %parallel_loop3A_1766 : i32 to vector<16xi32>
        %parallel_loop3A_1768 = arith.addi %parallel_loop3A_1765, %parallel_loop3A_1767 : vector<16xi32>
        tpu.vector_store_idx %arg15[%parallel_loop3A_1768, %shift_right_arithmetic3A_6, %and3A_8, %parallel_loop3A_1614], %parallel_loop3A_1762 : memref<16x2x8x129xf32, #tpu.memory_space<vmem>>[vector<16xi32>, vector<16xi32>, vector<16xi32>, vector<16xi32>], vector<16xf32>,
        %parallel_loop3A_1769 = arith.constant 14 : i32
        %parallel_loop3A_1770 = arith.index_cast %parallel_loop3A_1607 : i32 to index
        %parallel_loop3A_1771 = arith.index_cast %parallel_loop3A_1769 : i32 to index
        %parallel_loop3A_1772 = arith.index_cast %sub3A_1571 : i32 to index
        %parallel_loop3A_1773 = tpu.vector_load %arg13[%parallel_loop3A_1770, %parallel_loop3A_1771, %parallel_loop3A_1772] {strides = array<i32>} : memref<64x16x24xf32, #tpu.memory_space<vmem>>, vector<16xf32>,
        %parallel_loop3A_1774 = arith.constant 0 : i32
        %parallel_loop3A_1775 = vector.broadcast %parallel_loop3A_1774 : i32 to vector<16xi32>
        %parallel_loop3A_1776 = arith.muli %iota3A, %parallel_loop3A_1775 : vector<16xi32>
        %parallel_loop3A_1777 = arith.constant 14 : i32
        %parallel_loop3A_1778 = vector.broadcast %parallel_loop3A_1777 : i32 to vector<16xi32>
        %parallel_loop3A_1779 = arith.addi %parallel_loop3A_1776, %parallel_loop3A_1778 : vector<16xi32>
        tpu.vector_store_idx %arg15[%parallel_loop3A_1779, %shift_right_arithmetic3A_6, %and3A_8, %parallel_loop3A_1614], %parallel_loop3A_1773 : memref<16x2x8x129xf32, #tpu.memory_space<vmem>>[vector<16xi32>, vector<16xi32>, vector<16xi32>, vector<16xi32>], vector<16xf32>,
        %parallel_loop3A_1780 = arith.constant 15 : i32
        %parallel_loop3A_1781 = arith.index_cast %parallel_loop3A_1607 : i32 to index
        %parallel_loop3A_1782 = arith.index_cast %parallel_loop3A_1780 : i32 to index
        %parallel_loop3A_1783 = arith.index_cast %sub3A_1571 : i32 to index
        %parallel_loop3A_1784 = tpu.vector_load %arg13[%parallel_loop3A_1781, %parallel_loop3A_1782, %parallel_loop3A_1783] {strides = array<i32>} : memref<64x16x24xf32, #tpu.memory_space<vmem>>, vector<16xf32>,
        %parallel_loop3A_1785 = arith.constant 0 : i32
        %parallel_loop3A_1786 = vector.broadcast %parallel_loop3A_1785 : i32 to vector<16xi32>
        %parallel_loop3A_1787 = arith.muli %iota3A, %parallel_loop3A_1786 : vector<16xi32>
        %parallel_loop3A_1788 = arith.constant 15 : i32
        %parallel_loop3A_1789 = vector.broadcast %parallel_loop3A_1788 : i32 to vector<16xi32>
        %parallel_loop3A_1790 = arith.addi %parallel_loop3A_1787, %parallel_loop3A_1789 : vector<16xi32>
        tpu.vector_store_idx %arg15[%parallel_loop3A_1790, %shift_right_arithmetic3A_6, %and3A_8, %parallel_loop3A_1614], %parallel_loop3A_1784 : memref<16x2x8x129xf32, #tpu.memory_space<vmem>>[vector<16xi32>, vector<16xi32>, vector<16xi32>, vector<16xi32>], vector<16xf32>,
      } {sc.loop_unroll_factor = 4 : i64, sc.parallel_access}
      %add3A_1575 = arith.constant 2 : i32
      %add3A_1576 = arith.addi %add3A_1529, %add3A_1575 : i32
      %lt3A_1577 = arith.constant 128 : i32
      %lt3A_1578 = arith.cmpi slt, %add3A_1576, %lt3A_1577 : i32
      %convert_element_type3A_1579 = arith.extui %lt3A_1578 : i1 to i32
      %cond3A_1580 = arith.constant 0 : i32
      %cond3A_1581 = arith.cmpi ne, %convert_element_type3A_1579, %cond3A_1580 : i32
      scf.if %cond3A_1581 {
        %add3A_1607 = arith.constant 2 : i32
        %add3A_1608 = arith.addi %add3A_1529, %add3A_1607 : i32
        %shift_right_arithmetic3A_1609 = arith.constant 2 : i32
        %shift_right_arithmetic3A_1610 = arith.shrsi %add3A_1608, %shift_right_arithmetic3A_1609 : i32
        %and3A_1611 = arith.constant 3 : i32
        %and3A_1612 = arith.andi %add3A_1608, %and3A_1611 : i32
        %mul3A_1613 = arith.constant 2 : i32
        %mul3A_1614 = arith.muli %mul3A_1613, %shift_right_arithmetic3A_1610 : i32
        %get3A_1615 = arith.index_cast %mul3A_1614 : i32 to index
        %get3A_1616 = tpu.vector_load %arg8[%get3A_1615] {strides = array<i32>} : memref<80xi32, #tpu.memory_space<vmem>>, vector<16xi32>,
        %add3A_1617 = arith.addi %mul3A_2, %shift_right_arithmetic3A_1610 : i32
        %get3A_1618 = arith.index_cast %add3A_1617 : i32 to index
        %get3A_1619 = tpu.vector_load %arg9[%get3A_1618] {strides = array<i32>} : memref<1040xi32, #tpu.memory_space<vmem>>, vector<16xi32>,
        %slice3A_1620 = vector.extract_strided_slice %get3A_1616 {offsets = [0], sizes = [1], strides = [1]} : vector<16xi32> to vector<1xi32>
        %squeeze3A_1621 = vector.extract %slice3A_1620[0] : i32 from vector<1xi32>
        %max3A_1622 = arith.constant 0 : i32
        %max3A_1623 = arith.maxsi %squeeze3A_1621, %max3A_1622 : i32
        %min3A_1624 = arith.constant 112 : i32
        %min3A_1625 = arith.minsi %max3A_1623, %min3A_1624 : i32
        %slice3A_1626 = vector.extract_strided_slice %get3A_1616 {offsets = [1], sizes = [1], strides = [1]} : vector<16xi32> to vector<1xi32>
        %squeeze3A_1627 = vector.extract %slice3A_1626[0] : i32 from vector<1xi32>
        %max3A_1628 = arith.constant 0 : i32
        %max3A_1629 = arith.maxsi %squeeze3A_1627, %max3A_1628 : i32
        %min3A_1630 = arith.constant 112 : i32
        %min3A_1631 = arith.minsi %max3A_1629, %min3A_1630 : i32
        %slice3A_1632 = vector.extract_strided_slice %get3A_1619 {offsets = [0], sizes = [1], strides = [1]} : vector<16xi32> to vector<1xi32>
        %squeeze3A_1633 = vector.extract %slice3A_1632[0] : i32 from vector<1xi32>
        %shift_right_arithmetic3A_1634 = arith.constant 3 : i32
        %shift_right_arithmetic3A_1635 = arith.shrsi %min3A_1631, %shift_right_arithmetic3A_1634 : i32
        %shift_left3A_1636 = arith.constant 3 : i32
        %shift_left3A_1637 = arith.shli %shift_right_arithmetic3A_1635, %shift_left3A_1636 : i32
        %multiple_of3A_1638 = tpu.assume_multiple %shift_left3A_1637, 8 : i32
        %sub3A_1639 = arith.subi %min3A_1631, %multiple_of3A_1638 : i32
        %mul3A_1640 = arith.constant 64 : i32
        %mul3A_1641 = arith.muli %and3A_1612, %mul3A_1640 : i32
        %dma_start3A_1642 = tpu.memref_slice %arg2[%squeeze3A_1633, %mul3A_1641, %min3A_1625, %multiple_of3A_1638] : memref<8x256x128x128xf32, #tpu.memory_space<hbm>> -> memref<1x64x16x24xf32, #tpu.memory_space<hbm>>
        %dma_start3A_1643 = tpu.memref_squeeze %dma_start3A_1642 : memref<1x64x16x24xf32, #tpu.memory_space<hbm>> -> memref<64x16x24xf32, #tpu.memory_space<hbm>>
        %dma_start3A_1644 = tpu.memref_slice %arg2[%squeeze3A_1633, %mul3A_1641, %min3A_1625, %multiple_of3A_1638] : memref<8x256x128x128xf32, #tpu.memory_space<hbm>> -> memref<1x64x16x24xf32, #tpu.memory_space<hbm>>
        %dma_start3A_1645 = tpu.memref_squeeze %dma_start3A_1644 : memref<1x64x16x24xf32, #tpu.memory_space<hbm>> -> memref<64x16x24xf32, #tpu.memory_space<hbm>>
        tpu.enqueue_dma source(%dma_start3A_1645 : memref<64x16x24xf32, #tpu.memory_space<hbm>>) target(%arg13 : memref<64x16x24xf32, #tpu.memory_space<vmem>>) target_semaphore(%arg16 : memref<!tpu.dma_semaphore, #tpu.memory_space<semaphore_mem>>)
      } else {
      }
      %add3A_1582 = arith.addi %mul3A_2, %shift_right_arithmetic3A_1542 : i32
      %dma_start3A_1583 = arith.constant 1 : i32
      %dma_start3A_1584 = arith.constant 0 : i32
      %dma_start3A_1585 = arith.constant 0 : i32
      %dma_start3A_1586 = arith.constant 0 : i32
      %dma_start3A_1587 = arith.constant 0 : i32
      %dma_start3A_1588 = tpu.memref_slice %arg15[%dma_start3A_1584, %dma_start3A_1585, %dma_start3A_1586, %dma_start3A_1587] : memref<16x2x8x129xf32, #tpu.memory_space<vmem>> -> memref<16x2x8x128xf32, #tpu.memory_space<vmem>>
      %dma_start3A_1589 = arith.constant 0 : i32
      %dma_start3A_1590 = arith.constant 0 : i32
      %dma_start3A_1591 = arith.constant 0 : i32
      %dma_start3A_1592 = arith.constant 0 : i32
      %dma_start3A_1593 = tpu.memref_slice %arg5[%add3A_1582, %dma_start3A_1589, %dma_start3A_1590, %dma_start3A_1583, %dma_start3A_1591, %dma_start3A_1592] : memref<1024x16x2x2x8x128xf32, #tpu.memory_space<hbm>> -> memref<1x16x2x1x8x128xf32, #tpu.memory_space<hbm>>
      %dma_start3A_1594 = tpu.memref_squeeze %dma_start3A_1593 : memref<1x16x2x1x8x128xf32, #tpu.memory_space<hbm>> -> memref<16x2x8x128xf32, #tpu.memory_space<hbm>>
      %dma_start3A_1595 = arith.constant 0 : i32
      %dma_start3A_1596 = arith.constant 0 : i32
      %dma_start3A_1597 = arith.constant 0 : i32
      %dma_start3A_1598 = arith.constant 0 : i32
      %dma_start3A_1599 = tpu.memref_slice %arg5[%add3A_1582, %dma_start3A_1595, %dma_start3A_1596, %dma_start3A_1583, %dma_start3A_1597, %dma_start3A_1598] : memref<1024x16x2x2x8x128xf32, #tpu.memory_space<hbm>> -> memref<1x16x2x1x8x128xf32, #tpu.memory_space<hbm>>
      %dma_start3A_1600 = tpu.memref_squeeze %dma_start3A_1599 : memref<1x16x2x1x8x128xf32, #tpu.memory_space<hbm>> -> memref<16x2x8x128xf32, #tpu.memory_space<hbm>>
      %dma_start3A_1601 = arith.constant 0 : i32
      %dma_start3A_1602 = arith.constant 0 : i32
      %dma_start3A_1603 = arith.constant 0 : i32
      %dma_start3A_1604 = arith.constant 0 : i32
      %dma_start3A_1605 = tpu.memref_slice %arg15[%dma_start3A_1601, %dma_start3A_1602, %dma_start3A_1603, %dma_start3A_1604] : memref<16x2x8x129xf32, #tpu.memory_space<vmem>> -> memref<16x2x8x128xf32, #tpu.memory_space<vmem>>
      tpu.enqueue_dma source(%dma_start3A_1605 : memref<16x2x8x128xf32, #tpu.memory_space<vmem>>) target(%dma_start3A_1600 : memref<16x2x8x128xf32, #tpu.memory_space<hbm>>) target_semaphore(%arg17 : memref<!tpu.dma_semaphore, #tpu.memory_space<semaphore_mem>>)
      %scan3A_1606 = arith.constant 0 : i32
      scf.yield %scan3A_1606 : i32
    }
    %scan3A_69 = arith.constant 32 : i32
    %dma_wait3A = arith.constant 0 : i32
    %dma_wait3A_70 = arith.constant 0 : i32
    %dma_wait3A_71 = arith.constant 0 : i32
    %dma_wait3A_72 = arith.constant 0 : i32
    %dma_wait3A_73 = arith.constant 0 : i32
    %dma_wait3A_74 = arith.constant 0 : i32
    %dma_wait3A_75 = tpu.memref_slice %arg14[%dma_wait3A_71, %dma_wait3A_72, %dma_wait3A_73, %dma_wait3A_74] : memref<16x2x8x129xf32, #tpu.memory_space<vmem>> -> memref<16x2x8x128xf32, #tpu.memory_space<vmem>>
    %dma_wait3A_76 = arith.constant 0 : i32
    %dma_wait3A_77 = arith.constant 0 : i32
    %dma_wait3A_78 = arith.constant 0 : i32
    %dma_wait3A_79 = arith.constant 0 : i32
    %dma_wait3A_80 = tpu.memref_slice %arg5[%dma_wait3A, %dma_wait3A_76, %dma_wait3A_77, %dma_wait3A_70, %dma_wait3A_78, %dma_wait3A_79] : memref<1024x16x2x2x8x128xf32, #tpu.memory_space<hbm>> -> memref<1x16x2x1x8x128xf32, #tpu.memory_space<hbm>>
    %dma_wait3A_81 = tpu.memref_squeeze %dma_wait3A_80 : memref<1x16x2x1x8x128xf32, #tpu.memory_space<hbm>> -> memref<16x2x8x128xf32, #tpu.memory_space<hbm>>
    %dma_wait3A_82 = arith.constant 0 : i32
    %dma_wait3A_83 = arith.constant 0 : i32
    %dma_wait3A_84 = arith.constant 0 : i32
    %dma_wait3A_85 = arith.constant 0 : i32
    %dma_wait3A_86 = tpu.memref_slice %arg5[%dma_wait3A, %dma_wait3A_82, %dma_wait3A_83, %dma_wait3A_70, %dma_wait3A_84, %dma_wait3A_85] : memref<1024x16x2x2x8x128xf32, #tpu.memory_space<hbm>> -> memref<1x16x2x1x8x128xf32, #tpu.memory_space<hbm>>
    %dma_wait3A_87 = tpu.memref_squeeze %dma_wait3A_86 : memref<1x16x2x1x8x128xf32, #tpu.memory_space<hbm>> -> memref<16x2x8x128xf32, #tpu.memory_space<hbm>>
    %dma_wait3A_88 = arith.constant 0 : i32
    %dma_wait3A_89 = arith.constant 0 : i32
    %dma_wait3A_90 = arith.constant 0 : i32
    %dma_wait3A_91 = arith.constant 0 : i32
    %dma_wait3A_92 = tpu.memref_slice %arg14[%dma_wait3A_88, %dma_wait3A_89, %dma_wait3A_90, %dma_wait3A_91] : memref<16x2x8x129xf32, #tpu.memory_space<vmem>> -> memref<16x2x8x128xf32, #tpu.memory_space<vmem>>
    tpu.wait_dma2 semaphore(%arg17 : memref<!tpu.dma_semaphore, #tpu.memory_space<semaphore_mem>>) src(%dma_wait3A_92 : memref<16x2x8x128xf32, #tpu.memory_space<vmem>>) dst(%dma_wait3A_87 : memref<16x2x8x128xf32, #tpu.memory_space<hbm>>)
    %dma_wait3A_93 = arith.constant 0 : i32
    %dma_wait3A_94 = arith.constant 0 : i32
    %dma_wait3A_95 = arith.constant 0 : i32
    %dma_wait3A_96 = arith.constant 0 : i32
    %dma_wait3A_97 = arith.constant 0 : i32
    %dma_wait3A_98 = arith.constant 0 : i32
    %dma_wait3A_99 = tpu.memref_slice %arg15[%dma_wait3A_95, %dma_wait3A_96, %dma_wait3A_97, %dma_wait3A_98] : memref<16x2x8x129xf32, #tpu.memory_space<vmem>> -> memref<16x2x8x128xf32, #tpu.memory_space<vmem>>
    %dma_wait3A_100 = arith.constant 0 : i32
    %dma_wait3A_101 = arith.constant 0 : i32
    %dma_wait3A_102 = arith.constant 0 : i32
    %dma_wait3A_103 = arith.constant 0 : i32
    %dma_wait3A_104 = tpu.memref_slice %arg5[%dma_wait3A_93, %dma_wait3A_100, %dma_wait3A_101, %dma_wait3A_94, %dma_wait3A_102, %dma_wait3A_103] : memref<1024x16x2x2x8x128xf32, #tpu.memory_space<hbm>> -> memref<1x16x2x1x8x128xf32, #tpu.memory_space<hbm>>
    %dma_wait3A_105 = tpu.memref_squeeze %dma_wait3A_104 : memref<1x16x2x1x8x128xf32, #tpu.memory_space<hbm>> -> memref<16x2x8x128xf32, #tpu.memory_space<hbm>>
    %dma_wait3A_106 = arith.constant 0 : i32
    %dma_wait3A_107 = arith.constant 0 : i32
    %dma_wait3A_108 = arith.constant 0 : i32
    %dma_wait3A_109 = arith.constant 0 : i32
    %dma_wait3A_110 = tpu.memref_slice %arg5[%dma_wait3A_93, %dma_wait3A_106, %dma_wait3A_107, %dma_wait3A_94, %dma_wait3A_108, %dma_wait3A_109] : memref<1024x16x2x2x8x128xf32, #tpu.memory_space<hbm>> -> memref<1x16x2x1x8x128xf32, #tpu.memory_space<hbm>>
    %dma_wait3A_111 = tpu.memref_squeeze %dma_wait3A_110 : memref<1x16x2x1x8x128xf32, #tpu.memory_space<hbm>> -> memref<16x2x8x128xf32, #tpu.memory_space<hbm>>
    %dma_wait3A_112 = arith.constant 0 : i32
    %dma_wait3A_113 = arith.constant 0 : i32
    %dma_wait3A_114 = arith.constant 0 : i32
    %dma_wait3A_115 = arith.constant 0 : i32
    %dma_wait3A_116 = tpu.memref_slice %arg15[%dma_wait3A_112, %dma_wait3A_113, %dma_wait3A_114, %dma_wait3A_115] : memref<16x2x8x129xf32, #tpu.memory_space<vmem>> -> memref<16x2x8x128xf32, #tpu.memory_space<vmem>>
    tpu.wait_dma2 semaphore(%arg17 : memref<!tpu.dma_semaphore, #tpu.memory_space<semaphore_mem>>) src(%dma_wait3A_116 : memref<16x2x8x128xf32, #tpu.memory_space<vmem>>) dst(%dma_wait3A_111 : memref<16x2x8x128xf32, #tpu.memory_space<hbm>>)
    %iota3A_117 = tpu.iota {dimensions = array<i32: 0>} : vector<16xi32>
    %and3A_118 = arith.constant 3 : i32
    %and3A_119 = vector.broadcast %and3A_118 : i32 to vector<16xi32>
    %and3A_120 = arith.andi %iota3A_117, %and3A_119 : vector<16xi32>
    %shift_right_arithmetic3A_121 = arith.constant 2 : i32
    %shift_right_arithmetic3A_122 = vector.broadcast %shift_right_arithmetic3A_121 : i32 to vector<16xi32>
    %shift_right_arithmetic3A_123 = arith.shrsi %iota3A_117, %shift_right_arithmetic3A_122 : vector<16xi32>
    %mul3A_124 = arith.constant 0 : i32
    %mul3A_125 = vector.broadcast %mul3A_124 : i32 to vector<16xi32>
    %mul3A_126 = arith.muli %iota3A_117, %mul3A_125 : vector<16xi32>
    %get3A_127 = arith.constant 0 : index
    %get3A_128 = tpu.vector_load %arg8[%get3A_127] {strides = array<i32>} : memref<80xi32, #tpu.memory_space<vmem>>, vector<16xi32>,
    %slice3A_129 = vector.extract_strided_slice %get3A_128 {offsets = [0], sizes = [1], strides = [1]} : vector<16xi32> to vector<1xi32>
    %squeeze3A_130 = vector.extract %slice3A_129[0] : i32 from vector<1xi32>
    %slice3A_131 = vector.extract_strided_slice %get3A_128 {offsets = [1], sizes = [1], strides = [1]} : vector<16xi32> to vector<1xi32>
    %squeeze3A_132 = vector.extract %slice3A_131[0] : i32 from vector<1xi32>
    %max3A_133 = arith.constant 0 : i32
    %max3A_134 = arith.maxsi %squeeze3A_130, %max3A_133 : i32
    %min3A_135 = arith.constant 112 : i32
    %min3A_136 = arith.minsi %max3A_134, %min3A_135 : i32
    %max3A_137 = arith.constant 0 : i32
    %max3A_138 = arith.maxsi %squeeze3A_132, %max3A_137 : i32
    %min3A_139 = arith.constant 112 : i32
    %min3A_140 = arith.minsi %max3A_138, %min3A_139 : i32
    %eq3A = arith.constant 0 : i32
    %eq3A_141 = vector.broadcast %eq3A : i32 to vector<16xi32>
    %eq3A_142 = arith.cmpi eq, %and3A_120, %eq3A_141 : vector<16xi32>
    %eq3A_143 = arith.constant 1 : i32
    %eq3A_144 = vector.broadcast %eq3A_143 : i32 to vector<16xi32>
    %eq3A_145 = arith.cmpi eq, %and3A_120, %eq3A_144 : vector<16xi32>
    %eq3A_146 = arith.constant 2 : i32
    %eq3A_147 = vector.broadcast %eq3A_146 : i32 to vector<16xi32>
    %eq3A_148 = arith.cmpi eq, %and3A_120, %eq3A_147 : vector<16xi32>
    %add3A_149 = arith.constant 16 : i32
    %add3A_150 = arith.addi %min3A_136, %add3A_149 : i32
    %add3A_151 = arith.constant 16 : i32
    %add3A_152 = arith.addi %min3A_140, %add3A_151 : i32
    %broadcast_in_dim3A = vector.broadcast %add3A_150 : i32 to vector<16xi32>
    %broadcast_in_dim3A_153 = vector.broadcast %add3A_152 : i32 to vector<16xi32>
    %select_n3A = arith.select %eq3A_148, %broadcast_in_dim3A, %broadcast_in_dim3A_153 : vector<16xi1>, vector<16xi32>
    %broadcast_in_dim3A_154 = vector.broadcast %min3A_140 : i32 to vector<16xi32>
    %select_n3A_155 = arith.select %eq3A_145, %broadcast_in_dim3A_154, %select_n3A : vector<16xi1>, vector<16xi32>
    %broadcast_in_dim3A_156 = vector.broadcast %min3A_136 : i32 to vector<16xi32>
    %select_n3A_157 = arith.select %eq3A_142, %broadcast_in_dim3A_156, %select_n3A_155 : vector<16xi1>, vector<16xi32>
    %eq3A_158 = arith.constant 0 : i32
    %eq3A_159 = vector.broadcast %eq3A_158 : i32 to vector<16xi32>
    %eq3A_160 = arith.cmpi eq, %shift_right_arithmetic3A_123, %eq3A_159 : vector<16xi32>
    %select_n3A_161 = arith.select %eq3A_160, %select_n3A_157, %mul3A_126 : vector<16xi1>, vector<16xi32>
    %slice3A_162 = vector.extract_strided_slice %get3A_128 {offsets = [2], sizes = [1], strides = [1]} : vector<16xi32> to vector<1xi32>
    %squeeze3A_163 = vector.extract %slice3A_162[0] : i32 from vector<1xi32>
    %slice3A_164 = vector.extract_strided_slice %get3A_128 {offsets = [3], sizes = [1], strides = [1]} : vector<16xi32> to vector<1xi32>
    %squeeze3A_165 = vector.extract %slice3A_164[0] : i32 from vector<1xi32>
    %max3A_166 = arith.constant 0 : i32
    %max3A_167 = arith.maxsi %squeeze3A_163, %max3A_166 : i32
    %min3A_168 = arith.constant 112 : i32
    %min3A_169 = arith.minsi %max3A_167, %min3A_168 : i32
    %max3A_170 = arith.constant 0 : i32
    %max3A_171 = arith.maxsi %squeeze3A_165, %max3A_170 : i32
    %min3A_172 = arith.constant 112 : i32
    %min3A_173 = arith.minsi %max3A_171, %min3A_172 : i32
    %eq3A_174 = arith.constant 0 : i32
    %eq3A_175 = vector.broadcast %eq3A_174 : i32 to vector<16xi32>
    %eq3A_176 = arith.cmpi eq, %and3A_120, %eq3A_175 : vector<16xi32>
    %eq3A_177 = arith.constant 1 : i32
    %eq3A_178 = vector.broadcast %eq3A_177 : i32 to vector<16xi32>
    %eq3A_179 = arith.cmpi eq, %and3A_120, %eq3A_178 : vector<16xi32>
    %eq3A_180 = arith.constant 2 : i32
    %eq3A_181 = vector.broadcast %eq3A_180 : i32 to vector<16xi32>
    %eq3A_182 = arith.cmpi eq, %and3A_120, %eq3A_181 : vector<16xi32>
    %add3A_183 = arith.constant 16 : i32
    %add3A_184 = arith.addi %min3A_169, %add3A_183 : i32
    %add3A_185 = arith.constant 16 : i32
    %add3A_186 = arith.addi %min3A_173, %add3A_185 : i32
    %broadcast_in_dim3A_187 = vector.broadcast %add3A_184 : i32 to vector<16xi32>
    %broadcast_in_dim3A_188 = vector.broadcast %add3A_186 : i32 to vector<16xi32>
    %select_n3A_189 = arith.select %eq3A_182, %broadcast_in_dim3A_187, %broadcast_in_dim3A_188 : vector<16xi1>, vector<16xi32>
    %broadcast_in_dim3A_190 = vector.broadcast %min3A_173 : i32 to vector<16xi32>
    %select_n3A_191 = arith.select %eq3A_179, %broadcast_in_dim3A_190, %select_n3A_189 : vector<16xi1>, vector<16xi32>
    %broadcast_in_dim3A_192 = vector.broadcast %min3A_169 : i32 to vector<16xi32>
    %select_n3A_193 = arith.select %eq3A_176, %broadcast_in_dim3A_192, %select_n3A_191 : vector<16xi1>, vector<16xi32>
    %eq3A_194 = arith.constant 1 : i32
    %eq3A_195 = vector.broadcast %eq3A_194 : i32 to vector<16xi32>
    %eq3A_196 = arith.cmpi eq, %shift_right_arithmetic3A_123, %eq3A_195 : vector<16xi32>
    %select_n3A_197 = arith.select %eq3A_196, %select_n3A_193, %select_n3A_161 : vector<16xi1>, vector<16xi32>
    %slice3A_198 = vector.extract_strided_slice %get3A_128 {offsets = [4], sizes = [1], strides = [1]} : vector<16xi32> to vector<1xi32>
    %squeeze3A_199 = vector.extract %slice3A_198[0] : i32 from vector<1xi32>
    %slice3A_200 = vector.extract_strided_slice %get3A_128 {offsets = [5], sizes = [1], strides = [1]} : vector<16xi32> to vector<1xi32>
    %squeeze3A_201 = vector.extract %slice3A_200[0] : i32 from vector<1xi32>
    %max3A_202 = arith.constant 0 : i32
    %max3A_203 = arith.maxsi %squeeze3A_199, %max3A_202 : i32
    %min3A_204 = arith.constant 112 : i32
    %min3A_205 = arith.minsi %max3A_203, %min3A_204 : i32
    %max3A_206 = arith.constant 0 : i32
    %max3A_207 = arith.maxsi %squeeze3A_201, %max3A_206 : i32
    %min3A_208 = arith.constant 112 : i32
    %min3A_209 = arith.minsi %max3A_207, %min3A_208 : i32
    %eq3A_210 = arith.constant 0 : i32
    %eq3A_211 = vector.broadcast %eq3A_210 : i32 to vector<16xi32>
    %eq3A_212 = arith.cmpi eq, %and3A_120, %eq3A_211 : vector<16xi32>
    %eq3A_213 = arith.constant 1 : i32
    %eq3A_214 = vector.broadcast %eq3A_213 : i32 to vector<16xi32>
    %eq3A_215 = arith.cmpi eq, %and3A_120, %eq3A_214 : vector<16xi32>
    %eq3A_216 = arith.constant 2 : i32
    %eq3A_217 = vector.broadcast %eq3A_216 : i32 to vector<16xi32>
    %eq3A_218 = arith.cmpi eq, %and3A_120, %eq3A_217 : vector<16xi32>
    %add3A_219 = arith.constant 16 : i32
    %add3A_220 = arith.addi %min3A_205, %add3A_219 : i32
    %add3A_221 = arith.constant 16 : i32
    %add3A_222 = arith.addi %min3A_209, %add3A_221 : i32
    %broadcast_in_dim3A_223 = vector.broadcast %add3A_220 : i32 to vector<16xi32>
    %broadcast_in_dim3A_224 = vector.broadcast %add3A_222 : i32 to vector<16xi32>
    %select_n3A_225 = arith.select %eq3A_218, %broadcast_in_dim3A_223, %broadcast_in_dim3A_224 : vector<16xi1>, vector<16xi32>
    %broadcast_in_dim3A_226 = vector.broadcast %min3A_209 : i32 to vector<16xi32>
    %select_n3A_227 = arith.select %eq3A_215, %broadcast_in_dim3A_226, %select_n3A_225 : vector<16xi1>, vector<16xi32>
    %broadcast_in_dim3A_228 = vector.broadcast %min3A_205 : i32 to vector<16xi32>
    %select_n3A_229 = arith.select %eq3A_212, %broadcast_in_dim3A_228, %select_n3A_227 : vector<16xi1>, vector<16xi32>
    %eq3A_230 = arith.constant 2 : i32
    %eq3A_231 = vector.broadcast %eq3A_230 : i32 to vector<16xi32>
    %eq3A_232 = arith.cmpi eq, %shift_right_arithmetic3A_123, %eq3A_231 : vector<16xi32>
    %select_n3A_233 = arith.select %eq3A_232, %select_n3A_229, %select_n3A_197 : vector<16xi1>, vector<16xi32>
    %slice3A_234 = vector.extract_strided_slice %get3A_128 {offsets = [6], sizes = [1], strides = [1]} : vector<16xi32> to vector<1xi32>
    %squeeze3A_235 = vector.extract %slice3A_234[0] : i32 from vector<1xi32>
    %slice3A_236 = vector.extract_strided_slice %get3A_128 {offsets = [7], sizes = [1], strides = [1]} : vector<16xi32> to vector<1xi32>
    %squeeze3A_237 = vector.extract %slice3A_236[0] : i32 from vector<1xi32>
    %max3A_238 = arith.constant 0 : i32
    %max3A_239 = arith.maxsi %squeeze3A_235, %max3A_238 : i32
    %min3A_240 = arith.constant 112 : i32
    %min3A_241 = arith.minsi %max3A_239, %min3A_240 : i32
    %max3A_242 = arith.constant 0 : i32
    %max3A_243 = arith.maxsi %squeeze3A_237, %max3A_242 : i32
    %min3A_244 = arith.constant 112 : i32
    %min3A_245 = arith.minsi %max3A_243, %min3A_244 : i32
    %eq3A_246 = arith.constant 0 : i32
    %eq3A_247 = vector.broadcast %eq3A_246 : i32 to vector<16xi32>
    %eq3A_248 = arith.cmpi eq, %and3A_120, %eq3A_247 : vector<16xi32>
    %eq3A_249 = arith.constant 1 : i32
    %eq3A_250 = vector.broadcast %eq3A_249 : i32 to vector<16xi32>
    %eq3A_251 = arith.cmpi eq, %and3A_120, %eq3A_250 : vector<16xi32>
    %eq3A_252 = arith.constant 2 : i32
    %eq3A_253 = vector.broadcast %eq3A_252 : i32 to vector<16xi32>
    %eq3A_254 = arith.cmpi eq, %and3A_120, %eq3A_253 : vector<16xi32>
    %add3A_255 = arith.constant 16 : i32
    %add3A_256 = arith.addi %min3A_241, %add3A_255 : i32
    %add3A_257 = arith.constant 16 : i32
    %add3A_258 = arith.addi %min3A_245, %add3A_257 : i32
    %broadcast_in_dim3A_259 = vector.broadcast %add3A_256 : i32 to vector<16xi32>
    %broadcast_in_dim3A_260 = vector.broadcast %add3A_258 : i32 to vector<16xi32>
    %select_n3A_261 = arith.select %eq3A_254, %broadcast_in_dim3A_259, %broadcast_in_dim3A_260 : vector<16xi1>, vector<16xi32>
    %broadcast_in_dim3A_262 = vector.broadcast %min3A_245 : i32 to vector<16xi32>
    %select_n3A_263 = arith.select %eq3A_251, %broadcast_in_dim3A_262, %select_n3A_261 : vector<16xi1>, vector<16xi32>
    %broadcast_in_dim3A_264 = vector.broadcast %min3A_241 : i32 to vector<16xi32>
    %select_n3A_265 = arith.select %eq3A_248, %broadcast_in_dim3A_264, %select_n3A_263 : vector<16xi1>, vector<16xi32>
    %eq3A_266 = arith.constant 3 : i32
    %eq3A_267 = vector.broadcast %eq3A_266 : i32 to vector<16xi32>
    %eq3A_268 = arith.cmpi eq, %shift_right_arithmetic3A_123, %eq3A_267 : vector<16xi32>
    %select_n3A_269 = arith.select %eq3A_268, %select_n3A_265, %select_n3A_233 : vector<16xi1>, vector<16xi32>
    %swap3A = arith.constant 0 : index
    %swap3A_270 = tpu.vector_load %arg10[%swap3A] {strides = array<i32>} : memref<128xi32, #tpu.memory_space<vmem>>, vector<16xi32>,
    tpu.vector_store %arg10[%swap3A], %select_n3A_269 {strides = array<i32>} : memref<128xi32, #tpu.memory_space<vmem>>, vector<16xi32>,
    %mul3A_271 = arith.constant 0 : i32
    %mul3A_272 = vector.broadcast %mul3A_271 : i32 to vector<16xi32>
    %mul3A_273 = arith.muli %iota3A_117, %mul3A_272 : vector<16xi32>
    %get3A_274 = arith.constant 8 : index
    %get3A_275 = tpu.vector_load %arg8[%get3A_274] {strides = array<i32>} : memref<80xi32, #tpu.memory_space<vmem>>, vector<16xi32>,
    %slice3A_276 = vector.extract_strided_slice %get3A_275 {offsets = [0], sizes = [1], strides = [1]} : vector<16xi32> to vector<1xi32>
    %squeeze3A_277 = vector.extract %slice3A_276[0] : i32 from vector<1xi32>
    %slice3A_278 = vector.extract_strided_slice %get3A_275 {offsets = [1], sizes = [1], strides = [1]} : vector<16xi32> to vector<1xi32>
    %squeeze3A_279 = vector.extract %slice3A_278[0] : i32 from vector<1xi32>
    %max3A_280 = arith.constant 0 : i32
    %max3A_281 = arith.maxsi %squeeze3A_277, %max3A_280 : i32
    %min3A_282 = arith.constant 112 : i32
    %min3A_283 = arith.minsi %max3A_281, %min3A_282 : i32
    %max3A_284 = arith.constant 0 : i32
    %max3A_285 = arith.maxsi %squeeze3A_279, %max3A_284 : i32
    %min3A_286 = arith.constant 112 : i32
    %min3A_287 = arith.minsi %max3A_285, %min3A_286 : i32
    %eq3A_288 = arith.constant 0 : i32
    %eq3A_289 = vector.broadcast %eq3A_288 : i32 to vector<16xi32>
    %eq3A_290 = arith.cmpi eq, %and3A_120, %eq3A_289 : vector<16xi32>
    %eq3A_291 = arith.constant 1 : i32
    %eq3A_292 = vector.broadcast %eq3A_291 : i32 to vector<16xi32>
    %eq3A_293 = arith.cmpi eq, %and3A_120, %eq3A_292 : vector<16xi32>
    %eq3A_294 = arith.constant 2 : i32
    %eq3A_295 = vector.broadcast %eq3A_294 : i32 to vector<16xi32>
    %eq3A_296 = arith.cmpi eq, %and3A_120, %eq3A_295 : vector<16xi32>
    %add3A_297 = arith.constant 16 : i32
    %add3A_298 = arith.addi %min3A_283, %add3A_297 : i32
    %add3A_299 = arith.constant 16 : i32
    %add3A_300 = arith.addi %min3A_287, %add3A_299 : i32
    %broadcast_in_dim3A_301 = vector.broadcast %add3A_298 : i32 to vector<16xi32>
    %broadcast_in_dim3A_302 = vector.broadcast %add3A_300 : i32 to vector<16xi32>
    %select_n3A_303 = arith.select %eq3A_296, %broadcast_in_dim3A_301, %broadcast_in_dim3A_302 : vector<16xi1>, vector<16xi32>
    %broadcast_in_dim3A_304 = vector.broadcast %min3A_287 : i32 to vector<16xi32>
    %select_n3A_305 = arith.select %eq3A_293, %broadcast_in_dim3A_304, %select_n3A_303 : vector<16xi1>, vector<16xi32>
    %broadcast_in_dim3A_306 = vector.broadcast %min3A_283 : i32 to vector<16xi32>
    %select_n3A_307 = arith.select %eq3A_290, %broadcast_in_dim3A_306, %select_n3A_305 : vector<16xi1>, vector<16xi32>
    %eq3A_308 = arith.constant 0 : i32
    %eq3A_309 = vector.broadcast %eq3A_308 : i32 to vector<16xi32>
    %eq3A_310 = arith.cmpi eq, %shift_right_arithmetic3A_123, %eq3A_309 : vector<16xi32>
    %select_n3A_311 = arith.select %eq3A_310, %select_n3A_307, %mul3A_273 : vector<16xi1>, vector<16xi32>
    %slice3A_312 = vector.extract_strided_slice %get3A_275 {offsets = [2], sizes = [1], strides = [1]} : vector<16xi32> to vector<1xi32>
    %squeeze3A_313 = vector.extract %slice3A_312[0] : i32 from vector<1xi32>
    %slice3A_314 = vector.extract_strided_slice %get3A_275 {offsets = [3], sizes = [1], strides = [1]} : vector<16xi32> to vector<1xi32>
    %squeeze3A_315 = vector.extract %slice3A_314[0] : i32 from vector<1xi32>
    %max3A_316 = arith.constant 0 : i32
    %max3A_317 = arith.maxsi %squeeze3A_313, %max3A_316 : i32
    %min3A_318 = arith.constant 112 : i32
    %min3A_319 = arith.minsi %max3A_317, %min3A_318 : i32
    %max3A_320 = arith.constant 0 : i32
    %max3A_321 = arith.maxsi %squeeze3A_315, %max3A_320 : i32
    %min3A_322 = arith.constant 112 : i32
    %min3A_323 = arith.minsi %max3A_321, %min3A_322 : i32
    %eq3A_324 = arith.constant 0 : i32
    %eq3A_325 = vector.broadcast %eq3A_324 : i32 to vector<16xi32>
    %eq3A_326 = arith.cmpi eq, %and3A_120, %eq3A_325 : vector<16xi32>
    %eq3A_327 = arith.constant 1 : i32
    %eq3A_328 = vector.broadcast %eq3A_327 : i32 to vector<16xi32>
    %eq3A_329 = arith.cmpi eq, %and3A_120, %eq3A_328 : vector<16xi32>
    %eq3A_330 = arith.constant 2 : i32
    %eq3A_331 = vector.broadcast %eq3A_330 : i32 to vector<16xi32>
    %eq3A_332 = arith.cmpi eq, %and3A_120, %eq3A_331 : vector<16xi32>
    %add3A_333 = arith.constant 16 : i32
    %add3A_334 = arith.addi %min3A_319, %add3A_333 : i32
    %add3A_335 = arith.constant 16 : i32
    %add3A_336 = arith.addi %min3A_323, %add3A_335 : i32
    %broadcast_in_dim3A_337 = vector.broadcast %add3A_334 : i32 to vector<16xi32>
    %broadcast_in_dim3A_338 = vector.broadcast %add3A_336 : i32 to vector<16xi32>
    %select_n3A_339 = arith.select %eq3A_332, %broadcast_in_dim3A_337, %broadcast_in_dim3A_338 : vector<16xi1>, vector<16xi32>
    %broadcast_in_dim3A_340 = vector.broadcast %min3A_323 : i32 to vector<16xi32>
    %select_n3A_341 = arith.select %eq3A_329, %broadcast_in_dim3A_340, %select_n3A_339 : vector<16xi1>, vector<16xi32>
    %broadcast_in_dim3A_342 = vector.broadcast %min3A_319 : i32 to vector<16xi32>
    %select_n3A_343 = arith.select %eq3A_326, %broadcast_in_dim3A_342, %select_n3A_341 : vector<16xi1>, vector<16xi32>
    %eq3A_344 = arith.constant 1 : i32
    %eq3A_345 = vector.broadcast %eq3A_344 : i32 to vector<16xi32>
    %eq3A_346 = arith.cmpi eq, %shift_right_arithmetic3A_123, %eq3A_345 : vector<16xi32>
    %select_n3A_347 = arith.select %eq3A_346, %select_n3A_343, %select_n3A_311 : vector<16xi1>, vector<16xi32>
    %slice3A_348 = vector.extract_strided_slice %get3A_275 {offsets = [4], sizes = [1], strides = [1]} : vector<16xi32> to vector<1xi32>
    %squeeze3A_349 = vector.extract %slice3A_348[0] : i32 from vector<1xi32>
    %slice3A_350 = vector.extract_strided_slice %get3A_275 {offsets = [5], sizes = [1], strides = [1]} : vector<16xi32> to vector<1xi32>
    %squeeze3A_351 = vector.extract %slice3A_350[0] : i32 from vector<1xi32>
    %max3A_352 = arith.constant 0 : i32
    %max3A_353 = arith.maxsi %squeeze3A_349, %max3A_352 : i32
    %min3A_354 = arith.constant 112 : i32
    %min3A_355 = arith.minsi %max3A_353, %min3A_354 : i32
    %max3A_356 = arith.constant 0 : i32
    %max3A_357 = arith.maxsi %squeeze3A_351, %max3A_356 : i32
    %min3A_358 = arith.constant 112 : i32
    %min3A_359 = arith.minsi %max3A_357, %min3A_358 : i32
    %eq3A_360 = arith.constant 0 : i32
    %eq3A_361 = vector.broadcast %eq3A_360 : i32 to vector<16xi32>
    %eq3A_362 = arith.cmpi eq, %and3A_120, %eq3A_361 : vector<16xi32>
    %eq3A_363 = arith.constant 1 : i32
    %eq3A_364 = vector.broadcast %eq3A_363 : i32 to vector<16xi32>
    %eq3A_365 = arith.cmpi eq, %and3A_120, %eq3A_364 : vector<16xi32>
    %eq3A_366 = arith.constant 2 : i32
    %eq3A_367 = vector.broadcast %eq3A_366 : i32 to vector<16xi32>
    %eq3A_368 = arith.cmpi eq, %and3A_120, %eq3A_367 : vector<16xi32>
    %add3A_369 = arith.constant 16 : i32
    %add3A_370 = arith.addi %min3A_355, %add3A_369 : i32
    %add3A_371 = arith.constant 16 : i32
    %add3A_372 = arith.addi %min3A_359, %add3A_371 : i32
    %broadcast_in_dim3A_373 = vector.broadcast %add3A_370 : i32 to vector<16xi32>
    %broadcast_in_dim3A_374 = vector.broadcast %add3A_372 : i32 to vector<16xi32>
    %select_n3A_375 = arith.select %eq3A_368, %broadcast_in_dim3A_373, %broadcast_in_dim3A_374 : vector<16xi1>, vector<16xi32>
    %broadcast_in_dim3A_376 = vector.broadcast %min3A_359 : i32 to vector<16xi32>
    %select_n3A_377 = arith.select %eq3A_365, %broadcast_in_dim3A_376, %select_n3A_375 : vector<16xi1>, vector<16xi32>
    %broadcast_in_dim3A_378 = vector.broadcast %min3A_355 : i32 to vector<16xi32>
    %select_n3A_379 = arith.select %eq3A_362, %broadcast_in_dim3A_378, %select_n3A_377 : vector<16xi1>, vector<16xi32>
    %eq3A_380 = arith.constant 2 : i32
    %eq3A_381 = vector.broadcast %eq3A_380 : i32 to vector<16xi32>
    %eq3A_382 = arith.cmpi eq, %shift_right_arithmetic3A_123, %eq3A_381 : vector<16xi32>
    %select_n3A_383 = arith.select %eq3A_382, %select_n3A_379, %select_n3A_347 : vector<16xi1>, vector<16xi32>
    %slice3A_384 = vector.extract_strided_slice %get3A_275 {offsets = [6], sizes = [1], strides = [1]} : vector<16xi32> to vector<1xi32>
    %squeeze3A_385 = vector.extract %slice3A_384[0] : i32 from vector<1xi32>
    %slice3A_386 = vector.extract_strided_slice %get3A_275 {offsets = [7], sizes = [1], strides = [1]} : vector<16xi32> to vector<1xi32>
    %squeeze3A_387 = vector.extract %slice3A_386[0] : i32 from vector<1xi32>
    %max3A_388 = arith.constant 0 : i32
    %max3A_389 = arith.maxsi %squeeze3A_385, %max3A_388 : i32
    %min3A_390 = arith.constant 112 : i32
    %min3A_391 = arith.minsi %max3A_389, %min3A_390 : i32
    %max3A_392 = arith.constant 0 : i32
    %max3A_393 = arith.maxsi %squeeze3A_387, %max3A_392 : i32
    %min3A_394 = arith.constant 112 : i32
    %min3A_395 = arith.minsi %max3A_393, %min3A_394 : i32
    %eq3A_396 = arith.constant 0 : i32
    %eq3A_397 = vector.broadcast %eq3A_396 : i32 to vector<16xi32>
    %eq3A_398 = arith.cmpi eq, %and3A_120, %eq3A_397 : vector<16xi32>
    %eq3A_399 = arith.constant 1 : i32
    %eq3A_400 = vector.broadcast %eq3A_399 : i32 to vector<16xi32>
    %eq3A_401 = arith.cmpi eq, %and3A_120, %eq3A_400 : vector<16xi32>
    %eq3A_402 = arith.constant 2 : i32
    %eq3A_403 = vector.broadcast %eq3A_402 : i32 to vector<16xi32>
    %eq3A_404 = arith.cmpi eq, %and3A_120, %eq3A_403 : vector<16xi32>
    %add3A_405 = arith.constant 16 : i32
    %add3A_406 = arith.addi %min3A_391, %add3A_405 : i32
    %add3A_407 = arith.constant 16 : i32
    %add3A_408 = arith.addi %min3A_395, %add3A_407 : i32
    %broadcast_in_dim3A_409 = vector.broadcast %add3A_406 : i32 to vector<16xi32>
    %broadcast_in_dim3A_410 = vector.broadcast %add3A_408 : i32 to vector<16xi32>
    %select_n3A_411 = arith.select %eq3A_404, %broadcast_in_dim3A_409, %broadcast_in_dim3A_410 : vector<16xi1>, vector<16xi32>
    %broadcast_in_dim3A_412 = vector.broadcast %min3A_395 : i32 to vector<16xi32>
    %select_n3A_413 = arith.select %eq3A_401, %broadcast_in_dim3A_412, %select_n3A_411 : vector<16xi1>, vector<16xi32>
    %broadcast_in_dim3A_414 = vector.broadcast %min3A_391 : i32 to vector<16xi32>
    %select_n3A_415 = arith.select %eq3A_398, %broadcast_in_dim3A_414, %select_n3A_413 : vector<16xi1>, vector<16xi32>
    %eq3A_416 = arith.constant 3 : i32
    %eq3A_417 = vector.broadcast %eq3A_416 : i32 to vector<16xi32>
    %eq3A_418 = arith.cmpi eq, %shift_right_arithmetic3A_123, %eq3A_417 : vector<16xi32>
    %select_n3A_419 = arith.select %eq3A_418, %select_n3A_415, %select_n3A_383 : vector<16xi1>, vector<16xi32>
    %swap3A_420 = arith.constant 16 : index
    %swap3A_421 = tpu.vector_load %arg10[%swap3A_420] {strides = array<i32>} : memref<128xi32, #tpu.memory_space<vmem>>, vector<16xi32>,
    tpu.vector_store %arg10[%swap3A_420], %select_n3A_419 {strides = array<i32>} : memref<128xi32, #tpu.memory_space<vmem>>, vector<16xi32>,
    %mul3A_422 = arith.constant 0 : i32
    %mul3A_423 = vector.broadcast %mul3A_422 : i32 to vector<16xi32>
    %mul3A_424 = arith.muli %iota3A_117, %mul3A_423 : vector<16xi32>
    %get3A_425 = arith.constant 16 : index
    %get3A_426 = tpu.vector_load %arg8[%get3A_425] {strides = array<i32>} : memref<80xi32, #tpu.memory_space<vmem>>, vector<16xi32>,
    %slice3A_427 = vector.extract_strided_slice %get3A_426 {offsets = [0], sizes = [1], strides = [1]} : vector<16xi32> to vector<1xi32>
    %squeeze3A_428 = vector.extract %slice3A_427[0] : i32 from vector<1xi32>
    %slice3A_429 = vector.extract_strided_slice %get3A_426 {offsets = [1], sizes = [1], strides = [1]} : vector<16xi32> to vector<1xi32>
    %squeeze3A_430 = vector.extract %slice3A_429[0] : i32 from vector<1xi32>
    %max3A_431 = arith.constant 0 : i32
    %max3A_432 = arith.maxsi %squeeze3A_428, %max3A_431 : i32
    %min3A_433 = arith.constant 112 : i32
    %min3A_434 = arith.minsi %max3A_432, %min3A_433 : i32
    %max3A_435 = arith.constant 0 : i32
    %max3A_436 = arith.maxsi %squeeze3A_430, %max3A_435 : i32
    %min3A_437 = arith.constant 112 : i32
    %min3A_438 = arith.minsi %max3A_436, %min3A_437 : i32
    %eq3A_439 = arith.constant 0 : i32
    %eq3A_440 = vector.broadcast %eq3A_439 : i32 to vector<16xi32>
    %eq3A_441 = arith.cmpi eq, %and3A_120, %eq3A_440 : vector<16xi32>
    %eq3A_442 = arith.constant 1 : i32
    %eq3A_443 = vector.broadcast %eq3A_442 : i32 to vector<16xi32>
    %eq3A_444 = arith.cmpi eq, %and3A_120, %eq3A_443 : vector<16xi32>
    %eq3A_445 = arith.constant 2 : i32
    %eq3A_446 = vector.broadcast %eq3A_445 : i32 to vector<16xi32>
    %eq3A_447 = arith.cmpi eq, %and3A_120, %eq3A_446 : vector<16xi32>
    %add3A_448 = arith.constant 16 : i32
    %add3A_449 = arith.addi %min3A_434, %add3A_448 : i32
    %add3A_450 = arith.constant 16 : i32
    %add3A_451 = arith.addi %min3A_438, %add3A_450 : i32
    %broadcast_in_dim3A_452 = vector.broadcast %add3A_449 : i32 to vector<16xi32>
    %broadcast_in_dim3A_453 = vector.broadcast %add3A_451 : i32 to vector<16xi32>
    %select_n3A_454 = arith.select %eq3A_447, %broadcast_in_dim3A_452, %broadcast_in_dim3A_453 : vector<16xi1>, vector<16xi32>
    %broadcast_in_dim3A_455 = vector.broadcast %min3A_438 : i32 to vector<16xi32>
    %select_n3A_456 = arith.select %eq3A_444, %broadcast_in_dim3A_455, %select_n3A_454 : vector<16xi1>, vector<16xi32>
    %broadcast_in_dim3A_457 = vector.broadcast %min3A_434 : i32 to vector<16xi32>
    %select_n3A_458 = arith.select %eq3A_441, %broadcast_in_dim3A_457, %select_n3A_456 : vector<16xi1>, vector<16xi32>
    %eq3A_459 = arith.constant 0 : i32
    %eq3A_460 = vector.broadcast %eq3A_459 : i32 to vector<16xi32>
    %eq3A_461 = arith.cmpi eq, %shift_right_arithmetic3A_123, %eq3A_460 : vector<16xi32>
    %select_n3A_462 = arith.select %eq3A_461, %select_n3A_458, %mul3A_424 : vector<16xi1>, vector<16xi32>
    %slice3A_463 = vector.extract_strided_slice %get3A_426 {offsets = [2], sizes = [1], strides = [1]} : vector<16xi32> to vector<1xi32>
    %squeeze3A_464 = vector.extract %slice3A_463[0] : i32 from vector<1xi32>
    %slice3A_465 = vector.extract_strided_slice %get3A_426 {offsets = [3], sizes = [1], strides = [1]} : vector<16xi32> to vector<1xi32>
    %squeeze3A_466 = vector.extract %slice3A_465[0] : i32 from vector<1xi32>
    %max3A_467 = arith.constant 0 : i32
    %max3A_468 = arith.maxsi %squeeze3A_464, %max3A_467 : i32
    %min3A_469 = arith.constant 112 : i32
    %min3A_470 = arith.minsi %max3A_468, %min3A_469 : i32
    %max3A_471 = arith.constant 0 : i32
    %max3A_472 = arith.maxsi %squeeze3A_466, %max3A_471 : i32
    %min3A_473 = arith.constant 112 : i32
    %min3A_474 = arith.minsi %max3A_472, %min3A_473 : i32
    %eq3A_475 = arith.constant 0 : i32
    %eq3A_476 = vector.broadcast %eq3A_475 : i32 to vector<16xi32>
    %eq3A_477 = arith.cmpi eq, %and3A_120, %eq3A_476 : vector<16xi32>
    %eq3A_478 = arith.constant 1 : i32
    %eq3A_479 = vector.broadcast %eq3A_478 : i32 to vector<16xi32>
    %eq3A_480 = arith.cmpi eq, %and3A_120, %eq3A_479 : vector<16xi32>
    %eq3A_481 = arith.constant 2 : i32
    %eq3A_482 = vector.broadcast %eq3A_481 : i32 to vector<16xi32>
    %eq3A_483 = arith.cmpi eq, %and3A_120, %eq3A_482 : vector<16xi32>
    %add3A_484 = arith.constant 16 : i32
    %add3A_485 = arith.addi %min3A_470, %add3A_484 : i32
    %add3A_486 = arith.constant 16 : i32
    %add3A_487 = arith.addi %min3A_474, %add3A_486 : i32
    %broadcast_in_dim3A_488 = vector.broadcast %add3A_485 : i32 to vector<16xi32>
    %broadcast_in_dim3A_489 = vector.broadcast %add3A_487 : i32 to vector<16xi32>
    %select_n3A_490 = arith.select %eq3A_483, %broadcast_in_dim3A_488, %broadcast_in_dim3A_489 : vector<16xi1>, vector<16xi32>
    %broadcast_in_dim3A_491 = vector.broadcast %min3A_474 : i32 to vector<16xi32>
    %select_n3A_492 = arith.select %eq3A_480, %broadcast_in_dim3A_491, %select_n3A_490 : vector<16xi1>, vector<16xi32>
    %broadcast_in_dim3A_493 = vector.broadcast %min3A_470 : i32 to vector<16xi32>
    %select_n3A_494 = arith.select %eq3A_477, %broadcast_in_dim3A_493, %select_n3A_492 : vector<16xi1>, vector<16xi32>
    %eq3A_495 = arith.constant 1 : i32
    %eq3A_496 = vector.broadcast %eq3A_495 : i32 to vector<16xi32>
    %eq3A_497 = arith.cmpi eq, %shift_right_arithmetic3A_123, %eq3A_496 : vector<16xi32>
    %select_n3A_498 = arith.select %eq3A_497, %select_n3A_494, %select_n3A_462 : vector<16xi1>, vector<16xi32>
    %slice3A_499 = vector.extract_strided_slice %get3A_426 {offsets = [4], sizes = [1], strides = [1]} : vector<16xi32> to vector<1xi32>
    %squeeze3A_500 = vector.extract %slice3A_499[0] : i32 from vector<1xi32>
    %slice3A_501 = vector.extract_strided_slice %get3A_426 {offsets = [5], sizes = [1], strides = [1]} : vector<16xi32> to vector<1xi32>
    %squeeze3A_502 = vector.extract %slice3A_501[0] : i32 from vector<1xi32>
    %max3A_503 = arith.constant 0 : i32
    %max3A_504 = arith.maxsi %squeeze3A_500, %max3A_503 : i32
    %min3A_505 = arith.constant 112 : i32
    %min3A_506 = arith.minsi %max3A_504, %min3A_505 : i32
    %max3A_507 = arith.constant 0 : i32
    %max3A_508 = arith.maxsi %squeeze3A_502, %max3A_507 : i32
    %min3A_509 = arith.constant 112 : i32
    %min3A_510 = arith.minsi %max3A_508, %min3A_509 : i32
    %eq3A_511 = arith.constant 0 : i32
    %eq3A_512 = vector.broadcast %eq3A_511 : i32 to vector<16xi32>
    %eq3A_513 = arith.cmpi eq, %and3A_120, %eq3A_512 : vector<16xi32>
    %eq3A_514 = arith.constant 1 : i32
    %eq3A_515 = vector.broadcast %eq3A_514 : i32 to vector<16xi32>
    %eq3A_516 = arith.cmpi eq, %and3A_120, %eq3A_515 : vector<16xi32>
    %eq3A_517 = arith.constant 2 : i32
    %eq3A_518 = vector.broadcast %eq3A_517 : i32 to vector<16xi32>
    %eq3A_519 = arith.cmpi eq, %and3A_120, %eq3A_518 : vector<16xi32>
    %add3A_520 = arith.constant 16 : i32
    %add3A_521 = arith.addi %min3A_506, %add3A_520 : i32
    %add3A_522 = arith.constant 16 : i32
    %add3A_523 = arith.addi %min3A_510, %add3A_522 : i32
    %broadcast_in_dim3A_524 = vector.broadcast %add3A_521 : i32 to vector<16xi32>
    %broadcast_in_dim3A_525 = vector.broadcast %add3A_523 : i32 to vector<16xi32>
    %select_n3A_526 = arith.select %eq3A_519, %broadcast_in_dim3A_524, %broadcast_in_dim3A_525 : vector<16xi1>, vector<16xi32>
    %broadcast_in_dim3A_527 = vector.broadcast %min3A_510 : i32 to vector<16xi32>
    %select_n3A_528 = arith.select %eq3A_516, %broadcast_in_dim3A_527, %select_n3A_526 : vector<16xi1>, vector<16xi32>
    %broadcast_in_dim3A_529 = vector.broadcast %min3A_506 : i32 to vector<16xi32>
    %select_n3A_530 = arith.select %eq3A_513, %broadcast_in_dim3A_529, %select_n3A_528 : vector<16xi1>, vector<16xi32>
    %eq3A_531 = arith.constant 2 : i32
    %eq3A_532 = vector.broadcast %eq3A_531 : i32 to vector<16xi32>
    %eq3A_533 = arith.cmpi eq, %shift_right_arithmetic3A_123, %eq3A_532 : vector<16xi32>
    %select_n3A_534 = arith.select %eq3A_533, %select_n3A_530, %select_n3A_498 : vector<16xi1>, vector<16xi32>
    %slice3A_535 = vector.extract_strided_slice %get3A_426 {offsets = [6], sizes = [1], strides = [1]} : vector<16xi32> to vector<1xi32>
    %squeeze3A_536 = vector.extract %slice3A_535[0] : i32 from vector<1xi32>
    %slice3A_537 = vector.extract_strided_slice %get3A_426 {offsets = [7], sizes = [1], strides = [1]} : vector<16xi32> to vector<1xi32>
    %squeeze3A_538 = vector.extract %slice3A_537[0] : i32 from vector<1xi32>
    %max3A_539 = arith.constant 0 : i32
    %max3A_540 = arith.maxsi %squeeze3A_536, %max3A_539 : i32
    %min3A_541 = arith.constant 112 : i32
    %min3A_542 = arith.minsi %max3A_540, %min3A_541 : i32
    %max3A_543 = arith.constant 0 : i32
    %max3A_544 = arith.maxsi %squeeze3A_538, %max3A_543 : i32
    %min3A_545 = arith.constant 112 : i32
    %min3A_546 = arith.minsi %max3A_544, %min3A_545 : i32
    %eq3A_547 = arith.constant 0 : i32
    %eq3A_548 = vector.broadcast %eq3A_547 : i32 to vector<16xi32>
    %eq3A_549 = arith.cmpi eq, %and3A_120, %eq3A_548 : vector<16xi32>
    %eq3A_550 = arith.constant 1 : i32
    %eq3A_551 = vector.broadcast %eq3A_550 : i32 to vector<16xi32>
    %eq3A_552 = arith.cmpi eq, %and3A_120, %eq3A_551 : vector<16xi32>
    %eq3A_553 = arith.constant 2 : i32
    %eq3A_554 = vector.broadcast %eq3A_553 : i32 to vector<16xi32>
    %eq3A_555 = arith.cmpi eq, %and3A_120, %eq3A_554 : vector<16xi32>
    %add3A_556 = arith.constant 16 : i32
    %add3A_557 = arith.addi %min3A_542, %add3A_556 : i32
    %add3A_558 = arith.constant 16 : i32
    %add3A_559 = arith.addi %min3A_546, %add3A_558 : i32
    %broadcast_in_dim3A_560 = vector.broadcast %add3A_557 : i32 to vector<16xi32>
    %broadcast_in_dim3A_561 = vector.broadcast %add3A_559 : i32 to vector<16xi32>
    %select_n3A_562 = arith.select %eq3A_555, %broadcast_in_dim3A_560, %broadcast_in_dim3A_561 : vector<16xi1>, vector<16xi32>
    %broadcast_in_dim3A_563 = vector.broadcast %min3A_546 : i32 to vector<16xi32>
    %select_n3A_564 = arith.select %eq3A_552, %broadcast_in_dim3A_563, %select_n3A_562 : vector<16xi1>, vector<16xi32>
    %broadcast_in_dim3A_565 = vector.broadcast %min3A_542 : i32 to vector<16xi32>
    %select_n3A_566 = arith.select %eq3A_549, %broadcast_in_dim3A_565, %select_n3A_564 : vector<16xi1>, vector<16xi32>
    %eq3A_567 = arith.constant 3 : i32
    %eq3A_568 = vector.broadcast %eq3A_567 : i32 to vector<16xi32>
    %eq3A_569 = arith.cmpi eq, %shift_right_arithmetic3A_123, %eq3A_568 : vector<16xi32>
    %select_n3A_570 = arith.select %eq3A_569, %select_n3A_566, %select_n3A_534 : vector<16xi1>, vector<16xi32>
    %swap3A_571 = arith.constant 32 : index
    %swap3A_572 = tpu.vector_load %arg10[%swap3A_571] {strides = array<i32>} : memref<128xi32, #tpu.memory_space<vmem>>, vector<16xi32>,
    tpu.vector_store %arg10[%swap3A_571], %select_n3A_570 {strides = array<i32>} : memref<128xi32, #tpu.memory_space<vmem>>, vector<16xi32>,
    %mul3A_573 = arith.constant 0 : i32
    %mul3A_574 = vector.broadcast %mul3A_573 : i32 to vector<16xi32>
    %mul3A_575 = arith.muli %iota3A_117, %mul3A_574 : vector<16xi32>
    %get3A_576 = arith.constant 24 : index
    %get3A_577 = tpu.vector_load %arg8[%get3A_576] {strides = array<i32>} : memref<80xi32, #tpu.memory_space<vmem>>, vector<16xi32>,
    %slice3A_578 = vector.extract_strided_slice %get3A_577 {offsets = [0], sizes = [1], strides = [1]} : vector<16xi32> to vector<1xi32>
    %squeeze3A_579 = vector.extract %slice3A_578[0] : i32 from vector<1xi32>
    %slice3A_580 = vector.extract_strided_slice %get3A_577 {offsets = [1], sizes = [1], strides = [1]} : vector<16xi32> to vector<1xi32>
    %squeeze3A_581 = vector.extract %slice3A_580[0] : i32 from vector<1xi32>
    %max3A_582 = arith.constant 0 : i32
    %max3A_583 = arith.maxsi %squeeze3A_579, %max3A_582 : i32
    %min3A_584 = arith.constant 112 : i32
    %min3A_585 = arith.minsi %max3A_583, %min3A_584 : i32
    %max3A_586 = arith.constant 0 : i32
    %max3A_587 = arith.maxsi %squeeze3A_581, %max3A_586 : i32
    %min3A_588 = arith.constant 112 : i32
    %min3A_589 = arith.minsi %max3A_587, %min3A_588 : i32
    %eq3A_590 = arith.constant 0 : i32
    %eq3A_591 = vector.broadcast %eq3A_590 : i32 to vector<16xi32>
    %eq3A_592 = arith.cmpi eq, %and3A_120, %eq3A_591 : vector<16xi32>
    %eq3A_593 = arith.constant 1 : i32
    %eq3A_594 = vector.broadcast %eq3A_593 : i32 to vector<16xi32>
    %eq3A_595 = arith.cmpi eq, %and3A_120, %eq3A_594 : vector<16xi32>
    %eq3A_596 = arith.constant 2 : i32
    %eq3A_597 = vector.broadcast %eq3A_596 : i32 to vector<16xi32>
    %eq3A_598 = arith.cmpi eq, %and3A_120, %eq3A_597 : vector<16xi32>
    %add3A_599 = arith.constant 16 : i32
    %add3A_600 = arith.addi %min3A_585, %add3A_599 : i32
    %add3A_601 = arith.constant 16 : i32
    %add3A_602 = arith.addi %min3A_589, %add3A_601 : i32
    %broadcast_in_dim3A_603 = vector.broadcast %add3A_600 : i32 to vector<16xi32>
    %broadcast_in_dim3A_604 = vector.broadcast %add3A_602 : i32 to vector<16xi32>
    %select_n3A_605 = arith.select %eq3A_598, %broadcast_in_dim3A_603, %broadcast_in_dim3A_604 : vector<16xi1>, vector<16xi32>
    %broadcast_in_dim3A_606 = vector.broadcast %min3A_589 : i32 to vector<16xi32>
    %select_n3A_607 = arith.select %eq3A_595, %broadcast_in_dim3A_606, %select_n3A_605 : vector<16xi1>, vector<16xi32>
    %broadcast_in_dim3A_608 = vector.broadcast %min3A_585 : i32 to vector<16xi32>
    %select_n3A_609 = arith.select %eq3A_592, %broadcast_in_dim3A_608, %select_n3A_607 : vector<16xi1>, vector<16xi32>
    %eq3A_610 = arith.constant 0 : i32
    %eq3A_611 = vector.broadcast %eq3A_610 : i32 to vector<16xi32>
    %eq3A_612 = arith.cmpi eq, %shift_right_arithmetic3A_123, %eq3A_611 : vector<16xi32>
    %select_n3A_613 = arith.select %eq3A_612, %select_n3A_609, %mul3A_575 : vector<16xi1>, vector<16xi32>
    %slice3A_614 = vector.extract_strided_slice %get3A_577 {offsets = [2], sizes = [1], strides = [1]} : vector<16xi32> to vector<1xi32>
    %squeeze3A_615 = vector.extract %slice3A_614[0] : i32 from vector<1xi32>
    %slice3A_616 = vector.extract_strided_slice %get3A_577 {offsets = [3], sizes = [1], strides = [1]} : vector<16xi32> to vector<1xi32>
    %squeeze3A_617 = vector.extract %slice3A_616[0] : i32 from vector<1xi32>
    %max3A_618 = arith.constant 0 : i32
    %max3A_619 = arith.maxsi %squeeze3A_615, %max3A_618 : i32
    %min3A_620 = arith.constant 112 : i32
    %min3A_621 = arith.minsi %max3A_619, %min3A_620 : i32
    %max3A_622 = arith.constant 0 : i32
    %max3A_623 = arith.maxsi %squeeze3A_617, %max3A_622 : i32
    %min3A_624 = arith.constant 112 : i32
    %min3A_625 = arith.minsi %max3A_623, %min3A_624 : i32
    %eq3A_626 = arith.constant 0 : i32
    %eq3A_627 = vector.broadcast %eq3A_626 : i32 to vector<16xi32>
    %eq3A_628 = arith.cmpi eq, %and3A_120, %eq3A_627 : vector<16xi32>
    %eq3A_629 = arith.constant 1 : i32
    %eq3A_630 = vector.broadcast %eq3A_629 : i32 to vector<16xi32>
    %eq3A_631 = arith.cmpi eq, %and3A_120, %eq3A_630 : vector<16xi32>
    %eq3A_632 = arith.constant 2 : i32
    %eq3A_633 = vector.broadcast %eq3A_632 : i32 to vector<16xi32>
    %eq3A_634 = arith.cmpi eq, %and3A_120, %eq3A_633 : vector<16xi32>
    %add3A_635 = arith.constant 16 : i32
    %add3A_636 = arith.addi %min3A_621, %add3A_635 : i32
    %add3A_637 = arith.constant 16 : i32
    %add3A_638 = arith.addi %min3A_625, %add3A_637 : i32
    %broadcast_in_dim3A_639 = vector.broadcast %add3A_636 : i32 to vector<16xi32>
    %broadcast_in_dim3A_640 = vector.broadcast %add3A_638 : i32 to vector<16xi32>
    %select_n3A_641 = arith.select %eq3A_634, %broadcast_in_dim3A_639, %broadcast_in_dim3A_640 : vector<16xi1>, vector<16xi32>
    %broadcast_in_dim3A_642 = vector.broadcast %min3A_625 : i32 to vector<16xi32>
    %select_n3A_643 = arith.select %eq3A_631, %broadcast_in_dim3A_642, %select_n3A_641 : vector<16xi1>, vector<16xi32>
    %broadcast_in_dim3A_644 = vector.broadcast %min3A_621 : i32 to vector<16xi32>
    %select_n3A_645 = arith.select %eq3A_628, %broadcast_in_dim3A_644, %select_n3A_643 : vector<16xi1>, vector<16xi32>
    %eq3A_646 = arith.constant 1 : i32
    %eq3A_647 = vector.broadcast %eq3A_646 : i32 to vector<16xi32>
    %eq3A_648 = arith.cmpi eq, %shift_right_arithmetic3A_123, %eq3A_647 : vector<16xi32>
    %select_n3A_649 = arith.select %eq3A_648, %select_n3A_645, %select_n3A_613 : vector<16xi1>, vector<16xi32>
    %slice3A_650 = vector.extract_strided_slice %get3A_577 {offsets = [4], sizes = [1], strides = [1]} : vector<16xi32> to vector<1xi32>
    %squeeze3A_651 = vector.extract %slice3A_650[0] : i32 from vector<1xi32>
    %slice3A_652 = vector.extract_strided_slice %get3A_577 {offsets = [5], sizes = [1], strides = [1]} : vector<16xi32> to vector<1xi32>
    %squeeze3A_653 = vector.extract %slice3A_652[0] : i32 from vector<1xi32>
    %max3A_654 = arith.constant 0 : i32
    %max3A_655 = arith.maxsi %squeeze3A_651, %max3A_654 : i32
    %min3A_656 = arith.constant 112 : i32
    %min3A_657 = arith.minsi %max3A_655, %min3A_656 : i32
    %max3A_658 = arith.constant 0 : i32
    %max3A_659 = arith.maxsi %squeeze3A_653, %max3A_658 : i32
    %min3A_660 = arith.constant 112 : i32
    %min3A_661 = arith.minsi %max3A_659, %min3A_660 : i32
    %eq3A_662 = arith.constant 0 : i32
    %eq3A_663 = vector.broadcast %eq3A_662 : i32 to vector<16xi32>
    %eq3A_664 = arith.cmpi eq, %and3A_120, %eq3A_663 : vector<16xi32>
    %eq3A_665 = arith.constant 1 : i32
    %eq3A_666 = vector.broadcast %eq3A_665 : i32 to vector<16xi32>
    %eq3A_667 = arith.cmpi eq, %and3A_120, %eq3A_666 : vector<16xi32>
    %eq3A_668 = arith.constant 2 : i32
    %eq3A_669 = vector.broadcast %eq3A_668 : i32 to vector<16xi32>
    %eq3A_670 = arith.cmpi eq, %and3A_120, %eq3A_669 : vector<16xi32>
    %add3A_671 = arith.constant 16 : i32
    %add3A_672 = arith.addi %min3A_657, %add3A_671 : i32
    %add3A_673 = arith.constant 16 : i32
    %add3A_674 = arith.addi %min3A_661, %add3A_673 : i32
    %broadcast_in_dim3A_675 = vector.broadcast %add3A_672 : i32 to vector<16xi32>
    %broadcast_in_dim3A_676 = vector.broadcast %add3A_674 : i32 to vector<16xi32>
    %select_n3A_677 = arith.select %eq3A_670, %broadcast_in_dim3A_675, %broadcast_in_dim3A_676 : vector<16xi1>, vector<16xi32>
    %broadcast_in_dim3A_678 = vector.broadcast %min3A_661 : i32 to vector<16xi32>
    %select_n3A_679 = arith.select %eq3A_667, %broadcast_in_dim3A_678, %select_n3A_677 : vector<16xi1>, vector<16xi32>
    %broadcast_in_dim3A_680 = vector.broadcast %min3A_657 : i32 to vector<16xi32>
    %select_n3A_681 = arith.select %eq3A_664, %broadcast_in_dim3A_680, %select_n3A_679 : vector<16xi1>, vector<16xi32>
    %eq3A_682 = arith.constant 2 : i32
    %eq3A_683 = vector.broadcast %eq3A_682 : i32 to vector<16xi32>
    %eq3A_684 = arith.cmpi eq, %shift_right_arithmetic3A_123, %eq3A_683 : vector<16xi32>
    %select_n3A_685 = arith.select %eq3A_684, %select_n3A_681, %select_n3A_649 : vector<16xi1>, vector<16xi32>
    %slice3A_686 = vector.extract_strided_slice %get3A_577 {offsets = [6], sizes = [1], strides = [1]} : vector<16xi32> to vector<1xi32>
    %squeeze3A_687 = vector.extract %slice3A_686[0] : i32 from vector<1xi32>
    %slice3A_688 = vector.extract_strided_slice %get3A_577 {offsets = [7], sizes = [1], strides = [1]} : vector<16xi32> to vector<1xi32>
    %squeeze3A_689 = vector.extract %slice3A_688[0] : i32 from vector<1xi32>
    %max3A_690 = arith.constant 0 : i32
    %max3A_691 = arith.maxsi %squeeze3A_687, %max3A_690 : i32
    %min3A_692 = arith.constant 112 : i32
    %min3A_693 = arith.minsi %max3A_691, %min3A_692 : i32
    %max3A_694 = arith.constant 0 : i32
    %max3A_695 = arith.maxsi %squeeze3A_689, %max3A_694 : i32
    %min3A_696 = arith.constant 112 : i32
    %min3A_697 = arith.minsi %max3A_695, %min3A_696 : i32
    %eq3A_698 = arith.constant 0 : i32
    %eq3A_699 = vector.broadcast %eq3A_698 : i32 to vector<16xi32>
    %eq3A_700 = arith.cmpi eq, %and3A_120, %eq3A_699 : vector<16xi32>
    %eq3A_701 = arith.constant 1 : i32
    %eq3A_702 = vector.broadcast %eq3A_701 : i32 to vector<16xi32>
    %eq3A_703 = arith.cmpi eq, %and3A_120, %eq3A_702 : vector<16xi32>
    %eq3A_704 = arith.constant 2 : i32
    %eq3A_705 = vector.broadcast %eq3A_704 : i32 to vector<16xi32>
    %eq3A_706 = arith.cmpi eq, %and3A_120, %eq3A_705 : vector<16xi32>
    %add3A_707 = arith.constant 16 : i32
    %add3A_708 = arith.addi %min3A_693, %add3A_707 : i32
    %add3A_709 = arith.constant 16 : i32
    %add3A_710 = arith.addi %min3A_697, %add3A_709 : i32
    %broadcast_in_dim3A_711 = vector.broadcast %add3A_708 : i32 to vector<16xi32>
    %broadcast_in_dim3A_712 = vector.broadcast %add3A_710 : i32 to vector<16xi32>
    %select_n3A_713 = arith.select %eq3A_706, %broadcast_in_dim3A_711, %broadcast_in_dim3A_712 : vector<16xi1>, vector<16xi32>
    %broadcast_in_dim3A_714 = vector.broadcast %min3A_697 : i32 to vector<16xi32>
    %select_n3A_715 = arith.select %eq3A_703, %broadcast_in_dim3A_714, %select_n3A_713 : vector<16xi1>, vector<16xi32>
    %broadcast_in_dim3A_716 = vector.broadcast %min3A_693 : i32 to vector<16xi32>
    %select_n3A_717 = arith.select %eq3A_700, %broadcast_in_dim3A_716, %select_n3A_715 : vector<16xi1>, vector<16xi32>
    %eq3A_718 = arith.constant 3 : i32
    %eq3A_719 = vector.broadcast %eq3A_718 : i32 to vector<16xi32>
    %eq3A_720 = arith.cmpi eq, %shift_right_arithmetic3A_123, %eq3A_719 : vector<16xi32>
    %select_n3A_721 = arith.select %eq3A_720, %select_n3A_717, %select_n3A_685 : vector<16xi1>, vector<16xi32>
    %swap3A_722 = arith.constant 48 : index
    %swap3A_723 = tpu.vector_load %arg10[%swap3A_722] {strides = array<i32>} : memref<128xi32, #tpu.memory_space<vmem>>, vector<16xi32>,
    tpu.vector_store %arg10[%swap3A_722], %select_n3A_721 {strides = array<i32>} : memref<128xi32, #tpu.memory_space<vmem>>, vector<16xi32>,
    %mul3A_724 = arith.constant 0 : i32
    %mul3A_725 = vector.broadcast %mul3A_724 : i32 to vector<16xi32>
    %mul3A_726 = arith.muli %iota3A_117, %mul3A_725 : vector<16xi32>
    %get3A_727 = arith.constant 32 : index
    %get3A_728 = tpu.vector_load %arg8[%get3A_727] {strides = array<i32>} : memref<80xi32, #tpu.memory_space<vmem>>, vector<16xi32>,
    %slice3A_729 = vector.extract_strided_slice %get3A_728 {offsets = [0], sizes = [1], strides = [1]} : vector<16xi32> to vector<1xi32>
    %squeeze3A_730 = vector.extract %slice3A_729[0] : i32 from vector<1xi32>
    %slice3A_731 = vector.extract_strided_slice %get3A_728 {offsets = [1], sizes = [1], strides = [1]} : vector<16xi32> to vector<1xi32>
    %squeeze3A_732 = vector.extract %slice3A_731[0] : i32 from vector<1xi32>
    %max3A_733 = arith.constant 0 : i32
    %max3A_734 = arith.maxsi %squeeze3A_730, %max3A_733 : i32
    %min3A_735 = arith.constant 112 : i32
    %min3A_736 = arith.minsi %max3A_734, %min3A_735 : i32
    %max3A_737 = arith.constant 0 : i32
    %max3A_738 = arith.maxsi %squeeze3A_732, %max3A_737 : i32
    %min3A_739 = arith.constant 112 : i32
    %min3A_740 = arith.minsi %max3A_738, %min3A_739 : i32
    %eq3A_741 = arith.constant 0 : i32
    %eq3A_742 = vector.broadcast %eq3A_741 : i32 to vector<16xi32>
    %eq3A_743 = arith.cmpi eq, %and3A_120, %eq3A_742 : vector<16xi32>
    %eq3A_744 = arith.constant 1 : i32
    %eq3A_745 = vector.broadcast %eq3A_744 : i32 to vector<16xi32>
    %eq3A_746 = arith.cmpi eq, %and3A_120, %eq3A_745 : vector<16xi32>
    %eq3A_747 = arith.constant 2 : i32
    %eq3A_748 = vector.broadcast %eq3A_747 : i32 to vector<16xi32>
    %eq3A_749 = arith.cmpi eq, %and3A_120, %eq3A_748 : vector<16xi32>
    %add3A_750 = arith.constant 16 : i32
    %add3A_751 = arith.addi %min3A_736, %add3A_750 : i32
    %add3A_752 = arith.constant 16 : i32
    %add3A_753 = arith.addi %min3A_740, %add3A_752 : i32
    %broadcast_in_dim3A_754 = vector.broadcast %add3A_751 : i32 to vector<16xi32>
    %broadcast_in_dim3A_755 = vector.broadcast %add3A_753 : i32 to vector<16xi32>
    %select_n3A_756 = arith.select %eq3A_749, %broadcast_in_dim3A_754, %broadcast_in_dim3A_755 : vector<16xi1>, vector<16xi32>
    %broadcast_in_dim3A_757 = vector.broadcast %min3A_740 : i32 to vector<16xi32>
    %select_n3A_758 = arith.select %eq3A_746, %broadcast_in_dim3A_757, %select_n3A_756 : vector<16xi1>, vector<16xi32>
    %broadcast_in_dim3A_759 = vector.broadcast %min3A_736 : i32 to vector<16xi32>
    %select_n3A_760 = arith.select %eq3A_743, %broadcast_in_dim3A_759, %select_n3A_758 : vector<16xi1>, vector<16xi32>
    %eq3A_761 = arith.constant 0 : i32
    %eq3A_762 = vector.broadcast %eq3A_761 : i32 to vector<16xi32>
    %eq3A_763 = arith.cmpi eq, %shift_right_arithmetic3A_123, %eq3A_762 : vector<16xi32>
    %select_n3A_764 = arith.select %eq3A_763, %select_n3A_760, %mul3A_726 : vector<16xi1>, vector<16xi32>
    %slice3A_765 = vector.extract_strided_slice %get3A_728 {offsets = [2], sizes = [1], strides = [1]} : vector<16xi32> to vector<1xi32>
    %squeeze3A_766 = vector.extract %slice3A_765[0] : i32 from vector<1xi32>
    %slice3A_767 = vector.extract_strided_slice %get3A_728 {offsets = [3], sizes = [1], strides = [1]} : vector<16xi32> to vector<1xi32>
    %squeeze3A_768 = vector.extract %slice3A_767[0] : i32 from vector<1xi32>
    %max3A_769 = arith.constant 0 : i32
    %max3A_770 = arith.maxsi %squeeze3A_766, %max3A_769 : i32
    %min3A_771 = arith.constant 112 : i32
    %min3A_772 = arith.minsi %max3A_770, %min3A_771 : i32
    %max3A_773 = arith.constant 0 : i32
    %max3A_774 = arith.maxsi %squeeze3A_768, %max3A_773 : i32
    %min3A_775 = arith.constant 112 : i32
    %min3A_776 = arith.minsi %max3A_774, %min3A_775 : i32
    %eq3A_777 = arith.constant 0 : i32
    %eq3A_778 = vector.broadcast %eq3A_777 : i32 to vector<16xi32>
    %eq3A_779 = arith.cmpi eq, %and3A_120, %eq3A_778 : vector<16xi32>
    %eq3A_780 = arith.constant 1 : i32
    %eq3A_781 = vector.broadcast %eq3A_780 : i32 to vector<16xi32>
    %eq3A_782 = arith.cmpi eq, %and3A_120, %eq3A_781 : vector<16xi32>
    %eq3A_783 = arith.constant 2 : i32
    %eq3A_784 = vector.broadcast %eq3A_783 : i32 to vector<16xi32>
    %eq3A_785 = arith.cmpi eq, %and3A_120, %eq3A_784 : vector<16xi32>
    %add3A_786 = arith.constant 16 : i32
    %add3A_787 = arith.addi %min3A_772, %add3A_786 : i32
    %add3A_788 = arith.constant 16 : i32
    %add3A_789 = arith.addi %min3A_776, %add3A_788 : i32
    %broadcast_in_dim3A_790 = vector.broadcast %add3A_787 : i32 to vector<16xi32>
    %broadcast_in_dim3A_791 = vector.broadcast %add3A_789 : i32 to vector<16xi32>
    %select_n3A_792 = arith.select %eq3A_785, %broadcast_in_dim3A_790, %broadcast_in_dim3A_791 : vector<16xi1>, vector<16xi32>
    %broadcast_in_dim3A_793 = vector.broadcast %min3A_776 : i32 to vector<16xi32>
    %select_n3A_794 = arith.select %eq3A_782, %broadcast_in_dim3A_793, %select_n3A_792 : vector<16xi1>, vector<16xi32>
    %broadcast_in_dim3A_795 = vector.broadcast %min3A_772 : i32 to vector<16xi32>
    %select_n3A_796 = arith.select %eq3A_779, %broadcast_in_dim3A_795, %select_n3A_794 : vector<16xi1>, vector<16xi32>
    %eq3A_797 = arith.constant 1 : i32
    %eq3A_798 = vector.broadcast %eq3A_797 : i32 to vector<16xi32>
    %eq3A_799 = arith.cmpi eq, %shift_right_arithmetic3A_123, %eq3A_798 : vector<16xi32>
    %select_n3A_800 = arith.select %eq3A_799, %select_n3A_796, %select_n3A_764 : vector<16xi1>, vector<16xi32>
    %slice3A_801 = vector.extract_strided_slice %get3A_728 {offsets = [4], sizes = [1], strides = [1]} : vector<16xi32> to vector<1xi32>
    %squeeze3A_802 = vector.extract %slice3A_801[0] : i32 from vector<1xi32>
    %slice3A_803 = vector.extract_strided_slice %get3A_728 {offsets = [5], sizes = [1], strides = [1]} : vector<16xi32> to vector<1xi32>
    %squeeze3A_804 = vector.extract %slice3A_803[0] : i32 from vector<1xi32>
    %max3A_805 = arith.constant 0 : i32
    %max3A_806 = arith.maxsi %squeeze3A_802, %max3A_805 : i32
    %min3A_807 = arith.constant 112 : i32
    %min3A_808 = arith.minsi %max3A_806, %min3A_807 : i32
    %max3A_809 = arith.constant 0 : i32
    %max3A_810 = arith.maxsi %squeeze3A_804, %max3A_809 : i32
    %min3A_811 = arith.constant 112 : i32
    %min3A_812 = arith.minsi %max3A_810, %min3A_811 : i32
    %eq3A_813 = arith.constant 0 : i32
    %eq3A_814 = vector.broadcast %eq3A_813 : i32 to vector<16xi32>
    %eq3A_815 = arith.cmpi eq, %and3A_120, %eq3A_814 : vector<16xi32>
    %eq3A_816 = arith.constant 1 : i32
    %eq3A_817 = vector.broadcast %eq3A_816 : i32 to vector<16xi32>
    %eq3A_818 = arith.cmpi eq, %and3A_120, %eq3A_817 : vector<16xi32>
    %eq3A_819 = arith.constant 2 : i32
    %eq3A_820 = vector.broadcast %eq3A_819 : i32 to vector<16xi32>
    %eq3A_821 = arith.cmpi eq, %and3A_120, %eq3A_820 : vector<16xi32>
    %add3A_822 = arith.constant 16 : i32
    %add3A_823 = arith.addi %min3A_808, %add3A_822 : i32
    %add3A_824 = arith.constant 16 : i32
    %add3A_825 = arith.addi %min3A_812, %add3A_824 : i32
    %broadcast_in_dim3A_826 = vector.broadcast %add3A_823 : i32 to vector<16xi32>
    %broadcast_in_dim3A_827 = vector.broadcast %add3A_825 : i32 to vector<16xi32>
    %select_n3A_828 = arith.select %eq3A_821, %broadcast_in_dim3A_826, %broadcast_in_dim3A_827 : vector<16xi1>, vector<16xi32>
    %broadcast_in_dim3A_829 = vector.broadcast %min3A_812 : i32 to vector<16xi32>
    %select_n3A_830 = arith.select %eq3A_818, %broadcast_in_dim3A_829, %select_n3A_828 : vector<16xi1>, vector<16xi32>
    %broadcast_in_dim3A_831 = vector.broadcast %min3A_808 : i32 to vector<16xi32>
    %select_n3A_832 = arith.select %eq3A_815, %broadcast_in_dim3A_831, %select_n3A_830 : vector<16xi1>, vector<16xi32>
    %eq3A_833 = arith.constant 2 : i32
    %eq3A_834 = vector.broadcast %eq3A_833 : i32 to vector<16xi32>
    %eq3A_835 = arith.cmpi eq, %shift_right_arithmetic3A_123, %eq3A_834 : vector<16xi32>
    %select_n3A_836 = arith.select %eq3A_835, %select_n3A_832, %select_n3A_800 : vector<16xi1>, vector<16xi32>
    %slice3A_837 = vector.extract_strided_slice %get3A_728 {offsets = [6], sizes = [1], strides = [1]} : vector<16xi32> to vector<1xi32>
    %squeeze3A_838 = vector.extract %slice3A_837[0] : i32 from vector<1xi32>
    %slice3A_839 = vector.extract_strided_slice %get3A_728 {offsets = [7], sizes = [1], strides = [1]} : vector<16xi32> to vector<1xi32>
    %squeeze3A_840 = vector.extract %slice3A_839[0] : i32 from vector<1xi32>
    %max3A_841 = arith.constant 0 : i32
    %max3A_842 = arith.maxsi %squeeze3A_838, %max3A_841 : i32
    %min3A_843 = arith.constant 112 : i32
    %min3A_844 = arith.minsi %max3A_842, %min3A_843 : i32
    %max3A_845 = arith.constant 0 : i32
    %max3A_846 = arith.maxsi %squeeze3A_840, %max3A_845 : i32
    %min3A_847 = arith.constant 112 : i32
    %min3A_848 = arith.minsi %max3A_846, %min3A_847 : i32
    %eq3A_849 = arith.constant 0 : i32
    %eq3A_850 = vector.broadcast %eq3A_849 : i32 to vector<16xi32>
    %eq3A_851 = arith.cmpi eq, %and3A_120, %eq3A_850 : vector<16xi32>
    %eq3A_852 = arith.constant 1 : i32
    %eq3A_853 = vector.broadcast %eq3A_852 : i32 to vector<16xi32>
    %eq3A_854 = arith.cmpi eq, %and3A_120, %eq3A_853 : vector<16xi32>
    %eq3A_855 = arith.constant 2 : i32
    %eq3A_856 = vector.broadcast %eq3A_855 : i32 to vector<16xi32>
    %eq3A_857 = arith.cmpi eq, %and3A_120, %eq3A_856 : vector<16xi32>
    %add3A_858 = arith.constant 16 : i32
    %add3A_859 = arith.addi %min3A_844, %add3A_858 : i32
    %add3A_860 = arith.constant 16 : i32
    %add3A_861 = arith.addi %min3A_848, %add3A_860 : i32
    %broadcast_in_dim3A_862 = vector.broadcast %add3A_859 : i32 to vector<16xi32>
    %broadcast_in_dim3A_863 = vector.broadcast %add3A_861 : i32 to vector<16xi32>
    %select_n3A_864 = arith.select %eq3A_857, %broadcast_in_dim3A_862, %broadcast_in_dim3A_863 : vector<16xi1>, vector<16xi32>
    %broadcast_in_dim3A_865 = vector.broadcast %min3A_848 : i32 to vector<16xi32>
    %select_n3A_866 = arith.select %eq3A_854, %broadcast_in_dim3A_865, %select_n3A_864 : vector<16xi1>, vector<16xi32>
    %broadcast_in_dim3A_867 = vector.broadcast %min3A_844 : i32 to vector<16xi32>
    %select_n3A_868 = arith.select %eq3A_851, %broadcast_in_dim3A_867, %select_n3A_866 : vector<16xi1>, vector<16xi32>
    %eq3A_869 = arith.constant 3 : i32
    %eq3A_870 = vector.broadcast %eq3A_869 : i32 to vector<16xi32>
    %eq3A_871 = arith.cmpi eq, %shift_right_arithmetic3A_123, %eq3A_870 : vector<16xi32>
    %select_n3A_872 = arith.select %eq3A_871, %select_n3A_868, %select_n3A_836 : vector<16xi1>, vector<16xi32>
    %swap3A_873 = arith.constant 64 : index
    %swap3A_874 = tpu.vector_load %arg10[%swap3A_873] {strides = array<i32>} : memref<128xi32, #tpu.memory_space<vmem>>, vector<16xi32>,
    tpu.vector_store %arg10[%swap3A_873], %select_n3A_872 {strides = array<i32>} : memref<128xi32, #tpu.memory_space<vmem>>, vector<16xi32>,
    %mul3A_875 = arith.constant 0 : i32
    %mul3A_876 = vector.broadcast %mul3A_875 : i32 to vector<16xi32>
    %mul3A_877 = arith.muli %iota3A_117, %mul3A_876 : vector<16xi32>
    %get3A_878 = arith.constant 40 : index
    %get3A_879 = tpu.vector_load %arg8[%get3A_878] {strides = array<i32>} : memref<80xi32, #tpu.memory_space<vmem>>, vector<16xi32>,
    %slice3A_880 = vector.extract_strided_slice %get3A_879 {offsets = [0], sizes = [1], strides = [1]} : vector<16xi32> to vector<1xi32>
    %squeeze3A_881 = vector.extract %slice3A_880[0] : i32 from vector<1xi32>
    %slice3A_882 = vector.extract_strided_slice %get3A_879 {offsets = [1], sizes = [1], strides = [1]} : vector<16xi32> to vector<1xi32>
    %squeeze3A_883 = vector.extract %slice3A_882[0] : i32 from vector<1xi32>
    %max3A_884 = arith.constant 0 : i32
    %max3A_885 = arith.maxsi %squeeze3A_881, %max3A_884 : i32
    %min3A_886 = arith.constant 112 : i32
    %min3A_887 = arith.minsi %max3A_885, %min3A_886 : i32
    %max3A_888 = arith.constant 0 : i32
    %max3A_889 = arith.maxsi %squeeze3A_883, %max3A_888 : i32
    %min3A_890 = arith.constant 112 : i32
    %min3A_891 = arith.minsi %max3A_889, %min3A_890 : i32
    %eq3A_892 = arith.constant 0 : i32
    %eq3A_893 = vector.broadcast %eq3A_892 : i32 to vector<16xi32>
    %eq3A_894 = arith.cmpi eq, %and3A_120, %eq3A_893 : vector<16xi32>
    %eq3A_895 = arith.constant 1 : i32
    %eq3A_896 = vector.broadcast %eq3A_895 : i32 to vector<16xi32>
    %eq3A_897 = arith.cmpi eq, %and3A_120, %eq3A_896 : vector<16xi32>
    %eq3A_898 = arith.constant 2 : i32
    %eq3A_899 = vector.broadcast %eq3A_898 : i32 to vector<16xi32>
    %eq3A_900 = arith.cmpi eq, %and3A_120, %eq3A_899 : vector<16xi32>
    %add3A_901 = arith.constant 16 : i32
    %add3A_902 = arith.addi %min3A_887, %add3A_901 : i32
    %add3A_903 = arith.constant 16 : i32
    %add3A_904 = arith.addi %min3A_891, %add3A_903 : i32
    %broadcast_in_dim3A_905 = vector.broadcast %add3A_902 : i32 to vector<16xi32>
    %broadcast_in_dim3A_906 = vector.broadcast %add3A_904 : i32 to vector<16xi32>
    %select_n3A_907 = arith.select %eq3A_900, %broadcast_in_dim3A_905, %broadcast_in_dim3A_906 : vector<16xi1>, vector<16xi32>
    %broadcast_in_dim3A_908 = vector.broadcast %min3A_891 : i32 to vector<16xi32>
    %select_n3A_909 = arith.select %eq3A_897, %broadcast_in_dim3A_908, %select_n3A_907 : vector<16xi1>, vector<16xi32>
    %broadcast_in_dim3A_910 = vector.broadcast %min3A_887 : i32 to vector<16xi32>
    %select_n3A_911 = arith.select %eq3A_894, %broadcast_in_dim3A_910, %select_n3A_909 : vector<16xi1>, vector<16xi32>
    %eq3A_912 = arith.constant 0 : i32
    %eq3A_913 = vector.broadcast %eq3A_912 : i32 to vector<16xi32>
    %eq3A_914 = arith.cmpi eq, %shift_right_arithmetic3A_123, %eq3A_913 : vector<16xi32>
    %select_n3A_915 = arith.select %eq3A_914, %select_n3A_911, %mul3A_877 : vector<16xi1>, vector<16xi32>
    %slice3A_916 = vector.extract_strided_slice %get3A_879 {offsets = [2], sizes = [1], strides = [1]} : vector<16xi32> to vector<1xi32>
    %squeeze3A_917 = vector.extract %slice3A_916[0] : i32 from vector<1xi32>
    %slice3A_918 = vector.extract_strided_slice %get3A_879 {offsets = [3], sizes = [1], strides = [1]} : vector<16xi32> to vector<1xi32>
    %squeeze3A_919 = vector.extract %slice3A_918[0] : i32 from vector<1xi32>
    %max3A_920 = arith.constant 0 : i32
    %max3A_921 = arith.maxsi %squeeze3A_917, %max3A_920 : i32
    %min3A_922 = arith.constant 112 : i32
    %min3A_923 = arith.minsi %max3A_921, %min3A_922 : i32
    %max3A_924 = arith.constant 0 : i32
    %max3A_925 = arith.maxsi %squeeze3A_919, %max3A_924 : i32
    %min3A_926 = arith.constant 112 : i32
    %min3A_927 = arith.minsi %max3A_925, %min3A_926 : i32
    %eq3A_928 = arith.constant 0 : i32
    %eq3A_929 = vector.broadcast %eq3A_928 : i32 to vector<16xi32>
    %eq3A_930 = arith.cmpi eq, %and3A_120, %eq3A_929 : vector<16xi32>
    %eq3A_931 = arith.constant 1 : i32
    %eq3A_932 = vector.broadcast %eq3A_931 : i32 to vector<16xi32>
    %eq3A_933 = arith.cmpi eq, %and3A_120, %eq3A_932 : vector<16xi32>
    %eq3A_934 = arith.constant 2 : i32
    %eq3A_935 = vector.broadcast %eq3A_934 : i32 to vector<16xi32>
    %eq3A_936 = arith.cmpi eq, %and3A_120, %eq3A_935 : vector<16xi32>
    %add3A_937 = arith.constant 16 : i32
    %add3A_938 = arith.addi %min3A_923, %add3A_937 : i32
    %add3A_939 = arith.constant 16 : i32
    %add3A_940 = arith.addi %min3A_927, %add3A_939 : i32
    %broadcast_in_dim3A_941 = vector.broadcast %add3A_938 : i32 to vector<16xi32>
    %broadcast_in_dim3A_942 = vector.broadcast %add3A_940 : i32 to vector<16xi32>
    %select_n3A_943 = arith.select %eq3A_936, %broadcast_in_dim3A_941, %broadcast_in_dim3A_942 : vector<16xi1>, vector<16xi32>
    %broadcast_in_dim3A_944 = vector.broadcast %min3A_927 : i32 to vector<16xi32>
    %select_n3A_945 = arith.select %eq3A_933, %broadcast_in_dim3A_944, %select_n3A_943 : vector<16xi1>, vector<16xi32>
    %broadcast_in_dim3A_946 = vector.broadcast %min3A_923 : i32 to vector<16xi32>
    %select_n3A_947 = arith.select %eq3A_930, %broadcast_in_dim3A_946, %select_n3A_945 : vector<16xi1>, vector<16xi32>
    %eq3A_948 = arith.constant 1 : i32
    %eq3A_949 = vector.broadcast %eq3A_948 : i32 to vector<16xi32>
    %eq3A_950 = arith.cmpi eq, %shift_right_arithmetic3A_123, %eq3A_949 : vector<16xi32>
    %select_n3A_951 = arith.select %eq3A_950, %select_n3A_947, %select_n3A_915 : vector<16xi1>, vector<16xi32>
    %slice3A_952 = vector.extract_strided_slice %get3A_879 {offsets = [4], sizes = [1], strides = [1]} : vector<16xi32> to vector<1xi32>
    %squeeze3A_953 = vector.extract %slice3A_952[0] : i32 from vector<1xi32>
    %slice3A_954 = vector.extract_strided_slice %get3A_879 {offsets = [5], sizes = [1], strides = [1]} : vector<16xi32> to vector<1xi32>
    %squeeze3A_955 = vector.extract %slice3A_954[0] : i32 from vector<1xi32>
    %max3A_956 = arith.constant 0 : i32
    %max3A_957 = arith.maxsi %squeeze3A_953, %max3A_956 : i32
    %min3A_958 = arith.constant 112 : i32
    %min3A_959 = arith.minsi %max3A_957, %min3A_958 : i32
    %max3A_960 = arith.constant 0 : i32
    %max3A_961 = arith.maxsi %squeeze3A_955, %max3A_960 : i32
    %min3A_962 = arith.constant 112 : i32
    %min3A_963 = arith.minsi %max3A_961, %min3A_962 : i32
    %eq3A_964 = arith.constant 0 : i32
    %eq3A_965 = vector.broadcast %eq3A_964 : i32 to vector<16xi32>
    %eq3A_966 = arith.cmpi eq, %and3A_120, %eq3A_965 : vector<16xi32>
    %eq3A_967 = arith.constant 1 : i32
    %eq3A_968 = vector.broadcast %eq3A_967 : i32 to vector<16xi32>
    %eq3A_969 = arith.cmpi eq, %and3A_120, %eq3A_968 : vector<16xi32>
    %eq3A_970 = arith.constant 2 : i32
    %eq3A_971 = vector.broadcast %eq3A_970 : i32 to vector<16xi32>
    %eq3A_972 = arith.cmpi eq, %and3A_120, %eq3A_971 : vector<16xi32>
    %add3A_973 = arith.constant 16 : i32
    %add3A_974 = arith.addi %min3A_959, %add3A_973 : i32
    %add3A_975 = arith.constant 16 : i32
    %add3A_976 = arith.addi %min3A_963, %add3A_975 : i32
    %broadcast_in_dim3A_977 = vector.broadcast %add3A_974 : i32 to vector<16xi32>
    %broadcast_in_dim3A_978 = vector.broadcast %add3A_976 : i32 to vector<16xi32>
    %select_n3A_979 = arith.select %eq3A_972, %broadcast_in_dim3A_977, %broadcast_in_dim3A_978 : vector<16xi1>, vector<16xi32>
    %broadcast_in_dim3A_980 = vector.broadcast %min3A_963 : i32 to vector<16xi32>
    %select_n3A_981 = arith.select %eq3A_969, %broadcast_in_dim3A_980, %select_n3A_979 : vector<16xi1>, vector<16xi32>
    %broadcast_in_dim3A_982 = vector.broadcast %min3A_959 : i32 to vector<16xi32>
    %select_n3A_983 = arith.select %eq3A_966, %broadcast_in_dim3A_982, %select_n3A_981 : vector<16xi1>, vector<16xi32>
    %eq3A_984 = arith.constant 2 : i32
    %eq3A_985 = vector.broadcast %eq3A_984 : i32 to vector<16xi32>
    %eq3A_986 = arith.cmpi eq, %shift_right_arithmetic3A_123, %eq3A_985 : vector<16xi32>
    %select_n3A_987 = arith.select %eq3A_986, %select_n3A_983, %select_n3A_951 : vector<16xi1>, vector<16xi32>
    %slice3A_988 = vector.extract_strided_slice %get3A_879 {offsets = [6], sizes = [1], strides = [1]} : vector<16xi32> to vector<1xi32>
    %squeeze3A_989 = vector.extract %slice3A_988[0] : i32 from vector<1xi32>
    %slice3A_990 = vector.extract_strided_slice %get3A_879 {offsets = [7], sizes = [1], strides = [1]} : vector<16xi32> to vector<1xi32>
    %squeeze3A_991 = vector.extract %slice3A_990[0] : i32 from vector<1xi32>
    %max3A_992 = arith.constant 0 : i32
    %max3A_993 = arith.maxsi %squeeze3A_989, %max3A_992 : i32
    %min3A_994 = arith.constant 112 : i32
    %min3A_995 = arith.minsi %max3A_993, %min3A_994 : i32
    %max3A_996 = arith.constant 0 : i32
    %max3A_997 = arith.maxsi %squeeze3A_991, %max3A_996 : i32
    %min3A_998 = arith.constant 112 : i32
    %min3A_999 = arith.minsi %max3A_997, %min3A_998 : i32
    %eq3A_1000 = arith.constant 0 : i32
    %eq3A_1001 = vector.broadcast %eq3A_1000 : i32 to vector<16xi32>
    %eq3A_1002 = arith.cmpi eq, %and3A_120, %eq3A_1001 : vector<16xi32>
    %eq3A_1003 = arith.constant 1 : i32
    %eq3A_1004 = vector.broadcast %eq3A_1003 : i32 to vector<16xi32>
    %eq3A_1005 = arith.cmpi eq, %and3A_120, %eq3A_1004 : vector<16xi32>
    %eq3A_1006 = arith.constant 2 : i32
    %eq3A_1007 = vector.broadcast %eq3A_1006 : i32 to vector<16xi32>
    %eq3A_1008 = arith.cmpi eq, %and3A_120, %eq3A_1007 : vector<16xi32>
    %add3A_1009 = arith.constant 16 : i32
    %add3A_1010 = arith.addi %min3A_995, %add3A_1009 : i32
    %add3A_1011 = arith.constant 16 : i32
    %add3A_1012 = arith.addi %min3A_999, %add3A_1011 : i32
    %broadcast_in_dim3A_1013 = vector.broadcast %add3A_1010 : i32 to vector<16xi32>
    %broadcast_in_dim3A_1014 = vector.broadcast %add3A_1012 : i32 to vector<16xi32>
    %select_n3A_1015 = arith.select %eq3A_1008, %broadcast_in_dim3A_1013, %broadcast_in_dim3A_1014 : vector<16xi1>, vector<16xi32>
    %broadcast_in_dim3A_1016 = vector.broadcast %min3A_999 : i32 to vector<16xi32>
    %select_n3A_1017 = arith.select %eq3A_1005, %broadcast_in_dim3A_1016, %select_n3A_1015 : vector<16xi1>, vector<16xi32>
    %broadcast_in_dim3A_1018 = vector.broadcast %min3A_995 : i32 to vector<16xi32>
    %select_n3A_1019 = arith.select %eq3A_1002, %broadcast_in_dim3A_1018, %select_n3A_1017 : vector<16xi1>, vector<16xi32>
    %eq3A_1020 = arith.constant 3 : i32
    %eq3A_1021 = vector.broadcast %eq3A_1020 : i32 to vector<16xi32>
    %eq3A_1022 = arith.cmpi eq, %shift_right_arithmetic3A_123, %eq3A_1021 : vector<16xi32>
    %select_n3A_1023 = arith.select %eq3A_1022, %select_n3A_1019, %select_n3A_987 : vector<16xi1>, vector<16xi32>
    %swap3A_1024 = arith.constant 80 : index
    %swap3A_1025 = tpu.vector_load %arg10[%swap3A_1024] {strides = array<i32>} : memref<128xi32, #tpu.memory_space<vmem>>, vector<16xi32>,
    tpu.vector_store %arg10[%swap3A_1024], %select_n3A_1023 {strides = array<i32>} : memref<128xi32, #tpu.memory_space<vmem>>, vector<16xi32>,
    %mul3A_1026 = arith.constant 0 : i32
    %mul3A_1027 = vector.broadcast %mul3A_1026 : i32 to vector<16xi32>
    %mul3A_1028 = arith.muli %iota3A_117, %mul3A_1027 : vector<16xi32>
    %get3A_1029 = arith.constant 48 : index
    %get3A_1030 = tpu.vector_load %arg8[%get3A_1029] {strides = array<i32>} : memref<80xi32, #tpu.memory_space<vmem>>, vector<16xi32>,
    %slice3A_1031 = vector.extract_strided_slice %get3A_1030 {offsets = [0], sizes = [1], strides = [1]} : vector<16xi32> to vector<1xi32>
    %squeeze3A_1032 = vector.extract %slice3A_1031[0] : i32 from vector<1xi32>
    %slice3A_1033 = vector.extract_strided_slice %get3A_1030 {offsets = [1], sizes = [1], strides = [1]} : vector<16xi32> to vector<1xi32>
    %squeeze3A_1034 = vector.extract %slice3A_1033[0] : i32 from vector<1xi32>
    %max3A_1035 = arith.constant 0 : i32
    %max3A_1036 = arith.maxsi %squeeze3A_1032, %max3A_1035 : i32
    %min3A_1037 = arith.constant 112 : i32
    %min3A_1038 = arith.minsi %max3A_1036, %min3A_1037 : i32
    %max3A_1039 = arith.constant 0 : i32
    %max3A_1040 = arith.maxsi %squeeze3A_1034, %max3A_1039 : i32
    %min3A_1041 = arith.constant 112 : i32
    %min3A_1042 = arith.minsi %max3A_1040, %min3A_1041 : i32
    %eq3A_1043 = arith.constant 0 : i32
    %eq3A_1044 = vector.broadcast %eq3A_1043 : i32 to vector<16xi32>
    %eq3A_1045 = arith.cmpi eq, %and3A_120, %eq3A_1044 : vector<16xi32>
    %eq3A_1046 = arith.constant 1 : i32
    %eq3A_1047 = vector.broadcast %eq3A_1046 : i32 to vector<16xi32>
    %eq3A_1048 = arith.cmpi eq, %and3A_120, %eq3A_1047 : vector<16xi32>
    %eq3A_1049 = arith.constant 2 : i32
    %eq3A_1050 = vector.broadcast %eq3A_1049 : i32 to vector<16xi32>
    %eq3A_1051 = arith.cmpi eq, %and3A_120, %eq3A_1050 : vector<16xi32>
    %add3A_1052 = arith.constant 16 : i32
    %add3A_1053 = arith.addi %min3A_1038, %add3A_1052 : i32
    %add3A_1054 = arith.constant 16 : i32
    %add3A_1055 = arith.addi %min3A_1042, %add3A_1054 : i32
    %broadcast_in_dim3A_1056 = vector.broadcast %add3A_1053 : i32 to vector<16xi32>
    %broadcast_in_dim3A_1057 = vector.broadcast %add3A_1055 : i32 to vector<16xi32>
    %select_n3A_1058 = arith.select %eq3A_1051, %broadcast_in_dim3A_1056, %broadcast_in_dim3A_1057 : vector<16xi1>, vector<16xi32>
    %broadcast_in_dim3A_1059 = vector.broadcast %min3A_1042 : i32 to vector<16xi32>
    %select_n3A_1060 = arith.select %eq3A_1048, %broadcast_in_dim3A_1059, %select_n3A_1058 : vector<16xi1>, vector<16xi32>
    %broadcast_in_dim3A_1061 = vector.broadcast %min3A_1038 : i32 to vector<16xi32>
    %select_n3A_1062 = arith.select %eq3A_1045, %broadcast_in_dim3A_1061, %select_n3A_1060 : vector<16xi1>, vector<16xi32>
    %eq3A_1063 = arith.constant 0 : i32
    %eq3A_1064 = vector.broadcast %eq3A_1063 : i32 to vector<16xi32>
    %eq3A_1065 = arith.cmpi eq, %shift_right_arithmetic3A_123, %eq3A_1064 : vector<16xi32>
    %select_n3A_1066 = arith.select %eq3A_1065, %select_n3A_1062, %mul3A_1028 : vector<16xi1>, vector<16xi32>
    %slice3A_1067 = vector.extract_strided_slice %get3A_1030 {offsets = [2], sizes = [1], strides = [1]} : vector<16xi32> to vector<1xi32>
    %squeeze3A_1068 = vector.extract %slice3A_1067[0] : i32 from vector<1xi32>
    %slice3A_1069 = vector.extract_strided_slice %get3A_1030 {offsets = [3], sizes = [1], strides = [1]} : vector<16xi32> to vector<1xi32>
    %squeeze3A_1070 = vector.extract %slice3A_1069[0] : i32 from vector<1xi32>
    %max3A_1071 = arith.constant 0 : i32
    %max3A_1072 = arith.maxsi %squeeze3A_1068, %max3A_1071 : i32
    %min3A_1073 = arith.constant 112 : i32
    %min3A_1074 = arith.minsi %max3A_1072, %min3A_1073 : i32
    %max3A_1075 = arith.constant 0 : i32
    %max3A_1076 = arith.maxsi %squeeze3A_1070, %max3A_1075 : i32
    %min3A_1077 = arith.constant 112 : i32
    %min3A_1078 = arith.minsi %max3A_1076, %min3A_1077 : i32
    %eq3A_1079 = arith.constant 0 : i32
    %eq3A_1080 = vector.broadcast %eq3A_1079 : i32 to vector<16xi32>
    %eq3A_1081 = arith.cmpi eq, %and3A_120, %eq3A_1080 : vector<16xi32>
    %eq3A_1082 = arith.constant 1 : i32
    %eq3A_1083 = vector.broadcast %eq3A_1082 : i32 to vector<16xi32>
    %eq3A_1084 = arith.cmpi eq, %and3A_120, %eq3A_1083 : vector<16xi32>
    %eq3A_1085 = arith.constant 2 : i32
    %eq3A_1086 = vector.broadcast %eq3A_1085 : i32 to vector<16xi32>
    %eq3A_1087 = arith.cmpi eq, %and3A_120, %eq3A_1086 : vector<16xi32>
    %add3A_1088 = arith.constant 16 : i32
    %add3A_1089 = arith.addi %min3A_1074, %add3A_1088 : i32
    %add3A_1090 = arith.constant 16 : i32
    %add3A_1091 = arith.addi %min3A_1078, %add3A_1090 : i32
    %broadcast_in_dim3A_1092 = vector.broadcast %add3A_1089 : i32 to vector<16xi32>
    %broadcast_in_dim3A_1093 = vector.broadcast %add3A_1091 : i32 to vector<16xi32>
    %select_n3A_1094 = arith.select %eq3A_1087, %broadcast_in_dim3A_1092, %broadcast_in_dim3A_1093 : vector<16xi1>, vector<16xi32>
    %broadcast_in_dim3A_1095 = vector.broadcast %min3A_1078 : i32 to vector<16xi32>
    %select_n3A_1096 = arith.select %eq3A_1084, %broadcast_in_dim3A_1095, %select_n3A_1094 : vector<16xi1>, vector<16xi32>
    %broadcast_in_dim3A_1097 = vector.broadcast %min3A_1074 : i32 to vector<16xi32>
    %select_n3A_1098 = arith.select %eq3A_1081, %broadcast_in_dim3A_1097, %select_n3A_1096 : vector<16xi1>, vector<16xi32>
    %eq3A_1099 = arith.constant 1 : i32
    %eq3A_1100 = vector.broadcast %eq3A_1099 : i32 to vector<16xi32>
    %eq3A_1101 = arith.cmpi eq, %shift_right_arithmetic3A_123, %eq3A_1100 : vector<16xi32>
    %select_n3A_1102 = arith.select %eq3A_1101, %select_n3A_1098, %select_n3A_1066 : vector<16xi1>, vector<16xi32>
    %slice3A_1103 = vector.extract_strided_slice %get3A_1030 {offsets = [4], sizes = [1], strides = [1]} : vector<16xi32> to vector<1xi32>
    %squeeze3A_1104 = vector.extract %slice3A_1103[0] : i32 from vector<1xi32>
    %slice3A_1105 = vector.extract_strided_slice %get3A_1030 {offsets = [5], sizes = [1], strides = [1]} : vector<16xi32> to vector<1xi32>
    %squeeze3A_1106 = vector.extract %slice3A_1105[0] : i32 from vector<1xi32>
    %max3A_1107 = arith.constant 0 : i32
    %max3A_1108 = arith.maxsi %squeeze3A_1104, %max3A_1107 : i32
    %min3A_1109 = arith.constant 112 : i32
    %min3A_1110 = arith.minsi %max3A_1108, %min3A_1109 : i32
    %max3A_1111 = arith.constant 0 : i32
    %max3A_1112 = arith.maxsi %squeeze3A_1106, %max3A_1111 : i32
    %min3A_1113 = arith.constant 112 : i32
    %min3A_1114 = arith.minsi %max3A_1112, %min3A_1113 : i32
    %eq3A_1115 = arith.constant 0 : i32
    %eq3A_1116 = vector.broadcast %eq3A_1115 : i32 to vector<16xi32>
    %eq3A_1117 = arith.cmpi eq, %and3A_120, %eq3A_1116 : vector<16xi32>
    %eq3A_1118 = arith.constant 1 : i32
    %eq3A_1119 = vector.broadcast %eq3A_1118 : i32 to vector<16xi32>
    %eq3A_1120 = arith.cmpi eq, %and3A_120, %eq3A_1119 : vector<16xi32>
    %eq3A_1121 = arith.constant 2 : i32
    %eq3A_1122 = vector.broadcast %eq3A_1121 : i32 to vector<16xi32>
    %eq3A_1123 = arith.cmpi eq, %and3A_120, %eq3A_1122 : vector<16xi32>
    %add3A_1124 = arith.constant 16 : i32
    %add3A_1125 = arith.addi %min3A_1110, %add3A_1124 : i32
    %add3A_1126 = arith.constant 16 : i32
    %add3A_1127 = arith.addi %min3A_1114, %add3A_1126 : i32
    %broadcast_in_dim3A_1128 = vector.broadcast %add3A_1125 : i32 to vector<16xi32>
    %broadcast_in_dim3A_1129 = vector.broadcast %add3A_1127 : i32 to vector<16xi32>
    %select_n3A_1130 = arith.select %eq3A_1123, %broadcast_in_dim3A_1128, %broadcast_in_dim3A_1129 : vector<16xi1>, vector<16xi32>
    %broadcast_in_dim3A_1131 = vector.broadcast %min3A_1114 : i32 to vector<16xi32>
    %select_n3A_1132 = arith.select %eq3A_1120, %broadcast_in_dim3A_1131, %select_n3A_1130 : vector<16xi1>, vector<16xi32>
    %broadcast_in_dim3A_1133 = vector.broadcast %min3A_1110 : i32 to vector<16xi32>
    %select_n3A_1134 = arith.select %eq3A_1117, %broadcast_in_dim3A_1133, %select_n3A_1132 : vector<16xi1>, vector<16xi32>
    %eq3A_1135 = arith.constant 2 : i32
    %eq3A_1136 = vector.broadcast %eq3A_1135 : i32 to vector<16xi32>
    %eq3A_1137 = arith.cmpi eq, %shift_right_arithmetic3A_123, %eq3A_1136 : vector<16xi32>
    %select_n3A_1138 = arith.select %eq3A_1137, %select_n3A_1134, %select_n3A_1102 : vector<16xi1>, vector<16xi32>
    %slice3A_1139 = vector.extract_strided_slice %get3A_1030 {offsets = [6], sizes = [1], strides = [1]} : vector<16xi32> to vector<1xi32>
    %squeeze3A_1140 = vector.extract %slice3A_1139[0] : i32 from vector<1xi32>
    %slice3A_1141 = vector.extract_strided_slice %get3A_1030 {offsets = [7], sizes = [1], strides = [1]} : vector<16xi32> to vector<1xi32>
    %squeeze3A_1142 = vector.extract %slice3A_1141[0] : i32 from vector<1xi32>
    %max3A_1143 = arith.constant 0 : i32
    %max3A_1144 = arith.maxsi %squeeze3A_1140, %max3A_1143 : i32
    %min3A_1145 = arith.constant 112 : i32
    %min3A_1146 = arith.minsi %max3A_1144, %min3A_1145 : i32
    %max3A_1147 = arith.constant 0 : i32
    %max3A_1148 = arith.maxsi %squeeze3A_1142, %max3A_1147 : i32
    %min3A_1149 = arith.constant 112 : i32
    %min3A_1150 = arith.minsi %max3A_1148, %min3A_1149 : i32
    %eq3A_1151 = arith.constant 0 : i32
    %eq3A_1152 = vector.broadcast %eq3A_1151 : i32 to vector<16xi32>
    %eq3A_1153 = arith.cmpi eq, %and3A_120, %eq3A_1152 : vector<16xi32>
    %eq3A_1154 = arith.constant 1 : i32
    %eq3A_1155 = vector.broadcast %eq3A_1154 : i32 to vector<16xi32>
    %eq3A_1156 = arith.cmpi eq, %and3A_120, %eq3A_1155 : vector<16xi32>
    %eq3A_1157 = arith.constant 2 : i32
    %eq3A_1158 = vector.broadcast %eq3A_1157 : i32 to vector<16xi32>
    %eq3A_1159 = arith.cmpi eq, %and3A_120, %eq3A_1158 : vector<16xi32>
    %add3A_1160 = arith.constant 16 : i32
    %add3A_1161 = arith.addi %min3A_1146, %add3A_1160 : i32
    %add3A_1162 = arith.constant 16 : i32
    %add3A_1163 = arith.addi %min3A_1150, %add3A_1162 : i32
    %broadcast_in_dim3A_1164 = vector.broadcast %add3A_1161 : i32 to vector<16xi32>
    %broadcast_in_dim3A_1165 = vector.broadcast %add3A_1163 : i32 to vector<16xi32>
    %select_n3A_1166 = arith.select %eq3A_1159, %broadcast_in_dim3A_1164, %broadcast_in_dim3A_1165 : vector<16xi1>, vector<16xi32>
    %broadcast_in_dim3A_1167 = vector.broadcast %min3A_1150 : i32 to vector<16xi32>
    %select_n3A_1168 = arith.select %eq3A_1156, %broadcast_in_dim3A_1167, %select_n3A_1166 : vector<16xi1>, vector<16xi32>
    %broadcast_in_dim3A_1169 = vector.broadcast %min3A_1146 : i32 to vector<16xi32>
    %select_n3A_1170 = arith.select %eq3A_1153, %broadcast_in_dim3A_1169, %select_n3A_1168 : vector<16xi1>, vector<16xi32>
    %eq3A_1171 = arith.constant 3 : i32
    %eq3A_1172 = vector.broadcast %eq3A_1171 : i32 to vector<16xi32>
    %eq3A_1173 = arith.cmpi eq, %shift_right_arithmetic3A_123, %eq3A_1172 : vector<16xi32>
    %select_n3A_1174 = arith.select %eq3A_1173, %select_n3A_1170, %select_n3A_1138 : vector<16xi1>, vector<16xi32>
    %swap3A_1175 = arith.constant 96 : index
    %swap3A_1176 = tpu.vector_load %arg10[%swap3A_1175] {strides = array<i32>} : memref<128xi32, #tpu.memory_space<vmem>>, vector<16xi32>,
    tpu.vector_store %arg10[%swap3A_1175], %select_n3A_1174 {strides = array<i32>} : memref<128xi32, #tpu.memory_space<vmem>>, vector<16xi32>,
    %mul3A_1177 = arith.constant 0 : i32
    %mul3A_1178 = vector.broadcast %mul3A_1177 : i32 to vector<16xi32>
    %mul3A_1179 = arith.muli %iota3A_117, %mul3A_1178 : vector<16xi32>
    %get3A_1180 = arith.constant 56 : index
    %get3A_1181 = tpu.vector_load %arg8[%get3A_1180] {strides = array<i32>} : memref<80xi32, #tpu.memory_space<vmem>>, vector<16xi32>,
    %slice3A_1182 = vector.extract_strided_slice %get3A_1181 {offsets = [0], sizes = [1], strides = [1]} : vector<16xi32> to vector<1xi32>
    %squeeze3A_1183 = vector.extract %slice3A_1182[0] : i32 from vector<1xi32>
    %slice3A_1184 = vector.extract_strided_slice %get3A_1181 {offsets = [1], sizes = [1], strides = [1]} : vector<16xi32> to vector<1xi32>
    %squeeze3A_1185 = vector.extract %slice3A_1184[0] : i32 from vector<1xi32>
    %max3A_1186 = arith.constant 0 : i32
    %max3A_1187 = arith.maxsi %squeeze3A_1183, %max3A_1186 : i32
    %min3A_1188 = arith.constant 112 : i32
    %min3A_1189 = arith.minsi %max3A_1187, %min3A_1188 : i32
    %max3A_1190 = arith.constant 0 : i32
    %max3A_1191 = arith.maxsi %squeeze3A_1185, %max3A_1190 : i32
    %min3A_1192 = arith.constant 112 : i32
    %min3A_1193 = arith.minsi %max3A_1191, %min3A_1192 : i32
    %eq3A_1194 = arith.constant 0 : i32
    %eq3A_1195 = vector.broadcast %eq3A_1194 : i32 to vector<16xi32>
    %eq3A_1196 = arith.cmpi eq, %and3A_120, %eq3A_1195 : vector<16xi32>
    %eq3A_1197 = arith.constant 1 : i32
    %eq3A_1198 = vector.broadcast %eq3A_1197 : i32 to vector<16xi32>
    %eq3A_1199 = arith.cmpi eq, %and3A_120, %eq3A_1198 : vector<16xi32>
    %eq3A_1200 = arith.constant 2 : i32
    %eq3A_1201 = vector.broadcast %eq3A_1200 : i32 to vector<16xi32>
    %eq3A_1202 = arith.cmpi eq, %and3A_120, %eq3A_1201 : vector<16xi32>
    %add3A_1203 = arith.constant 16 : i32
    %add3A_1204 = arith.addi %min3A_1189, %add3A_1203 : i32
    %add3A_1205 = arith.constant 16 : i32
    %add3A_1206 = arith.addi %min3A_1193, %add3A_1205 : i32
    %broadcast_in_dim3A_1207 = vector.broadcast %add3A_1204 : i32 to vector<16xi32>
    %broadcast_in_dim3A_1208 = vector.broadcast %add3A_1206 : i32 to vector<16xi32>
    %select_n3A_1209 = arith.select %eq3A_1202, %broadcast_in_dim3A_1207, %broadcast_in_dim3A_1208 : vector<16xi1>, vector<16xi32>
    %broadcast_in_dim3A_1210 = vector.broadcast %min3A_1193 : i32 to vector<16xi32>
    %select_n3A_1211 = arith.select %eq3A_1199, %broadcast_in_dim3A_1210, %select_n3A_1209 : vector<16xi1>, vector<16xi32>
    %broadcast_in_dim3A_1212 = vector.broadcast %min3A_1189 : i32 to vector<16xi32>
    %select_n3A_1213 = arith.select %eq3A_1196, %broadcast_in_dim3A_1212, %select_n3A_1211 : vector<16xi1>, vector<16xi32>
    %eq3A_1214 = arith.constant 0 : i32
    %eq3A_1215 = vector.broadcast %eq3A_1214 : i32 to vector<16xi32>
    %eq3A_1216 = arith.cmpi eq, %shift_right_arithmetic3A_123, %eq3A_1215 : vector<16xi32>
    %select_n3A_1217 = arith.select %eq3A_1216, %select_n3A_1213, %mul3A_1179 : vector<16xi1>, vector<16xi32>
    %slice3A_1218 = vector.extract_strided_slice %get3A_1181 {offsets = [2], sizes = [1], strides = [1]} : vector<16xi32> to vector<1xi32>
    %squeeze3A_1219 = vector.extract %slice3A_1218[0] : i32 from vector<1xi32>
    %slice3A_1220 = vector.extract_strided_slice %get3A_1181 {offsets = [3], sizes = [1], strides = [1]} : vector<16xi32> to vector<1xi32>
    %squeeze3A_1221 = vector.extract %slice3A_1220[0] : i32 from vector<1xi32>
    %max3A_1222 = arith.constant 0 : i32
    %max3A_1223 = arith.maxsi %squeeze3A_1219, %max3A_1222 : i32
    %min3A_1224 = arith.constant 112 : i32
    %min3A_1225 = arith.minsi %max3A_1223, %min3A_1224 : i32
    %max3A_1226 = arith.constant 0 : i32
    %max3A_1227 = arith.maxsi %squeeze3A_1221, %max3A_1226 : i32
    %min3A_1228 = arith.constant 112 : i32
    %min3A_1229 = arith.minsi %max3A_1227, %min3A_1228 : i32
    %eq3A_1230 = arith.constant 0 : i32
    %eq3A_1231 = vector.broadcast %eq3A_1230 : i32 to vector<16xi32>
    %eq3A_1232 = arith.cmpi eq, %and3A_120, %eq3A_1231 : vector<16xi32>
    %eq3A_1233 = arith.constant 1 : i32
    %eq3A_1234 = vector.broadcast %eq3A_1233 : i32 to vector<16xi32>
    %eq3A_1235 = arith.cmpi eq, %and3A_120, %eq3A_1234 : vector<16xi32>
    %eq3A_1236 = arith.constant 2 : i32
    %eq3A_1237 = vector.broadcast %eq3A_1236 : i32 to vector<16xi32>
    %eq3A_1238 = arith.cmpi eq, %and3A_120, %eq3A_1237 : vector<16xi32>
    %add3A_1239 = arith.constant 16 : i32
    %add3A_1240 = arith.addi %min3A_1225, %add3A_1239 : i32
    %add3A_1241 = arith.constant 16 : i32
    %add3A_1242 = arith.addi %min3A_1229, %add3A_1241 : i32
    %broadcast_in_dim3A_1243 = vector.broadcast %add3A_1240 : i32 to vector<16xi32>
    %broadcast_in_dim3A_1244 = vector.broadcast %add3A_1242 : i32 to vector<16xi32>
    %select_n3A_1245 = arith.select %eq3A_1238, %broadcast_in_dim3A_1243, %broadcast_in_dim3A_1244 : vector<16xi1>, vector<16xi32>
    %broadcast_in_dim3A_1246 = vector.broadcast %min3A_1229 : i32 to vector<16xi32>
    %select_n3A_1247 = arith.select %eq3A_1235, %broadcast_in_dim3A_1246, %select_n3A_1245 : vector<16xi1>, vector<16xi32>
    %broadcast_in_dim3A_1248 = vector.broadcast %min3A_1225 : i32 to vector<16xi32>
    %select_n3A_1249 = arith.select %eq3A_1232, %broadcast_in_dim3A_1248, %select_n3A_1247 : vector<16xi1>, vector<16xi32>
    %eq3A_1250 = arith.constant 1 : i32
    %eq3A_1251 = vector.broadcast %eq3A_1250 : i32 to vector<16xi32>
    %eq3A_1252 = arith.cmpi eq, %shift_right_arithmetic3A_123, %eq3A_1251 : vector<16xi32>
    %select_n3A_1253 = arith.select %eq3A_1252, %select_n3A_1249, %select_n3A_1217 : vector<16xi1>, vector<16xi32>
    %slice3A_1254 = vector.extract_strided_slice %get3A_1181 {offsets = [4], sizes = [1], strides = [1]} : vector<16xi32> to vector<1xi32>
    %squeeze3A_1255 = vector.extract %slice3A_1254[0] : i32 from vector<1xi32>
    %slice3A_1256 = vector.extract_strided_slice %get3A_1181 {offsets = [5], sizes = [1], strides = [1]} : vector<16xi32> to vector<1xi32>
    %squeeze3A_1257 = vector.extract %slice3A_1256[0] : i32 from vector<1xi32>
    %max3A_1258 = arith.constant 0 : i32
    %max3A_1259 = arith.maxsi %squeeze3A_1255, %max3A_1258 : i32
    %min3A_1260 = arith.constant 112 : i32
    %min3A_1261 = arith.minsi %max3A_1259, %min3A_1260 : i32
    %max3A_1262 = arith.constant 0 : i32
    %max3A_1263 = arith.maxsi %squeeze3A_1257, %max3A_1262 : i32
    %min3A_1264 = arith.constant 112 : i32
    %min3A_1265 = arith.minsi %max3A_1263, %min3A_1264 : i32
    %eq3A_1266 = arith.constant 0 : i32
    %eq3A_1267 = vector.broadcast %eq3A_1266 : i32 to vector<16xi32>
    %eq3A_1268 = arith.cmpi eq, %and3A_120, %eq3A_1267 : vector<16xi32>
    %eq3A_1269 = arith.constant 1 : i32
    %eq3A_1270 = vector.broadcast %eq3A_1269 : i32 to vector<16xi32>
    %eq3A_1271 = arith.cmpi eq, %and3A_120, %eq3A_1270 : vector<16xi32>
    %eq3A_1272 = arith.constant 2 : i32
    %eq3A_1273 = vector.broadcast %eq3A_1272 : i32 to vector<16xi32>
    %eq3A_1274 = arith.cmpi eq, %and3A_120, %eq3A_1273 : vector<16xi32>
    %add3A_1275 = arith.constant 16 : i32
    %add3A_1276 = arith.addi %min3A_1261, %add3A_1275 : i32
    %add3A_1277 = arith.constant 16 : i32
    %add3A_1278 = arith.addi %min3A_1265, %add3A_1277 : i32
    %broadcast_in_dim3A_1279 = vector.broadcast %add3A_1276 : i32 to vector<16xi32>
    %broadcast_in_dim3A_1280 = vector.broadcast %add3A_1278 : i32 to vector<16xi32>
    %select_n3A_1281 = arith.select %eq3A_1274, %broadcast_in_dim3A_1279, %broadcast_in_dim3A_1280 : vector<16xi1>, vector<16xi32>
    %broadcast_in_dim3A_1282 = vector.broadcast %min3A_1265 : i32 to vector<16xi32>
    %select_n3A_1283 = arith.select %eq3A_1271, %broadcast_in_dim3A_1282, %select_n3A_1281 : vector<16xi1>, vector<16xi32>
    %broadcast_in_dim3A_1284 = vector.broadcast %min3A_1261 : i32 to vector<16xi32>
    %select_n3A_1285 = arith.select %eq3A_1268, %broadcast_in_dim3A_1284, %select_n3A_1283 : vector<16xi1>, vector<16xi32>
    %eq3A_1286 = arith.constant 2 : i32
    %eq3A_1287 = vector.broadcast %eq3A_1286 : i32 to vector<16xi32>
    %eq3A_1288 = arith.cmpi eq, %shift_right_arithmetic3A_123, %eq3A_1287 : vector<16xi32>
    %select_n3A_1289 = arith.select %eq3A_1288, %select_n3A_1285, %select_n3A_1253 : vector<16xi1>, vector<16xi32>
    %slice3A_1290 = vector.extract_strided_slice %get3A_1181 {offsets = [6], sizes = [1], strides = [1]} : vector<16xi32> to vector<1xi32>
    %squeeze3A_1291 = vector.extract %slice3A_1290[0] : i32 from vector<1xi32>
    %slice3A_1292 = vector.extract_strided_slice %get3A_1181 {offsets = [7], sizes = [1], strides = [1]} : vector<16xi32> to vector<1xi32>
    %squeeze3A_1293 = vector.extract %slice3A_1292[0] : i32 from vector<1xi32>
    %max3A_1294 = arith.constant 0 : i32
    %max3A_1295 = arith.maxsi %squeeze3A_1291, %max3A_1294 : i32
    %min3A_1296 = arith.constant 112 : i32
    %min3A_1297 = arith.minsi %max3A_1295, %min3A_1296 : i32
    %max3A_1298 = arith.constant 0 : i32
    %max3A_1299 = arith.maxsi %squeeze3A_1293, %max3A_1298 : i32
    %min3A_1300 = arith.constant 112 : i32
    %min3A_1301 = arith.minsi %max3A_1299, %min3A_1300 : i32
    %eq3A_1302 = arith.constant 0 : i32
    %eq3A_1303 = vector.broadcast %eq3A_1302 : i32 to vector<16xi32>
    %eq3A_1304 = arith.cmpi eq, %and3A_120, %eq3A_1303 : vector<16xi32>
    %eq3A_1305 = arith.constant 1 : i32
    %eq3A_1306 = vector.broadcast %eq3A_1305 : i32 to vector<16xi32>
    %eq3A_1307 = arith.cmpi eq, %and3A_120, %eq3A_1306 : vector<16xi32>
    %eq3A_1308 = arith.constant 2 : i32
    %eq3A_1309 = vector.broadcast %eq3A_1308 : i32 to vector<16xi32>
    %eq3A_1310 = arith.cmpi eq, %and3A_120, %eq3A_1309 : vector<16xi32>
    %add3A_1311 = arith.constant 16 : i32
    %add3A_1312 = arith.addi %min3A_1297, %add3A_1311 : i32
    %add3A_1313 = arith.constant 16 : i32
    %add3A_1314 = arith.addi %min3A_1301, %add3A_1313 : i32
    %broadcast_in_dim3A_1315 = vector.broadcast %add3A_1312 : i32 to vector<16xi32>
    %broadcast_in_dim3A_1316 = vector.broadcast %add3A_1314 : i32 to vector<16xi32>
    %select_n3A_1317 = arith.select %eq3A_1310, %broadcast_in_dim3A_1315, %broadcast_in_dim3A_1316 : vector<16xi1>, vector<16xi32>
    %broadcast_in_dim3A_1318 = vector.broadcast %min3A_1301 : i32 to vector<16xi32>
    %select_n3A_1319 = arith.select %eq3A_1307, %broadcast_in_dim3A_1318, %select_n3A_1317 : vector<16xi1>, vector<16xi32>
    %broadcast_in_dim3A_1320 = vector.broadcast %min3A_1297 : i32 to vector<16xi32>
    %select_n3A_1321 = arith.select %eq3A_1304, %broadcast_in_dim3A_1320, %select_n3A_1319 : vector<16xi1>, vector<16xi32>
    %eq3A_1322 = arith.constant 3 : i32
    %eq3A_1323 = vector.broadcast %eq3A_1322 : i32 to vector<16xi32>
    %eq3A_1324 = arith.cmpi eq, %shift_right_arithmetic3A_123, %eq3A_1323 : vector<16xi32>
    %select_n3A_1325 = arith.select %eq3A_1324, %select_n3A_1321, %select_n3A_1289 : vector<16xi1>, vector<16xi32>
    %swap3A_1326 = arith.constant 112 : index
    %swap3A_1327 = tpu.vector_load %arg10[%swap3A_1326] {strides = array<i32>} : memref<128xi32, #tpu.memory_space<vmem>>, vector<16xi32>,
    tpu.vector_store %arg10[%swap3A_1326], %select_n3A_1325 {strides = array<i32>} : memref<128xi32, #tpu.memory_space<vmem>>, vector<16xi32>,
    %mul3A_1328 = arith.constant 4 : i32
    %mul3A_1329 = arith.muli %mul3A_2, %mul3A_1328 : i32
    "tpu.region"() ({
      %run_scoped3A = tpu.sem_alloc : memref<!tpu.dma_semaphore, #tpu.memory_space<semaphore_mem>>
      %dma_start3A_1333 = tpu.memref_slice %arg6[%mul3A_1329] : memref<4096xi32, #tpu.memory_space<hbm>> -> memref<128xi32, #tpu.memory_space<hbm>>
      %dma_start3A_1334 = tpu.memref_slice %arg6[%mul3A_1329] : memref<4096xi32, #tpu.memory_space<hbm>> -> memref<128xi32, #tpu.memory_space<hbm>>
      tpu.enqueue_dma source(%arg10 : memref<128xi32, #tpu.memory_space<vmem>>) target(%dma_start3A_1334 : memref<128xi32, #tpu.memory_space<hbm>>) target_semaphore(%run_scoped3A : memref<!tpu.dma_semaphore, #tpu.memory_space<semaphore_mem>>)
      %dma_wait3A_1335 = tpu.memref_slice %arg6[%mul3A_1329] : memref<4096xi32, #tpu.memory_space<hbm>> -> memref<128xi32, #tpu.memory_space<hbm>>
      %dma_wait3A_1336 = tpu.memref_slice %arg6[%mul3A_1329] : memref<4096xi32, #tpu.memory_space<hbm>> -> memref<128xi32, #tpu.memory_space<hbm>>
      tpu.wait_dma2 semaphore(%run_scoped3A : memref<!tpu.dma_semaphore, #tpu.memory_space<semaphore_mem>>) src(%arg10 : memref<128xi32, #tpu.memory_space<vmem>>) dst(%dma_wait3A_1336 : memref<128xi32, #tpu.memory_space<hbm>>)
      tpu.yield
    }) : () -> ()
    %eq3A_1330 = arith.constant 0 : i32
    %eq3A_1331 = arith.cmpi eq, %add3A, %eq3A_1330 : i32
    %convert_element_type3A = arith.extui %eq3A_1331 : i1 to i32
    %cond3A = arith.constant 0 : i32
    %cond3A_1332 = arith.cmpi ne, %convert_element_type3A, %cond3A : i32
    scf.if %cond3A_1332 {
      %mul3A_1333 = arith.constant 0 : i32
      %mul3A_1334 = vector.broadcast %mul3A_1333 : i32 to vector<16xi32>
      %mul3A_1335 = arith.muli %iota3A_117, %mul3A_1334 : vector<16xi32>
      %scan3A_1336 = arith.constant 0 : i32
      %scan3A_1337 = arith.constant 1024 : i32
      %scan3A_1338 = arith.constant 0 : i32
      %scan3A_1339 = arith.constant 10 : i32
      %scan3A_1340 = arith.addi %scan3A_1338, %scan3A_1339 : i32
      %scan3A_1341 = arith.constant 1 : i32
      %scan3A_1342:2 = scf.for %scan3A_1451 = %scan3A_1338 to %scan3A_1340 step %scan3A_1341 iter_args(%scan3A_1452 = %scan3A_1336, %scan3A_1453 = %scan3A_1337) -> (i32, i32)  : i32 {
        %add3A_1454 = arith.addi %scan3A_1452, %scan3A_1453 : i32
        %shift_right_arithmetic3A_1455 = arith.constant 1 : i32
        %shift_right_arithmetic3A_1456 = arith.shrsi %add3A_1454, %shift_right_arithmetic3A_1455 : i32
        %get3A_1457 = arith.index_cast %shift_right_arithmetic3A_1456 : i32 to index
        %get3A_1458 = tpu.vector_load %arg9[%get3A_1457] {strides = array<i32>} : memref<1040xi32, #tpu.memory_space<vmem>>, vector<16xi32>,
        %slice3A_1459 = vector.extract_strided_slice %get3A_1458 {offsets = [0], sizes = [1], strides = [1]} : vector<16xi32> to vector<1xi32>
        %squeeze3A_1460 = vector.extract %slice3A_1459[0] : i32 from vector<1xi32>
        %gt3A = arith.constant 0 : i32
        %gt3A_1461 = arith.cmpi sgt, %squeeze3A_1460, %gt3A : i32
        %add3A_1462 = arith.constant 1 : i32
        %add3A_1463 = arith.addi %shift_right_arithmetic3A_1456, %add3A_1462 : i32
        %select_n3A_1464 = arith.select %gt3A_1461, %scan3A_1452, %add3A_1463 : i32
        %select_n3A_1465 = arith.select %gt3A_1461, %shift_right_arithmetic3A_1456, %scan3A_1453 : i32
        scf.yield %select_n3A_1464, %select_n3A_1465 : i32, i32
      }
      %scan3A_1343 = arith.constant 10 : i32
      %eq3A_1344 = arith.constant 0 : i32
      %eq3A_1345 = vector.broadcast %eq3A_1344 : i32 to vector<16xi32>
      %eq3A_1346 = arith.cmpi eq, %iota3A_117, %eq3A_1345 : vector<16xi32>
      %sub3A_1347 = arith.constant 0 : i32
      %sub3A_1348 = arith.subi %scan3A_1342#0, %sub3A_1347 : i32
      %broadcast_in_dim3A_1349 = vector.broadcast %sub3A_1348 : i32 to vector<16xi32>
      %select_n3A_1350 = arith.select %eq3A_1346, %broadcast_in_dim3A_1349, %mul3A_1335 : vector<16xi1>, vector<16xi32>
      %scan3A_1351 = arith.constant 0 : i32
      %scan3A_1352 = arith.constant 1024 : i32
      %scan3A_1353 = arith.constant 0 : i32
      %scan3A_1354 = arith.constant 10 : i32
      %scan3A_1355 = arith.addi %scan3A_1353, %scan3A_1354 : i32
      %scan3A_1356 = arith.constant 1 : i32
      %scan3A_1357:2 = scf.for %scan3A_1451 = %scan3A_1353 to %scan3A_1355 step %scan3A_1356 iter_args(%scan3A_1452 = %scan3A_1351, %scan3A_1453 = %scan3A_1352) -> (i32, i32)  : i32 {
        %add3A_1454 = arith.addi %scan3A_1452, %scan3A_1453 : i32
        %shift_right_arithmetic3A_1455 = arith.constant 1 : i32
        %shift_right_arithmetic3A_1456 = arith.shrsi %add3A_1454, %shift_right_arithmetic3A_1455 : i32
        %get3A_1457 = arith.index_cast %shift_right_arithmetic3A_1456 : i32 to index
        %get3A_1458 = tpu.vector_load %arg9[%get3A_1457] {strides = array<i32>} : memref<1040xi32, #tpu.memory_space<vmem>>, vector<16xi32>,
        %slice3A_1459 = vector.extract_strided_slice %get3A_1458 {offsets = [0], sizes = [1], strides = [1]} : vector<16xi32> to vector<1xi32>
        %squeeze3A_1460 = vector.extract %slice3A_1459[0] : i32 from vector<1xi32>
        %gt3A = arith.constant 1 : i32
        %gt3A_1461 = arith.cmpi sgt, %squeeze3A_1460, %gt3A : i32
        %add3A_1462 = arith.constant 1 : i32
        %add3A_1463 = arith.addi %shift_right_arithmetic3A_1456, %add3A_1462 : i32
        %select_n3A_1464 = arith.select %gt3A_1461, %scan3A_1452, %add3A_1463 : i32
        %select_n3A_1465 = arith.select %gt3A_1461, %shift_right_arithmetic3A_1456, %scan3A_1453 : i32
        scf.yield %select_n3A_1464, %select_n3A_1465 : i32, i32
      }
      %scan3A_1358 = arith.constant 10 : i32
      %eq3A_1359 = arith.constant 1 : i32
      %eq3A_1360 = vector.broadcast %eq3A_1359 : i32 to vector<16xi32>
      %eq3A_1361 = arith.cmpi eq, %iota3A_117, %eq3A_1360 : vector<16xi32>
      %sub3A_1362 = arith.subi %scan3A_1357#0, %scan3A_1342#0 : i32
      %broadcast_in_dim3A_1363 = vector.broadcast %sub3A_1362 : i32 to vector<16xi32>
      %select_n3A_1364 = arith.select %eq3A_1361, %broadcast_in_dim3A_1363, %select_n3A_1350 : vector<16xi1>, vector<16xi32>
      %scan3A_1365 = arith.constant 0 : i32
      %scan3A_1366 = arith.constant 1024 : i32
      %scan3A_1367 = arith.constant 0 : i32
      %scan3A_1368 = arith.constant 10 : i32
      %scan3A_1369 = arith.addi %scan3A_1367, %scan3A_1368 : i32
      %scan3A_1370 = arith.constant 1 : i32
      %scan3A_1371:2 = scf.for %scan3A_1451 = %scan3A_1367 to %scan3A_1369 step %scan3A_1370 iter_args(%scan3A_1452 = %scan3A_1365, %scan3A_1453 = %scan3A_1366) -> (i32, i32)  : i32 {
        %add3A_1454 = arith.addi %scan3A_1452, %scan3A_1453 : i32
        %shift_right_arithmetic3A_1455 = arith.constant 1 : i32
        %shift_right_arithmetic3A_1456 = arith.shrsi %add3A_1454, %shift_right_arithmetic3A_1455 : i32
        %get3A_1457 = arith.index_cast %shift_right_arithmetic3A_1456 : i32 to index
        %get3A_1458 = tpu.vector_load %arg9[%get3A_1457] {strides = array<i32>} : memref<1040xi32, #tpu.memory_space<vmem>>, vector<16xi32>,
        %slice3A_1459 = vector.extract_strided_slice %get3A_1458 {offsets = [0], sizes = [1], strides = [1]} : vector<16xi32> to vector<1xi32>
        %squeeze3A_1460 = vector.extract %slice3A_1459[0] : i32 from vector<1xi32>
        %gt3A = arith.constant 2 : i32
        %gt3A_1461 = arith.cmpi sgt, %squeeze3A_1460, %gt3A : i32
        %add3A_1462 = arith.constant 1 : i32
        %add3A_1463 = arith.addi %shift_right_arithmetic3A_1456, %add3A_1462 : i32
        %select_n3A_1464 = arith.select %gt3A_1461, %scan3A_1452, %add3A_1463 : i32
        %select_n3A_1465 = arith.select %gt3A_1461, %shift_right_arithmetic3A_1456, %scan3A_1453 : i32
        scf.yield %select_n3A_1464, %select_n3A_1465 : i32, i32
      }
      %scan3A_1372 = arith.constant 10 : i32
      %eq3A_1373 = arith.constant 2 : i32
      %eq3A_1374 = vector.broadcast %eq3A_1373 : i32 to vector<16xi32>
      %eq3A_1375 = arith.cmpi eq, %iota3A_117, %eq3A_1374 : vector<16xi32>
      %sub3A_1376 = arith.subi %scan3A_1371#0, %scan3A_1357#0 : i32
      %broadcast_in_dim3A_1377 = vector.broadcast %sub3A_1376 : i32 to vector<16xi32>
      %select_n3A_1378 = arith.select %eq3A_1375, %broadcast_in_dim3A_1377, %select_n3A_1364 : vector<16xi1>, vector<16xi32>
      %scan3A_1379 = arith.constant 0 : i32
      %scan3A_1380 = arith.constant 1024 : i32
      %scan3A_1381 = arith.constant 0 : i32
      %scan3A_1382 = arith.constant 10 : i32
      %scan3A_1383 = arith.addi %scan3A_1381, %scan3A_1382 : i32
      %scan3A_1384 = arith.constant 1 : i32
      %scan3A_1385:2 = scf.for %scan3A_1451 = %scan3A_1381 to %scan3A_1383 step %scan3A_1384 iter_args(%scan3A_1452 = %scan3A_1379, %scan3A_1453 = %scan3A_1380) -> (i32, i32)  : i32 {
        %add3A_1454 = arith.addi %scan3A_1452, %scan3A_1453 : i32
        %shift_right_arithmetic3A_1455 = arith.constant 1 : i32
        %shift_right_arithmetic3A_1456 = arith.shrsi %add3A_1454, %shift_right_arithmetic3A_1455 : i32
        %get3A_1457 = arith.index_cast %shift_right_arithmetic3A_1456 : i32 to index
        %get3A_1458 = tpu.vector_load %arg9[%get3A_1457] {strides = array<i32>} : memref<1040xi32, #tpu.memory_space<vmem>>, vector<16xi32>,
        %slice3A_1459 = vector.extract_strided_slice %get3A_1458 {offsets = [0], sizes = [1], strides = [1]} : vector<16xi32> to vector<1xi32>
        %squeeze3A_1460 = vector.extract %slice3A_1459[0] : i32 from vector<1xi32>
        %gt3A = arith.constant 3 : i32
        %gt3A_1461 = arith.cmpi sgt, %squeeze3A_1460, %gt3A : i32
        %add3A_1462 = arith.constant 1 : i32
        %add3A_1463 = arith.addi %shift_right_arithmetic3A_1456, %add3A_1462 : i32
        %select_n3A_1464 = arith.select %gt3A_1461, %scan3A_1452, %add3A_1463 : i32
        %select_n3A_1465 = arith.select %gt3A_1461, %shift_right_arithmetic3A_1456, %scan3A_1453 : i32
        scf.yield %select_n3A_1464, %select_n3A_1465 : i32, i32
      }
      %scan3A_1386 = arith.constant 10 : i32
      %eq3A_1387 = arith.constant 3 : i32
      %eq3A_1388 = vector.broadcast %eq3A_1387 : i32 to vector<16xi32>
      %eq3A_1389 = arith.cmpi eq, %iota3A_117, %eq3A_1388 : vector<16xi32>
      %sub3A_1390 = arith.subi %scan3A_1385#0, %scan3A_1371#0 : i32
      %broadcast_in_dim3A_1391 = vector.broadcast %sub3A_1390 : i32 to vector<16xi32>
      %select_n3A_1392 = arith.select %eq3A_1389, %broadcast_in_dim3A_1391, %select_n3A_1378 : vector<16xi1>, vector<16xi32>
      %scan3A_1393 = arith.constant 0 : i32
      %scan3A_1394 = arith.constant 1024 : i32
      %scan3A_1395 = arith.constant 0 : i32
      %scan3A_1396 = arith.constant 10 : i32
      %scan3A_1397 = arith.addi %scan3A_1395, %scan3A_1396 : i32
      %scan3A_1398 = arith.constant 1 : i32
      %scan3A_1399:2 = scf.for %scan3A_1451 = %scan3A_1395 to %scan3A_1397 step %scan3A_1398 iter_args(%scan3A_1452 = %scan3A_1393, %scan3A_1453 = %scan3A_1394) -> (i32, i32)  : i32 {
        %add3A_1454 = arith.addi %scan3A_1452, %scan3A_1453 : i32
        %shift_right_arithmetic3A_1455 = arith.constant 1 : i32
        %shift_right_arithmetic3A_1456 = arith.shrsi %add3A_1454, %shift_right_arithmetic3A_1455 : i32
        %get3A_1457 = arith.index_cast %shift_right_arithmetic3A_1456 : i32 to index
        %get3A_1458 = tpu.vector_load %arg9[%get3A_1457] {strides = array<i32>} : memref<1040xi32, #tpu.memory_space<vmem>>, vector<16xi32>,
        %slice3A_1459 = vector.extract_strided_slice %get3A_1458 {offsets = [0], sizes = [1], strides = [1]} : vector<16xi32> to vector<1xi32>
        %squeeze3A_1460 = vector.extract %slice3A_1459[0] : i32 from vector<1xi32>
        %gt3A = arith.constant 4 : i32
        %gt3A_1461 = arith.cmpi sgt, %squeeze3A_1460, %gt3A : i32
        %add3A_1462 = arith.constant 1 : i32
        %add3A_1463 = arith.addi %shift_right_arithmetic3A_1456, %add3A_1462 : i32
        %select_n3A_1464 = arith.select %gt3A_1461, %scan3A_1452, %add3A_1463 : i32
        %select_n3A_1465 = arith.select %gt3A_1461, %shift_right_arithmetic3A_1456, %scan3A_1453 : i32
        scf.yield %select_n3A_1464, %select_n3A_1465 : i32, i32
      }
      %scan3A_1400 = arith.constant 10 : i32
      %eq3A_1401 = arith.constant 4 : i32
      %eq3A_1402 = vector.broadcast %eq3A_1401 : i32 to vector<16xi32>
      %eq3A_1403 = arith.cmpi eq, %iota3A_117, %eq3A_1402 : vector<16xi32>
      %sub3A_1404 = arith.subi %scan3A_1399#0, %scan3A_1385#0 : i32
      %broadcast_in_dim3A_1405 = vector.broadcast %sub3A_1404 : i32 to vector<16xi32>
      %select_n3A_1406 = arith.select %eq3A_1403, %broadcast_in_dim3A_1405, %select_n3A_1392 : vector<16xi1>, vector<16xi32>
      %scan3A_1407 = arith.constant 0 : i32
      %scan3A_1408 = arith.constant 1024 : i32
      %scan3A_1409 = arith.constant 0 : i32
      %scan3A_1410 = arith.constant 10 : i32
      %scan3A_1411 = arith.addi %scan3A_1409, %scan3A_1410 : i32
      %scan3A_1412 = arith.constant 1 : i32
      %scan3A_1413:2 = scf.for %scan3A_1451 = %scan3A_1409 to %scan3A_1411 step %scan3A_1412 iter_args(%scan3A_1452 = %scan3A_1407, %scan3A_1453 = %scan3A_1408) -> (i32, i32)  : i32 {
        %add3A_1454 = arith.addi %scan3A_1452, %scan3A_1453 : i32
        %shift_right_arithmetic3A_1455 = arith.constant 1 : i32
        %shift_right_arithmetic3A_1456 = arith.shrsi %add3A_1454, %shift_right_arithmetic3A_1455 : i32
        %get3A_1457 = arith.index_cast %shift_right_arithmetic3A_1456 : i32 to index
        %get3A_1458 = tpu.vector_load %arg9[%get3A_1457] {strides = array<i32>} : memref<1040xi32, #tpu.memory_space<vmem>>, vector<16xi32>,
        %slice3A_1459 = vector.extract_strided_slice %get3A_1458 {offsets = [0], sizes = [1], strides = [1]} : vector<16xi32> to vector<1xi32>
        %squeeze3A_1460 = vector.extract %slice3A_1459[0] : i32 from vector<1xi32>
        %gt3A = arith.constant 5 : i32
        %gt3A_1461 = arith.cmpi sgt, %squeeze3A_1460, %gt3A : i32
        %add3A_1462 = arith.constant 1 : i32
        %add3A_1463 = arith.addi %shift_right_arithmetic3A_1456, %add3A_1462 : i32
        %select_n3A_1464 = arith.select %gt3A_1461, %scan3A_1452, %add3A_1463 : i32
        %select_n3A_1465 = arith.select %gt3A_1461, %shift_right_arithmetic3A_1456, %scan3A_1453 : i32
        scf.yield %select_n3A_1464, %select_n3A_1465 : i32, i32
      }
      %scan3A_1414 = arith.constant 10 : i32
      %eq3A_1415 = arith.constant 5 : i32
      %eq3A_1416 = vector.broadcast %eq3A_1415 : i32 to vector<16xi32>
      %eq3A_1417 = arith.cmpi eq, %iota3A_117, %eq3A_1416 : vector<16xi32>
      %sub3A_1418 = arith.subi %scan3A_1413#0, %scan3A_1399#0 : i32
      %broadcast_in_dim3A_1419 = vector.broadcast %sub3A_1418 : i32 to vector<16xi32>
      %select_n3A_1420 = arith.select %eq3A_1417, %broadcast_in_dim3A_1419, %select_n3A_1406 : vector<16xi1>, vector<16xi32>
      %scan3A_1421 = arith.constant 0 : i32
      %scan3A_1422 = arith.constant 1024 : i32
      %scan3A_1423 = arith.constant 0 : i32
      %scan3A_1424 = arith.constant 10 : i32
      %scan3A_1425 = arith.addi %scan3A_1423, %scan3A_1424 : i32
      %scan3A_1426 = arith.constant 1 : i32
      %scan3A_1427:2 = scf.for %scan3A_1451 = %scan3A_1423 to %scan3A_1425 step %scan3A_1426 iter_args(%scan3A_1452 = %scan3A_1421, %scan3A_1453 = %scan3A_1422) -> (i32, i32)  : i32 {
        %add3A_1454 = arith.addi %scan3A_1452, %scan3A_1453 : i32
        %shift_right_arithmetic3A_1455 = arith.constant 1 : i32
        %shift_right_arithmetic3A_1456 = arith.shrsi %add3A_1454, %shift_right_arithmetic3A_1455 : i32
        %get3A_1457 = arith.index_cast %shift_right_arithmetic3A_1456 : i32 to index
        %get3A_1458 = tpu.vector_load %arg9[%get3A_1457] {strides = array<i32>} : memref<1040xi32, #tpu.memory_space<vmem>>, vector<16xi32>,
        %slice3A_1459 = vector.extract_strided_slice %get3A_1458 {offsets = [0], sizes = [1], strides = [1]} : vector<16xi32> to vector<1xi32>
        %squeeze3A_1460 = vector.extract %slice3A_1459[0] : i32 from vector<1xi32>
        %gt3A = arith.constant 6 : i32
        %gt3A_1461 = arith.cmpi sgt, %squeeze3A_1460, %gt3A : i32
        %add3A_1462 = arith.constant 1 : i32
        %add3A_1463 = arith.addi %shift_right_arithmetic3A_1456, %add3A_1462 : i32
        %select_n3A_1464 = arith.select %gt3A_1461, %scan3A_1452, %add3A_1463 : i32
        %select_n3A_1465 = arith.select %gt3A_1461, %shift_right_arithmetic3A_1456, %scan3A_1453 : i32
        scf.yield %select_n3A_1464, %select_n3A_1465 : i32, i32
      }
      %scan3A_1428 = arith.constant 10 : i32
      %eq3A_1429 = arith.constant 6 : i32
      %eq3A_1430 = vector.broadcast %eq3A_1429 : i32 to vector<16xi32>
      %eq3A_1431 = arith.cmpi eq, %iota3A_117, %eq3A_1430 : vector<16xi32>
      %sub3A_1432 = arith.subi %scan3A_1427#0, %scan3A_1413#0 : i32
      %broadcast_in_dim3A_1433 = vector.broadcast %sub3A_1432 : i32 to vector<16xi32>
      %select_n3A_1434 = arith.select %eq3A_1431, %broadcast_in_dim3A_1433, %select_n3A_1420 : vector<16xi1>, vector<16xi32>
      %scan3A_1435 = arith.constant 0 : i32
      %scan3A_1436 = arith.constant 1024 : i32
      %scan3A_1437 = arith.constant 0 : i32
      %scan3A_1438 = arith.constant 10 : i32
      %scan3A_1439 = arith.addi %scan3A_1437, %scan3A_1438 : i32
      %scan3A_1440 = arith.constant 1 : i32
      %scan3A_1441:2 = scf.for %scan3A_1451 = %scan3A_1437 to %scan3A_1439 step %scan3A_1440 iter_args(%scan3A_1452 = %scan3A_1435, %scan3A_1453 = %scan3A_1436) -> (i32, i32)  : i32 {
        %add3A_1454 = arith.addi %scan3A_1452, %scan3A_1453 : i32
        %shift_right_arithmetic3A_1455 = arith.constant 1 : i32
        %shift_right_arithmetic3A_1456 = arith.shrsi %add3A_1454, %shift_right_arithmetic3A_1455 : i32
        %get3A_1457 = arith.index_cast %shift_right_arithmetic3A_1456 : i32 to index
        %get3A_1458 = tpu.vector_load %arg9[%get3A_1457] {strides = array<i32>} : memref<1040xi32, #tpu.memory_space<vmem>>, vector<16xi32>,
        %slice3A_1459 = vector.extract_strided_slice %get3A_1458 {offsets = [0], sizes = [1], strides = [1]} : vector<16xi32> to vector<1xi32>
        %squeeze3A_1460 = vector.extract %slice3A_1459[0] : i32 from vector<1xi32>
        %gt3A = arith.constant 7 : i32
        %gt3A_1461 = arith.cmpi sgt, %squeeze3A_1460, %gt3A : i32
        %add3A_1462 = arith.constant 1 : i32
        %add3A_1463 = arith.addi %shift_right_arithmetic3A_1456, %add3A_1462 : i32
        %select_n3A_1464 = arith.select %gt3A_1461, %scan3A_1452, %add3A_1463 : i32
        %select_n3A_1465 = arith.select %gt3A_1461, %shift_right_arithmetic3A_1456, %scan3A_1453 : i32
        scf.yield %select_n3A_1464, %select_n3A_1465 : i32, i32
      }
      %scan3A_1442 = arith.constant 10 : i32
      %eq3A_1443 = arith.constant 7 : i32
      %eq3A_1444 = vector.broadcast %eq3A_1443 : i32 to vector<16xi32>
      %eq3A_1445 = arith.cmpi eq, %iota3A_117, %eq3A_1444 : vector<16xi32>
      %sub3A_1446 = arith.subi %scan3A_1441#0, %scan3A_1427#0 : i32
      %broadcast_in_dim3A_1447 = vector.broadcast %sub3A_1446 : i32 to vector<16xi32>
      %select_n3A_1448 = arith.select %eq3A_1445, %broadcast_in_dim3A_1447, %select_n3A_1434 : vector<16xi1>, vector<16xi32>
      %swap3A_1449 = arith.constant 0 : index
      %swap3A_1450 = tpu.vector_load %arg11[%swap3A_1449] {strides = array<i32>} : memref<16xi32, #tpu.memory_space<vmem>>, vector<16xi32>,
      tpu.vector_store %arg11[%swap3A_1449], %select_n3A_1448 {strides = array<i32>} : memref<16xi32, #tpu.memory_space<vmem>>, vector<16xi32>,
      "tpu.region"() ({
        %run_scoped3A = tpu.sem_alloc : memref<!tpu.dma_semaphore, #tpu.memory_space<semaphore_mem>>
        %dma_start3A_1451 = arith.constant 0 : i32
        %dma_start3A_1452 = tpu.memref_slice %arg11[%dma_start3A_1451] : memref<16xi32, #tpu.memory_space<vmem>> -> memref<8xi32, #tpu.memory_space<vmem>>
        %dma_start3A_1453 = arith.constant 0 : i32
        %dma_start3A_1454 = tpu.memref_slice %arg11[%dma_start3A_1453] : memref<16xi32, #tpu.memory_space<vmem>> -> memref<8xi32, #tpu.memory_space<vmem>>
        tpu.enqueue_dma source(%dma_start3A_1454 : memref<8xi32, #tpu.memory_space<vmem>>) target(%arg7 : memref<8xi32, #tpu.memory_space<hbm>>) target_semaphore(%run_scoped3A : memref<!tpu.dma_semaphore, #tpu.memory_space<semaphore_mem>>)
        %dma_wait3A_1455 = arith.constant 0 : i32
        %dma_wait3A_1456 = tpu.memref_slice %arg11[%dma_wait3A_1455] : memref<16xi32, #tpu.memory_space<vmem>> -> memref<8xi32, #tpu.memory_space<vmem>>
        %dma_wait3A_1457 = arith.constant 0 : i32
        %dma_wait3A_1458 = tpu.memref_slice %arg11[%dma_wait3A_1457] : memref<16xi32, #tpu.memory_space<vmem>> -> memref<8xi32, #tpu.memory_space<vmem>>
        tpu.wait_dma2 semaphore(%run_scoped3A : memref<!tpu.dma_semaphore, #tpu.memory_space<semaphore_mem>>) src(%dma_wait3A_1458 : memref<8xi32, #tpu.memory_space<vmem>>) dst(%arg7 : memref<8xi32, #tpu.memory_space<hbm>>)
        tpu.yield
      }) : () -> ()
    } else {
    }
    return
  }
}

</mosaic_0001>

<sc_bundles>
// kernel: kernel.3.cloned.1.call-start
scs
__scs_entry_jumppad:
0x0: {  	(pc) =	sbr.rel $0x88, $3  }
0x1: {  	(tag) =	ssettag $0x0;
	lr =	simm.s32 $0x1  }
0x2: {  	[smem:$0x3F9E] =	sst lr;
	_ =	strace $0xD0000000  }
0x3: {  	_ = 	snop  }
0x4: {  	_ = 	snop  }
0x5: {  	_ = 	snop  }
0x6: {  	_ = 	snop  }
0x7: {  	_ = 	snop  }
__scs_overlays_trampoline_lowered:
0x8: {  	[smem:$0x3FAD] =	sst s0  }
0x9: {  	[smem:$0x3FAE] =	sst s1  }
0xa: {  	[smem:$0x3FAF] =	sst s2  }
0xb: {  	[smem:$0x3FB0] =	sst s3  }
0xc: {  	[smem:$0x3FB1] =	sst s4  }
0xd: {  	[smem:$0x3FB2] =	sst s5  }
0xe: {  	[smem:$0x3FB3] =	sst s6  }
0xf: {  	[smem:$0x3FB4] =	sst s7  }
0x10: {  	[smem:$0x3FB5] =	sst s8  }
0x11: {  	[smem:$0x3FB6] =	sst s9;
	s0 =	simm.s32 @!p0 $0x0  }
0x12: {  	s1 =	sld [smem:$0x3F9C];
	s0 =	simm.s32 @p0 $0x1  }
0x13: {  	[smem:$0x3FB7] =	sst s0;
	s0 =	simm.s32 @!p1 $0x0  }
0x14: {  	s2 =	sld [smem:$0x3F9B];
	s0 =	simm.s32 @p1 $0x1  }
0x15: {  	[smem:$0x3FB8] =	sst s0;
	s0 =	simm.s32 @!p2 $0x0  }
0x16: {  	s3 =	sld [smem:$0x3FDB];
	s0 =	simm.s32 @p2 $0x1  }
0x17: {  	s4 =	simm.s32 $0x1BF5;
	[smem:$0x3FBA] =	sst s0  }
0x18: {  	s0 =	sld [smem:$0x3F9D];
	_ =	swait.ge [sflag:s4], $0x0  }
0x19: {  	s7 =	sld [smem:$0x3F9E]  }
0x1a: {  	s8 =	sadd.s32 $0xFFFFE003, lr  }
0x1b: {  	s9 =	sadd.s32 $0xFFFFFEF7, lr;
	s5 =	simm.s32 $0xFFFFFFFF;
	p2 =	slt.u32 s8, $0xFFFFF086  }
0x1c: {  	p1 =	slt.u32 s9, $0xF7A;
	s5 =	simm.s32 @!p2 $0x0  }
0x1d: {  	s5 =	simm.s32 @p1 $0x1;
	p0 =	seq.s32 s7, s2  }
0x1e: {  	s7 =	smul.u32 @!p0 $0xF7A, s2;
	p2 =	seq.s32 @!p0 s5, $0x0  }
0x1f: {  	s9 =	smul.u32 $0xF7A, s1;
	s8 =	simm.s32 @!p0 $0x1BF5;
	p2 =	por !p2, p0  }
0x20: {  	[sflag:s8] =	ssyncset.s32 @!p0 $0xFFFFF086;
	s6 =	sadd.s32 @!p0 s3, s7;
	s7 =	simm.s32 @!p0 $0x108  }
0x21: {  	s3 =	sadd.s32 s3, s9;
	s6 =	sadd.s32 @!p0 $0x88, s6;
	s7 =	simm.s32 @p2 $0x1082  }
0x22: {  	[simem:s7], [sflag:s8] =	dma.local @!p0 [hbm:s6], $0xF7A  }
0x23: {  	s9 =	sor.u32 $0xD0000000, s2;
	s6 =	simm.s32 $0x108;
	_ =	swait.ge @!p0 [sflag:s8], $0x0  }
0x24: {  	s3 =	sadd.s32 $0x88, s3;
	s6 =	simm.s32 @!p1 $0x1082;
	[sflag:s4] =	ssyncset.s32 $0xFFFFF086  }
0x25: {  	[simem:s6], [sflag:s4] =	dma.local [hbm:s3], $0xF7A  }
0x26: {  	[smem:$0x3F9E] =	sst s1;
	(tag) =	ssettag s2;
	_ =	strace s9  }
0x27: {  	s1 =	sld [smem:$0x3FAE]  }
0x28: {  	s2 =	sld [smem:$0x3FAF]  }
0x29: {  	s4 =	sld [smem:$0x3FB1]  }
0x2a: {  	p0 =	seq.s32 s5, $0x0;
	s5 =	sld [smem:$0x3FB2]  }
0x2b: {  	s6 =	sld [smem:$0x3FB3]  }
0x2c: {  	s7 =	sld [smem:$0x3FB4]  }
0x2d: {  	s3 =	simm.s32 $0x108;
	s8 =	sld [smem:$0x3FB5]  }
0x2e: {  	s3 =	simm.s32 @!p0 $0x1082;
	s9 =	sld [smem:$0x3FB6]  }
0x2f: {  	lr =	sadd.s32 s0, s3;
	s0 =	sld [smem:$0x3FAD]  }
0x30: {  	s3 =	sld [smem:$0x3FB0]  }
0x31: {  	[smem:$0x3FB9] =	sst s10  }
0x32: {  	s10 =	sld [smem:$0x3FB7];
	_ =	sdelay $0x3  }
0x33: {  	p0 =	seq.s32 s10, $0x1;
	s10 =	sld [smem:$0x3FB9];
	_ =	sdelay $0x3  }
0x34: {  	[smem:$0x3FB9] =	sst s10  }
0x35: {  	s10 =	sld [smem:$0x3FB8];
	_ =	sdelay $0x3  }
0x36: {  	p1 =	seq.s32 s10, $0x1;
	s10 =	sld [smem:$0x3FB9];
	_ =	sdelay $0x3  }
0x37: {  	[smem:$0x3FB9] =	sst s10  }
0x38: {  	s10 =	sld [smem:$0x3FBA]  }
0x39: {  	_ = 	snop;
	(pc) =	sbr.ind lr, $3  }
0x3a: {  	_ = 	snop  }
0x3b: {  	_ = 	snop  }
0x3c: {  	p2 =	seq.s32 s10, $0x1;
	s10 =	sld [smem:$0x3FB9]  }
0x3d: {  	_ =	shalt  }
0x3e: {  	_ =	shalt  }
0x3f: {  	_ =	shalt  }
0x40: {  	_ =	shalt  }
0x41: {  	_ =	shalt  }
0x42: {  	_ =	shalt  }
0x43: {  	_ =	shalt  }
0x44: {  	_ =	shalt  }
0x45: {  	_ =	shalt  }
0x46: {  	_ =	shalt  }
0x47: {  	_ =	shalt  }
0x48: {  	_ =	shalt  }
0x49: {  	_ =	shalt  }
0x4a: {  	_ =	shalt  }
0x4b: {  	_ =	shalt  }
0x4c: {  	_ =	shalt  }
0x4d: {  	_ =	shalt  }
0x4e: {  	_ =	shalt  }
0x4f: {  	_ =	shalt  }
0x50: {  	_ =	shalt  }
0x51: {  	_ =	shalt  }
0x52: {  	_ =	shalt  }
0x53: {  	_ =	shalt  }
0x54: {  	_ =	shalt  }
0x55: {  	_ =	shalt  }
0x56: {  	_ =	shalt  }
0x57: {  	_ =	shalt  }
0x58: {  	_ =	shalt  }
0x59: {  	_ =	shalt  }
0x5a: {  	_ =	shalt  }
0x5b: {  	_ =	shalt  }
0x5c: {  	_ =	shalt  }
0x5d: {  	_ =	shalt  }
0x5e: {  	_ =	shalt  }
0x5f: {  	_ =	shalt  }
0x60: {  	_ =	shalt  }
0x61: {  	_ =	shalt  }
0x62: {  	_ =	shalt  }
0x63: {  	_ =	shalt  }
0x64: {  	_ =	shalt  }
0x65: {  	_ =	shalt  }
0x66: {  	_ =	shalt  }
0x67: {  	_ =	shalt  }
0x68: {  	_ =	shalt  }
0x69: {  	_ =	shalt  }
0x6a: {  	_ =	shalt  }
0x6b: {  	_ =	shalt  }
0x6c: {  	_ =	shalt  }
0x6d: {  	_ =	shalt  }
0x6e: {  	_ =	shalt  }
0x6f: {  	_ =	shalt  }
0x70: {  	_ =	shalt  }
0x71: {  	_ =	shalt  }
0x72: {  	_ =	shalt  }
0x73: {  	_ =	shalt  }
0x74: {  	_ =	shalt  }
0x75: {  	_ =	shalt  }
0x76: {  	_ =	shalt  }
0x77: {  	_ =	shalt  }
0x78: {  	_ =	shalt  }
0x79: {  	_ =	shalt  }
0x7a: {  	_ =	shalt  }
0x7b: {  	_ =	shalt  }
0x7c: {  	_ =	shalt  }
0x7d: {  	_ =	shalt  }
0x7e: {  	_ =	shalt  }
0x7f: {  	_ =	shalt  }
0x80: {  	_ =	shalt  }
0x81: {  	_ =	shalt  }
0x82: {  	_ =	shalt  }
0x83: {  	_ =	shalt  }
0x84: {  	_ =	shalt  }
0x85: {  	_ =	shalt  }
0x86: {  	_ =	shalt  }
0x87: {  	_ =	shalt  }
.Lfunc_end0:
.L_simem_size_0:
called_computation_lowered:
.L_overlay_start_0:
0x88: {  	s2 =	sld [smem:$0x3FD9]  }
0x89: {  	s3 =	sld [smem:$0x3FFE];
	_ =	sdelay $0x1  }
0x8a: {  	s1 =	srdreg.scid  }
0x8b: {  	s0 =	sand.u32 $0x1, s1  }
0x8c: {  	s14 =	sshll.u32 s0, $0xA;
	s2 =	sadd.s32 s3, s2  }
0x8d: {  	s2 =	sadd.s32 s2, s14  }
0x8e: {  	[smem:$0x3FC5] =	sst s2  }
0x8f: {  	_ = 	snop  }
0x90: {  	s2 =	sld [smem:$0x3FD0];
	_ =	sdelay $0x1  }
0x91: {  	s15 =	sld [smem:$0x3FC9]  }
0x92: {  	s5 =	simm.s32 $0xA;
	s6 =	simm.s32 $0x10;
	s4 =	sld [smem:$0x3FC7]  }
0x93: {  	[smem:s6], [sflag:s5] =	dma.local [hbm:s2], $0x1  }
0x94: {  	_ =	swait.eq [sflag:s5], $0x1  }
0x95: {  	s16 =	sld [smem:$0x10];
	[sflag:s5] =	ssyncset.done $0x0  }
0x96: {  	s17 =	sld [smem:$0x11];
	[sflag:s5] =	ssyncadd.s32 $0xFFFFFFFF  }
0x97: {  	s18 =	sld [smem:$0x12];
	(tm) =	ssettm $0x1  }
0x98: {  	s7 =	sld [smem:$0x3FFB];
	_ =	sdelay $0x3  }
0x99: {  	_ =	strace s7  }
0x9a: {  	s7 =	sld [smem:$0x3FFC];
	_ =	sdelay $0x3  }
0x9b: {  	_ =	strace s7  }
0x9c: {  	s7 =	sld [smem:$0x3FFD];
	_ =	sdelay $0x3  }
0x9d: {  	_ =	strace s7  }
0x9e: {  	_ =	strace $0x8FFFFFFF  }
0x9f: {  	s19 =	sld [smem:$0x3FDB];
	_ =	sdelay $0x1  }
0xa0: {  	s8 =	simm.s32 $_scs_section_size  }
0xa1: {  	s9 =	simm.s32 $_size__tile_overlayer_lowered;
	s10 =	simm.s32 $_tile_overlayer_lowered  }
0xa2: {  	s22 =	simm.s32 $0x1BFF;
	s21 =	sshll.u32 s10, $0x1;
	s7 =	sadd.s32 s8, s19  }
0xa3: {  	s11 =	simm.s32 $0x0;
	s20 =	sshll.u32 s9, $0x1;
	s9 =	sadd.s32 s21, s7  }
0xa4: {  	[timem:s11], [sflag:s22] =	dma.local [hbm:s9], s20  }
0xa5: {  	_ =	swait.ge [sflag:s22], s20  }
0xa6: {  	s8 =	ssub.s32 $0x0, s20;
	[sflag:s22] =	ssyncset.done $0x0  }
0xa7: {  	[sflag:s22] =	ssyncadd.s32 s8;
	_ =	sdelay $0x1  }
0xa8: {  	s23 =	simm.s32 $0x1B8B  }
0xa9: {  	_ =	swait.ge [sflag:s23], $0x1  }
0xaa: {  	[sflag:s23] =	ssyncset.done $0x0  }
0xab: {  	s25 =	simm.s32 $0x1B8E;
	s24 =	sld [smem:$0x3FFE];
	[sflag:s23] =	ssyncadd.s32 $0xFFFFFFFF  }
0xac: {  	s26 =	simm.s32 $execute0_lowered;
	[smem:$0x3FD2] =	sst s25  }
0xad: {  	s9 =	sshll.u32 s26, $0x1;
	_ =	strace $0x80000046;
	[dreg:$0x1] =	wrdreg $0xFFFFFFFF  }
0xae: {  	s28 =	simm.s32 $_size_execute0_lowered;
	s7 =	sadd.s32 s7, s9;
	[dreg:$0x0] =	wrdreg $0x0  }
0xaf: {  	s9 =	sshll.u32 s28, $0x1;
	[dreg:$0x2] =	wrdreg s7  }
0xb0: {  	[dreg:$0x3] =	wrdreg s9  }
0xb1: {  	[dreg:$0x4] =	wrdreg $0xC0  }
0xb2: {  	_ =	task [dreg:s11], $0x5FFFF  }
0xb3: {  	[dreg:$0x1] =	wrdreg $0xFFFFFFFF  }
0xb4: {  	[dreg:$0x0] =	wrdreg $0x60  }
0xb5: {  	[dreg:$0x2] =	wrdreg s15  }
0xb6: {  	[dreg:$0x3] =	wrdreg s24  }
0xb7: {  	[dreg:$0x4] =	wrdreg s4  }
0xb8: {  	[dreg:$0x5] =	wrdreg s16  }
0xb9: {  	[dreg:$0x6] =	wrdreg s17  }
0xba: {  	[dreg:$0x7] =	wrdreg s18  }
0xbb: {  	[dreg:$0x8] =	wrdreg $0x9  }
0xbc: {  	_ =	task.clear_ibuf [dreg:s11], $0x9FFFF;
	_ =	strace $0x90000046  }
0xbd: {  	s29 =	simm.s32 $0x9;
	_ =	strace $0x80000048  }
0xbe: {  	_ =	swait.ge [sflag:s29], $0x1  }
0xbf: {  	[sflag:s29] =	ssyncadd.s32 $0xFFFFFFFF  }
0xc0: {  	_ =	strace $0x90000048  }
0xc1: {  	_ =	sfence  }
0xc2: {  	s30 =	sld [smem:$0x0];
	_ =	sdelay $0x2  }
0xc3: {  	s31 =	sshll.u32 s1, $0xD;
	s1 =	sshrl.u32 s1, $0x2  }
0xc4: {  	s3 =	sand.u32 $0x4000, s31;
	s1 =	sadd.s32 s1, s30  }
0xc5: {  	s0 =	sor.u32 s3, s0;
	s1 =	sshll.u32 s1, $0x11  }
0xc6: {  	s0 =	sor.u32 s1, s0  }
0xc7: {  	s0 =	sadd.s32 $0x8F2B, s0  }
0xc8: {  	[sflag:s0] =	ssyncadd.remote.s32 $0x1  }
0xc9: {  	_ =	sfence.sel $0xFFFF  }
0xca: {  	[dreg:$0x0] =	wrdreg $0xFFFFFFFF;
	(pc) =	sbr.abs _section_cstart, $3  }
0xcb: {  	[dreg:$0x1] =	wrdreg $0xFFFFFFFF  }
0xcc: {  	_ =	task.clear_ibuf [dreg:s11], $0x2FFFF;
	_ =	strace $0x9FFFFFFF  }
0xcd: {  	(tm) =	ssettm $0x7FFFFFFF  }
tec
execute0_lowered:
.L_overlay_start_1:
0x0: {  	(tag) =	ssettag $0x1  }
0x1: {  	s8 =	rddreg [dreg:$0x0]  }
0x2: {  	s0 =	rddreg [dreg:$0x1]  }
0x3: {  	s9 =	rddreg [dreg:$0x3]  }
0x4: {  	s1 =	rddreg [dreg:$0x4];
	s2 =	srdreg.scid  }
0x5: {  	s3 =	stileid.u32;
	s6 =	simm.s32 $0x0;
	s18 =	simm.s32 $0x18  }
0x6: {  	s19 =	simm.s32 $0x80;
	s16 =	simm.s32 $0x1;
	s21 =	simm.s32 $0xC4F0  }
0x7: {  	v0 =	vlaneseq.u32;
	vm0 =	vcmask $0x704;
	vm1 =	vcmask $0xB08;
	s2 =	sand.u32 $0x1, s2;
	[smem:$0x7FF] =	sst s6;
	s12 =	sadd.s32 $0x20000, s8  }
0x8: {  	vm2 =	vcmask $0xF0C;
	vm3 =	vcmask $0x1714;
	vm4 =	vcmask $0x1B18;
	s13 =	sadd.s32 $0x40000, s8;
	_ =	strace $0x80000047;
	[dreg:$0xa] =	wrdreg s12  }
0x9: {  	vm5 =	vcmask $0x1F1C;
	vm6 =	vmmov $0xf;
	vm7 =	vcmask $0x2724;
	s3 =	sshll.u32 s3, $0x1;
	s14 =	sadd.s32 $0x60000, s8;
	[dreg:$0xb] =	wrdreg s13  }
0xa: {  	vm8 =	vcmask $0x2B28;
	vm9 =	vcmask $0x2F2C;
	v0 =	vmul.u32 $0x88, v0;
	s15 =	sadd.s32 $0x80, s9;
	s3 =	sor.u32 s2, s3;
	[dreg:$0xc] =	wrdreg s14  }
0xb: {  	vm10 =	vmmov $0xff;
	vm11 =	vcmask $0x3330;
	vm12 =	vcmask $0x3734;
	s2 =	ssub.s32 $0x2, s2;
	[dreg:$0xd] =	wrdreg s15;
	s4 =	sshll.u32 s3, $0x3  }
0xc: {  	vm13 =	vcmask $0x3B38;
	vm14 =	vmmov $0xfff;
	v1 =	vadd.s32 $0x880, v0;
	s5 =	sshrl.u32 s2, $0x1;
	s10 =	sshll.u32 s3, $0x5;
	s0 =	sadd.s32 s4, s0  }
.Ltmp0:
0xd: {  	v2 =	vadd.s32 $0x1100, v0;
	v3 =	vadd.s32 $0x1980, v0;
	v4 =	vadd.s32 $0x2200, v0;
	s11 =	sadd.s32 $0x50, s10;
	[dreg:$0x7] =	wrdreg s10;
	(pc) =	sbr.rel .LBB2_1-.Ltmp0, $4  }
0xe: {  	v5 =	vadd.s32 $0x2A80, v0;
	v6 =	vadd.s32 $0x3300, v0;
	v7 =	vadd.s32 $0x3B80, v0;
	s2 =	ssub.s32 s2, s5;
	s0 =	sadd.s32 $0x800, s0;
	[dreg:$0x9] =	wrdreg s11  }
0xf: {  	v8 =	vadd.s32 $0x4400, v0;
	v9 =	vadd.s32 $0x4C80, v0;
	v10 =	vadd.s32 $0x5500, v0;
	s29 =	sshll.u32 s3, $0x4;
	s30 =	smax.u32 s2, $0x1;
	[dreg:$0x8] =	wrdreg s0  }
0x10: {  	s22 =	simm.s32 $0x14CF0;
	v11 =	vadd.s32 $0x5D80, v0;
	v12 =	vadd.s32 $0x6600, v0;
	v13 =	vadd.s32 $0x6E80, v0;
	s0 =	sadd.s32 s1, s29;
	[dreg:$0xf] =	wrdreg s30  }
0x11: {  	s31 =	simm.s32 $0x0;
	v14 =	vadd.s32 $0x7700, v0;
	v15 =	vadd.s32 $0x7F80, v0;
	p0 =	sne.s32 s3, $0x0;
	v16 =	vmov s11;
	[dreg:$0xe] =	wrdreg s0  }
.LBB2_30:
0x12: {  	s0 =	rddreg [dreg:$0xf]  }
0x13: {  	s8 =	rddreg [dreg:$0x0]  }
0x14: {  	s31 =	sadd.s32 $0x1, s31;
	s9 =	rddreg [dreg:$0x3]  }
0x15: {  	s10 =	rddreg [dreg:$0x7];
	p1 =	sne.s32 s31, s0  }
.Ltmp1:
0x16: {  	s11 =	rddreg [dreg:$0x9];
	(pc) =	sbr.rel @!p1 .LBB2_31-.Ltmp1, $4  }
0x17: {  	s12 =	rddreg [dreg:$0xa]  }
0x18: {  	s13 =	rddreg [dreg:$0xb]  }
0x19: {  	s14 =	rddreg [dreg:$0xc]  }
0x1a: {  	s15 =	rddreg [dreg:$0xd];
	s16 =	simm.s32 $0x1  }
.LBB2_1:
0x1b: {  	[dreg:$0x10] =	wrdreg s31  }
0x1c: {  	s0 =	rddreg [dreg:$0x8];
	s1 =	simm.s32 $0x3  }
0x1d: {  	[tilespmem:s6], [sflag:$0x3] =	stream.linear.gather [hbm4b:s0+s6], $0x40, $0x38;
	[tilespmem:$0x1D4F0] =	vst v63  }
0x1e: {  	_ =	swait.ge [sflag:s1], $0x40  }
0x1f: {  	[sflag:s1] =	ssyncset.done $0x0  }
0x20: {  	[sflag:s1] =	ssyncadd.s32 $0xFFFFFFC0  }
0x21: {  	s2 =	simm.s32 $0x50;
	s28 =	rddreg [dreg:$0x2]  }
0x22: {  	[tilespmem:s2], [sflag:$0x3] =	stream.linear.gather [hbm4b:s28+s6], $0x400, $0x38;
	[tilespmem:$0x1D4F0] =	vst v63  }
0x23: {  	_ =	swait.ge [sflag:s1], $0x400  }
0x24: {  	[sflag:s1] =	ssyncset.done $0x0  }
0x25: {  	[sflag:s1] =	ssyncadd.s32 $0xFFFFFC00  }
0x26: {  	v17 =	vld [tilespmem:s10+$0x50]  }
0x27: {  	v18 =	vld [tilespmem:$0x0];
	_ =	sdelay $0x3  }
0x28: {  	(v2sf) =	vpush v17, $0x0  }
0x29: {  	(v2sf) =	vpush v18, $0x0;
	_ =	sdelay $0x1  }
0x2a: {  	(v2sf) =	vpush v18, $0x1;
	_ =	sdelay $0xb  }
0x2b: {  	s29 =	spop (v2sf)  }
0x2c: {  	s1 =	spop (v2sf)  }
0x2d: {  	p1 =	sgt.s32 s1, $0x0  }
0x2e: {  	s2 =	spop (v2sf);
	s1 =	simm.s32 @!p1 $0x0  }
0x2f: {  	p1 =	sgt.s32 s2, $0x0;
	s1 =	smin.u32 s1, $0x70  }
0x30: {  	s0 =	sshll.u32 s29, $0x16;
	s2 =	simm.s32 @!p1 $0x0;
	s1 =	sshll.u32 s1, $0x7  }
0x31: {  	s30 =	smin.u32 s2, $0x70;
	s0 =	sor.u32 s0, s1  }
0x32: {  	s0 =	sor.u32 s30, s0  }
0x33: {  	s0 =	sshrl.u32 s0, $0x3  }
0x34: {  	s31 =	simm.s32 $0x4F0;
	s1 =	simm.s32 $0x600;
	s0 =	sadd.s32 s8, s0  }
0x35: {  	[tilespmem:s31], [sflag:$0x1] =	stream.strided.gather [hbm4b:s0+s18], $0x180, s19, s18, $0x38;
	[tilespmem:$0x1D4F0] =	vst v63  }
.LBB2_2:
0x36: {  	p1 =	sne.s32 s1, $0x17A00  }
.Ltmp2:
0x37: {  	_ = 	snop;
	(pc) =	sbr.rel @p1 .LBB2_2-.Ltmp2, $4  }
0x38: {  	_ = 	snop  }
0x39: {  	s2 =	sshra.s32 s1, $0x2;
	s1 =	sadd.s32 $0x600, s1  }
0x3a: {  	s0 =	sadd.s32 $0x800, s0;
	s2 =	sadd.s32 $0x4F0, s2  }
0x3b: {  	[tilespmem:s2], [sflag:$0x1] =	stream.strided.gather [hbm4b:s0+s18], $0x180, s19, s18, $0x38;
	[tilespmem:$0x1D4F0] =	vst v63  }
0x3c: {  	v17 =	vld [tilespmem:s10+$0x50]  }
0x3d: {  	v18 =	vld [tilespmem:$0x0];
	_ =	sdelay $0x3  }
0x3e: {  	(v2sf) =	vpush v17, $0x0  }
0x3f: {  	(v2sf) =	vpush v18, $0x0;
	_ =	sdelay $0x1  }
0x40: {  	(v2sf) =	vpush v18, $0x1;
	_ =	sdelay $0xb  }
0x41: {  	s0 =	spop (v2sf)  }
0x42: {  	s1 =	spop (v2sf)  }
0x43: {  	p1 =	sgt.s32 s1, $0x0  }
0x44: {  	s2 =	spop (v2sf);
	s1 =	simm.s32 @!p1 $0x0  }
0x45: {  	p1 =	sgt.s32 s2, $0x0;
	s1 =	smin.u32 s1, $0x70  }
0x46: {  	s0 =	sshll.u32 s0, $0x16;
	s2 =	simm.s32 @!p1 $0x0;
	s1 =	sshll.u32 s1, $0x7  }
0x47: {  	s30 =	smin.u32 s2, $0x70;
	s0 =	sor.u32 s0, s1  }
0x48: {  	s0 =	sor.u32 s30, s0  }
0x49: {  	s31 =	simm.s32 $0x64F0;
	s0 =	sshrl.u32 s0, $0x3  }
0x4a: {  	s28 =	simm.s32 $0x0;
	s1 =	simm.s32 $0x600;
	s0 =	sadd.s32 s0, s12  }
0x4b: {  	[tilespmem:s31], [sflag:$0x1] =	stream.strided.gather [hbm4b:s0+s18], $0x180, s19, s18, $0x38;
	[tilespmem:$0x1D4F0] =	vst v63  }
.LBB2_4:
0x4c: {  	p1 =	sne.s32 s1, $0x17A00  }
.Ltmp3:
0x4d: {  	_ = 	snop;
	(pc) =	sbr.rel @p1 .LBB2_4-.Ltmp3, $4  }
0x4e: {  	_ = 	snop  }
0x4f: {  	s2 =	sshra.s32 s1, $0x2;
	s1 =	sadd.s32 $0x600, s1  }
0x50: {  	s0 =	sadd.s32 $0x800, s0;
	s2 =	sadd.s32 $0x64F0, s2  }
0x51: {  	[tilespmem:s2], [sflag:$0x1] =	stream.strided.gather [hbm4b:s0+s18], $0x180, s19, s18, $0x38;
	[tilespmem:$0x1D4F0] =	vst v63  }
.LBB2_5:
0x52: {  	_ =	swait.ge [sflag:s16], $0x6000  }
0x53: {  	p1 =	seq.s32 s28, $0x0;
	[sflag:s16] =	ssyncset.done $0x0  }
0x54: {  	s0 =	simm.s32 @!p1 $0x2;
	[sflag:s16] =	ssyncadd.s32 $0xFFFFA000  }
0x55: {  	_ =	swait.ge @!p1 [sflag:s0], $0x8000  }
0x56: {  	s1 =	sshll.u32 s28, $0x3;
	[sflag:s0] =	ssyncset.done @!p1 $0x0  }
0x57: {  	s29 =	sshrl.u32 s1, $0x2;
	[sflag:s0] =	ssyncadd.s32 @!p1 $0xFFFF8000  }
0x58: {  	v17 =	vld [tilespmem:s29+$0x0];
	_ =	sdelay $0x4  }
0x59: {  	(v2sf) =	vpush v17, $0x1;
	_ =	sdelay $0xe  }
0x5a: {  	s0 =	spop (v2sf)  }
0x5b: {  	p2 =	sgt.s32 s0, $0x0  }
0x5c: {  	s0 =	simm.s32 @!p2 $0x0  }
0x5d: {  	s7 =	simm.s32 $0x3;
	s0 =	smin.u32 s0, $0x70  }
0x5e: {  	v17 =	vmov s7;
	s2 =	sand.u32 $0x7, s0  }
0x5f: {  	s17 =	simm.s32 $0x0;
	v24 =	vand.u32 $0x3F, v17;
	s1 =	sor.u32 $0x7F0, s2  }
0x60: {  	s20 =	simm.s32 $0x1;
	v17 =	vmov s17;
	v19 =	vadd.s32 v0, v24;
	v18 =	vld [tilespmem:s1+$0x180]  }
0x61: {  	v20 =	vand.u32 $0x3C, v17;
	v17 =	vmov s20  }
0x62: {  	v25 =	vadd.s32 v0, v20;
	v23 =	vand.u32 $0x3D, v17;
	v21 =	vld [tilespmem:s1+$0xFFFFFD00]  }
0x63: {  	v26 =	vadd.s32 v0, v23;
	v17 =	vld [tilespmem:s1+$0xFFFFFE80]  }
0x64: {  	s23 =	simm.s32 $0x2  }
0x65: {  	v22 =	vmov s23;
	[tilespmem:v19+s21+$0x0] =	vst.idx.msk $0xffff, v18  }
0x66: {  	v22 =	vand.u32 $0x3E, v22;
	v19 =	vadd.s32 v1, v24;
	v18 =	vld [tilespmem:s1+$0x198]  }
0x67: {  	v28 =	vadd.s32 v0, v22;
	v27 =	vld [tilespmem:s1+$0x0];
	[tilespmem:v25+s21+$0x0] =	vst.idx.msk $0xffff, v21  }
0x68: {  	v25 =	vadd.s32 v1, v20;
	[tilespmem:v26+s21+$0x0] =	vst.idx.msk $0xffff, v17;
	v21 =	vld [tilespmem:s1+$0xFFFFFD18]  }
0x69: {  	v26 =	vadd.s32 v1, v23;
	v17 =	vld [tilespmem:s1+$0xFFFFFE98];
	_ =	sdelay $0x1  }
0x6a: {  	[tilespmem:v19+s21+$0x0] =	vst.idx.msk $0xffff, v18  }
0x6b: {  	[tilespmem:v28+s21+$0x0] =	vst.idx.msk $0xffff, v27;
	v19 =	vadd.s32 v2, v24;
	v18 =	vld [tilespmem:s1+$0x1B0]  }
0x6c: {  	v28 =	vadd.s32 v1, v22;
	v27 =	vld [tilespmem:s1+$0x18];
	[tilespmem:v25+s21+$0x0] =	vst.idx.msk $0xffff, v21  }
0x6d: {  	v25 =	vadd.s32 v2, v20;
	[tilespmem:v26+s21+$0x0] =	vst.idx.msk $0xffff, v17;
	v21 =	vld [tilespmem:s1+$0xFFFFFD30]  }
0x6e: {  	v26 =	vadd.s32 v2, v23;
	v17 =	vld [tilespmem:s1+$0xFFFFFEB0];
	_ =	sdelay $0x1  }
0x6f: {  	[tilespmem:v19+s21+$0x0] =	vst.idx.msk $0xffff, v18  }
0x70: {  	[tilespmem:v28+s21+$0x0] =	vst.idx.msk $0xffff, v27;
	v19 =	vadd.s32 v3, v24;
	v18 =	vld [tilespmem:s1+$0x1C8]  }
0x71: {  	v28 =	vadd.s32 v2, v22;
	v27 =	vld [tilespmem:s1+$0x30];
	[tilespmem:v25+s21+$0x0] =	vst.idx.msk $0xffff, v21  }
0x72: {  	v25 =	vadd.s32 v3, v20;
	[tilespmem:v26+s21+$0x0] =	vst.idx.msk $0xffff, v17;
	v21 =	vld [tilespmem:s1+$0xFFFFFD48]  }
0x73: {  	v26 =	vadd.s32 v3, v23;
	v17 =	vld [tilespmem:s1+$0xFFFFFEC8];
	_ =	sdelay $0x1  }
0x74: {  	[tilespmem:v19+s21+$0x0] =	vst.idx.msk $0xffff, v18  }
0x75: {  	[tilespmem:v28+s21+$0x0] =	vst.idx.msk $0xffff, v27;
	v19 =	vadd.s32 v4, v24;
	v18 =	vld [tilespmem:s1+$0x1E0]  }
0x76: {  	v28 =	vadd.s32 v3, v22;
	v27 =	vld [tilespmem:s1+$0x48];
	[tilespmem:v25+s21+$0x0] =	vst.idx.msk $0xffff, v21  }
0x77: {  	v25 =	vadd.s32 v4, v20;
	[tilespmem:v26+s21+$0x0] =	vst.idx.msk $0xffff, v17;
	v21 =	vld [tilespmem:s1+$0xFFFFFD60]  }
0x78: {  	v26 =	vadd.s32 v4, v23;
	v17 =	vld [tilespmem:s1+$0xFFFFFEE0]  }
0x79: {  	s0 =	sor.u32 $0x78, s0  }
0x7a: {  	s0 =	sadd.s32 $0x7F0, s0;
	[tilespmem:v19+s21+$0x0] =	vst.idx.msk $0xffff, v18  }
0x7b: {  	[tilespmem:v28+s21+$0x0] =	vst.idx.msk $0xffff, v27;
	v19 =	vadd.s32 v5, v24;
	v18 =	vld [tilespmem:s0+$0x180]  }
0x7c: {  	v28 =	vadd.s32 v4, v22;
	v27 =	vld [tilespmem:s1+$0x60];
	[tilespmem:v25+s21+$0x0] =	vst.idx.msk $0xffff, v21  }
0x7d: {  	v25 =	vadd.s32 v5, v20;
	[tilespmem:v26+s21+$0x0] =	vst.idx.msk $0xffff, v17;
	v21 =	vld [tilespmem:s0+$0xFFFFFD00]  }
0x7e: {  	v26 =	vadd.s32 v5, v23;
	v17 =	vld [tilespmem:s0+$0xFFFFFE80];
	_ =	sdelay $0x1  }
0x7f: {  	[tilespmem:v19+s21+$0x0] =	vst.idx.msk $0xffff, v18  }
0x80: {  	[tilespmem:v28+s21+$0x0] =	vst.idx.msk $0xffff, v27;
	v19 =	vadd.s32 v6, v24;
	v18 =	vld [tilespmem:s1+$0x210]  }
0x81: {  	v28 =	vadd.s32 v5, v22;
	v27 =	vld [tilespmem:s0+$0x0];
	[tilespmem:v25+s21+$0x0] =	vst.idx.msk $0xffff, v21  }
0x82: {  	v25 =	vadd.s32 v6, v20;
	[tilespmem:v26+s21+$0x0] =	vst.idx.msk $0xffff, v17;
	v21 =	vld [tilespmem:s1+$0xFFFFFD90]  }
0x83: {  	v26 =	vadd.s32 v6, v23;
	v17 =	vld [tilespmem:s1+$0xFFFFFF10];
	_ =	sdelay $0x1  }
0x84: {  	[tilespmem:v19+s21+$0x0] =	vst.idx.msk $0xffff, v18  }
0x85: {  	[tilespmem:v28+s21+$0x0] =	vst.idx.msk $0xffff, v27;
	v19 =	vadd.s32 v7, v24;
	v18 =	vld [tilespmem:s1+$0x228]  }
0x86: {  	v28 =	vadd.s32 v6, v22;
	v27 =	vld [tilespmem:s1+$0x90];
	[tilespmem:v25+s21+$0x0] =	vst.idx.msk $0xffff, v21  }
0x87: {  	v25 =	vadd.s32 v7, v20;
	[tilespmem:v26+s21+$0x0] =	vst.idx.msk $0xffff, v17;
	v21 =	vld [tilespmem:s1+$0xFFFFFDA8]  }
0x88: {  	v26 =	vadd.s32 v7, v23;
	v17 =	vld [tilespmem:s1+$0xFFFFFF28];
	_ =	sdelay $0x1  }
0x89: {  	[tilespmem:v19+s21+$0x0] =	vst.idx.msk $0xffff, v18  }
0x8a: {  	[tilespmem:v28+s21+$0x0] =	vst.idx.msk $0xffff, v27;
	v19 =	vadd.s32 v8, v24;
	v18 =	vld [tilespmem:s1+$0x240]  }
0x8b: {  	v28 =	vadd.s32 v7, v22;
	v27 =	vld [tilespmem:s1+$0xA8];
	[tilespmem:v25+s21+$0x0] =	vst.idx.msk $0xffff, v21  }
0x8c: {  	v25 =	vadd.s32 v8, v20;
	[tilespmem:v26+s21+$0x0] =	vst.idx.msk $0xffff, v17;
	v21 =	vld [tilespmem:s1+$0xFFFFFDC0]  }
0x8d: {  	v26 =	vadd.s32 v8, v23;
	v17 =	vld [tilespmem:s1+$0xFFFFFF40];
	_ =	sdelay $0x1  }
0x8e: {  	[tilespmem:v19+s21+$0x0] =	vst.idx.msk $0xffff, v18  }
0x8f: {  	[tilespmem:v28+s21+$0x0] =	vst.idx.msk $0xffff, v27;
	v19 =	vadd.s32 v9, v24;
	v18 =	vld [tilespmem:s1+$0x258]  }
0x90: {  	v28 =	vadd.s32 v8, v22;
	v27 =	vld [tilespmem:s1+$0xC0];
	[tilespmem:v25+s21+$0x0] =	vst.idx.msk $0xffff, v21  }
0x91: {  	v25 =	vadd.s32 v9, v20;
	[tilespmem:v26+s21+$0x0] =	vst.idx.msk $0xffff, v17;
	v21 =	vld [tilespmem:s1+$0xFFFFFDD8]  }
0x92: {  	v26 =	vadd.s32 v9, v23;
	v17 =	vld [tilespmem:s1+$0xFFFFFF58];
	_ =	sdelay $0x1  }
0x93: {  	[tilespmem:v19+s21+$0x0] =	vst.idx.msk $0xffff, v18  }
0x94: {  	[tilespmem:v28+s21+$0x0] =	vst.idx.msk $0xffff, v27;
	v19 =	vadd.s32 v10, v24;
	v18 =	vld [tilespmem:s1+$0x270]  }
0x95: {  	s24 =	simm.s32 $0x7;
	v28 =	vadd.s32 v9, v22;
	v27 =	vld [tilespmem:s1+$0xD8];
	[tilespmem:v25+s21+$0x0] =	vst.idx.msk $0xffff, v21  }
0x96: {  	s3 =	simm.s32 $0x4;
	v29 =	vadd.s32 v10, v20;
	v21 =	vmov s24;
	[tilespmem:v26+s21+$0x0] =	vst.idx.msk $0xffff, v17;
	v25 =	vld [tilespmem:s1+$0xFFFFFDF0]  }
0x97: {  	v30 =	vadd.s32 v10, v23;
	s31 =	sadd.s32 $0x600, s1;
	v17 =	vmov s3;
	v21 =	vand.u32 $0x3F, v21;
	v26 =	vld [tilespmem:s1+$0xFFFFFF70]  }
0x98: {  	s25 =	simm.s32 $0x5;
	v31 =	vld [tilespmem:s31+$0x180];
	v17 =	vand.u32 $0x3C, v17;
	v32 =	vadd.s32 v0, v21  }
0x99: {  	s26 =	simm.s32 $0x6;
	v35 =	vmov s25;
	v33 =	vld [tilespmem:s31+$0xFFFFFD00];
	v34 =	vadd.s32 v0, v17;
	[tilespmem:v19+s21+$0x0] =	vst.idx.msk $0xffff, v18  }
0x9a: {  	[tilespmem:v28+s21+$0x0] =	vst.idx.msk $0xffff, v27;
	v28 =	vadd.s32 v11, v24;
	v19 =	vand.u32 $0x3D, v35;
	v18 =	vmov s26;
	v27 =	vld [tilespmem:s1+$0x288]  }
0x9b: {  	[tilespmem:v29+s21+$0x0] =	vst.idx.msk $0xffff, v25;
	v25 =	vld [tilespmem:s31+$0xFFFFFE80];
	v29 =	vadd.s32 v0, v19;
	v18 =	vand.u32 $0x3E, v18  }
0x9c: {  	v61 =	vld [tilespmem:s31+$0x0];
	[tilespmem:v30+s21+$0x0] =	vst.idx.msk $0xffff, v26;
	v36 =	vadd.s32 v0, v18  }
0x9d: {  	v26 =	vld [tilespmem:s1+$0xF0];
	v30 =	vadd.s32 v10, v22;
	[tilespmem:v32+s21+$0x0] =	vst.idx.msk $0xffff, v31  }
0x9e: {  	v62 =	vadd.s32 v1, v21;
	[tilespmem:v34+s21+$0x0] =	vst.idx.msk $0xffff, v33;
	v31 =	vld [tilespmem:s31+$0x198]  }
0x9f: {  	v63 =	vadd.s32 v1, v17;
	v33 =	vld [tilespmem:s31+$0xFFFFFD18];
	[tilespmem:v28+s21+$0x0] =	vst.idx.msk $0xffff, v27  }
0xa0: {  	[tilespmem:v29+s21+$0x0] =	vst.idx.msk $0xffff, v25;
	v27 =	vadd.s32 v12, v24;
	v25 =	vld [tilespmem:s1+$0x2A0]  }
0xa1: {  	v29 =	vadd.s32 v1, v19;
	v28 =	vld [tilespmem:s31+$0xFFFFFE98];
	[tilespmem:v36+s21+$0x0] =	vst.idx.msk $0xffff, v61  }
0xa2: {  	v40 =	vadd.s32 v1, v18;
	[tilespmem:v30+s21+$0x0] =	vst.idx.msk $0xffff, v26;
	v35 =	vld [tilespmem:s31+$0x18]  }
0xa3: {  	v26 =	vld [tilespmem:s1+$0xFFFFFF88];
	v30 =	vadd.s32 v11, v23;
	[tilespmem:v62+s21+$0x0] =	vst.idx.msk $0xffff, v31  }
0xa4: {  	v41 =	vadd.s32 v2, v21;
	[tilespmem:v63+s21+$0x0] =	vst.idx.msk $0xffff, v33;
	v31 =	vld [tilespmem:s31+$0x1B0]  }
0xa5: {  	v42 =	vadd.s32 v2, v17;
	v33 =	vld [tilespmem:s31+$0xFFFFFD30];
	[tilespmem:v27+s21+$0x0] =	vst.idx.msk $0xffff, v25  }
0xa6: {  	[tilespmem:v29+s21+$0x0] =	vst.idx.msk $0xffff, v28;
	v27 =	vadd.s32 v13, v24;
	v25 =	vld [tilespmem:s1+$0x2B8]  }
0xa7: {  	v29 =	vadd.s32 v2, v19;
	v28 =	vld [tilespmem:s31+$0xFFFFFEB0];
	[tilespmem:v40+s21+$0x0] =	vst.idx.msk $0xffff, v35  }
0xa8: {  	v43 =	vadd.s32 v2, v18;
	[tilespmem:v30+s21+$0x0] =	vst.idx.msk $0xffff, v26;
	v35 =	vld [tilespmem:s31+$0x30]  }
0xa9: {  	v26 =	vld [tilespmem:s1+$0x108];
	v30 =	vadd.s32 v11, v22;
	[tilespmem:v41+s21+$0x0] =	vst.idx.msk $0xffff, v31  }
0xaa: {  	v44 =	vadd.s32 v3, v21;
	[tilespmem:v42+s21+$0x0] =	vst.idx.msk $0xffff, v33;
	v31 =	vld [tilespmem:s31+$0x1C8]  }
0xab: {  	v45 =	vadd.s32 v3, v17;
	v33 =	vld [tilespmem:s31+$0xFFFFFD48];
	[tilespmem:v27+s21+$0x0] =	vst.idx.msk $0xffff, v25  }
0xac: {  	[tilespmem:v29+s21+$0x0] =	vst.idx.msk $0xffff, v28;
	v27 =	vadd.s32 v14, v24;
	v25 =	vld [tilespmem:s1+$0x2D0]  }
0xad: {  	v29 =	vadd.s32 v3, v19;
	v28 =	vld [tilespmem:s31+$0xFFFFFEC8];
	[tilespmem:v43+s21+$0x0] =	vst.idx.msk $0xffff, v35  }
0xae: {  	v46 =	vadd.s32 v3, v18;
	[tilespmem:v30+s21+$0x0] =	vst.idx.msk $0xffff, v26;
	v35 =	vld [tilespmem:s31+$0x48]  }
0xaf: {  	v26 =	vld [tilespmem:s1+$0xFFFFFE08];
	v30 =	vadd.s32 v11, v20;
	[tilespmem:v44+s21+$0x0] =	vst.idx.msk $0xffff, v31  }
0xb0: {  	v47 =	vadd.s32 v4, v21;
	[tilespmem:v45+s21+$0x0] =	vst.idx.msk $0xffff, v33;
	v31 =	vld [tilespmem:s31+$0x1E0]  }
0xb1: {  	v48 =	vadd.s32 v4, v17;
	v33 =	vld [tilespmem:s31+$0xFFFFFD60];
	[tilespmem:v27+s21+$0x0] =	vst.idx.msk $0xffff, v25  }
0xb2: {  	v24 =	vadd.s32 v15, v24;
	[tilespmem:v29+s21+$0x0] =	vst.idx.msk $0xffff, v28;
	v25 =	vld [tilespmem:s1+$0x2E8]  }
0xb3: {  	v28 =	vadd.s32 v4, v19;
	v27 =	vld [tilespmem:s31+$0xFFFFFEE0];
	[tilespmem:v46+s21+$0x0] =	vst.idx.msk $0xffff, v35  }
0xb4: {  	v49 =	vadd.s32 v4, v18;
	[tilespmem:v30+s21+$0x0] =	vst.idx.msk $0xffff, v26;
	v29 =	vld [tilespmem:s31+$0x60]  }
0xb5: {  	s2 =	sadd.s32 $0x600, s0;
	v26 =	vld [tilespmem:s1+$0xFFFFFFA0];
	v30 =	vadd.s32 v12, v23;
	[tilespmem:v47+s21+$0x0] =	vst.idx.msk $0xffff, v31  }
0xb6: {  	v50 =	vadd.s32 v5, v21;
	[tilespmem:v48+s21+$0x0] =	vst.idx.msk $0xffff, v33;
	v31 =	vld [tilespmem:s2+$0x180]  }
0xb7: {  	v51 =	vadd.s32 v5, v17;
	v33 =	vld [tilespmem:s2+$0xFFFFFD00];
	[tilespmem:v24+s21+$0x0] =	vst.idx.msk $0xffff, v25  }
0xb8: {  	[tilespmem:v28+s21+$0x0] =	vst.idx.msk $0xffff, v27;
	v24 =	vld [tilespmem:s1+$0x120];
	v25 =	vadd.s32 v12, v22  }
0xb9: {  	v28 =	vadd.s32 v5, v19;
	v27 =	vld [tilespmem:s2+$0xFFFFFE80];
	[tilespmem:v49+s21+$0x0] =	vst.idx.msk $0xffff, v29  }
0xba: {  	v52 =	vadd.s32 v5, v18;
	[tilespmem:v30+s21+$0x0] =	vst.idx.msk $0xffff, v26;
	v29 =	vld [tilespmem:s2+$0x0]  }
0xbb: {  	v26 =	vld [tilespmem:s1+$0xFFFFFE20];
	v30 =	vadd.s32 v12, v20;
	[tilespmem:v50+s21+$0x0] =	vst.idx.msk $0xffff, v31  }
0xbc: {  	v53 =	vadd.s32 v6, v21;
	[tilespmem:v51+s21+$0x0] =	vst.idx.msk $0xffff, v33;
	v31 =	vld [tilespmem:s31+$0x210]  }
0xbd: {  	v54 =	vadd.s32 v6, v17;
	v33 =	vld [tilespmem:s31+$0xFFFFFD90];
	[tilespmem:v25+s21+$0x0] =	vst.idx.msk $0xffff, v24  }
0xbe: {  	v24 =	vld [tilespmem:s1+$0xFFFFFFB8];
	v25 =	vadd.s32 v13, v23;
	[tilespmem:v28+s21+$0x0] =	vst.idx.msk $0xffff, v27  }
0xbf: {  	v28 =	vadd.s32 v6, v19;
	v27 =	vld [tilespmem:s31+$0xFFFFFF10];
	[tilespmem:v52+s21+$0x0] =	vst.idx.msk $0xffff, v29  }
0xc0: {  	v55 =	vadd.s32 v6, v18;
	[tilespmem:v30+s21+$0x0] =	vst.idx.msk $0xffff, v26;
	v29 =	vld [tilespmem:s31+$0x90]  }
0xc1: {  	v30 =	vadd.s32 v13, v22;
	v26 =	vld [tilespmem:s1+$0x138];
	[tilespmem:v53+s21+$0x0] =	vst.idx.msk $0xffff, v31  }
0xc2: {  	v56 =	vadd.s32 v7, v21;
	[tilespmem:v54+s21+$0x0] =	vst.idx.msk $0xffff, v33;
	v31 =	vld [tilespmem:s31+$0x228]  }
0xc3: {  	v57 =	vadd.s32 v7, v17;
	v33 =	vld [tilespmem:s31+$0xFFFFFDA8];
	[tilespmem:v25+s21+$0x0] =	vst.idx.msk $0xffff, v24  }
0xc4: {  	v24 =	vld [tilespmem:s1+$0xFFFFFE38];
	v25 =	vadd.s32 v13, v20;
	[tilespmem:v28+s21+$0x0] =	vst.idx.msk $0xffff, v27  }
0xc5: {  	v28 =	vadd.s32 v7, v19;
	v27 =	vld [tilespmem:s31+$0xFFFFFF28];
	[tilespmem:v55+s21+$0x0] =	vst.idx.msk $0xffff, v29  }
0xc6: {  	v58 =	vadd.s32 v7, v18;
	[tilespmem:v30+s21+$0x0] =	vst.idx.msk $0xffff, v26;
	v29 =	vld [tilespmem:s31+$0xA8]  }
0xc7: {  	v26 =	vld [tilespmem:s1+$0xFFFFFFD0];
	v30 =	vadd.s32 v14, v23;
	[tilespmem:v56+s21+$0x0] =	vst.idx.msk $0xffff, v31  }
0xc8: {  	v59 =	vadd.s32 v8, v21;
	[tilespmem:v57+s21+$0x0] =	vst.idx.msk $0xffff, v33;
	v31 =	vld [tilespmem:s31+$0x240]  }
0xc9: {  	v60 =	vadd.s32 v8, v17;
	v33 =	vld [tilespmem:s31+$0xFFFFFDC0];
	[tilespmem:v25+s21+$0x0] =	vst.idx.msk $0xffff, v24  }
0xca: {  	v24 =	vld [tilespmem:s1+$0x150];
	v25 =	vadd.s32 v14, v22;
	[tilespmem:v28+s21+$0x0] =	vst.idx.msk $0xffff, v27  }
0xcb: {  	v28 =	vadd.s32 v8, v19;
	v27 =	vld [tilespmem:s31+$0xFFFFFF40];
	[tilespmem:v58+s21+$0x0] =	vst.idx.msk $0xffff, v29  }
0xcc: {  	v61 =	vadd.s32 v8, v18;
	[tilespmem:v30+s21+$0x0] =	vst.idx.msk $0xffff, v26;
	v29 =	vld [tilespmem:s31+$0xC0]  }
0xcd: {  	v26 =	vld [tilespmem:s1+$0xFFFFFE50];
	v30 =	vadd.s32 v14, v20;
	[tilespmem:v59+s21+$0x0] =	vst.idx.msk $0xffff, v31  }
0xce: {  	v62 =	vadd.s32 v9, v21;
	[tilespmem:v60+s21+$0x0] =	vst.idx.msk $0xffff, v33;
	v31 =	vld [tilespmem:s31+$0x258]  }
0xcf: {  	v37 =	vadd.s32 v9, v17;
	v63 =	vld [tilespmem:s31+$0xFFFFFDD8];
	[tilespmem:v25+s21+$0x0] =	vst.idx.msk $0xffff, v24  }
0xd0: {  	v23 =	vadd.s32 v15, v23;
	v24 =	vld [tilespmem:s1+$0xFFFFFFE8];
	[tilespmem:v28+s21+$0x0] =	vst.idx.msk $0xffff, v27  }
0xd1: {  	v35 =	vadd.s32 v9, v19;
	v33 =	vld [tilespmem:s31+$0xFFFFFF58];
	[tilespmem:v61+s21+$0x0] =	vst.idx.msk $0xffff, v29  }
0xd2: {  	v34 =	vadd.s32 v9, v18;
	[tilespmem:v30+s21+$0x0] =	vst.idx.msk $0xffff, v26;
	v32 =	vld [tilespmem:s31+$0xD8]  }
0xd3: {  	v30 =	vadd.s32 v15, v22;
	v28 =	vld [tilespmem:s1+$0x168];
	[tilespmem:v62+s21+$0x0] =	vst.idx.msk $0xffff, v31  }
0xd4: {  	s30 =	sshll.u32 s28, $0x2;
	[tilespmem:v37+s21+$0x0] =	vst.idx.msk $0xffff, v63;
	v31 =	vadd.s32 v10, v21;
	v29 =	vld [tilespmem:s31+$0x270]  }
0xd5: {  	s4 =	simm.s32 $0xC;
	s0 =	simm.s32 $0x8;
	s3 =	simm.s32 $0xB;
	v27 =	vadd.s32 v10, v17;
	[tilespmem:v23+s21+$0x0] =	vst.idx.msk $0xffff, v24;
	v26 =	vld [tilespmem:s31+$0xFFFFFDF0]  }
.LBB2_6:
0xd6: {  	p2 =	slt.u32 s4, $0x3C;
	v22 =	vmov s3;
	[tilespmem:v35+s21+$0x0] =	vst.idx.msk $0xffff, v33;
	v24 =	vld [tilespmem:s1+$0xFFFFFE68];
	v25 =	vadd.s32 v15, v20;
	v20 =	vmov v17;
	s1 =	smov.u32 s31  }
0xd7: {  	v17 =	vmov s0;
	v36 =	vadd.s32 v10, v19;
	s31 =	sadd.s32 $0x600, s31;
	v33 =	vand.u32 $0x3F, v22;
	v35 =	vld [tilespmem:s1+$0xFFFFFF70];
	[tilespmem:v34+s21+$0x0] =	vst.idx.msk $0xffff, v32  }
0xd8: {  	s3 =	sadd.s32 $0x1, s0;
	v17 =	vand.u32 $0x3C, v17;
	v32 =	vld [tilespmem:s31+$0x180];
	v34 =	vadd.s32 v0, v33;
	[tilespmem:v30+s21+$0x0] =	vst.idx.msk $0xffff, v28  }
0xd9: {  	v22 =	vmov s3;
	s3 =	sadd.s32 $0x2, s0;
	s0 =	smov.u32 s4;
	v30 =	vadd.s32 v0, v17;
	v28 =	vld [tilespmem:s31+$0xFFFFFD00];
	[tilespmem:v31+s21+$0x0] =	vst.idx.msk $0xffff, v29  }
0xda: {  	v23 =	vand.u32 $0x3D, v22;
	v22 =	vmov s3;
	[tilespmem:v27+s21+$0x0] =	vst.idx.msk $0xffff, v26;
	v26 =	vld [tilespmem:s1+$0x288];
	v27 =	vadd.s32 v11, v21  }
0xdb: {  	v31 =	vadd.s32 v0, v23;
	v22 =	vand.u32 $0x3E, v22;
	v29 =	vld [tilespmem:s31+$0xFFFFFE80];
	[tilespmem:v25+s21+$0x0] =	vst.idx.msk $0xffff, v24  }
0xdc: {  	v25 =	vadd.s32 v0, v22;
	v24 =	vld [tilespmem:s31+$0x0];
	[tilespmem:v36+s21+$0x0] =	vst.idx.msk $0xffff, v35  }
0xdd: {  	[tilespmem:v34+s21+$0x0] =	vst.idx.msk $0xffff, v32;
	v32 =	vld [tilespmem:s1+$0xF0];
	v34 =	vadd.s32 v10, v18  }
0xde: {  	[tilespmem:v30+s21+$0x0] =	vst.idx.msk $0xffff, v28;
	v28 =	vld [tilespmem:s31+$0x198];
	v30 =	vadd.s32 v1, v33  }
0xdf: {  	v36 =	vadd.s32 v1, v17;
	v35 =	vld [tilespmem:s31+$0xFFFFFD18];
	[tilespmem:v27+s21+$0x0] =	vst.idx.msk $0xffff, v26  }
0xe0: {  	v27 =	vadd.s32 v12, v21;
	[tilespmem:v31+s21+$0x0] =	vst.idx.msk $0xffff, v29;
	v26 =	vld [tilespmem:s1+$0x2A0]  }
0xe1: {  	v31 =	vadd.s32 v1, v23;
	v29 =	vld [tilespmem:s31+$0xFFFFFE98];
	[tilespmem:v25+s21+$0x0] =	vst.idx.msk $0xffff, v24  }
0xe2: {  	v25 =	vadd.s32 v1, v22;
	v24 =	vld [tilespmem:s31+$0x18];
	[tilespmem:v34+s21+$0x0] =	vst.idx.msk $0xffff, v32  }
0xe3: {  	[tilespmem:v30+s21+$0x0] =	vst.idx.msk $0xffff, v28;
	v28 =	vld [tilespmem:s1+$0xFFFFFF88];
	v30 =	vadd.s32 v11, v19  }
0xe4: {  	v34 =	vadd.s32 v2, v33;
	[tilespmem:v36+s21+$0x0] =	vst.idx.msk $0xffff, v35;
	v32 =	vld [tilespmem:s31+$0x1B0]  }
0xe5: {  	v36 =	vadd.s32 v2, v17;
	v35 =	vld [tilespmem:s31+$0xFFFFFD30];
	[tilespmem:v27+s21+$0x0] =	vst.idx.msk $0xffff, v26  }
0xe6: {  	v27 =	vadd.s32 v13, v21;
	[tilespmem:v31+s21+$0x0] =	vst.idx.msk $0xffff, v29;
	v26 =	vld [tilespmem:s1+$0x2B8]  }
0xe7: {  	v31 =	vadd.s32 v2, v23;
	v29 =	vld [tilespmem:s31+$0xFFFFFEB0];
	[tilespmem:v25+s21+$0x0] =	vst.idx.msk $0xffff, v24  }
0xe8: {  	v25 =	vadd.s32 v2, v22;
	v24 =	vld [tilespmem:s31+$0x30];
	[tilespmem:v30+s21+$0x0] =	vst.idx.msk $0xffff, v28  }
0xe9: {  	v30 =	vadd.s32 v11, v18;
	[tilespmem:v34+s21+$0x0] =	vst.idx.msk $0xffff, v32;
	v28 =	vld [tilespmem:s1+$0x108]  }
0xea: {  	v34 =	vadd.s32 v3, v33;
	[tilespmem:v36+s21+$0x0] =	vst.idx.msk $0xffff, v35;
	v32 =	vld [tilespmem:s31+$0x1C8]  }
0xeb: {  	v36 =	vadd.s32 v3, v17;
	v35 =	vld [tilespmem:s31+$0xFFFFFD48];
	[tilespmem:v27+s21+$0x0] =	vst.idx.msk $0xffff, v26  }
0xec: {  	v27 =	vadd.s32 v14, v21;
	[tilespmem:v31+s21+$0x0] =	vst.idx.msk $0xffff, v29;
	v26 =	vld [tilespmem:s1+$0x2D0]  }
0xed: {  	v31 =	vadd.s32 v3, v23;
	v29 =	vld [tilespmem:s31+$0xFFFFFEC8];
	[tilespmem:v25+s21+$0x0] =	vst.idx.msk $0xffff, v24  }
0xee: {  	v25 =	vadd.s32 v3, v22;
	v24 =	vld [tilespmem:s31+$0x48];
	[tilespmem:v30+s21+$0x0] =	vst.idx.msk $0xffff, v28  }
0xef: {  	v30 =	vadd.s32 v11, v20;
	[tilespmem:v34+s21+$0x0] =	vst.idx.msk $0xffff, v32;
	v28 =	vld [tilespmem:s1+$0xFFFFFE08]  }
0xf0: {  	v34 =	vadd.s32 v4, v33;
	[tilespmem:v36+s21+$0x0] =	vst.idx.msk $0xffff, v35;
	v32 =	vld [tilespmem:s31+$0x1E0]  }
0xf1: {  	v36 =	vadd.s32 v4, v17;
	v35 =	vld [tilespmem:s31+$0xFFFFFD60];
	[tilespmem:v27+s21+$0x0] =	vst.idx.msk $0xffff, v26  }
0xf2: {  	v27 =	vadd.s32 v15, v21;
	v21 =	vmov v33;
	[tilespmem:v31+s21+$0x0] =	vst.idx.msk $0xffff, v29;
	v26 =	vld [tilespmem:s1+$0x2E8]  }
0xf3: {  	v31 =	vadd.s32 v4, v23;
	v29 =	vld [tilespmem:s31+$0xFFFFFEE0];
	[tilespmem:v25+s21+$0x0] =	vst.idx.msk $0xffff, v24  }
0xf4: {  	v25 =	vadd.s32 v4, v22;
	v24 =	vld [tilespmem:s31+$0x60];
	[tilespmem:v30+s21+$0x0] =	vst.idx.msk $0xffff, v28  }
0xf5: {  	s2 =	sadd.s32 $0x600, s2;
	v30 =	vadd.s32 v12, v19;
	[tilespmem:v34+s21+$0x0] =	vst.idx.msk $0xffff, v32;
	v28 =	vld [tilespmem:s1+$0xFFFFFFA0]  }
0xf6: {  	v33 =	vadd.s32 v5, v21;
	[tilespmem:v36+s21+$0x0] =	vst.idx.msk $0xffff, v35;
	v32 =	vld [tilespmem:s2+$0x180]  }
0xf7: {  	v35 =	vadd.s32 v5, v17;
	v34 =	vld [tilespmem:s2+$0xFFFFFD00];
	[tilespmem:v27+s21+$0x0] =	vst.idx.msk $0xffff, v26  }
0xf8: {  	v27 =	vadd.s32 v12, v18;
	[tilespmem:v31+s21+$0x0] =	vst.idx.msk $0xffff, v29;
	v26 =	vld [tilespmem:s1+$0x120]  }
0xf9: {  	v31 =	vadd.s32 v5, v23;
	v29 =	vld [tilespmem:s2+$0xFFFFFE80];
	[tilespmem:v25+s21+$0x0] =	vst.idx.msk $0xffff, v24  }
0xfa: {  	v25 =	vadd.s32 v5, v22;
	v24 =	vld [tilespmem:s2+$0x0];
	[tilespmem:v30+s21+$0x0] =	vst.idx.msk $0xffff, v28  }
0xfb: {  	v30 =	vadd.s32 v12, v20;
	[tilespmem:v33+s21+$0x0] =	vst.idx.msk $0xffff, v32;
	v28 =	vld [tilespmem:s1+$0xFFFFFE20]  }
0xfc: {  	v33 =	vadd.s32 v6, v21;
	[tilespmem:v35+s21+$0x0] =	vst.idx.msk $0xffff, v34;
	v32 =	vld [tilespmem:s31+$0x210]  }
0xfd: {  	v35 =	vadd.s32 v6, v17;
	v34 =	vld [tilespmem:s31+$0xFFFFFD90];
	[tilespmem:v27+s21+$0x0] =	vst.idx.msk $0xffff, v26  }
0xfe: {  	v27 =	vadd.s32 v13, v19;
	[tilespmem:v31+s21+$0x0] =	vst.idx.msk $0xffff, v29;
	v26 =	vld [tilespmem:s1+$0xFFFFFFB8]  }
0xff: {  	v31 =	vadd.s32 v6, v23;
	v29 =	vld [tilespmem:s31+$0xFFFFFF10];
	[tilespmem:v25+s21+$0x0] =	vst.idx.msk $0xffff, v24  }
0x100: {  	v25 =	vadd.s32 v6, v22;
	v24 =	vld [tilespmem:s31+$0x90];
	[tilespmem:v30+s21+$0x0] =	vst.idx.msk $0xffff, v28  }
0x101: {  	v30 =	vadd.s32 v13, v18;
	[tilespmem:v33+s21+$0x0] =	vst.idx.msk $0xffff, v32;
	v28 =	vld [tilespmem:s1+$0x138]  }
0x102: {  	v33 =	vadd.s32 v7, v21;
	[tilespmem:v35+s21+$0x0] =	vst.idx.msk $0xffff, v34;
	v32 =	vld [tilespmem:s31+$0x228]  }
0x103: {  	v35 =	vadd.s32 v7, v17;
	v34 =	vld [tilespmem:s31+$0xFFFFFDA8];
	[tilespmem:v27+s21+$0x0] =	vst.idx.msk $0xffff, v26  }
0x104: {  	v27 =	vadd.s32 v13, v20;
	[tilespmem:v31+s21+$0x0] =	vst.idx.msk $0xffff, v29;
	v26 =	vld [tilespmem:s1+$0xFFFFFE38]  }
0x105: {  	v31 =	vadd.s32 v7, v23;
	v29 =	vld [tilespmem:s31+$0xFFFFFF28];
	[tilespmem:v25+s21+$0x0] =	vst.idx.msk $0xffff, v24  }
0x106: {  	v25 =	vadd.s32 v7, v22;
	v24 =	vld [tilespmem:s31+$0xA8];
	[tilespmem:v30+s21+$0x0] =	vst.idx.msk $0xffff, v28  }
0x107: {  	v30 =	vadd.s32 v14, v19;
	[tilespmem:v33+s21+$0x0] =	vst.idx.msk $0xffff, v32;
	v28 =	vld [tilespmem:s1+$0xFFFFFFD0]  }
0x108: {  	v33 =	vadd.s32 v8, v21;
	[tilespmem:v35+s21+$0x0] =	vst.idx.msk $0xffff, v34;
	v32 =	vld [tilespmem:s31+$0x240]  }
0x109: {  	v35 =	vadd.s32 v8, v17;
	v34 =	vld [tilespmem:s31+$0xFFFFFDC0];
	[tilespmem:v27+s21+$0x0] =	vst.idx.msk $0xffff, v26  }
0x10a: {  	v27 =	vadd.s32 v14, v18;
	[tilespmem:v31+s21+$0x0] =	vst.idx.msk $0xffff, v29;
	v26 =	vld [tilespmem:s1+$0x150]  }
0x10b: {  	v31 =	vadd.s32 v8, v23;
	v29 =	vld [tilespmem:s31+$0xFFFFFF40];
	[tilespmem:v25+s21+$0x0] =	vst.idx.msk $0xffff, v24  }
0x10c: {  	v25 =	vadd.s32 v8, v22;
	v24 =	vld [tilespmem:s31+$0xC0];
	[tilespmem:v30+s21+$0x0] =	vst.idx.msk $0xffff, v28  }
0x10d: {  	v30 =	vadd.s32 v14, v20;
	[tilespmem:v33+s21+$0x0] =	vst.idx.msk $0xffff, v32;
	v28 =	vld [tilespmem:s1+$0xFFFFFE50]  }
0x10e: {  	v37 =	vadd.s32 v9, v21;
	[tilespmem:v35+s21+$0x0] =	vst.idx.msk $0xffff, v34;
	v36 =	vld [tilespmem:s31+$0x258]  }
0x10f: {  	v39 =	vadd.s32 v9, v17;
	v38 =	vld [tilespmem:s31+$0xFFFFFDD8];
	[tilespmem:v27+s21+$0x0] =	vst.idx.msk $0xffff, v26  }
0x110: {  	v41 =	vadd.s32 v15, v19;
	v19 =	vmov v23;
	[tilespmem:v31+s21+$0x0] =	vst.idx.msk $0xffff, v29;
	v40 =	vld [tilespmem:s1+$0xFFFFFFE8]  }
.Ltmp4:
0x111: {  	v35 =	vadd.s32 v9, v19;
	v33 =	vld [tilespmem:s31+$0xFFFFFF58];
	[tilespmem:v25+s21+$0x0] =	vst.idx.msk $0xffff, v24;
	(pc) =	sbr.rel @p2 .LBB2_6-.Ltmp4, $4  }
0x112: {  	v34 =	vadd.s32 v9, v22;
	v32 =	vld [tilespmem:s31+$0xD8];
	[tilespmem:v30+s21+$0x0] =	vst.idx.msk $0xffff, v28  }
0x113: {  	v30 =	vadd.s32 v15, v18;
	v18 =	vmov v22;
	[tilespmem:v37+s21+$0x0] =	vst.idx.msk $0xffff, v36;
	v28 =	vld [tilespmem:s1+$0x168]  }
0x114: {  	v31 =	vadd.s32 v10, v21;
	[tilespmem:v39+s21+$0x0] =	vst.idx.msk $0xffff, v38;
	v29 =	vld [tilespmem:s31+$0x270]  }
0x115: {  	s4 =	sadd.s32 $0x4, s4;
	s3 =	sadd.s32 $0x3, s0;
	v27 =	vadd.s32 v10, v17;
	v26 =	vld [tilespmem:s31+$0xFFFFFDF0];
	[tilespmem:v41+s21+$0x0] =	vst.idx.msk $0xffff, v40  }
0x116: {  	v22 =	vmov s3;
	s5 =	sadd.s32 $0x1, s0  }
0x117: {  	s4 =	sadd.s32 $0x600, s31;
	s7 =	sadd.s32 $0x2, s0;
	v22 =	vand.u32 $0x3F, v22;
	v23 =	vmov s5  }
0x118: {  	v25 =	vmov s7;
	v36 =	vld [tilespmem:s4+$0x180];
	v37 =	vadd.s32 v0, v22;
	v24 =	vand.u32 $0x3D, v23  }
0x119: {  	v51 =	vmov s0;
	v38 =	vld [tilespmem:s4+$0xFFFFFE80];
	v25 =	vand.u32 $0x3E, v25;
	v39 =	vadd.s32 v0, v24  }
0x11a: {  	v40 =	vld [tilespmem:s4+$0x0];
	v23 =	vand.u32 $0x3C, v51;
	v41 =	vadd.s32 v0, v25  }
0x11b: {  	v42 =	vld [tilespmem:s4+$0xFFFFFD00];
	v43 =	vadd.s32 v0, v23;
	_ =	sdelay $0x1  }
0x11c: {  	[tilespmem:v37+s21+$0x0] =	vst.idx.msk $0xffff, v36  }
0x11d: {  	v52 =	vadd.s32 v1, v22;
	v36 =	vld [tilespmem:s4+$0x198];
	[tilespmem:v39+s21+$0x0] =	vst.idx.msk $0xffff, v38  }
0x11e: {  	v53 =	vadd.s32 v1, v24;
	[tilespmem:v41+s21+$0x0] =	vst.idx.msk $0xffff, v40;
	v38 =	vld [tilespmem:s4+$0xFFFFFE98]  }
0x11f: {  	v54 =	vadd.s32 v1, v25;
	[tilespmem:v43+s21+$0x0] =	vst.idx.msk $0xffff, v42;
	v40 =	vld [tilespmem:s4+$0x18]  }
0x120: {  	v55 =	vadd.s32 v1, v23;
	v42 =	vld [tilespmem:s4+$0xFFFFFD18];
	_ =	sdelay $0x1  }
0x121: {  	[tilespmem:v52+s21+$0x0] =	vst.idx.msk $0xffff, v36  }
0x122: {  	v56 =	vadd.s32 v2, v22;
	[tilespmem:v53+s21+$0x0] =	vst.idx.msk $0xffff, v38;
	v36 =	vld [tilespmem:s4+$0x1B0]  }
0x123: {  	v57 =	vadd.s32 v2, v24;
	[tilespmem:v54+s21+$0x0] =	vst.idx.msk $0xffff, v40;
	v38 =	vld [tilespmem:s4+$0xFFFFFEB0]  }
0x124: {  	v58 =	vadd.s32 v2, v25;
	[tilespmem:v55+s21+$0x0] =	vst.idx.msk $0xffff, v42;
	v40 =	vld [tilespmem:s4+$0x30]  }
0x125: {  	[tilespmem:v35+s21+$0x0] =	vst.idx.msk $0xffff, v33;
	v60 =	vadd.s32 v2, v23;
	v59 =	vld [tilespmem:s4+$0xFFFFFD30]  }
0x126: {  	[tilespmem:v34+s21+$0x0] =	vst.idx.msk $0xffff, v32  }
0x127: {  	[tilespmem:v56+s21+$0x0] =	vst.idx.msk $0xffff, v36  }
0x128: {  	v62 =	vadd.s32 v3, v22;
	[tilespmem:v57+s21+$0x0] =	vst.idx.msk $0xffff, v38;
	v61 =	vld [tilespmem:s4+$0x1C8]  }
0x129: {  	[tilespmem:v58+s21+$0x0] =	vst.idx.msk $0xffff, v40;
	v40 =	vadd.s32 v3, v24;
	v63 =	vld [tilespmem:s4+$0xFFFFFEC8]  }
0x12a: {  	v42 =	vadd.s32 v3, v25;
	[tilespmem:v60+s21+$0x0] =	vst.idx.msk $0xffff, v59;
	v41 =	vld [tilespmem:s4+$0x48]  }
0x12b: {  	[tilespmem:v30+s21+$0x0] =	vst.idx.msk $0xffff, v28;
	v44 =	vadd.s32 v3, v23;
	v43 =	vld [tilespmem:s4+$0xFFFFFD48]  }
0x12c: {  	[tilespmem:v31+s21+$0x0] =	vst.idx.msk $0xffff, v29  }
0x12d: {  	v45 =	vld [tilespmem:s1+$0xFFFFFE68];
	v20 =	vadd.s32 v15, v20;
	[tilespmem:v62+s21+$0x0] =	vst.idx.msk $0xffff, v61  }
0x12e: {  	v47 =	vadd.s32 v4, v22;
	v46 =	vld [tilespmem:s4+$0x1E0];
	[tilespmem:v40+s21+$0x0] =	vst.idx.msk $0xffff, v63  }
0x12f: {  	v49 =	vadd.s32 v4, v24;
	[tilespmem:v42+s21+$0x0] =	vst.idx.msk $0xffff, v41;
	v48 =	vld [tilespmem:s4+$0xFFFFFEE0]  }
0x130: {  	v51 =	vadd.s32 v4, v25;
	[tilespmem:v44+s21+$0x0] =	vst.idx.msk $0xffff, v43;
	v50 =	vld [tilespmem:s4+$0x60]  }
0x131: {  	[tilespmem:v27+s21+$0x0] =	vst.idx.msk $0xffff, v26;
	v53 =	vadd.s32 v4, v23;
	v52 =	vld [tilespmem:s4+$0xFFFFFD60]  }
0x132: {  	[tilespmem:v20+s21+$0x0] =	vst.idx.msk $0xffff, v45;
	v54 =	vld [tilespmem:s31+$0xFFFFFF70];
	v55 =	vadd.s32 v10, v19  }
0x133: {  	s17 =	sadd.s32 $0x600, s2;
	v56 =	vld [tilespmem:s31+$0x288];
	v57 =	vadd.s32 v11, v21;
	[tilespmem:v47+s21+$0x0] =	vst.idx.msk $0xffff, v46  }
0x134: {  	v58 =	vadd.s32 v5, v22;
	v31 =	vld [tilespmem:s17+$0x180];
	[tilespmem:v49+s21+$0x0] =	vst.idx.msk $0xffff, v48  }
0x135: {  	v59 =	vadd.s32 v5, v24;
	[tilespmem:v51+s21+$0x0] =	vst.idx.msk $0xffff, v50;
	v34 =	vld [tilespmem:s17+$0xFFFFFE80]  }
0x136: {  	v61 =	vadd.s32 v5, v25;
	[tilespmem:v53+s21+$0x0] =	vst.idx.msk $0xffff, v52;
	v60 =	vld [tilespmem:s17+$0x0]  }
0x137: {  	[tilespmem:v55+s21+$0x0] =	vst.idx.msk $0xffff, v54;
	v63 =	vadd.s32 v5, v23;
	v62 =	vld [tilespmem:s17+$0xFFFFFD00]  }
0x138: {  	[tilespmem:v57+s21+$0x0] =	vst.idx.msk $0xffff, v56;
	v40 =	vld [tilespmem:s31+$0xF0];
	v41 =	vadd.s32 v10, v18  }
0x139: {  	v20 =	vld [tilespmem:s31+$0x2A0];
	v42 =	vadd.s32 v12, v21;
	[tilespmem:v58+s21+$0x0] =	vst.idx.msk $0xffff, v31  }
0x13a: {  	v43 =	vadd.s32 v6, v22;
	v31 =	vld [tilespmem:s4+$0x210];
	[tilespmem:v59+s21+$0x0] =	vst.idx.msk $0xffff, v34  }
0x13b: {  	v44 =	vadd.s32 v6, v24;
	[tilespmem:v61+s21+$0x0] =	vst.idx.msk $0xffff, v60;
	v34 =	vld [tilespmem:s4+$0xFFFFFF10]  }
0x13c: {  	v45 =	vadd.s32 v6, v25;
	[tilespmem:v63+s21+$0x0] =	vst.idx.msk $0xffff, v62;
	v26 =	vld [tilespmem:s4+$0x90]  }
0x13d: {  	[tilespmem:v41+s21+$0x0] =	vst.idx.msk $0xffff, v40;
	v46 =	vadd.s32 v6, v23;
	v28 =	vld [tilespmem:s4+$0xFFFFFD90]  }
0x13e: {  	v47 =	vld [tilespmem:s31+$0xFFFFFF88];
	[tilespmem:v42+s21+$0x0] =	vst.idx.msk $0xffff, v20;
	v48 =	vadd.s32 v11, v19  }
0x13f: {  	v20 =	vld [tilespmem:s31+$0x2B8];
	v49 =	vadd.s32 v13, v21;
	[tilespmem:v43+s21+$0x0] =	vst.idx.msk $0xffff, v31  }
0x140: {  	v50 =	vadd.s32 v7, v22;
	v31 =	vld [tilespmem:s4+$0x228];
	[tilespmem:v44+s21+$0x0] =	vst.idx.msk $0xffff, v34  }
0x141: {  	v51 =	vadd.s32 v7, v24;
	[tilespmem:v45+s21+$0x0] =	vst.idx.msk $0xffff, v26;
	v34 =	vld [tilespmem:s4+$0xFFFFFF28]  }
0x142: {  	v52 =	vadd.s32 v7, v25;
	[tilespmem:v46+s21+$0x0] =	vst.idx.msk $0xffff, v28;
	v26 =	vld [tilespmem:s4+$0xA8]  }
0x143: {  	v53 =	vadd.s32 v7, v23;
	[tilespmem:v48+s21+$0x0] =	vst.idx.msk $0xffff, v47;
	v28 =	vld [tilespmem:s4+$0xFFFFFDA8]  }
0x144: {  	v55 =	vadd.s32 v11, v18;
	v54 =	vld [tilespmem:s31+$0x108];
	[tilespmem:v49+s21+$0x0] =	vst.idx.msk $0xffff, v20  }
0x145: {  	v56 =	vadd.s32 v14, v21;
	v20 =	vld [tilespmem:s31+$0x2D0];
	[tilespmem:v50+s21+$0x0] =	vst.idx.msk $0xffff, v31  }
0x146: {  	v57 =	vadd.s32 v8, v22;
	v31 =	vld [tilespmem:s4+$0x240];
	[tilespmem:v51+s21+$0x0] =	vst.idx.msk $0xffff, v34  }
0x147: {  	v58 =	vadd.s32 v8, v24;
	[tilespmem:v52+s21+$0x0] =	vst.idx.msk $0xffff, v26;
	v34 =	vld [tilespmem:s4+$0xFFFFFF40]  }
0x148: {  	v59 =	vadd.s32 v8, v25;
	[tilespmem:v53+s21+$0x0] =	vst.idx.msk $0xffff, v28;
	v26 =	vld [tilespmem:s4+$0xC0]  }
0x149: {  	[tilespmem:v55+s21+$0x0] =	vst.idx.msk $0xffff, v54;
	v60 =	vadd.s32 v8, v23;
	v28 =	vld [tilespmem:s4+$0xFFFFFDC0]  }
0x14a: {  	v61 =	vld [tilespmem:s31+$0xFFFFFE08];
	v62 =	vadd.s32 v11, v17;
	[tilespmem:v56+s21+$0x0] =	vst.idx.msk $0xffff, v20  }
0x14b: {  	v63 =	vadd.s32 v15, v21;
	v20 =	vld [tilespmem:s31+$0x2E8];
	[tilespmem:v57+s21+$0x0] =	vst.idx.msk $0xffff, v31  }
0x14c: {  	v38 =	vadd.s32 v9, v22;
	v37 =	vld [tilespmem:s4+$0x258];
	[tilespmem:v58+s21+$0x0] =	vst.idx.msk $0xffff, v34  }
0x14d: {  	v40 =	vadd.s32 v9, v24;
	[tilespmem:v59+s21+$0x0] =	vst.idx.msk $0xffff, v26;
	v39 =	vld [tilespmem:s4+$0xFFFFFF58]  }
0x14e: {  	v41 =	vadd.s32 v9, v25;
	[tilespmem:v60+s21+$0x0] =	vst.idx.msk $0xffff, v28;
	v26 =	vld [tilespmem:s4+$0xD8]  }
0x14f: {  	v42 =	vadd.s32 v9, v23;
	[tilespmem:v62+s21+$0x0] =	vst.idx.msk $0xffff, v61;
	v28 =	vld [tilespmem:s4+$0xFFFFFDD8]  }
0x150: {  	v43 =	vld [tilespmem:s31+$0xFFFFFFA0];
	v44 =	vadd.s32 v12, v19;
	[tilespmem:v63+s21+$0x0] =	vst.idx.msk $0xffff, v20  }
0x151: {  	v45 =	vld [tilespmem:s31+$0x120];
	v46 =	vadd.s32 v12, v18;
	[tilespmem:v38+s21+$0x0] =	vst.idx.msk $0xffff, v37  }
0x152: {  	v47 =	vadd.s32 v10, v22;
	v29 =	vld [tilespmem:s4+$0x270];
	[tilespmem:v40+s21+$0x0] =	vst.idx.msk $0xffff, v39  }
0x153: {  	v48 =	vadd.s32 v10, v24;
	[tilespmem:v41+s21+$0x0] =	vst.idx.msk $0xffff, v26;
	v32 =	vld [tilespmem:s4+$0xFFFFFF70]  }
0x154: {  	v49 =	vadd.s32 v10, v25;
	[tilespmem:v42+s21+$0x0] =	vst.idx.msk $0xffff, v28;
	v26 =	vld [tilespmem:s4+$0xF0]  }
0x155: {  	[tilespmem:v44+s21+$0x0] =	vst.idx.msk $0xffff, v43;
	v50 =	vadd.s32 v10, v23;
	v28 =	vld [tilespmem:s4+$0xFFFFFDF0]  }
0x156: {  	[tilespmem:v46+s21+$0x0] =	vst.idx.msk $0xffff, v45;
	v51 =	vld [tilespmem:s31+$0xFFFFFE20];
	v52 =	vadd.s32 v12, v17  }
0x157: {  	v63 =	vadd.s32 v13, v18;
	v62 =	vld [tilespmem:s31+$0x138];
	[tilespmem:v47+s21+$0x0] =	vst.idx.msk $0xffff, v29  }
0x158: {  	v55 =	vadd.s32 v11, v22;
	v29 =	vld [tilespmem:s4+$0x288];
	[tilespmem:v48+s21+$0x0] =	vst.idx.msk $0xffff, v32  }
0x159: {  	v57 =	vadd.s32 v11, v24;
	[tilespmem:v49+s21+$0x0] =	vst.idx.msk $0xffff, v26;
	v56 =	vld [tilespmem:s4+$0xFFFFFF88]  }
0x15a: {  	v59 =	vadd.s32 v11, v25;
	[tilespmem:v50+s21+$0x0] =	vst.idx.msk $0xffff, v28;
	v58 =	vld [tilespmem:s4+$0x108]  }
0x15b: {  	v61 =	vadd.s32 v11, v23;
	[tilespmem:v52+s21+$0x0] =	vst.idx.msk $0xffff, v51;
	v60 =	vld [tilespmem:s4+$0xFFFFFE08]  }
0x15c: {  	v54 =	vadd.s32 v13, v19;
	v53 =	vld [tilespmem:s31+$0xFFFFFFB8];
	[tilespmem:v63+s21+$0x0] =	vst.idx.msk $0xffff, v62  }
0x15d: {  	v45 =	vadd.s32 v14, v18;
	v44 =	vld [tilespmem:s31+$0x150];
	[tilespmem:v55+s21+$0x0] =	vst.idx.msk $0xffff, v29  }
0x15e: {  	v38 =	vadd.s32 v12, v22;
	v29 =	vld [tilespmem:s4+$0x2A0];
	[tilespmem:v57+s21+$0x0] =	vst.idx.msk $0xffff, v56  }
0x15f: {  	v39 =	vadd.s32 v12, v24;
	[tilespmem:v59+s21+$0x0] =	vst.idx.msk $0xffff, v58;
	v26 =	vld [tilespmem:s4+$0xFFFFFFA0]  }
0x160: {  	v40 =	vadd.s32 v12, v25;
	[tilespmem:v61+s21+$0x0] =	vst.idx.msk $0xffff, v60;
	v28 =	vld [tilespmem:s4+$0x120]  }
0x161: {  	[tilespmem:v54+s21+$0x0] =	vst.idx.msk $0xffff, v53;
	v41 =	vadd.s32 v12, v23;
	v32 =	vld [tilespmem:s4+$0xFFFFFE20]  }
0x162: {  	v36 =	vld [tilespmem:s31+$0xFFFFFE38];
	v37 =	vadd.s32 v13, v17;
	[tilespmem:v45+s21+$0x0] =	vst.idx.msk $0xffff, v44  }
0x163: {  	v43 =	vadd.s32 v14, v19;
	v42 =	vld [tilespmem:s31+$0xFFFFFFD0];
	[tilespmem:v38+s21+$0x0] =	vst.idx.msk $0xffff, v29  }
0x164: {  	v46 =	vadd.s32 v13, v22;
	v29 =	vld [tilespmem:s4+$0x2B8];
	[tilespmem:v39+s21+$0x0] =	vst.idx.msk $0xffff, v26  }
0x165: {  	v47 =	vadd.s32 v13, v24;
	[tilespmem:v40+s21+$0x0] =	vst.idx.msk $0xffff, v28;
	v26 =	vld [tilespmem:s4+$0xFFFFFFB8]  }
0x166: {  	v48 =	vadd.s32 v13, v25;
	[tilespmem:v41+s21+$0x0] =	vst.idx.msk $0xffff, v32;
	v28 =	vld [tilespmem:s4+$0x138]  }
0x167: {  	[tilespmem:v37+s21+$0x0] =	vst.idx.msk $0xffff, v36;
	v49 =	vadd.s32 v13, v23;
	v32 =	vld [tilespmem:s4+$0xFFFFFE38]  }
0x168: {  	v51 =	vadd.s32 v14, v17;
	[tilespmem:v43+s21+$0x0] =	vst.idx.msk $0xffff, v42;
	v50 =	vld [tilespmem:s31+$0xFFFFFE50]  }
0x169: {  	v19 =	vadd.s32 v15, v19;
	v52 =	vld [tilespmem:s31+$0xFFFFFFE8];
	[tilespmem:v46+s21+$0x0] =	vst.idx.msk $0xffff, v29  }
0x16a: {  	v54 =	vadd.s32 v14, v22;
	v53 =	vld [tilespmem:s4+$0x2D0];
	[tilespmem:v47+s21+$0x0] =	vst.idx.msk $0xffff, v26  }
0x16b: {  	v55 =	vadd.s32 v14, v24;
	[tilespmem:v48+s21+$0x0] =	vst.idx.msk $0xffff, v28;
	v26 =	vld [tilespmem:s4+$0xFFFFFFD0]  }
0x16c: {  	v56 =	vadd.s32 v14, v25;
	[tilespmem:v49+s21+$0x0] =	vst.idx.msk $0xffff, v32;
	v28 =	vld [tilespmem:s4+$0x150]  }
0x16d: {  	[tilespmem:v51+s21+$0x0] =	vst.idx.msk $0xffff, v50;
	v58 =	vadd.s32 v14, v23;
	v57 =	vld [tilespmem:s4+$0xFFFFFE50]  }
0x16e: {  	v18 =	vadd.s32 v15, v18;
	[tilespmem:v19+s21+$0x0] =	vst.idx.msk $0xffff, v52;
	v59 =	vld [tilespmem:s31+$0x168]  }
0x16f: {  	v17 =	vadd.s32 v15, v17;
	v19 =	vld [tilespmem:s31+$0xFFFFFE68];
	[tilespmem:v54+s21+$0x0] =	vst.idx.msk $0xffff, v53  }
0x170: {  	v61 =	vadd.s32 v15, v22;
	v60 =	vld [tilespmem:s4+$0x2E8];
	[tilespmem:v55+s21+$0x0] =	vst.idx.msk $0xffff, v26  }
0x171: {  	v24 =	vadd.s32 v15, v24;
	[tilespmem:v56+s21+$0x0] =	vst.idx.msk $0xffff, v28;
	v62 =	vld [tilespmem:s4+$0xFFFFFFE8]  }
0x172: {  	v25 =	vadd.s32 v15, v25;
	[tilespmem:v58+s21+$0x0] =	vst.idx.msk $0xffff, v57;
	v63 =	vld [tilespmem:s4+$0x168]  }
0x173: {  	v23 =	vadd.s32 v15, v23;
	[tilespmem:v18+s21+$0x0] =	vst.idx.msk $0xffff, v59;
	v18 =	vld [tilespmem:s4+$0xFFFFFE68]  }
0x174: {  	[tilespmem:v17+s21+$0x0] =	vst.idx.msk $0xffff, v19  }
0x175: {  	[tilespmem:v61+s21+$0x0] =	vst.idx.msk $0xffff, v60  }
0x176: {  	s20 =	sand.u32 $0x18, s28;
	[tilespmem:v24+s21+$0x0] =	vst.idx.msk $0xffff, v62  }
0x177: {  	s23 =	sand.u32 $0x7, s28;
	s0 =	sadd.s32 s20, s11;
	[tilespmem:v25+s21+$0x0] =	vst.idx.msk $0xffff, v63  }
0x178: {  	s31 =	sadd.s32 s23, s0;
	[tilespmem:v23+s21+$0x0] =	vst.idx.msk $0xffff, v18  }
0x179: {  	v17 =	vld [tilespmem:s31+$0x0]  }
0x17a: {  	v18 =	vld [tilespmem:s29+$0x0];
	_ =	sdelay $0x3  }
0x17b: {  	(v2sf) =	vpush v17, $0x0  }
0x17c: {  	(v2sf) =	vpush v18, $0x0;
	_ =	sdelay $0x1  }
0x17d: {  	(v2sf) =	vpush v18, $0x1;
	_ =	sdelay $0xb  }
0x17e: {  	s24 =	spop (v2sf)  }
0x17f: {  	s1 =	spop (v2sf)  }
0x180: {  	p2 =	sgt.s32 s1, $0x0  }
0x181: {  	s2 =	spop (v2sf);
	s1 =	simm.s32 @!p2 $0x0  }
0x182: {  	p2 =	sgt.s32 s2, $0x0;
	s1 =	smin.u32 s1, $0x70  }
0x183: {  	s0 =	sshll.u32 s24, $0x16;
	s2 =	simm.s32 @!p2 $0x0;
	s1 =	sshll.u32 s1, $0x7  }
0x184: {  	s25 =	smin.u32 s2, $0x70;
	s0 =	sor.u32 s0, s1  }
0x185: {  	s0 =	sor.u32 s25, s0  }
0x186: {  	s0 =	sshrl.u32 s0, $0x3  }
0x187: {  	s26 =	simm.s32 $0x4F0;
	s1 =	simm.s32 $0x600;
	s0 =	sadd.s32 s0, s13  }
0x188: {  	[tilespmem:s26], [sflag:$0x1] =	stream.strided.gather [hbm4b:s0+s18], $0x180, s19, s18, $0x38;
	[tilespmem:$0x1D4F0] =	vst v63  }
.LBB2_8:
0x189: {  	p2 =	sne.s32 s1, $0x17A00  }
.Ltmp5:
0x18a: {  	_ = 	snop;
	(pc) =	sbr.rel @p2 .LBB2_8-.Ltmp5, $4  }
0x18b: {  	_ = 	snop  }
0x18c: {  	s2 =	sshra.s32 s1, $0x2;
	s1 =	sadd.s32 $0x600, s1  }
0x18d: {  	s0 =	sadd.s32 $0x800, s0;
	s2 =	sadd.s32 $0x4F0, s2  }
0x18e: {  	[tilespmem:s2], [sflag:$0x1] =	stream.strided.gather [hbm4b:s0+s18], $0x180, s19, s18, $0x38;
	[tilespmem:$0x1D4F0] =	vst v63  }
0x18f: {  	_ =	swait.ge [sflag:s16], $0x6000  }
0x190: {  	[sflag:s16] =	ssyncset.done $0x0  }
0x191: {  	[sflag:s16] =	ssyncadd.s32 $0xFFFFA000  }
0x192: {  	v17 =	vld [tilespmem:s29+$0x0];
	_ =	sdelay $0x4  }
0x193: {  	(v2sf) =	vpush v17, $0x1;
	_ =	sdelay $0xe  }
0x194: {  	s0 =	spop (v2sf)  }
0x195: {  	p2 =	sgt.s32 s0, $0x0  }
0x196: {  	s0 =	simm.s32 @!p2 $0x0  }
0x197: {  	s1 =	simm.s32 $0x43;
	s0 =	smin.u32 s0, $0x70  }
0x198: {  	s4 =	simm.s32 $0x40;
	v17 =	vmov s1;
	s2 =	sand.u32 $0x7, s0  }
0x199: {  	v24 =	vand.u32 $0x7F, v17;
	v17 =	vmov s4;
	s1 =	sor.u32 $0x67F0, s2  }
0x19a: {  	s5 =	simm.s32 $0x41;
	v19 =	vadd.s32 v0, v24;
	v23 =	vand.u32 $0x7C, v17;
	v18 =	vld [tilespmem:s1+$0x180]  }
0x19b: {  	v17 =	vmov s5;
	v21 =	vadd.s32 v0, v23;
	v20 =	vld [tilespmem:s1+$0xFFFFFD00]  }
0x19c: {  	s7 =	simm.s32 $0x42;
	v22 =	vand.u32 $0x7D, v17  }
0x19d: {  	v17 =	vmov s7;
	v26 =	vadd.s32 v0, v22;
	v25 =	vld [tilespmem:s1+$0xFFFFFE80]  }
0x19e: {  	v17 =	vand.u32 $0x7E, v17  }
0x19f: {  	v28 =	vadd.s32 v0, v17;
	v27 =	vld [tilespmem:s1+$0x0];
	[tilespmem:v19+s21+$0x0] =	vst.idx.msk $0xffff, v18  }
0x1a0: {  	v19 =	vadd.s32 v1, v24;
	[tilespmem:v21+s21+$0x0] =	vst.idx.msk $0xffff, v20;
	v18 =	vld [tilespmem:s1+$0x198]  }
0x1a1: {  	v21 =	vadd.s32 v1, v23;
	v20 =	vld [tilespmem:s1+$0xFFFFFD18]  }
0x1a2: {  	[tilespmem:v26+s21+$0x0] =	vst.idx.msk $0xffff, v25  }
0x1a3: {  	v26 =	vadd.s32 v1, v22;
	v25 =	vld [tilespmem:s1+$0xFFFFFE98]  }
0x1a4: {  	[tilespmem:v28+s21+$0x0] =	vst.idx.msk $0xffff, v27  }
0x1a5: {  	v28 =	vadd.s32 v1, v17;
	v27 =	vld [tilespmem:s1+$0x18];
	[tilespmem:v19+s21+$0x0] =	vst.idx.msk $0xffff, v18  }
0x1a6: {  	v19 =	vadd.s32 v2, v24;
	[tilespmem:v21+s21+$0x0] =	vst.idx.msk $0xffff, v20;
	v18 =	vld [tilespmem:s1+$0x1B0]  }
0x1a7: {  	v21 =	vadd.s32 v2, v23;
	v20 =	vld [tilespmem:s1+$0xFFFFFD30]  }
0x1a8: {  	[tilespmem:v26+s21+$0x0] =	vst.idx.msk $0xffff, v25  }
0x1a9: {  	v26 =	vadd.s32 v2, v22;
	v25 =	vld [tilespmem:s1+$0xFFFFFEB0]  }
0x1aa: {  	[tilespmem:v28+s21+$0x0] =	vst.idx.msk $0xffff, v27  }
0x1ab: {  	v28 =	vadd.s32 v2, v17;
	v27 =	vld [tilespmem:s1+$0x30];
	[tilespmem:v19+s21+$0x0] =	vst.idx.msk $0xffff, v18  }
0x1ac: {  	v19 =	vadd.s32 v3, v24;
	[tilespmem:v21+s21+$0x0] =	vst.idx.msk $0xffff, v20;
	v18 =	vld [tilespmem:s1+$0x1C8]  }
0x1ad: {  	v21 =	vadd.s32 v3, v23;
	v20 =	vld [tilespmem:s1+$0xFFFFFD48]  }
0x1ae: {  	[tilespmem:v26+s21+$0x0] =	vst.idx.msk $0xffff, v25  }
0x1af: {  	v26 =	vadd.s32 v3, v22;
	v25 =	vld [tilespmem:s1+$0xFFFFFEC8]  }
0x1b0: {  	[tilespmem:v28+s21+$0x0] =	vst.idx.msk $0xffff, v27  }
0x1b1: {  	v28 =	vadd.s32 v3, v17;
	v27 =	vld [tilespmem:s1+$0x48];
	[tilespmem:v19+s21+$0x0] =	vst.idx.msk $0xffff, v18  }
0x1b2: {  	v19 =	vadd.s32 v4, v24;
	[tilespmem:v21+s21+$0x0] =	vst.idx.msk $0xffff, v20;
	v18 =	vld [tilespmem:s1+$0x1E0]  }
0x1b3: {  	v21 =	vadd.s32 v4, v23;
	v20 =	vld [tilespmem:s1+$0xFFFFFD60]  }
0x1b4: {  	[tilespmem:v26+s21+$0x0] =	vst.idx.msk $0xffff, v25  }
0x1b5: {  	v26 =	vadd.s32 v4, v22;
	v25 =	vld [tilespmem:s1+$0xFFFFFEE0]  }
0x1b6: {  	[tilespmem:v28+s21+$0x0] =	vst.idx.msk $0xffff, v27  }
0x1b7: {  	v28 =	vadd.s32 v4, v17;
	v27 =	vld [tilespmem:s1+$0x60];
	[tilespmem:v19+s21+$0x0] =	vst.idx.msk $0xffff, v18  }
0x1b8: {  	s17 =	sor.u32 $0x78, s0;
	v19 =	vadd.s32 v5, v24;
	[tilespmem:v21+s21+$0x0] =	vst.idx.msk $0xffff, v20;
	v18 =	vld [tilespmem:s1+$0x1F8]  }
0x1b9: {  	v21 =	vadd.s32 v5, v23;
	v20 =	vld [tilespmem:s17+$0x64F0]  }
0x1ba: {  	s20 =	sor.u32 $0x1F8, s0;
	[tilespmem:v26+s21+$0x0] =	vst.idx.msk $0xffff, v25  }
0x1bb: {  	v26 =	vadd.s32 v5, v22;
	v25 =	vld [tilespmem:s20+$0x64F0]  }
0x1bc: {  	[tilespmem:v28+s21+$0x0] =	vst.idx.msk $0xffff, v27  }
0x1bd: {  	v28 =	vadd.s32 v5, v17;
	v27 =	vld [tilespmem:s1+$0x78];
	[tilespmem:v19+s21+$0x0] =	vst.idx.msk $0xffff, v18  }
0x1be: {  	v19 =	vadd.s32 v6, v24;
	[tilespmem:v21+s21+$0x0] =	vst.idx.msk $0xffff, v20;
	v18 =	vld [tilespmem:s1+$0x210]  }
0x1bf: {  	v21 =	vadd.s32 v6, v23;
	v20 =	vld [tilespmem:s1+$0xFFFFFD90]  }
0x1c0: {  	[tilespmem:v26+s21+$0x0] =	vst.idx.msk $0xffff, v25  }
0x1c1: {  	v26 =	vadd.s32 v6, v22;
	v25 =	vld [tilespmem:s1+$0xFFFFFF10]  }
0x1c2: {  	[tilespmem:v28+s21+$0x0] =	vst.idx.msk $0xffff, v27  }
0x1c3: {  	v28 =	vadd.s32 v6, v17;
	v27 =	vld [tilespmem:s1+$0x90];
	[tilespmem:v19+s21+$0x0] =	vst.idx.msk $0xffff, v18  }
0x1c4: {  	v19 =	vadd.s32 v7, v24;
	[tilespmem:v21+s21+$0x0] =	vst.idx.msk $0xffff, v20;
	v18 =	vld [tilespmem:s1+$0x228]  }
0x1c5: {  	v21 =	vadd.s32 v7, v23;
	v20 =	vld [tilespmem:s1+$0xFFFFFDA8]  }
0x1c6: {  	[tilespmem:v26+s21+$0x0] =	vst.idx.msk $0xffff, v25  }
0x1c7: {  	v26 =	vadd.s32 v7, v22;
	v25 =	vld [tilespmem:s1+$0xFFFFFF28]  }
0x1c8: {  	[tilespmem:v28+s21+$0x0] =	vst.idx.msk $0xffff, v27  }
0x1c9: {  	v28 =	vadd.s32 v7, v17;
	v27 =	vld [tilespmem:s1+$0xA8];
	[tilespmem:v19+s21+$0x0] =	vst.idx.msk $0xffff, v18  }
0x1ca: {  	v19 =	vadd.s32 v8, v24;
	[tilespmem:v21+s21+$0x0] =	vst.idx.msk $0xffff, v20;
	v18 =	vld [tilespmem:s1+$0x240]  }
0x1cb: {  	v21 =	vadd.s32 v8, v23;
	v20 =	vld [tilespmem:s1+$0xFFFFFDC0]  }
0x1cc: {  	[tilespmem:v26+s21+$0x0] =	vst.idx.msk $0xffff, v25  }
0x1cd: {  	v26 =	vadd.s32 v8, v22;
	v25 =	vld [tilespmem:s1+$0xFFFFFF40]  }
0x1ce: {  	[tilespmem:v28+s21+$0x0] =	vst.idx.msk $0xffff, v27  }
0x1cf: {  	v28 =	vadd.s32 v8, v17;
	v27 =	vld [tilespmem:s1+$0xC0];
	[tilespmem:v19+s21+$0x0] =	vst.idx.msk $0xffff, v18  }
0x1d0: {  	v19 =	vadd.s32 v9, v24;
	[tilespmem:v21+s21+$0x0] =	vst.idx.msk $0xffff, v20;
	v18 =	vld [tilespmem:s1+$0x258]  }
0x1d1: {  	v21 =	vadd.s32 v9, v23;
	v20 =	vld [tilespmem:s1+$0xFFFFFDD8]  }
0x1d2: {  	[tilespmem:v26+s21+$0x0] =	vst.idx.msk $0xffff, v25  }
0x1d3: {  	v26 =	vadd.s32 v9, v22;
	v25 =	vld [tilespmem:s1+$0xFFFFFF58]  }
0x1d4: {  	[tilespmem:v28+s21+$0x0] =	vst.idx.msk $0xffff, v27  }
0x1d5: {  	v30 =	vadd.s32 v9, v17;
	v29 =	vld [tilespmem:s1+$0xD8];
	[tilespmem:v19+s21+$0x0] =	vst.idx.msk $0xffff, v18  }
0x1d6: {  	v28 =	vadd.s32 v10, v24;
	[tilespmem:v21+s21+$0x0] =	vst.idx.msk $0xffff, v20;
	v27 =	vld [tilespmem:s1+$0x270]  }
0x1d7: {  	s23 =	simm.s32 $0x47;
	v31 =	vadd.s32 v10, v23;
	v21 =	vld [tilespmem:s1+$0xFFFFFDF0]  }
0x1d8: {  	s3 =	simm.s32 $0x44;
	v18 =	vmov s23;
	[tilespmem:v26+s21+$0x0] =	vst.idx.msk $0xffff, v25  }
0x1d9: {  	s24 =	simm.s32 $0x45;
	s5 =	sadd.s32 $0x600, s1;
	v20 =	vmov s3;
	v26 =	vadd.s32 v10, v22;
	v19 =	vand.u32 $0x7F, v18;
	v25 =	vld [tilespmem:s1+$0xFFFFFF70]  }
0x1da: {  	v32 =	vld [tilespmem:s5+$0x180];
	[tilespmem:v30+s21+$0x0] =	vst.idx.msk $0xffff, v29;
	v18 =	vand.u32 $0x7C, v20;
	v20 =	vmov s24;
	v33 =	vadd.s32 v0, v19  }
0x1db: {  	s25 =	simm.s32 $0x46;
	v34 =	vld [tilespmem:s5+$0xFFFFFD00];
	v35 =	vadd.s32 v0, v18;
	v20 =	vand.u32 $0x7D, v20;
	[tilespmem:v28+s21+$0x0] =	vst.idx.msk $0xffff, v27  }
0x1dc: {  	v30 =	vld [tilespmem:s5+$0xFFFFFE80];
	v27 =	vmov s25;
	[tilespmem:v31+s21+$0x0] =	vst.idx.msk $0xffff, v21;
	v31 =	vadd.s32 v0, v20  }
0x1dd: {  	v29 =	vadd.s32 v11, v24;
	v28 =	vld [tilespmem:s1+$0x288];
	v21 =	vand.u32 $0x7E, v27  }
0x1de: {  	[tilespmem:v26+s21+$0x0] =	vst.idx.msk $0xffff, v25;
	v27 =	vld [tilespmem:s5+$0x0];
	v36 =	vadd.s32 v0, v21  }
0x1df: {  	v25 =	vld [tilespmem:s1+$0xF0];
	v26 =	vadd.s32 v10, v17;
	[tilespmem:v33+s21+$0x0] =	vst.idx.msk $0xffff, v32  }
0x1e0: {  	v42 =	vadd.s32 v1, v19;
	[tilespmem:v35+s21+$0x0] =	vst.idx.msk $0xffff, v34;
	v32 =	vld [tilespmem:s5+$0x198]  }
0x1e1: {  	v43 =	vadd.s32 v1, v18;
	v34 =	vld [tilespmem:s5+$0xFFFFFD18];
	[tilespmem:v31+s21+$0x0] =	vst.idx.msk $0xffff, v30  }
0x1e2: {  	v31 =	vadd.s32 v1, v20;
	[tilespmem:v29+s21+$0x0] =	vst.idx.msk $0xffff, v28;
	v30 =	vld [tilespmem:s5+$0xFFFFFE98]  }
0x1e3: {  	v29 =	vadd.s32 v12, v24;
	v28 =	vld [tilespmem:s1+$0x2A0];
	[tilespmem:v36+s21+$0x0] =	vst.idx.msk $0xffff, v27  }
0x1e4: {  	v44 =	vadd.s32 v1, v21;
	[tilespmem:v26+s21+$0x0] =	vst.idx.msk $0xffff, v25;
	v27 =	vld [tilespmem:s5+$0x18]  }
0x1e5: {  	v25 =	vld [tilespmem:s1+$0xFFFFFE08];
	v26 =	vadd.s32 v11, v23;
	[tilespmem:v42+s21+$0x0] =	vst.idx.msk $0xffff, v32  }
0x1e6: {  	v45 =	vadd.s32 v2, v19;
	[tilespmem:v43+s21+$0x0] =	vst.idx.msk $0xffff, v34;
	v32 =	vld [tilespmem:s5+$0x1B0]  }
0x1e7: {  	v46 =	vadd.s32 v2, v18;
	v34 =	vld [tilespmem:s5+$0xFFFFFD30];
	[tilespmem:v31+s21+$0x0] =	vst.idx.msk $0xffff, v30  }
0x1e8: {  	v31 =	vadd.s32 v2, v20;
	[tilespmem:v29+s21+$0x0] =	vst.idx.msk $0xffff, v28;
	v30 =	vld [tilespmem:s5+$0xFFFFFEB0]  }
0x1e9: {  	v29 =	vadd.s32 v13, v24;
	v28 =	vld [tilespmem:s1+$0x2B8];
	[tilespmem:v44+s21+$0x0] =	vst.idx.msk $0xffff, v27  }
0x1ea: {  	v47 =	vadd.s32 v2, v21;
	[tilespmem:v26+s21+$0x0] =	vst.idx.msk $0xffff, v25;
	v27 =	vld [tilespmem:s5+$0x30]  }
0x1eb: {  	v25 =	vld [tilespmem:s1+$0xFFFFFF88];
	v26 =	vadd.s32 v11, v22;
	[tilespmem:v45+s21+$0x0] =	vst.idx.msk $0xffff, v32  }
0x1ec: {  	v48 =	vadd.s32 v3, v19;
	[tilespmem:v46+s21+$0x0] =	vst.idx.msk $0xffff, v34;
	v32 =	vld [tilespmem:s5+$0x1C8]  }
0x1ed: {  	v49 =	vadd.s32 v3, v18;
	v34 =	vld [tilespmem:s5+$0xFFFFFD48];
	[tilespmem:v31+s21+$0x0] =	vst.idx.msk $0xffff, v30  }
0x1ee: {  	v31 =	vadd.s32 v3, v20;
	[tilespmem:v29+s21+$0x0] =	vst.idx.msk $0xffff, v28;
	v30 =	vld [tilespmem:s5+$0xFFFFFEC8]  }
0x1ef: {  	v29 =	vadd.s32 v14, v24;
	v28 =	vld [tilespmem:s1+$0x2D0];
	[tilespmem:v47+s21+$0x0] =	vst.idx.msk $0xffff, v27  }
0x1f0: {  	v50 =	vadd.s32 v3, v21;
	[tilespmem:v26+s21+$0x0] =	vst.idx.msk $0xffff, v25;
	v27 =	vld [tilespmem:s5+$0x48]  }
0x1f1: {  	[tilespmem:v48+s21+$0x0] =	vst.idx.msk $0xffff, v32  }
0x1f2: {  	v25 =	vld [tilespmem:s1+$0x108];
	v26 =	vadd.s32 v11, v17;
	[tilespmem:v49+s21+$0x0] =	vst.idx.msk $0xffff, v34  }
0x1f3: {  	v51 =	vadd.s32 v4, v19;
	v32 =	vld [tilespmem:s5+$0x1E0];
	[tilespmem:v31+s21+$0x0] =	vst.idx.msk $0xffff, v30  }
0x1f4: {  	v52 =	vadd.s32 v4, v18;
	v34 =	vld [tilespmem:s5+$0xFFFFFD60];
	[tilespmem:v29+s21+$0x0] =	vst.idx.msk $0xffff, v28  }
0x1f5: {  	v30 =	vadd.s32 v4, v20;
	v29 =	vld [tilespmem:s5+$0xFFFFFEE0];
	[tilespmem:v50+s21+$0x0] =	vst.idx.msk $0xffff, v27  }
0x1f6: {  	v31 =	vadd.s32 v4, v21;
	v27 =	vld [tilespmem:s5+$0x60]  }
0x1f7: {  	[tilespmem:v26+s21+$0x0] =	vst.idx.msk $0xffff, v25;
	v25 =	vld [tilespmem:s1+$0xFFFFFE20];
	v26 =	vadd.s32 v12, v23  }
0x1f8: {  	s2 =	sadd.s32 $0x600, s0;
	v24 =	vadd.s32 v15, v24;
	v28 =	vld [tilespmem:s1+$0x2E8];
	[tilespmem:v51+s21+$0x0] =	vst.idx.msk $0xffff, v32  }
0x1f9: {  	s0 =	sor.u32 $0x78, s2;
	v53 =	vadd.s32 v5, v19;
	[tilespmem:v52+s21+$0x0] =	vst.idx.msk $0xffff, v34;
	v32 =	vld [tilespmem:s5+$0x1F8]  }
0x1fa: {  	s26 =	sor.u32 $0x1F8, s2;
	v54 =	vadd.s32 v5, v18;
	v34 =	vld [tilespmem:s0+$0x64F0];
	[tilespmem:v30+s21+$0x0] =	vst.idx.msk $0xffff, v29  }
0x1fb: {  	v30 =	vadd.s32 v5, v20;
	v29 =	vld [tilespmem:s26+$0x64F0];
	[tilespmem:v31+s21+$0x0] =	vst.idx.msk $0xffff, v27  }
0x1fc: {  	[tilespmem:v26+s21+$0x0] =	vst.idx.msk $0xffff, v25;
	v31 =	vadd.s32 v5, v21;
	v27 =	vld [tilespmem:s5+$0x78]  }
0x1fd: {  	v25 =	vld [tilespmem:s1+$0x120];
	v26 =	vadd.s32 v12, v17;
	[tilespmem:v24+s21+$0x0] =	vst.idx.msk $0xffff, v28  }
0x1fe: {  	v24 =	vld [tilespmem:s1+$0xFFFFFFA0];
	v28 =	vadd.s32 v12, v22;
	[tilespmem:v53+s21+$0x0] =	vst.idx.msk $0xffff, v32  }
0x1ff: {  	v55 =	vadd.s32 v6, v19;
	[tilespmem:v54+s21+$0x0] =	vst.idx.msk $0xffff, v34;
	v32 =	vld [tilespmem:s5+$0x210]  }
0x200: {  	v56 =	vadd.s32 v6, v18;
	v34 =	vld [tilespmem:s5+$0xFFFFFD90];
	[tilespmem:v30+s21+$0x0] =	vst.idx.msk $0xffff, v29  }
0x201: {  	v30 =	vadd.s32 v6, v20;
	v29 =	vld [tilespmem:s5+$0xFFFFFF10];
	[tilespmem:v31+s21+$0x0] =	vst.idx.msk $0xffff, v27  }
0x202: {  	[tilespmem:v26+s21+$0x0] =	vst.idx.msk $0xffff, v25;
	v31 =	vadd.s32 v6, v21;
	v27 =	vld [tilespmem:s5+$0x90]  }
0x203: {  	[tilespmem:v28+s21+$0x0] =	vst.idx.msk $0xffff, v24;
	v24 =	vld [tilespmem:s1+$0xFFFFFE38];
	v28 =	vadd.s32 v13, v23  }
0x204: {  	v26 =	vadd.s32 v13, v22;
	v25 =	vld [tilespmem:s1+$0xFFFFFFB8];
	[tilespmem:v55+s21+$0x0] =	vst.idx.msk $0xffff, v32  }
0x205: {  	v57 =	vadd.s32 v7, v19;
	[tilespmem:v56+s21+$0x0] =	vst.idx.msk $0xffff, v34;
	v32 =	vld [tilespmem:s5+$0x228]  }
0x206: {  	v58 =	vadd.s32 v7, v18;
	v34 =	vld [tilespmem:s5+$0xFFFFFDA8];
	[tilespmem:v30+s21+$0x0] =	vst.idx.msk $0xffff, v29  }
0x207: {  	v30 =	vadd.s32 v7, v20;
	v29 =	vld [tilespmem:s5+$0xFFFFFF28];
	[tilespmem:v31+s21+$0x0] =	vst.idx.msk $0xffff, v27  }
0x208: {  	[tilespmem:v28+s21+$0x0] =	vst.idx.msk $0xffff, v24;
	v31 =	vadd.s32 v7, v21;
	v27 =	vld [tilespmem:s5+$0xA8]  }
0x209: {  	v24 =	vld [tilespmem:s1+$0x138];
	v28 =	vadd.s32 v13, v17;
	[tilespmem:v26+s21+$0x0] =	vst.idx.msk $0xffff, v25  }
0x20a: {  	v25 =	vld [tilespmem:s1+$0xFFFFFE50];
	v26 =	vadd.s32 v14, v23;
	[tilespmem:v57+s21+$0x0] =	vst.idx.msk $0xffff, v32  }
0x20b: {  	v59 =	vadd.s32 v8, v19;
	[tilespmem:v58+s21+$0x0] =	vst.idx.msk $0xffff, v34;
	v32 =	vld [tilespmem:s5+$0x240]  }
0x20c: {  	v60 =	vadd.s32 v8, v18;
	v34 =	vld [tilespmem:s5+$0xFFFFFDC0];
	[tilespmem:v30+s21+$0x0] =	vst.idx.msk $0xffff, v29  }
0x20d: {  	v30 =	vadd.s32 v8, v20;
	v29 =	vld [tilespmem:s5+$0xFFFFFF40];
	[tilespmem:v31+s21+$0x0] =	vst.idx.msk $0xffff, v27  }
0x20e: {  	[tilespmem:v28+s21+$0x0] =	vst.idx.msk $0xffff, v24;
	v31 =	vadd.s32 v8, v21;
	v27 =	vld [tilespmem:s5+$0xC0]  }
0x20f: {  	v24 =	vld [tilespmem:s1+$0xFFFFFFD0];
	v28 =	vadd.s32 v14, v22;
	[tilespmem:v26+s21+$0x0] =	vst.idx.msk $0xffff, v25  }
0x210: {  	v61 =	vadd.s32 v14, v17;
	v25 =	vld [tilespmem:s1+$0x150];
	[tilespmem:v59+s21+$0x0] =	vst.idx.msk $0xffff, v32  }
0x211: {  	v62 =	vadd.s32 v9, v19;
	[tilespmem:v60+s21+$0x0] =	vst.idx.msk $0xffff, v34;
	v33 =	vld [tilespmem:s5+$0x258]  }
0x212: {  	v63 =	vadd.s32 v9, v18;
	v35 =	vld [tilespmem:s5+$0xFFFFFDD8];
	[tilespmem:v30+s21+$0x0] =	vst.idx.msk $0xffff, v29  }
0x213: {  	v26 =	vld [tilespmem:s1+$0xFFFFFE68];
	[tilespmem:v31+s21+$0x0] =	vst.idx.msk $0xffff, v27;
	v27 =	vadd.s32 v15, v23  }
0x214: {  	[tilespmem:v28+s21+$0x0] =	vst.idx.msk $0xffff, v24;
	v30 =	vld [tilespmem:s5+$0xFFFFFF58];
	v31 =	vadd.s32 v9, v20  }
0x215: {  	v28 =	vadd.s32 v9, v21;
	[tilespmem:v61+s21+$0x0] =	vst.idx.msk $0xffff, v25;
	v23 =	vld [tilespmem:s5+$0xD8]  }
0x216: {  	v24 =	vld [tilespmem:s1+$0xFFFFFFE8];
	v25 =	vadd.s32 v15, v22;
	[tilespmem:v62+s21+$0x0] =	vst.idx.msk $0xffff, v33  }
0x217: {  	s0 =	simm.s32 $0x4;
	v29 =	vadd.s32 v10, v19;
	[tilespmem:v63+s21+$0x0] =	vst.idx.msk $0xffff, v35;
	v22 =	vld [tilespmem:s5+$0x270]  }
.LBB2_10:
0x218: {  	s3 =	sadd.s32 $0x47, s0;
	v32 =	vld [tilespmem:s5+$0xFFFFFDF0];
	v33 =	vadd.s32 v10, v18;
	[tilespmem:v27+s21+$0x0] =	vst.idx.msk $0xffff, v26;
	s4 =	smov.u32 s0;
	s0 =	sadd.s32 $0x4, s0  }
0x219: {  	s7 =	sadd.s32 $0x44, s4;
	v26 =	vmov s3;
	p2 =	slt.u32 s0, $0x3C;
	[tilespmem:v31+s21+$0x0] =	vst.idx.msk $0xffff, v30;
	v27 =	vld [tilespmem:s1+$0x168];
	v30 =	vadd.s32 v15, v17;
	v17 =	vmov v21;
	s1 =	smov.u32 s5  }
0x21a: {  	v34 =	vadd.s32 v10, v20;
	s5 =	sadd.s32 $0x600, s5;
	v21 =	vmov s7;
	v26 =	vand.u32 $0x7F, v26;
	v31 =	vld [tilespmem:s1+$0xFFFFFF70];
	[tilespmem:v28+s21+$0x0] =	vst.idx.msk $0xffff, v23  }
0x21b: {  	s3 =	sadd.s32 $0x45, s4;
	v23 =	vand.u32 $0x7C, v21;
	v28 =	vld [tilespmem:s5+$0x180];
	v35 =	vadd.s32 v0, v26;
	[tilespmem:v25+s21+$0x0] =	vst.idx.msk $0xffff, v24  }
0x21c: {  	v21 =	vmov s3;
	s3 =	sadd.s32 $0x46, s4;
	v24 =	vld [tilespmem:s5+$0xFFFFFD00];
	v25 =	vadd.s32 v0, v23;
	[tilespmem:v29+s21+$0x0] =	vst.idx.msk $0xffff, v22  }
0x21d: {  	v22 =	vand.u32 $0x7D, v21;
	v21 =	vmov s3;
	[tilespmem:v33+s21+$0x0] =	vst.idx.msk $0xffff, v32;
	v29 =	vld [tilespmem:s1+$0x288];
	v32 =	vadd.s32 v11, v19  }
0x21e: {  	v36 =	vadd.s32 v0, v22;
	v21 =	vand.u32 $0x7E, v21;
	v33 =	vld [tilespmem:s5+$0xFFFFFE80];
	[tilespmem:v30+s21+$0x0] =	vst.idx.msk $0xffff, v27  }
0x21f: {  	v30 =	vadd.s32 v0, v21;
	v27 =	vld [tilespmem:s5+$0x0];
	[tilespmem:v34+s21+$0x0] =	vst.idx.msk $0xffff, v31  }
0x220: {  	v31 =	vadd.s32 v10, v17;
	[tilespmem:v35+s21+$0x0] =	vst.idx.msk $0xffff, v28;
	v28 =	vld [tilespmem:s1+$0xF0]  }
0x221: {  	[tilespmem:v25+s21+$0x0] =	vst.idx.msk $0xffff, v24;
	v24 =	vld [tilespmem:s5+$0x198];
	v25 =	vadd.s32 v1, v26  }
0x222: {  	v35 =	vadd.s32 v1, v23;
	v34 =	vld [tilespmem:s5+$0xFFFFFD18];
	[tilespmem:v32+s21+$0x0] =	vst.idx.msk $0xffff, v29  }
0x223: {  	v32 =	vadd.s32 v12, v19;
	[tilespmem:v36+s21+$0x0] =	vst.idx.msk $0xffff, v33;
	v29 =	vld [tilespmem:s1+$0x2A0]  }
0x224: {  	v36 =	vadd.s32 v1, v22;
	v33 =	vld [tilespmem:s5+$0xFFFFFE98];
	[tilespmem:v30+s21+$0x0] =	vst.idx.msk $0xffff, v27  }
0x225: {  	v30 =	vadd.s32 v1, v21;
	v27 =	vld [tilespmem:s5+$0x18];
	[tilespmem:v31+s21+$0x0] =	vst.idx.msk $0xffff, v28  }
0x226: {  	[tilespmem:v25+s21+$0x0] =	vst.idx.msk $0xffff, v24;
	v24 =	vld [tilespmem:s1+$0xFFFFFE08];
	v25 =	vadd.s32 v11, v18  }
0x227: {  	v31 =	vadd.s32 v2, v26;
	[tilespmem:v35+s21+$0x0] =	vst.idx.msk $0xffff, v34;
	v28 =	vld [tilespmem:s5+$0x1B0]  }
0x228: {  	v35 =	vadd.s32 v2, v23;
	v34 =	vld [tilespmem:s5+$0xFFFFFD30];
	[tilespmem:v32+s21+$0x0] =	vst.idx.msk $0xffff, v29  }
0x229: {  	v32 =	vadd.s32 v13, v19;
	[tilespmem:v36+s21+$0x0] =	vst.idx.msk $0xffff, v33;
	v29 =	vld [tilespmem:s1+$0x2B8]  }
0x22a: {  	v36 =	vadd.s32 v2, v22;
	v33 =	vld [tilespmem:s5+$0xFFFFFEB0];
	[tilespmem:v30+s21+$0x0] =	vst.idx.msk $0xffff, v27  }
0x22b: {  	v30 =	vadd.s32 v2, v21;
	v27 =	vld [tilespmem:s5+$0x30];
	[tilespmem:v25+s21+$0x0] =	vst.idx.msk $0xffff, v24  }
0x22c: {  	v25 =	vadd.s32 v11, v20;
	[tilespmem:v31+s21+$0x0] =	vst.idx.msk $0xffff, v28;
	v24 =	vld [tilespmem:s1+$0xFFFFFF88]  }
0x22d: {  	v31 =	vadd.s32 v3, v26;
	[tilespmem:v35+s21+$0x0] =	vst.idx.msk $0xffff, v34;
	v28 =	vld [tilespmem:s5+$0x1C8]  }
0x22e: {  	v35 =	vadd.s32 v3, v23;
	v34 =	vld [tilespmem:s5+$0xFFFFFD48];
	[tilespmem:v32+s21+$0x0] =	vst.idx.msk $0xffff, v29  }
0x22f: {  	v32 =	vadd.s32 v14, v19;
	[tilespmem:v36+s21+$0x0] =	vst.idx.msk $0xffff, v33;
	v29 =	vld [tilespmem:s1+$0x2D0]  }
0x230: {  	v36 =	vadd.s32 v3, v22;
	v33 =	vld [tilespmem:s5+$0xFFFFFEC8];
	[tilespmem:v30+s21+$0x0] =	vst.idx.msk $0xffff, v27  }
0x231: {  	v30 =	vadd.s32 v3, v21;
	v27 =	vld [tilespmem:s5+$0x48];
	[tilespmem:v25+s21+$0x0] =	vst.idx.msk $0xffff, v24  }
0x232: {  	v25 =	vadd.s32 v11, v17;
	[tilespmem:v31+s21+$0x0] =	vst.idx.msk $0xffff, v28;
	v24 =	vld [tilespmem:s1+$0x108]  }
0x233: {  	v31 =	vadd.s32 v4, v26;
	[tilespmem:v35+s21+$0x0] =	vst.idx.msk $0xffff, v34;
	v28 =	vld [tilespmem:s5+$0x1E0]  }
0x234: {  	v35 =	vadd.s32 v4, v23;
	v34 =	vld [tilespmem:s5+$0xFFFFFD60];
	[tilespmem:v32+s21+$0x0] =	vst.idx.msk $0xffff, v29  }
0x235: {  	v32 =	vadd.s32 v15, v19;
	v19 =	vmov v26;
	[tilespmem:v36+s21+$0x0] =	vst.idx.msk $0xffff, v33;
	v29 =	vld [tilespmem:s1+$0x2E8]  }
0x236: {  	v33 =	vadd.s32 v4, v22;
	v26 =	vld [tilespmem:s5+$0xFFFFFEE0];
	[tilespmem:v30+s21+$0x0] =	vst.idx.msk $0xffff, v27  }
0x237: {  	v30 =	vadd.s32 v4, v21;
	v27 =	vld [tilespmem:s5+$0x60];
	[tilespmem:v25+s21+$0x0] =	vst.idx.msk $0xffff, v24  }
0x238: {  	s2 =	sadd.s32 $0x600, s2;
	v25 =	vadd.s32 v12, v18;
	[tilespmem:v31+s21+$0x0] =	vst.idx.msk $0xffff, v28;
	v24 =	vld [tilespmem:s1+$0xFFFFFE20]  }
0x239: {  	s3 =	sor.u32 $0x78, s2;
	v31 =	vadd.s32 v5, v19;
	[tilespmem:v35+s21+$0x0] =	vst.idx.msk $0xffff, v34;
	v28 =	vld [tilespmem:s5+$0x1F8]  }
0x23a: {  	v35 =	vadd.s32 v5, v23;
	v34 =	vld [tilespmem:s3+$0x64F0];
	[tilespmem:v32+s21+$0x0] =	vst.idx.msk $0xffff, v29  }
0x23b: {  	s3 =	sor.u32 $0x1F8, s2;
	v29 =	vadd.s32 v12, v20;
	[tilespmem:v33+s21+$0x0] =	vst.idx.msk $0xffff, v26;
	v26 =	vld [tilespmem:s1+$0xFFFFFFA0]  }
0x23c: {  	v33 =	vadd.s32 v5, v22;
	v32 =	vld [tilespmem:s3+$0x64F0];
	[tilespmem:v30+s21+$0x0] =	vst.idx.msk $0xffff, v27  }
0x23d: {  	v30 =	vadd.s32 v5, v21;
	v27 =	vld [tilespmem:s5+$0x78];
	[tilespmem:v25+s21+$0x0] =	vst.idx.msk $0xffff, v24  }
0x23e: {  	v25 =	vadd.s32 v12, v17;
	[tilespmem:v31+s21+$0x0] =	vst.idx.msk $0xffff, v28;
	v24 =	vld [tilespmem:s1+$0x120]  }
0x23f: {  	v31 =	vadd.s32 v6, v19;
	[tilespmem:v35+s21+$0x0] =	vst.idx.msk $0xffff, v34;
	v28 =	vld [tilespmem:s5+$0x210]  }
0x240: {  	v35 =	vadd.s32 v6, v23;
	v34 =	vld [tilespmem:s5+$0xFFFFFD90];
	[tilespmem:v29+s21+$0x0] =	vst.idx.msk $0xffff, v26  }
0x241: {  	v29 =	vadd.s32 v13, v18;
	[tilespmem:v33+s21+$0x0] =	vst.idx.msk $0xffff, v32;
	v26 =	vld [tilespmem:s1+$0xFFFFFE38]  }
0x242: {  	v33 =	vadd.s32 v6, v22;
	v32 =	vld [tilespmem:s5+$0xFFFFFF10];
	[tilespmem:v30+s21+$0x0] =	vst.idx.msk $0xffff, v27  }
0x243: {  	v30 =	vadd.s32 v6, v21;
	v27 =	vld [tilespmem:s5+$0x90];
	[tilespmem:v25+s21+$0x0] =	vst.idx.msk $0xffff, v24  }
0x244: {  	v25 =	vadd.s32 v13, v20;
	[tilespmem:v31+s21+$0x0] =	vst.idx.msk $0xffff, v28;
	v24 =	vld [tilespmem:s1+$0xFFFFFFB8]  }
0x245: {  	v31 =	vadd.s32 v7, v19;
	[tilespmem:v35+s21+$0x0] =	vst.idx.msk $0xffff, v34;
	v28 =	vld [tilespmem:s5+$0x228]  }
0x246: {  	v35 =	vadd.s32 v7, v23;
	v34 =	vld [tilespmem:s5+$0xFFFFFDA8];
	[tilespmem:v29+s21+$0x0] =	vst.idx.msk $0xffff, v26  }
0x247: {  	v29 =	vadd.s32 v13, v17;
	[tilespmem:v33+s21+$0x0] =	vst.idx.msk $0xffff, v32;
	v26 =	vld [tilespmem:s1+$0x138]  }
0x248: {  	v33 =	vadd.s32 v7, v22;
	v32 =	vld [tilespmem:s5+$0xFFFFFF28];
	[tilespmem:v30+s21+$0x0] =	vst.idx.msk $0xffff, v27  }
0x249: {  	v30 =	vadd.s32 v7, v21;
	v27 =	vld [tilespmem:s5+$0xA8];
	[tilespmem:v25+s21+$0x0] =	vst.idx.msk $0xffff, v24  }
0x24a: {  	v25 =	vadd.s32 v14, v18;
	[tilespmem:v31+s21+$0x0] =	vst.idx.msk $0xffff, v28;
	v24 =	vld [tilespmem:s1+$0xFFFFFE50]  }
0x24b: {  	v31 =	vadd.s32 v8, v19;
	[tilespmem:v35+s21+$0x0] =	vst.idx.msk $0xffff, v34;
	v28 =	vld [tilespmem:s5+$0x240]  }
0x24c: {  	v35 =	vadd.s32 v8, v23;
	v34 =	vld [tilespmem:s5+$0xFFFFFDC0];
	[tilespmem:v29+s21+$0x0] =	vst.idx.msk $0xffff, v26  }
0x24d: {  	v29 =	vadd.s32 v14, v20;
	[tilespmem:v33+s21+$0x0] =	vst.idx.msk $0xffff, v32;
	v26 =	vld [tilespmem:s1+$0xFFFFFFD0]  }
0x24e: {  	v33 =	vadd.s32 v8, v22;
	v32 =	vld [tilespmem:s5+$0xFFFFFF40];
	[tilespmem:v30+s21+$0x0] =	vst.idx.msk $0xffff, v27  }
0x24f: {  	v37 =	vadd.s32 v8, v21;
	v36 =	vld [tilespmem:s5+$0xC0];
	[tilespmem:v25+s21+$0x0] =	vst.idx.msk $0xffff, v24  }
0x250: {  	v25 =	vadd.s32 v14, v17;
	[tilespmem:v31+s21+$0x0] =	vst.idx.msk $0xffff, v28;
	v24 =	vld [tilespmem:s1+$0x150]  }
0x251: {  	[tilespmem:v35+s21+$0x0] =	vst.idx.msk $0xffff, v34;
	v34 =	vld [tilespmem:s5+$0x258];
	v35 =	vadd.s32 v9, v19  }
0x252: {  	v39 =	vadd.s32 v9, v23;
	v38 =	vld [tilespmem:s5+$0xFFFFFDD8];
	[tilespmem:v29+s21+$0x0] =	vst.idx.msk $0xffff, v26  }
.Ltmp6:
0x253: {  	v27 =	vadd.s32 v15, v18;
	v18 =	vmov v23;
	[tilespmem:v33+s21+$0x0] =	vst.idx.msk $0xffff, v32;
	v26 =	vld [tilespmem:s1+$0xFFFFFE68];
	(pc) =	sbr.rel @p2 .LBB2_10-.Ltmp6, $4  }
0x254: {  	v31 =	vadd.s32 v9, v22;
	v30 =	vld [tilespmem:s5+$0xFFFFFF58];
	[tilespmem:v37+s21+$0x0] =	vst.idx.msk $0xffff, v36  }
0x255: {  	v28 =	vadd.s32 v9, v21;
	v23 =	vld [tilespmem:s5+$0xD8];
	[tilespmem:v25+s21+$0x0] =	vst.idx.msk $0xffff, v24  }
0x256: {  	v25 =	vadd.s32 v15, v20;
	v20 =	vmov v22;
	[tilespmem:v35+s21+$0x0] =	vst.idx.msk $0xffff, v34;
	v24 =	vld [tilespmem:s1+$0xFFFFFFE8]  }
0x257: {  	v29 =	vadd.s32 v10, v19;
	[tilespmem:v39+s21+$0x0] =	vst.idx.msk $0xffff, v38;
	v22 =	vld [tilespmem:s5+$0x270]  }
0x258: {  	_ =	sdelay $0x3  }
0x259: {  	v32 =	vld [tilespmem:s5+$0xFFFFFDF0];
	v33 =	vadd.s32 v10, v18;
	[tilespmem:v31+s21+$0x0] =	vst.idx.msk $0xffff, v30  }
0x25a: {  	v36 =	vadd.s32 v10, v20;
	v30 =	vld [tilespmem:s5+$0xFFFFFF70];
	[tilespmem:v28+s21+$0x0] =	vst.idx.msk $0xffff, v23  }
0x25b: {  	v37 =	vadd.s32 v10, v21;
	v23 =	vld [tilespmem:s5+$0xF0];
	_ =	sdelay $0x1  }
0x25c: {  	[tilespmem:v29+s21+$0x0] =	vst.idx.msk $0xffff, v22  }
0x25d: {  	v38 =	vadd.s32 v11, v19;
	[tilespmem:v33+s21+$0x0] =	vst.idx.msk $0xffff, v32;
	v22 =	vld [tilespmem:s5+$0x288]  }
0x25e: {  	v40 =	vadd.s32 v11, v18;
	v39 =	vld [tilespmem:s5+$0xFFFFFE08];
	[tilespmem:v36+s21+$0x0] =	vst.idx.msk $0xffff, v30  }
0x25f: {  	v42 =	vadd.s32 v11, v20;
	[tilespmem:v37+s21+$0x0] =	vst.idx.msk $0xffff, v23;
	v41 =	vld [tilespmem:s5+$0xFFFFFF88]  }
0x260: {  	v44 =	vadd.s32 v11, v21;
	v43 =	vld [tilespmem:s5+$0x108];
	_ =	sdelay $0x1  }
0x261: {  	[tilespmem:v38+s21+$0x0] =	vst.idx.msk $0xffff, v22  }
0x262: {  	v45 =	vadd.s32 v12, v19;
	v22 =	vld [tilespmem:s5+$0x2A0];
	[tilespmem:v40+s21+$0x0] =	vst.idx.msk $0xffff, v39  }
0x263: {  	v47 =	vadd.s32 v12, v18;
	v46 =	vld [tilespmem:s5+$0xFFFFFE20];
	[tilespmem:v42+s21+$0x0] =	vst.idx.msk $0xffff, v41  }
0x264: {  	v49 =	vadd.s32 v12, v20;
	[tilespmem:v44+s21+$0x0] =	vst.idx.msk $0xffff, v43;
	v48 =	vld [tilespmem:s5+$0xFFFFFFA0]  }
0x265: {  	v50 =	vadd.s32 v12, v21;
	v32 =	vld [tilespmem:s5+$0x120];
	_ =	sdelay $0x1  }
0x266: {  	[tilespmem:v45+s21+$0x0] =	vst.idx.msk $0xffff, v22  }
0x267: {  	v51 =	vadd.s32 v13, v19;
	v22 =	vld [tilespmem:s5+$0x2B8];
	[tilespmem:v47+s21+$0x0] =	vst.idx.msk $0xffff, v46  }
0x268: {  	v52 =	vadd.s32 v13, v18;
	v23 =	vld [tilespmem:s5+$0xFFFFFE38];
	[tilespmem:v49+s21+$0x0] =	vst.idx.msk $0xffff, v48  }
0x269: {  	v53 =	vadd.s32 v13, v20;
	[tilespmem:v50+s21+$0x0] =	vst.idx.msk $0xffff, v32;
	v30 =	vld [tilespmem:s5+$0xFFFFFFB8]  }
0x26a: {  	v54 =	vadd.s32 v13, v21;
	v32 =	vld [tilespmem:s5+$0x138];
	_ =	sdelay $0x1  }
0x26b: {  	[tilespmem:v51+s21+$0x0] =	vst.idx.msk $0xffff, v22  }
0x26c: {  	v55 =	vadd.s32 v14, v19;
	v22 =	vld [tilespmem:s5+$0x2D0];
	[tilespmem:v52+s21+$0x0] =	vst.idx.msk $0xffff, v23  }
0x26d: {  	v56 =	vadd.s32 v14, v18;
	v23 =	vld [tilespmem:s5+$0xFFFFFE50];
	[tilespmem:v53+s21+$0x0] =	vst.idx.msk $0xffff, v30  }
0x26e: {  	v57 =	vadd.s32 v14, v20;
	[tilespmem:v54+s21+$0x0] =	vst.idx.msk $0xffff, v32;
	v30 =	vld [tilespmem:s5+$0xFFFFFFD0]  }
0x26f: {  	v58 =	vadd.s32 v14, v21;
	v32 =	vld [tilespmem:s5+$0x150]  }
0x270: {  	[tilespmem:v27+s21+$0x0] =	vst.idx.msk $0xffff, v26  }
0x271: {  	v59 =	vld [tilespmem:s1+$0x168];
	v17 =	vadd.s32 v15, v17;
	[tilespmem:v55+s21+$0x0] =	vst.idx.msk $0xffff, v22  }
0x272: {  	v19 =	vadd.s32 v15, v19;
	v22 =	vld [tilespmem:s5+$0x2E8];
	[tilespmem:v56+s21+$0x0] =	vst.idx.msk $0xffff, v23  }
0x273: {  	v18 =	vadd.s32 v15, v18;
	v23 =	vld [tilespmem:s5+$0xFFFFFE68];
	[tilespmem:v57+s21+$0x0] =	vst.idx.msk $0xffff, v30  }
0x274: {  	v61 =	vadd.s32 v15, v20;
	[tilespmem:v58+s21+$0x0] =	vst.idx.msk $0xffff, v32;
	v60 =	vld [tilespmem:s5+$0xFFFFFFE8]  }
0x275: {  	v63 =	vadd.s32 v15, v21;
	[tilespmem:v25+s21+$0x0] =	vst.idx.msk $0xffff, v24;
	v62 =	vld [tilespmem:s5+$0x168]  }
0x276: {  	[tilespmem:v17+s21+$0x0] =	vst.idx.msk $0xffff, v59  }
0x277: {  	[tilespmem:v19+s21+$0x0] =	vst.idx.msk $0xffff, v22  }
0x278: {  	[tilespmem:v18+s21+$0x0] =	vst.idx.msk $0xffff, v23  }
0x279: {  	[tilespmem:v61+s21+$0x0] =	vst.idx.msk $0xffff, v60  }
0x27a: {  	[tilespmem:v63+s21+$0x0] =	vst.idx.msk $0xffff, v62  }
0x27b: {  	v17 =	vld [tilespmem:s31+$0x0]  }
0x27c: {  	v18 =	vld [tilespmem:s29+$0x0];
	_ =	sdelay $0x3  }
0x27d: {  	(v2sf) =	vpush v17, $0x0  }
0x27e: {  	(v2sf) =	vpush v18, $0x0;
	_ =	sdelay $0x1  }
0x27f: {  	(v2sf) =	vpush v18, $0x1;
	_ =	sdelay $0xb  }
0x280: {  	s0 =	spop (v2sf)  }
0x281: {  	s1 =	spop (v2sf)  }
0x282: {  	p2 =	sgt.s32 s1, $0x0  }
0x283: {  	s2 =	spop (v2sf);
	s1 =	simm.s32 @!p2 $0x0  }
0x284: {  	p2 =	sgt.s32 s2, $0x0;
	s1 =	smin.u32 s1, $0x70  }
0x285: {  	s0 =	sshll.u32 s0, $0x16;
	s2 =	simm.s32 @!p2 $0x0;
	s1 =	sshll.u32 s1, $0x7  }
0x286: {  	s26 =	smin.u32 s2, $0x70;
	s0 =	sor.u32 s0, s1  }
0x287: {  	s0 =	sor.u32 s26, s0  }
0x288: {  	s0 =	sshrl.u32 s0, $0x3  }
0x289: {  	s31 =	simm.s32 $0x64F0;
	s1 =	simm.s32 $0x600;
	s0 =	sadd.s32 s0, s14  }
0x28a: {  	[tilespmem:s31], [sflag:$0x1] =	stream.strided.gather [hbm4b:s0+s18], $0x180, s19, s18, $0x38;
	[tilespmem:$0x1D4F0] =	vst v63  }
.LBB2_12:
0x28b: {  	p2 =	sne.s32 s1, $0x17A00  }
.Ltmp7:
0x28c: {  	_ = 	snop;
	(pc) =	sbr.rel @p2 .LBB2_12-.Ltmp7, $4  }
0x28d: {  	_ = 	snop  }
0x28e: {  	s2 =	sshra.s32 s1, $0x2;
	s1 =	sadd.s32 $0x600, s1  }
0x28f: {  	s0 =	sadd.s32 $0x800, s0;
	s2 =	sadd.s32 $0x64F0, s2  }
0x290: {  	[tilespmem:s2], [sflag:$0x1] =	stream.strided.gather [hbm4b:s0+s18], $0x180, s19, s18, $0x38;
	[tilespmem:$0x1D4F0] =	vst v63  }
0x291: {  	s0 =	sadd.s32 s10, s28  }
0x292: {  	s31 =	sshll.u32 s0, $0xD  }
0x293: {  	s25 =	simm.s32 $0xC4F0;
	s1 =	sadd.s32 s9, s31  }
0x294: {  	[hbm4b:s1+s6] =	stream.linear.scatter [tilespmem:s25], [sflag:$0x2], $0x80, $0x38;
	[tilespmem:$0x1D4F0] =	vst v63  }
0x295: {  	s26 =	simm.s32 $0xC578;
	s2 =	sadd.s32 $0x10, s1  }
0x296: {  	[hbm4b:s2+s6] =	stream.linear.scatter [tilespmem:s26], [sflag:$0x2], $0x80, $0x38;
	[tilespmem:$0x1D4F0] =	vst v63  }
0x297: {  	s3 =	simm.s32 $0xC600;
	s5 =	simm.s32 $0xC688;
	s4 =	sadd.s32 $0x20, s1  }
0x298: {  	[hbm4b:s4+s6] =	stream.linear.scatter [tilespmem:s3], [sflag:$0x2], $0x80, $0x38;
	[tilespmem:$0x1D4F0] =	vst v63  }
0x299: {  	s17 =	simm.s32 $0xC710;
	s23 =	simm.s32 $0xC798;
	s7 =	sadd.s32 $0x30, s1  }
0x29a: {  	[hbm4b:s7+s6] =	stream.linear.scatter [tilespmem:s5], [sflag:$0x2], $0x80, $0x38;
	[tilespmem:$0x1D4F0] =	vst v63  }
0x29b: {  	s0 =	simm.s32 $0x440;
	s20 =	sadd.s32 $0x40, s1;
	s24 =	sadd.s32 $0x50, s1  }
0x29c: {  	[hbm4b:s20+s6] =	stream.linear.scatter [tilespmem:s17], [sflag:$0x2], $0x80, $0x38;
	[tilespmem:$0x1D4F0] =	vst v63  }
0x29d: {  	s25 =	simm.s32 $0xC820;
	s26 =	sadd.s32 $0x60, s1;
	s2 =	simm.s32 $0x2200  }
0x29e: {  	[hbm4b:s24+s6] =	stream.linear.scatter [tilespmem:s23], [sflag:$0x2], $0x80, $0x38;
	[tilespmem:$0x1D4F0] =	vst v63  }
0x29f: {  	s3 =	simm.s32 $0xC8A8;
	s4 =	sadd.s32 $0x70, s1;
	s1 =	sadd.s32 $0x100, s1  }
0x2a0: {  	[hbm4b:s26+s6] =	stream.linear.scatter [tilespmem:s25], [sflag:$0x2], $0x80, $0x38;
	[tilespmem:$0x1D4F0] =	vst v63  }
.LBB2_14:
0x2a1: {  	[hbm4b:s4+s6] =	stream.linear.scatter [tilespmem:s3], [sflag:$0x2], $0x80, $0x38;
	[tilespmem:$0x1D4F0] =	vst v63  }
0x2a2: {  	s3 =	smov.u32 s0;
	s0 =	smov.u32 s2  }
0x2a3: {  	s5 =	sadd.s32 $0x1100, s2;
	s0 =	sshra.s32 s0, $0x2;
	s4 =	sadd.s32 $0xC4F0, s3  }
0x2a4: {  	[hbm4b:s1+s6] =	stream.linear.scatter [tilespmem:s4], [sflag:$0x2], $0x80, $0x38;
	[tilespmem:$0x1D4F0] =	vst v63  }
0x2a5: {  	p2 =	sne.s32 s2, $0x20F00;
	s2 =	sadd.s32 $0xC578, s3;
	s4 =	sadd.s32 $0x10, s1  }
0x2a6: {  	[hbm4b:s4+s6] =	stream.linear.scatter [tilespmem:s2], [sflag:$0x2], $0x80, $0x38;
	[tilespmem:$0x1D4F0] =	vst v63  }
0x2a7: {  	s2 =	sadd.s32 $0xC600, s3;
	s4 =	sadd.s32 $0x20, s1  }
0x2a8: {  	[hbm4b:s4+s6] =	stream.linear.scatter [tilespmem:s2], [sflag:$0x2], $0x80, $0x38;
	[tilespmem:$0x1D4F0] =	vst v63  }
0x2a9: {  	s2 =	sadd.s32 $0xC688, s3;
	s4 =	sadd.s32 $0x30, s1  }
0x2aa: {  	[hbm4b:s4+s6] =	stream.linear.scatter [tilespmem:s2], [sflag:$0x2], $0x80, $0x38;
	[tilespmem:$0x1D4F0] =	vst v63  }
0x2ab: {  	s2 =	sadd.s32 $0xC710, s3;
	s4 =	sadd.s32 $0x40, s1  }
0x2ac: {  	[hbm4b:s4+s6] =	stream.linear.scatter [tilespmem:s2], [sflag:$0x2], $0x80, $0x38;
	[tilespmem:$0x1D4F0] =	vst v63  }
.Ltmp8:
0x2ad: {  	s2 =	sadd.s32 $0xC798, s3;
	s4 =	sadd.s32 $0x50, s1;
	(pc) =	sbr.rel @p2 .LBB2_14-.Ltmp8, $4  }
0x2ae: {  	[hbm4b:s4+s6] =	stream.linear.scatter [tilespmem:s2], [sflag:$0x2], $0x80, $0x38;
	[tilespmem:$0x1D4F0] =	vst v63  }
0x2af: {  	s2 =	sadd.s32 $0xC820, s3;
	s4 =	sadd.s32 $0x60, s1;
	s3 =	sadd.s32 $0xC8A8, s3  }
0x2b0: {  	[hbm4b:s4+s6] =	stream.linear.scatter [tilespmem:s2], [sflag:$0x2], $0x80, $0x38;
	[tilespmem:$0x1D4F0] =	vst v63  }
0x2b1: {  	s4 =	sadd.s32 $0x70, s1;
	s1 =	sadd.s32 $0x100, s1;
	s2 =	smov.u32 s5  }
0x2b2: {  	[hbm4b:s4+s6] =	stream.linear.scatter [tilespmem:s3], [sflag:$0x2], $0x80, $0x38;
	[tilespmem:$0x1D4F0] =	vst v63  }
0x2b3: {  	s2 =	sadd.s32 $0xC4F0, s0  }
0x2b4: {  	[hbm4b:s1+s6] =	stream.linear.scatter [tilespmem:s2], [sflag:$0x2], $0x80, $0x38;
	[tilespmem:$0x1D4F0] =	vst v63  }
0x2b5: {  	s25 =	sadd.s32 $0xC578, s0;
	s26 =	sadd.s32 $0x10, s1  }
0x2b6: {  	[hbm4b:s26+s6] =	stream.linear.scatter [tilespmem:s25], [sflag:$0x2], $0x80, $0x38;
	[tilespmem:$0x1D4F0] =	vst v63  }
0x2b7: {  	s3 =	sadd.s32 $0xC600, s0;
	s4 =	sadd.s32 $0x20, s1  }
0x2b8: {  	[hbm4b:s4+s6] =	stream.linear.scatter [tilespmem:s3], [sflag:$0x2], $0x80, $0x38;
	[tilespmem:$0x1D4F0] =	vst v63  }
0x2b9: {  	s5 =	sadd.s32 $0xC688, s0;
	s7 =	sadd.s32 $0x30, s1  }
0x2ba: {  	[hbm4b:s7+s6] =	stream.linear.scatter [tilespmem:s5], [sflag:$0x2], $0x80, $0x38;
	[tilespmem:$0x1D4F0] =	vst v63  }
0x2bb: {  	s17 =	sadd.s32 $0xC710, s0;
	s20 =	sadd.s32 $0x40, s1  }
0x2bc: {  	[hbm4b:s20+s6] =	stream.linear.scatter [tilespmem:s17], [sflag:$0x2], $0x80, $0x38;
	[tilespmem:$0x1D4F0] =	vst v63  }
0x2bd: {  	s23 =	sadd.s32 $0xC798, s0;
	s24 =	sadd.s32 $0x50, s1  }
0x2be: {  	[hbm4b:s24+s6] =	stream.linear.scatter [tilespmem:s23], [sflag:$0x2], $0x80, $0x38;
	[tilespmem:$0x1D4F0] =	vst v63  }
0x2bf: {  	s25 =	sadd.s32 $0xC820, s0;
	s26 =	sadd.s32 $0x60, s1  }
0x2c0: {  	[hbm4b:s26+s6] =	stream.linear.scatter [tilespmem:s25], [sflag:$0x2], $0x80, $0x38;
	[tilespmem:$0x1D4F0] =	vst v63  }
0x2c1: {  	s2 =	sadd.s32 $0xC8A8, s0;
	s3 =	sadd.s32 $0x70, s1  }
0x2c2: {  	[hbm4b:s3+s6] =	stream.linear.scatter [tilespmem:s2], [sflag:$0x2], $0x80, $0x38;
	[tilespmem:$0x1D4F0] =	vst v63  }
0x2c3: {  	_ =	swait.ge [sflag:s16], $0x6000  }
0x2c4: {  	[sflag:s16] =	ssyncset.done $0x0  }
0x2c5: {  	s0 =	simm.s32 @!p1 $0x2;
	[sflag:s16] =	ssyncadd.s32 $0xFFFFA000  }
0x2c6: {  	_ =	swait.ge @!p1 [sflag:s0], $0x8000  }
0x2c7: {  	[sflag:s0] =	ssyncset.done @!p1 $0x0  }
0x2c8: {  	[sflag:s0] =	ssyncadd.s32 @!p1 $0xFFFF8000  }
0x2c9: {  	v17 =	vld [tilespmem:s29+$0x0];
	_ =	sdelay $0x4  }
0x2ca: {  	(v2sf) =	vpush v17, $0x1;
	_ =	sdelay $0xe  }
0x2cb: {  	s0 =	spop (v2sf)  }
0x2cc: {  	p1 =	sgt.s32 s0, $0x0  }
0x2cd: {  	s0 =	simm.s32 @!p1 $0x0  }
0x2ce: {  	s4 =	simm.s32 $0x3;
	s0 =	smin.u32 s0, $0x70  }
0x2cf: {  	v17 =	vmov s4;
	s5 =	sand.u32 $0x7, s0  }
0x2d0: {  	s7 =	simm.s32 $0x0;
	v24 =	vand.u32 $0x3F, v17;
	s5 =	sor.u32 $0x7F0, s5  }
0x2d1: {  	s17 =	simm.s32 $0x1;
	v17 =	vmov s7;
	v19 =	vadd.s32 v0, v24;
	v18 =	vld [tilespmem:s5+$0x180]  }
0x2d2: {  	v20 =	vand.u32 $0x3C, v17;
	v17 =	vmov s17  }
0x2d3: {  	v25 =	vadd.s32 v0, v20;
	v23 =	vand.u32 $0x3D, v17;
	v21 =	vld [tilespmem:s5+$0xFFFFFD00]  }
0x2d4: {  	v26 =	vadd.s32 v0, v23;
	v17 =	vld [tilespmem:s5+$0xFFFFFE80]  }
0x2d5: {  	s20 =	simm.s32 $0x2  }
0x2d6: {  	v22 =	vmov s20;
	[tilespmem:v19+s22+$0x0] =	vst.idx.msk $0xffff, v18  }
0x2d7: {  	v22 =	vand.u32 $0x3E, v22;
	v19 =	vadd.s32 v1, v24;
	v18 =	vld [tilespmem:s5+$0x198]  }
0x2d8: {  	v28 =	vadd.s32 v0, v22;
	v27 =	vld [tilespmem:s5+$0x0];
	[tilespmem:v25+s22+$0x0] =	vst.idx.msk $0xffff, v21  }
0x2d9: {  	v25 =	vadd.s32 v1, v20;
	[tilespmem:v26+s22+$0x0] =	vst.idx.msk $0xffff, v17;
	v21 =	vld [tilespmem:s5+$0xFFFFFD18]  }
0x2da: {  	v26 =	vadd.s32 v1, v23;
	v17 =	vld [tilespmem:s5+$0xFFFFFE98];
	_ =	sdelay $0x1  }
0x2db: {  	[tilespmem:v19+s22+$0x0] =	vst.idx.msk $0xffff, v18  }
0x2dc: {  	[tilespmem:v28+s22+$0x0] =	vst.idx.msk $0xffff, v27;
	v19 =	vadd.s32 v2, v24;
	v18 =	vld [tilespmem:s5+$0x1B0]  }
0x2dd: {  	v28 =	vadd.s32 v1, v22;
	v27 =	vld [tilespmem:s5+$0x18];
	[tilespmem:v25+s22+$0x0] =	vst.idx.msk $0xffff, v21  }
0x2de: {  	v25 =	vadd.s32 v2, v20;
	[tilespmem:v26+s22+$0x0] =	vst.idx.msk $0xffff, v17;
	v21 =	vld [tilespmem:s5+$0xFFFFFD30]  }
0x2df: {  	v26 =	vadd.s32 v2, v23;
	v17 =	vld [tilespmem:s5+$0xFFFFFEB0];
	_ =	sdelay $0x1  }
0x2e0: {  	[tilespmem:v19+s22+$0x0] =	vst.idx.msk $0xffff, v18  }
0x2e1: {  	[tilespmem:v28+s22+$0x0] =	vst.idx.msk $0xffff, v27;
	v19 =	vadd.s32 v3, v24;
	v18 =	vld [tilespmem:s5+$0x1C8]  }
0x2e2: {  	v28 =	vadd.s32 v2, v22;
	v27 =	vld [tilespmem:s5+$0x30];
	[tilespmem:v25+s22+$0x0] =	vst.idx.msk $0xffff, v21  }
0x2e3: {  	v25 =	vadd.s32 v3, v20;
	[tilespmem:v26+s22+$0x0] =	vst.idx.msk $0xffff, v17;
	v21 =	vld [tilespmem:s5+$0xFFFFFD48]  }
0x2e4: {  	v26 =	vadd.s32 v3, v23;
	v17 =	vld [tilespmem:s5+$0xFFFFFEC8];
	_ =	sdelay $0x1  }
0x2e5: {  	[tilespmem:v19+s22+$0x0] =	vst.idx.msk $0xffff, v18  }
0x2e6: {  	[tilespmem:v28+s22+$0x0] =	vst.idx.msk $0xffff, v27;
	v19 =	vadd.s32 v4, v24;
	v18 =	vld [tilespmem:s5+$0x1E0]  }
0x2e7: {  	v28 =	vadd.s32 v3, v22;
	v27 =	vld [tilespmem:s5+$0x48];
	[tilespmem:v25+s22+$0x0] =	vst.idx.msk $0xffff, v21  }
0x2e8: {  	v25 =	vadd.s32 v4, v20;
	[tilespmem:v26+s22+$0x0] =	vst.idx.msk $0xffff, v17;
	v21 =	vld [tilespmem:s5+$0xFFFFFD60]  }
0x2e9: {  	v26 =	vadd.s32 v4, v23;
	v17 =	vld [tilespmem:s5+$0xFFFFFEE0]  }
0x2ea: {  	s0 =	sor.u32 $0x78, s0  }
0x2eb: {  	s0 =	sadd.s32 $0x7F0, s0;
	[tilespmem:v19+s22+$0x0] =	vst.idx.msk $0xffff, v18  }
0x2ec: {  	[tilespmem:v28+s22+$0x0] =	vst.idx.msk $0xffff, v27;
	v19 =	vadd.s32 v5, v24;
	v18 =	vld [tilespmem:s0+$0x180]  }
0x2ed: {  	v28 =	vadd.s32 v4, v22;
	v27 =	vld [tilespmem:s5+$0x60];
	[tilespmem:v25+s22+$0x0] =	vst.idx.msk $0xffff, v21  }
0x2ee: {  	v25 =	vadd.s32 v5, v20;
	[tilespmem:v26+s22+$0x0] =	vst.idx.msk $0xffff, v17;
	v21 =	vld [tilespmem:s0+$0xFFFFFD00]  }
0x2ef: {  	v26 =	vadd.s32 v5, v23;
	v17 =	vld [tilespmem:s0+$0xFFFFFE80];
	_ =	sdelay $0x1  }
0x2f0: {  	[tilespmem:v19+s22+$0x0] =	vst.idx.msk $0xffff, v18  }
0x2f1: {  	[tilespmem:v28+s22+$0x0] =	vst.idx.msk $0xffff, v27;
	v19 =	vadd.s32 v6, v24;
	v18 =	vld [tilespmem:s5+$0x210]  }
0x2f2: {  	v28 =	vadd.s32 v5, v22;
	v27 =	vld [tilespmem:s0+$0x0];
	[tilespmem:v25+s22+$0x0] =	vst.idx.msk $0xffff, v21  }
0x2f3: {  	v25 =	vadd.s32 v6, v20;
	[tilespmem:v26+s22+$0x0] =	vst.idx.msk $0xffff, v17;
	v21 =	vld [tilespmem:s5+$0xFFFFFD90]  }
0x2f4: {  	v26 =	vadd.s32 v6, v23;
	v17 =	vld [tilespmem:s5+$0xFFFFFF10];
	_ =	sdelay $0x1  }
0x2f5: {  	[tilespmem:v19+s22+$0x0] =	vst.idx.msk $0xffff, v18  }
0x2f6: {  	[tilespmem:v28+s22+$0x0] =	vst.idx.msk $0xffff, v27;
	v19 =	vadd.s32 v7, v24;
	v18 =	vld [tilespmem:s5+$0x228]  }
0x2f7: {  	v28 =	vadd.s32 v6, v22;
	v27 =	vld [tilespmem:s5+$0x90];
	[tilespmem:v25+s22+$0x0] =	vst.idx.msk $0xffff, v21  }
0x2f8: {  	v25 =	vadd.s32 v7, v20;
	[tilespmem:v26+s22+$0x0] =	vst.idx.msk $0xffff, v17;
	v21 =	vld [tilespmem:s5+$0xFFFFFDA8]  }
0x2f9: {  	v26 =	vadd.s32 v7, v23;
	v17 =	vld [tilespmem:s5+$0xFFFFFF28];
	_ =	sdelay $0x1  }
0x2fa: {  	[tilespmem:v19+s22+$0x0] =	vst.idx.msk $0xffff, v18  }
0x2fb: {  	[tilespmem:v28+s22+$0x0] =	vst.idx.msk $0xffff, v27;
	v19 =	vadd.s32 v8, v24;
	v18 =	vld [tilespmem:s5+$0x240]  }
0x2fc: {  	v28 =	vadd.s32 v7, v22;
	v27 =	vld [tilespmem:s5+$0xA8];
	[tilespmem:v25+s22+$0x0] =	vst.idx.msk $0xffff, v21  }
0x2fd: {  	v25 =	vadd.s32 v8, v20;
	[tilespmem:v26+s22+$0x0] =	vst.idx.msk $0xffff, v17;
	v21 =	vld [tilespmem:s5+$0xFFFFFDC0]  }
0x2fe: {  	v26 =	vadd.s32 v8, v23;
	v17 =	vld [tilespmem:s5+$0xFFFFFF40];
	_ =	sdelay $0x1  }
0x2ff: {  	[tilespmem:v19+s22+$0x0] =	vst.idx.msk $0xffff, v18  }
0x300: {  	[tilespmem:v28+s22+$0x0] =	vst.idx.msk $0xffff, v27;
	v19 =	vadd.s32 v9, v24;
	v18 =	vld [tilespmem:s5+$0x258]  }
0x301: {  	v28 =	vadd.s32 v8, v22;
	v27 =	vld [tilespmem:s5+$0xC0];
	[tilespmem:v25+s22+$0x0] =	vst.idx.msk $0xffff, v21  }
0x302: {  	v25 =	vadd.s32 v9, v20;
	[tilespmem:v26+s22+$0x0] =	vst.idx.msk $0xffff, v17;
	v21 =	vld [tilespmem:s5+$0xFFFFFDD8]  }
0x303: {  	v26 =	vadd.s32 v9, v23;
	v17 =	vld [tilespmem:s5+$0xFFFFFF58];
	_ =	sdelay $0x1  }
0x304: {  	[tilespmem:v19+s22+$0x0] =	vst.idx.msk $0xffff, v18  }
0x305: {  	[tilespmem:v28+s22+$0x0] =	vst.idx.msk $0xffff, v27;
	v19 =	vadd.s32 v10, v24;
	v18 =	vld [tilespmem:s5+$0x270]  }
0x306: {  	s23 =	simm.s32 $0x7;
	v28 =	vadd.s32 v9, v22;
	v27 =	vld [tilespmem:s5+$0xD8];
	[tilespmem:v25+s22+$0x0] =	vst.idx.msk $0xffff, v21  }
0x307: {  	s24 =	simm.s32 $0x4;
	v29 =	vadd.s32 v10, v20;
	v21 =	vmov s23;
	[tilespmem:v26+s22+$0x0] =	vst.idx.msk $0xffff, v17;
	v25 =	vld [tilespmem:s5+$0xFFFFFDF0]  }
0x308: {  	v30 =	vadd.s32 v10, v23;
	s1 =	sadd.s32 $0x600, s5;
	v17 =	vmov s24;
	v21 =	vand.u32 $0x3F, v21;
	v26 =	vld [tilespmem:s5+$0xFFFFFF70]  }
0x309: {  	s25 =	simm.s32 $0x5;
	v31 =	vld [tilespmem:s1+$0x180];
	v17 =	vand.u32 $0x3C, v17;
	v32 =	vadd.s32 v0, v21  }
0x30a: {  	s26 =	simm.s32 $0x6;
	v35 =	vmov s25;
	v33 =	vld [tilespmem:s1+$0xFFFFFD00];
	v34 =	vadd.s32 v0, v17;
	[tilespmem:v19+s22+$0x0] =	vst.idx.msk $0xffff, v18  }
0x30b: {  	[tilespmem:v28+s22+$0x0] =	vst.idx.msk $0xffff, v27;
	v28 =	vadd.s32 v11, v24;
	v19 =	vand.u32 $0x3D, v35;
	v18 =	vmov s26;
	v27 =	vld [tilespmem:s5+$0x288]  }
0x30c: {  	[tilespmem:v29+s22+$0x0] =	vst.idx.msk $0xffff, v25;
	v25 =	vld [tilespmem:s1+$0xFFFFFE80];
	v29 =	vadd.s32 v0, v19;
	v18 =	vand.u32 $0x3E, v18  }
0x30d: {  	v61 =	vld [tilespmem:s1+$0x0];
	[tilespmem:v30+s22+$0x0] =	vst.idx.msk $0xffff, v26;
	v36 =	vadd.s32 v0, v18  }
0x30e: {  	v26 =	vld [tilespmem:s5+$0xF0];
	v30 =	vadd.s32 v10, v22;
	[tilespmem:v32+s22+$0x0] =	vst.idx.msk $0xffff, v31  }
0x30f: {  	v62 =	vadd.s32 v1, v21;
	[tilespmem:v34+s22+$0x0] =	vst.idx.msk $0xffff, v33;
	v31 =	vld [tilespmem:s1+$0x198]  }
0x310: {  	v63 =	vadd.s32 v1, v17;
	v33 =	vld [tilespmem:s1+$0xFFFFFD18];
	[tilespmem:v28+s22+$0x0] =	vst.idx.msk $0xffff, v27  }
0x311: {  	[tilespmem:v29+s22+$0x0] =	vst.idx.msk $0xffff, v25;
	v27 =	vadd.s32 v12, v24;
	v25 =	vld [tilespmem:s5+$0x2A0]  }
0x312: {  	v29 =	vadd.s32 v1, v19;
	v28 =	vld [tilespmem:s1+$0xFFFFFE98];
	[tilespmem:v36+s22+$0x0] =	vst.idx.msk $0xffff, v61  }
0x313: {  	v40 =	vadd.s32 v1, v18;
	[tilespmem:v30+s22+$0x0] =	vst.idx.msk $0xffff, v26;
	v35 =	vld [tilespmem:s1+$0x18]  }
0x314: {  	v26 =	vld [tilespmem:s5+$0xFFFFFF88];
	v30 =	vadd.s32 v11, v23;
	[tilespmem:v62+s22+$0x0] =	vst.idx.msk $0xffff, v31  }
0x315: {  	v41 =	vadd.s32 v2, v21;
	[tilespmem:v63+s22+$0x0] =	vst.idx.msk $0xffff, v33;
	v31 =	vld [tilespmem:s1+$0x1B0]  }
0x316: {  	v42 =	vadd.s32 v2, v17;
	v33 =	vld [tilespmem:s1+$0xFFFFFD30];
	[tilespmem:v27+s22+$0x0] =	vst.idx.msk $0xffff, v25  }
0x317: {  	[tilespmem:v29+s22+$0x0] =	vst.idx.msk $0xffff, v28;
	v27 =	vadd.s32 v13, v24;
	v25 =	vld [tilespmem:s5+$0x2B8]  }
0x318: {  	v29 =	vadd.s32 v2, v19;
	v28 =	vld [tilespmem:s1+$0xFFFFFEB0];
	[tilespmem:v40+s22+$0x0] =	vst.idx.msk $0xffff, v35  }
0x319: {  	v43 =	vadd.s32 v2, v18;
	[tilespmem:v30+s22+$0x0] =	vst.idx.msk $0xffff, v26;
	v35 =	vld [tilespmem:s1+$0x30]  }
0x31a: {  	v26 =	vld [tilespmem:s5+$0x108];
	v30 =	vadd.s32 v11, v22;
	[tilespmem:v41+s22+$0x0] =	vst.idx.msk $0xffff, v31  }
0x31b: {  	v44 =	vadd.s32 v3, v21;
	[tilespmem:v42+s22+$0x0] =	vst.idx.msk $0xffff, v33;
	v31 =	vld [tilespmem:s1+$0x1C8]  }
0x31c: {  	v45 =	vadd.s32 v3, v17;
	v33 =	vld [tilespmem:s1+$0xFFFFFD48];
	[tilespmem:v27+s22+$0x0] =	vst.idx.msk $0xffff, v25  }
0x31d: {  	[tilespmem:v29+s22+$0x0] =	vst.idx.msk $0xffff, v28;
	v27 =	vadd.s32 v14, v24;
	v25 =	vld [tilespmem:s5+$0x2D0]  }
0x31e: {  	v29 =	vadd.s32 v3, v19;
	v28 =	vld [tilespmem:s1+$0xFFFFFEC8];
	[tilespmem:v43+s22+$0x0] =	vst.idx.msk $0xffff, v35  }
0x31f: {  	v46 =	vadd.s32 v3, v18;
	[tilespmem:v30+s22+$0x0] =	vst.idx.msk $0xffff, v26;
	v35 =	vld [tilespmem:s1+$0x48]  }
0x320: {  	v26 =	vld [tilespmem:s5+$0xFFFFFE08];
	v30 =	vadd.s32 v11, v20;
	[tilespmem:v44+s22+$0x0] =	vst.idx.msk $0xffff, v31  }
0x321: {  	v47 =	vadd.s32 v4, v21;
	[tilespmem:v45+s22+$0x0] =	vst.idx.msk $0xffff, v33;
	v31 =	vld [tilespmem:s1+$0x1E0]  }
0x322: {  	v48 =	vadd.s32 v4, v17;
	v33 =	vld [tilespmem:s1+$0xFFFFFD60];
	[tilespmem:v27+s22+$0x0] =	vst.idx.msk $0xffff, v25  }
0x323: {  	v24 =	vadd.s32 v15, v24;
	[tilespmem:v29+s22+$0x0] =	vst.idx.msk $0xffff, v28;
	v25 =	vld [tilespmem:s5+$0x2E8]  }
0x324: {  	v28 =	vadd.s32 v4, v19;
	v27 =	vld [tilespmem:s1+$0xFFFFFEE0];
	[tilespmem:v46+s22+$0x0] =	vst.idx.msk $0xffff, v35  }
0x325: {  	v49 =	vadd.s32 v4, v18;
	[tilespmem:v30+s22+$0x0] =	vst.idx.msk $0xffff, v26;
	v29 =	vld [tilespmem:s1+$0x60]  }
0x326: {  	s2 =	sadd.s32 $0x600, s0;
	v26 =	vld [tilespmem:s5+$0xFFFFFFA0];
	v30 =	vadd.s32 v12, v23;
	[tilespmem:v47+s22+$0x0] =	vst.idx.msk $0xffff, v31  }
0x327: {  	v50 =	vadd.s32 v5, v21;
	[tilespmem:v48+s22+$0x0] =	vst.idx.msk $0xffff, v33;
	v31 =	vld [tilespmem:s2+$0x180]  }
0x328: {  	v51 =	vadd.s32 v5, v17;
	v33 =	vld [tilespmem:s2+$0xFFFFFD00];
	[tilespmem:v24+s22+$0x0] =	vst.idx.msk $0xffff, v25  }
0x329: {  	[tilespmem:v28+s22+$0x0] =	vst.idx.msk $0xffff, v27;
	v24 =	vld [tilespmem:s5+$0x120];
	v25 =	vadd.s32 v12, v22  }
0x32a: {  	v28 =	vadd.s32 v5, v19;
	v27 =	vld [tilespmem:s2+$0xFFFFFE80];
	[tilespmem:v49+s22+$0x0] =	vst.idx.msk $0xffff, v29  }
0x32b: {  	v52 =	vadd.s32 v5, v18;
	[tilespmem:v30+s22+$0x0] =	vst.idx.msk $0xffff, v26;
	v29 =	vld [tilespmem:s2+$0x0]  }
0x32c: {  	v26 =	vld [tilespmem:s5+$0xFFFFFE20];
	v30 =	vadd.s32 v12, v20;
	[tilespmem:v50+s22+$0x0] =	vst.idx.msk $0xffff, v31  }
0x32d: {  	v53 =	vadd.s32 v6, v21;
	[tilespmem:v51+s22+$0x0] =	vst.idx.msk $0xffff, v33;
	v31 =	vld [tilespmem:s1+$0x210]  }
0x32e: {  	v54 =	vadd.s32 v6, v17;
	v33 =	vld [tilespmem:s1+$0xFFFFFD90];
	[tilespmem:v25+s22+$0x0] =	vst.idx.msk $0xffff, v24  }
0x32f: {  	v24 =	vld [tilespmem:s5+$0xFFFFFFB8];
	v25 =	vadd.s32 v13, v23;
	[tilespmem:v28+s22+$0x0] =	vst.idx.msk $0xffff, v27  }
0x330: {  	v28 =	vadd.s32 v6, v19;
	v27 =	vld [tilespmem:s1+$0xFFFFFF10];
	[tilespmem:v52+s22+$0x0] =	vst.idx.msk $0xffff, v29  }
0x331: {  	v55 =	vadd.s32 v6, v18;
	[tilespmem:v30+s22+$0x0] =	vst.idx.msk $0xffff, v26;
	v29 =	vld [tilespmem:s1+$0x90]  }
0x332: {  	v30 =	vadd.s32 v13, v22;
	v26 =	vld [tilespmem:s5+$0x138];
	[tilespmem:v53+s22+$0x0] =	vst.idx.msk $0xffff, v31  }
0x333: {  	v56 =	vadd.s32 v7, v21;
	[tilespmem:v54+s22+$0x0] =	vst.idx.msk $0xffff, v33;
	v31 =	vld [tilespmem:s1+$0x228]  }
0x334: {  	v57 =	vadd.s32 v7, v17;
	v33 =	vld [tilespmem:s1+$0xFFFFFDA8];
	[tilespmem:v25+s22+$0x0] =	vst.idx.msk $0xffff, v24  }
0x335: {  	v24 =	vld [tilespmem:s5+$0xFFFFFE38];
	v25 =	vadd.s32 v13, v20;
	[tilespmem:v28+s22+$0x0] =	vst.idx.msk $0xffff, v27  }
0x336: {  	v28 =	vadd.s32 v7, v19;
	v27 =	vld [tilespmem:s1+$0xFFFFFF28];
	[tilespmem:v55+s22+$0x0] =	vst.idx.msk $0xffff, v29  }
0x337: {  	v58 =	vadd.s32 v7, v18;
	[tilespmem:v30+s22+$0x0] =	vst.idx.msk $0xffff, v26;
	v29 =	vld [tilespmem:s1+$0xA8]  }
0x338: {  	v26 =	vld [tilespmem:s5+$0xFFFFFFD0];
	v30 =	vadd.s32 v14, v23;
	[tilespmem:v56+s22+$0x0] =	vst.idx.msk $0xffff, v31  }
0x339: {  	v59 =	vadd.s32 v8, v21;
	[tilespmem:v57+s22+$0x0] =	vst.idx.msk $0xffff, v33;
	v31 =	vld [tilespmem:s1+$0x240]  }
0x33a: {  	v60 =	vadd.s32 v8, v17;
	v33 =	vld [tilespmem:s1+$0xFFFFFDC0];
	[tilespmem:v25+s22+$0x0] =	vst.idx.msk $0xffff, v24  }
0x33b: {  	v24 =	vld [tilespmem:s5+$0x150];
	v25 =	vadd.s32 v14, v22;
	[tilespmem:v28+s22+$0x0] =	vst.idx.msk $0xffff, v27  }
0x33c: {  	v28 =	vadd.s32 v8, v19;
	v27 =	vld [tilespmem:s1+$0xFFFFFF40];
	[tilespmem:v58+s22+$0x0] =	vst.idx.msk $0xffff, v29  }
0x33d: {  	v61 =	vadd.s32 v8, v18;
	[tilespmem:v30+s22+$0x0] =	vst.idx.msk $0xffff, v26;
	v29 =	vld [tilespmem:s1+$0xC0]  }
0x33e: {  	v26 =	vld [tilespmem:s5+$0xFFFFFE50];
	v30 =	vadd.s32 v14, v20;
	[tilespmem:v59+s22+$0x0] =	vst.idx.msk $0xffff, v31  }
0x33f: {  	v62 =	vadd.s32 v9, v21;
	[tilespmem:v60+s22+$0x0] =	vst.idx.msk $0xffff, v33;
	v31 =	vld [tilespmem:s1+$0x258]  }
0x340: {  	v37 =	vadd.s32 v9, v17;
	v63 =	vld [tilespmem:s1+$0xFFFFFDD8];
	[tilespmem:v25+s22+$0x0] =	vst.idx.msk $0xffff, v24  }
0x341: {  	v23 =	vadd.s32 v15, v23;
	v24 =	vld [tilespmem:s5+$0xFFFFFFE8];
	[tilespmem:v28+s22+$0x0] =	vst.idx.msk $0xffff, v27  }
0x342: {  	v35 =	vadd.s32 v9, v19;
	v34 =	vld [tilespmem:s1+$0xFFFFFF58];
	[tilespmem:v61+s22+$0x0] =	vst.idx.msk $0xffff, v29  }
0x343: {  	v33 =	vadd.s32 v9, v18;
	[tilespmem:v30+s22+$0x0] =	vst.idx.msk $0xffff, v26;
	v32 =	vld [tilespmem:s1+$0xD8]  }
0x344: {  	v30 =	vadd.s32 v15, v22;
	v28 =	vld [tilespmem:s5+$0x168];
	[tilespmem:v62+s22+$0x0] =	vst.idx.msk $0xffff, v31  }
0x345: {  	[tilespmem:v37+s22+$0x0] =	vst.idx.msk $0xffff, v63;
	v31 =	vadd.s32 v10, v21;
	v29 =	vld [tilespmem:s1+$0x270]  }
0x346: {  	s3 =	simm.s32 $0xB;
	s4 =	simm.s32 $0xC;
	s0 =	simm.s32 $0x8;
	v27 =	vadd.s32 v10, v17;
	[tilespmem:v23+s22+$0x0] =	vst.idx.msk $0xffff, v24;
	v26 =	vld [tilespmem:s1+$0xFFFFFDF0]  }
.LBB2_16:
0x347: {  	p1 =	slt.u32 s4, $0x3C;
	v22 =	vmov s3;
	[tilespmem:v35+s22+$0x0] =	vst.idx.msk $0xffff, v34;
	v24 =	vld [tilespmem:s5+$0xFFFFFE68];
	v25 =	vadd.s32 v15, v20;
	v20 =	vmov v17;
	s5 =	smov.u32 s1  }
0x348: {  	v17 =	vmov s0;
	v36 =	vadd.s32 v10, v19;
	s1 =	sadd.s32 $0x600, s1;
	v34 =	vand.u32 $0x3F, v22;
	v35 =	vld [tilespmem:s5+$0xFFFFFF70];
	[tilespmem:v33+s22+$0x0] =	vst.idx.msk $0xffff, v32  }
0x349: {  	s3 =	sadd.s32 $0x1, s0;
	v17 =	vand.u32 $0x3C, v17;
	v32 =	vld [tilespmem:s1+$0x180];
	v33 =	vadd.s32 v0, v34;
	[tilespmem:v30+s22+$0x0] =	vst.idx.msk $0xffff, v28  }
0x34a: {  	v22 =	vmov s3;
	s3 =	sadd.s32 $0x2, s0;
	s0 =	smov.u32 s4;
	v30 =	vadd.s32 v0, v17;
	v28 =	vld [tilespmem:s1+$0xFFFFFD00];
	[tilespmem:v31+s22+$0x0] =	vst.idx.msk $0xffff, v29  }
0x34b: {  	v23 =	vand.u32 $0x3D, v22;
	v22 =	vmov s3;
	[tilespmem:v27+s22+$0x0] =	vst.idx.msk $0xffff, v26;
	v26 =	vld [tilespmem:s5+$0x288];
	v27 =	vadd.s32 v11, v21  }
0x34c: {  	v31 =	vadd.s32 v0, v23;
	v22 =	vand.u32 $0x3E, v22;
	v29 =	vld [tilespmem:s1+$0xFFFFFE80];
	[tilespmem:v25+s22+$0x0] =	vst.idx.msk $0xffff, v24  }
0x34d: {  	v25 =	vadd.s32 v0, v22;
	v24 =	vld [tilespmem:s1+$0x0];
	[tilespmem:v36+s22+$0x0] =	vst.idx.msk $0xffff, v35  }
0x34e: {  	[tilespmem:v33+s22+$0x0] =	vst.idx.msk $0xffff, v32;
	v32 =	vld [tilespmem:s5+$0xF0];
	v33 =	vadd.s32 v10, v18  }
0x34f: {  	[tilespmem:v30+s22+$0x0] =	vst.idx.msk $0xffff, v28;
	v28 =	vld [tilespmem:s1+$0x198];
	v30 =	vadd.s32 v1, v34  }
0x350: {  	v36 =	vadd.s32 v1, v17;
	v35 =	vld [tilespmem:s1+$0xFFFFFD18];
	[tilespmem:v27+s22+$0x0] =	vst.idx.msk $0xffff, v26  }
0x351: {  	v27 =	vadd.s32 v12, v21;
	[tilespmem:v31+s22+$0x0] =	vst.idx.msk $0xffff, v29;
	v26 =	vld [tilespmem:s5+$0x2A0]  }
0x352: {  	v31 =	vadd.s32 v1, v23;
	v29 =	vld [tilespmem:s1+$0xFFFFFE98];
	[tilespmem:v25+s22+$0x0] =	vst.idx.msk $0xffff, v24  }
0x353: {  	v25 =	vadd.s32 v1, v22;
	v24 =	vld [tilespmem:s1+$0x18];
	[tilespmem:v33+s22+$0x0] =	vst.idx.msk $0xffff, v32  }
0x354: {  	[tilespmem:v30+s22+$0x0] =	vst.idx.msk $0xffff, v28;
	v28 =	vld [tilespmem:s5+$0xFFFFFF88];
	v30 =	vadd.s32 v11, v19  }
0x355: {  	v33 =	vadd.s32 v2, v34;
	[tilespmem:v36+s22+$0x0] =	vst.idx.msk $0xffff, v35;
	v32 =	vld [tilespmem:s1+$0x1B0]  }
0x356: {  	v36 =	vadd.s32 v2, v17;
	v35 =	vld [tilespmem:s1+$0xFFFFFD30];
	[tilespmem:v27+s22+$0x0] =	vst.idx.msk $0xffff, v26  }
0x357: {  	v27 =	vadd.s32 v13, v21;
	[tilespmem:v31+s22+$0x0] =	vst.idx.msk $0xffff, v29;
	v26 =	vld [tilespmem:s5+$0x2B8]  }
0x358: {  	v31 =	vadd.s32 v2, v23;
	v29 =	vld [tilespmem:s1+$0xFFFFFEB0];
	[tilespmem:v25+s22+$0x0] =	vst.idx.msk $0xffff, v24  }
0x359: {  	v25 =	vadd.s32 v2, v22;
	v24 =	vld [tilespmem:s1+$0x30];
	[tilespmem:v30+s22+$0x0] =	vst.idx.msk $0xffff, v28  }
0x35a: {  	v30 =	vadd.s32 v11, v18;
	[tilespmem:v33+s22+$0x0] =	vst.idx.msk $0xffff, v32;
	v28 =	vld [tilespmem:s5+$0x108]  }
0x35b: {  	v33 =	vadd.s32 v3, v34;
	[tilespmem:v36+s22+$0x0] =	vst.idx.msk $0xffff, v35;
	v32 =	vld [tilespmem:s1+$0x1C8]  }
0x35c: {  	v36 =	vadd.s32 v3, v17;
	v35 =	vld [tilespmem:s1+$0xFFFFFD48];
	[tilespmem:v27+s22+$0x0] =	vst.idx.msk $0xffff, v26  }
0x35d: {  	v27 =	vadd.s32 v14, v21;
	[tilespmem:v31+s22+$0x0] =	vst.idx.msk $0xffff, v29;
	v26 =	vld [tilespmem:s5+$0x2D0]  }
0x35e: {  	v31 =	vadd.s32 v3, v23;
	v29 =	vld [tilespmem:s1+$0xFFFFFEC8];
	[tilespmem:v25+s22+$0x0] =	vst.idx.msk $0xffff, v24  }
0x35f: {  	v25 =	vadd.s32 v3, v22;
	v24 =	vld [tilespmem:s1+$0x48];
	[tilespmem:v30+s22+$0x0] =	vst.idx.msk $0xffff, v28  }
0x360: {  	v30 =	vadd.s32 v11, v20;
	[tilespmem:v33+s22+$0x0] =	vst.idx.msk $0xffff, v32;
	v28 =	vld [tilespmem:s5+$0xFFFFFE08]  }
0x361: {  	v33 =	vadd.s32 v4, v34;
	[tilespmem:v36+s22+$0x0] =	vst.idx.msk $0xffff, v35;
	v32 =	vld [tilespmem:s1+$0x1E0]  }
0x362: {  	v36 =	vadd.s32 v4, v17;
	v35 =	vld [tilespmem:s1+$0xFFFFFD60];
	[tilespmem:v27+s22+$0x0] =	vst.idx.msk $0xffff, v26  }
0x363: {  	v27 =	vadd.s32 v15, v21;
	v21 =	vmov v34;
	[tilespmem:v31+s22+$0x0] =	vst.idx.msk $0xffff, v29;
	v26 =	vld [tilespmem:s5+$0x2E8]  }
0x364: {  	v31 =	vadd.s32 v4, v23;
	v29 =	vld [tilespmem:s1+$0xFFFFFEE0];
	[tilespmem:v25+s22+$0x0] =	vst.idx.msk $0xffff, v24  }
0x365: {  	v25 =	vadd.s32 v4, v22;
	v24 =	vld [tilespmem:s1+$0x60];
	[tilespmem:v30+s22+$0x0] =	vst.idx.msk $0xffff, v28  }
0x366: {  	s2 =	sadd.s32 $0x600, s2;
	v30 =	vadd.s32 v12, v19;
	[tilespmem:v33+s22+$0x0] =	vst.idx.msk $0xffff, v32;
	v28 =	vld [tilespmem:s5+$0xFFFFFFA0]  }
0x367: {  	v33 =	vadd.s32 v5, v21;
	[tilespmem:v36+s22+$0x0] =	vst.idx.msk $0xffff, v35;
	v32 =	vld [tilespmem:s2+$0x180]  }
0x368: {  	v35 =	vadd.s32 v5, v17;
	v34 =	vld [tilespmem:s2+$0xFFFFFD00];
	[tilespmem:v27+s22+$0x0] =	vst.idx.msk $0xffff, v26  }
0x369: {  	v27 =	vadd.s32 v12, v18;
	[tilespmem:v31+s22+$0x0] =	vst.idx.msk $0xffff, v29;
	v26 =	vld [tilespmem:s5+$0x120]  }
0x36a: {  	v31 =	vadd.s32 v5, v23;
	v29 =	vld [tilespmem:s2+$0xFFFFFE80];
	[tilespmem:v25+s22+$0x0] =	vst.idx.msk $0xffff, v24  }
0x36b: {  	v25 =	vadd.s32 v5, v22;
	v24 =	vld [tilespmem:s2+$0x0];
	[tilespmem:v30+s22+$0x0] =	vst.idx.msk $0xffff, v28  }
0x36c: {  	v30 =	vadd.s32 v12, v20;
	[tilespmem:v33+s22+$0x0] =	vst.idx.msk $0xffff, v32;
	v28 =	vld [tilespmem:s5+$0xFFFFFE20]  }
0x36d: {  	v33 =	vadd.s32 v6, v21;
	[tilespmem:v35+s22+$0x0] =	vst.idx.msk $0xffff, v34;
	v32 =	vld [tilespmem:s1+$0x210]  }
0x36e: {  	v35 =	vadd.s32 v6, v17;
	v34 =	vld [tilespmem:s1+$0xFFFFFD90];
	[tilespmem:v27+s22+$0x0] =	vst.idx.msk $0xffff, v26  }
0x36f: {  	v27 =	vadd.s32 v13, v19;
	[tilespmem:v31+s22+$0x0] =	vst.idx.msk $0xffff, v29;
	v26 =	vld [tilespmem:s5+$0xFFFFFFB8]  }
0x370: {  	v31 =	vadd.s32 v6, v23;
	v29 =	vld [tilespmem:s1+$0xFFFFFF10];
	[tilespmem:v25+s22+$0x0] =	vst.idx.msk $0xffff, v24  }
0x371: {  	v25 =	vadd.s32 v6, v22;
	v24 =	vld [tilespmem:s1+$0x90];
	[tilespmem:v30+s22+$0x0] =	vst.idx.msk $0xffff, v28  }
0x372: {  	v30 =	vadd.s32 v13, v18;
	[tilespmem:v33+s22+$0x0] =	vst.idx.msk $0xffff, v32;
	v28 =	vld [tilespmem:s5+$0x138]  }
0x373: {  	v33 =	vadd.s32 v7, v21;
	[tilespmem:v35+s22+$0x0] =	vst.idx.msk $0xffff, v34;
	v32 =	vld [tilespmem:s1+$0x228]  }
0x374: {  	v35 =	vadd.s32 v7, v17;
	v34 =	vld [tilespmem:s1+$0xFFFFFDA8];
	[tilespmem:v27+s22+$0x0] =	vst.idx.msk $0xffff, v26  }
0x375: {  	v27 =	vadd.s32 v13, v20;
	[tilespmem:v31+s22+$0x0] =	vst.idx.msk $0xffff, v29;
	v26 =	vld [tilespmem:s5+$0xFFFFFE38]  }
0x376: {  	v31 =	vadd.s32 v7, v23;
	v29 =	vld [tilespmem:s1+$0xFFFFFF28];
	[tilespmem:v25+s22+$0x0] =	vst.idx.msk $0xffff, v24  }
0x377: {  	v25 =	vadd.s32 v7, v22;
	v24 =	vld [tilespmem:s1+$0xA8];
	[tilespmem:v30+s22+$0x0] =	vst.idx.msk $0xffff, v28  }
0x378: {  	v30 =	vadd.s32 v14, v19;
	[tilespmem:v33+s22+$0x0] =	vst.idx.msk $0xffff, v32;
	v28 =	vld [tilespmem:s5+$0xFFFFFFD0]  }
0x379: {  	v33 =	vadd.s32 v8, v21;
	[tilespmem:v35+s22+$0x0] =	vst.idx.msk $0xffff, v34;
	v32 =	vld [tilespmem:s1+$0x240]  }
0x37a: {  	v35 =	vadd.s32 v8, v17;
	v34 =	vld [tilespmem:s1+$0xFFFFFDC0];
	[tilespmem:v27+s22+$0x0] =	vst.idx.msk $0xffff, v26  }
0x37b: {  	v27 =	vadd.s32 v14, v18;
	[tilespmem:v31+s22+$0x0] =	vst.idx.msk $0xffff, v29;
	v26 =	vld [tilespmem:s5+$0x150]  }
0x37c: {  	v31 =	vadd.s32 v8, v23;
	v29 =	vld [tilespmem:s1+$0xFFFFFF40];
	[tilespmem:v25+s22+$0x0] =	vst.idx.msk $0xffff, v24  }
0x37d: {  	v25 =	vadd.s32 v8, v22;
	v24 =	vld [tilespmem:s1+$0xC0];
	[tilespmem:v30+s22+$0x0] =	vst.idx.msk $0xffff, v28  }
0x37e: {  	v30 =	vadd.s32 v14, v20;
	[tilespmem:v33+s22+$0x0] =	vst.idx.msk $0xffff, v32;
	v28 =	vld [tilespmem:s5+$0xFFFFFE50]  }
0x37f: {  	v37 =	vadd.s32 v9, v21;
	[tilespmem:v35+s22+$0x0] =	vst.idx.msk $0xffff, v34;
	v36 =	vld [tilespmem:s1+$0x258]  }
0x380: {  	v39 =	vadd.s32 v9, v17;
	v38 =	vld [tilespmem:s1+$0xFFFFFDD8];
	[tilespmem:v27+s22+$0x0] =	vst.idx.msk $0xffff, v26  }
0x381: {  	v41 =	vadd.s32 v15, v19;
	v19 =	vmov v23;
	[tilespmem:v31+s22+$0x0] =	vst.idx.msk $0xffff, v29;
	v40 =	vld [tilespmem:s5+$0xFFFFFFE8]  }
.Ltmp9:
0x382: {  	v35 =	vadd.s32 v9, v19;
	v34 =	vld [tilespmem:s1+$0xFFFFFF58];
	[tilespmem:v25+s22+$0x0] =	vst.idx.msk $0xffff, v24;
	(pc) =	sbr.rel @p1 .LBB2_16-.Ltmp9, $4  }
0x383: {  	v33 =	vadd.s32 v9, v22;
	v32 =	vld [tilespmem:s1+$0xD8];
	[tilespmem:v30+s22+$0x0] =	vst.idx.msk $0xffff, v28  }
0x384: {  	v30 =	vadd.s32 v15, v18;
	v18 =	vmov v22;
	[tilespmem:v37+s22+$0x0] =	vst.idx.msk $0xffff, v36;
	v28 =	vld [tilespmem:s5+$0x168]  }
0x385: {  	v31 =	vadd.s32 v10, v21;
	[tilespmem:v39+s22+$0x0] =	vst.idx.msk $0xffff, v38;
	v29 =	vld [tilespmem:s1+$0x270]  }
0x386: {  	s4 =	sadd.s32 $0x4, s4;
	s3 =	sadd.s32 $0x3, s0;
	v27 =	vadd.s32 v10, v17;
	v26 =	vld [tilespmem:s1+$0xFFFFFDF0];
	[tilespmem:v41+s22+$0x0] =	vst.idx.msk $0xffff, v40  }
0x387: {  	v22 =	vmov s3;
	s24 =	sadd.s32 $0x1, s0  }
0x388: {  	s4 =	sadd.s32 $0x600, s1;
	s25 =	sadd.s32 $0x2, s0;
	v22 =	vand.u32 $0x3F, v22;
	v23 =	vmov s24  }
0x389: {  	v25 =	vmov s25;
	v36 =	vld [tilespmem:s4+$0x180];
	v37 =	vadd.s32 v0, v22;
	v24 =	vand.u32 $0x3D, v23  }
0x38a: {  	v51 =	vmov s0;
	v38 =	vld [tilespmem:s4+$0xFFFFFE80];
	v25 =	vand.u32 $0x3E, v25;
	v39 =	vadd.s32 v0, v24  }
0x38b: {  	v40 =	vld [tilespmem:s4+$0x0];
	v23 =	vand.u32 $0x3C, v51;
	v41 =	vadd.s32 v0, v25  }
0x38c: {  	v42 =	vld [tilespmem:s4+$0xFFFFFD00];
	v43 =	vadd.s32 v0, v23;
	_ =	sdelay $0x1  }
0x38d: {  	[tilespmem:v37+s22+$0x0] =	vst.idx.msk $0xffff, v36  }
0x38e: {  	v52 =	vadd.s32 v1, v22;
	v36 =	vld [tilespmem:s4+$0x198];
	[tilespmem:v39+s22+$0x0] =	vst.idx.msk $0xffff, v38  }
0x38f: {  	v53 =	vadd.s32 v1, v24;
	[tilespmem:v41+s22+$0x0] =	vst.idx.msk $0xffff, v40;
	v38 =	vld [tilespmem:s4+$0xFFFFFE98]  }
0x390: {  	v54 =	vadd.s32 v1, v25;
	[tilespmem:v43+s22+$0x0] =	vst.idx.msk $0xffff, v42;
	v40 =	vld [tilespmem:s4+$0x18]  }
0x391: {  	v55 =	vadd.s32 v1, v23;
	v42 =	vld [tilespmem:s4+$0xFFFFFD18];
	_ =	sdelay $0x1  }
0x392: {  	[tilespmem:v52+s22+$0x0] =	vst.idx.msk $0xffff, v36  }
0x393: {  	v56 =	vadd.s32 v2, v22;
	[tilespmem:v53+s22+$0x0] =	vst.idx.msk $0xffff, v38;
	v36 =	vld [tilespmem:s4+$0x1B0]  }
0x394: {  	v57 =	vadd.s32 v2, v24;
	[tilespmem:v54+s22+$0x0] =	vst.idx.msk $0xffff, v40;
	v38 =	vld [tilespmem:s4+$0xFFFFFEB0]  }
0x395: {  	v58 =	vadd.s32 v2, v25;
	[tilespmem:v55+s22+$0x0] =	vst.idx.msk $0xffff, v42;
	v40 =	vld [tilespmem:s4+$0x30]  }
0x396: {  	[tilespmem:v35+s22+$0x0] =	vst.idx.msk $0xffff, v34;
	v60 =	vadd.s32 v2, v23;
	v59 =	vld [tilespmem:s4+$0xFFFFFD30]  }
0x397: {  	[tilespmem:v33+s22+$0x0] =	vst.idx.msk $0xffff, v32  }
0x398: {  	[tilespmem:v56+s22+$0x0] =	vst.idx.msk $0xffff, v36  }
0x399: {  	v62 =	vadd.s32 v3, v22;
	[tilespmem:v57+s22+$0x0] =	vst.idx.msk $0xffff, v38;
	v61 =	vld [tilespmem:s4+$0x1C8]  }
0x39a: {  	[tilespmem:v58+s22+$0x0] =	vst.idx.msk $0xffff, v40;
	v40 =	vadd.s32 v3, v24;
	v63 =	vld [tilespmem:s4+$0xFFFFFEC8]  }
0x39b: {  	v42 =	vadd.s32 v3, v25;
	[tilespmem:v60+s22+$0x0] =	vst.idx.msk $0xffff, v59;
	v41 =	vld [tilespmem:s4+$0x48]  }
0x39c: {  	[tilespmem:v30+s22+$0x0] =	vst.idx.msk $0xffff, v28;
	v44 =	vadd.s32 v3, v23;
	v43 =	vld [tilespmem:s4+$0xFFFFFD48]  }
0x39d: {  	[tilespmem:v31+s22+$0x0] =	vst.idx.msk $0xffff, v29  }
0x39e: {  	v45 =	vld [tilespmem:s5+$0xFFFFFE68];
	v20 =	vadd.s32 v15, v20;
	[tilespmem:v62+s22+$0x0] =	vst.idx.msk $0xffff, v61  }
0x39f: {  	v47 =	vadd.s32 v4, v22;
	v46 =	vld [tilespmem:s4+$0x1E0];
	[tilespmem:v40+s22+$0x0] =	vst.idx.msk $0xffff, v63  }
0x3a0: {  	v49 =	vadd.s32 v4, v24;
	[tilespmem:v42+s22+$0x0] =	vst.idx.msk $0xffff, v41;
	v48 =	vld [tilespmem:s4+$0xFFFFFEE0]  }
0x3a1: {  	v51 =	vadd.s32 v4, v25;
	[tilespmem:v44+s22+$0x0] =	vst.idx.msk $0xffff, v43;
	v50 =	vld [tilespmem:s4+$0x60]  }
0x3a2: {  	[tilespmem:v27+s22+$0x0] =	vst.idx.msk $0xffff, v26;
	v53 =	vadd.s32 v4, v23;
	v52 =	vld [tilespmem:s4+$0xFFFFFD60]  }
0x3a3: {  	[tilespmem:v20+s22+$0x0] =	vst.idx.msk $0xffff, v45;
	v54 =	vld [tilespmem:s1+$0xFFFFFF70];
	v55 =	vadd.s32 v10, v19  }
0x3a4: {  	s26 =	sadd.s32 $0x600, s2;
	v56 =	vld [tilespmem:s1+$0x288];
	v57 =	vadd.s32 v11, v21;
	[tilespmem:v47+s22+$0x0] =	vst.idx.msk $0xffff, v46  }
0x3a5: {  	v58 =	vadd.s32 v5, v22;
	v31 =	vld [tilespmem:s26+$0x180];
	[tilespmem:v49+s22+$0x0] =	vst.idx.msk $0xffff, v48  }
0x3a6: {  	v59 =	vadd.s32 v5, v24;
	[tilespmem:v51+s22+$0x0] =	vst.idx.msk $0xffff, v50;
	v33 =	vld [tilespmem:s26+$0xFFFFFE80]  }
0x3a7: {  	v61 =	vadd.s32 v5, v25;
	[tilespmem:v53+s22+$0x0] =	vst.idx.msk $0xffff, v52;
	v60 =	vld [tilespmem:s26+$0x0]  }
0x3a8: {  	[tilespmem:v55+s22+$0x0] =	vst.idx.msk $0xffff, v54;
	v63 =	vadd.s32 v5, v23;
	v62 =	vld [tilespmem:s26+$0xFFFFFD00]  }
0x3a9: {  	[tilespmem:v57+s22+$0x0] =	vst.idx.msk $0xffff, v56;
	v40 =	vld [tilespmem:s1+$0xF0];
	v41 =	vadd.s32 v10, v18  }
0x3aa: {  	v20 =	vld [tilespmem:s1+$0x2A0];
	v42 =	vadd.s32 v12, v21;
	[tilespmem:v58+s22+$0x0] =	vst.idx.msk $0xffff, v31  }
0x3ab: {  	v43 =	vadd.s32 v6, v22;
	v31 =	vld [tilespmem:s4+$0x210];
	[tilespmem:v59+s22+$0x0] =	vst.idx.msk $0xffff, v33  }
0x3ac: {  	v44 =	vadd.s32 v6, v24;
	[tilespmem:v61+s22+$0x0] =	vst.idx.msk $0xffff, v60;
	v33 =	vld [tilespmem:s4+$0xFFFFFF10]  }
0x3ad: {  	v45 =	vadd.s32 v6, v25;
	[tilespmem:v63+s22+$0x0] =	vst.idx.msk $0xffff, v62;
	v26 =	vld [tilespmem:s4+$0x90]  }
0x3ae: {  	[tilespmem:v41+s22+$0x0] =	vst.idx.msk $0xffff, v40;
	v46 =	vadd.s32 v6, v23;
	v28 =	vld [tilespmem:s4+$0xFFFFFD90]  }
0x3af: {  	v47 =	vld [tilespmem:s1+$0xFFFFFF88];
	[tilespmem:v42+s22+$0x0] =	vst.idx.msk $0xffff, v20;
	v48 =	vadd.s32 v11, v19  }
0x3b0: {  	v20 =	vld [tilespmem:s1+$0x2B8];
	v49 =	vadd.s32 v13, v21;
	[tilespmem:v43+s22+$0x0] =	vst.idx.msk $0xffff, v31  }
0x3b1: {  	v50 =	vadd.s32 v7, v22;
	v31 =	vld [tilespmem:s4+$0x228];
	[tilespmem:v44+s22+$0x0] =	vst.idx.msk $0xffff, v33  }
0x3b2: {  	v51 =	vadd.s32 v7, v24;
	[tilespmem:v45+s22+$0x0] =	vst.idx.msk $0xffff, v26;
	v33 =	vld [tilespmem:s4+$0xFFFFFF28]  }
0x3b3: {  	v52 =	vadd.s32 v7, v25;
	[tilespmem:v46+s22+$0x0] =	vst.idx.msk $0xffff, v28;
	v26 =	vld [tilespmem:s4+$0xA8]  }
0x3b4: {  	v53 =	vadd.s32 v7, v23;
	[tilespmem:v48+s22+$0x0] =	vst.idx.msk $0xffff, v47;
	v28 =	vld [tilespmem:s4+$0xFFFFFDA8]  }
0x3b5: {  	v55 =	vadd.s32 v11, v18;
	v54 =	vld [tilespmem:s1+$0x108];
	[tilespmem:v49+s22+$0x0] =	vst.idx.msk $0xffff, v20  }
0x3b6: {  	v56 =	vadd.s32 v14, v21;
	v20 =	vld [tilespmem:s1+$0x2D0];
	[tilespmem:v50+s22+$0x0] =	vst.idx.msk $0xffff, v31  }
0x3b7: {  	v57 =	vadd.s32 v8, v22;
	v31 =	vld [tilespmem:s4+$0x240];
	[tilespmem:v51+s22+$0x0] =	vst.idx.msk $0xffff, v33  }
0x3b8: {  	v58 =	vadd.s32 v8, v24;
	[tilespmem:v52+s22+$0x0] =	vst.idx.msk $0xffff, v26;
	v33 =	vld [tilespmem:s4+$0xFFFFFF40]  }
0x3b9: {  	v59 =	vadd.s32 v8, v25;
	[tilespmem:v53+s22+$0x0] =	vst.idx.msk $0xffff, v28;
	v26 =	vld [tilespmem:s4+$0xC0]  }
0x3ba: {  	[tilespmem:v55+s22+$0x0] =	vst.idx.msk $0xffff, v54;
	v60 =	vadd.s32 v8, v23;
	v28 =	vld [tilespmem:s4+$0xFFFFFDC0]  }
0x3bb: {  	v61 =	vld [tilespmem:s1+$0xFFFFFE08];
	v62 =	vadd.s32 v11, v17;
	[tilespmem:v56+s22+$0x0] =	vst.idx.msk $0xffff, v20  }
0x3bc: {  	v63 =	vadd.s32 v15, v21;
	v20 =	vld [tilespmem:s1+$0x2E8];
	[tilespmem:v57+s22+$0x0] =	vst.idx.msk $0xffff, v31  }
0x3bd: {  	v38 =	vadd.s32 v9, v22;
	v37 =	vld [tilespmem:s4+$0x258];
	[tilespmem:v58+s22+$0x0] =	vst.idx.msk $0xffff, v33  }
0x3be: {  	v40 =	vadd.s32 v9, v24;
	[tilespmem:v59+s22+$0x0] =	vst.idx.msk $0xffff, v26;
	v39 =	vld [tilespmem:s4+$0xFFFFFF58]  }
0x3bf: {  	v41 =	vadd.s32 v9, v25;
	[tilespmem:v60+s22+$0x0] =	vst.idx.msk $0xffff, v28;
	v26 =	vld [tilespmem:s4+$0xD8]  }
0x3c0: {  	v42 =	vadd.s32 v9, v23;
	[tilespmem:v62+s22+$0x0] =	vst.idx.msk $0xffff, v61;
	v28 =	vld [tilespmem:s4+$0xFFFFFDD8]  }
0x3c1: {  	v43 =	vld [tilespmem:s1+$0xFFFFFFA0];
	v44 =	vadd.s32 v12, v19;
	[tilespmem:v63+s22+$0x0] =	vst.idx.msk $0xffff, v20  }
0x3c2: {  	v45 =	vld [tilespmem:s1+$0x120];
	v46 =	vadd.s32 v12, v18;
	[tilespmem:v38+s22+$0x0] =	vst.idx.msk $0xffff, v37  }
0x3c3: {  	v47 =	vadd.s32 v10, v22;
	v29 =	vld [tilespmem:s4+$0x270];
	[tilespmem:v40+s22+$0x0] =	vst.idx.msk $0xffff, v39  }
0x3c4: {  	v48 =	vadd.s32 v10, v24;
	[tilespmem:v41+s22+$0x0] =	vst.idx.msk $0xffff, v26;
	v32 =	vld [tilespmem:s4+$0xFFFFFF70]  }
0x3c5: {  	v49 =	vadd.s32 v10, v25;
	[tilespmem:v42+s22+$0x0] =	vst.idx.msk $0xffff, v28;
	v26 =	vld [tilespmem:s4+$0xF0]  }
0x3c6: {  	[tilespmem:v44+s22+$0x0] =	vst.idx.msk $0xffff, v43;
	v50 =	vadd.s32 v10, v23;
	v28 =	vld [tilespmem:s4+$0xFFFFFDF0]  }
0x3c7: {  	[tilespmem:v46+s22+$0x0] =	vst.idx.msk $0xffff, v45;
	v51 =	vld [tilespmem:s1+$0xFFFFFE20];
	v52 =	vadd.s32 v12, v17  }
0x3c8: {  	v63 =	vadd.s32 v13, v18;
	v62 =	vld [tilespmem:s1+$0x138];
	[tilespmem:v47+s22+$0x0] =	vst.idx.msk $0xffff, v29  }
0x3c9: {  	v55 =	vadd.s32 v11, v22;
	v29 =	vld [tilespmem:s4+$0x288];
	[tilespmem:v48+s22+$0x0] =	vst.idx.msk $0xffff, v32  }
0x3ca: {  	v57 =	vadd.s32 v11, v24;
	[tilespmem:v49+s22+$0x0] =	vst.idx.msk $0xffff, v26;
	v56 =	vld [tilespmem:s4+$0xFFFFFF88]  }
0x3cb: {  	v59 =	vadd.s32 v11, v25;
	[tilespmem:v50+s22+$0x0] =	vst.idx.msk $0xffff, v28;
	v58 =	vld [tilespmem:s4+$0x108]  }
0x3cc: {  	v61 =	vadd.s32 v11, v23;
	[tilespmem:v52+s22+$0x0] =	vst.idx.msk $0xffff, v51;
	v60 =	vld [tilespmem:s4+$0xFFFFFE08]  }
0x3cd: {  	v54 =	vadd.s32 v13, v19;
	v53 =	vld [tilespmem:s1+$0xFFFFFFB8];
	[tilespmem:v63+s22+$0x0] =	vst.idx.msk $0xffff, v62  }
0x3ce: {  	v45 =	vadd.s32 v14, v18;
	v44 =	vld [tilespmem:s1+$0x150];
	[tilespmem:v55+s22+$0x0] =	vst.idx.msk $0xffff, v29  }
0x3cf: {  	v38 =	vadd.s32 v12, v22;
	v29 =	vld [tilespmem:s4+$0x2A0];
	[tilespmem:v57+s22+$0x0] =	vst.idx.msk $0xffff, v56  }
0x3d0: {  	v39 =	vadd.s32 v12, v24;
	[tilespmem:v59+s22+$0x0] =	vst.idx.msk $0xffff, v58;
	v26 =	vld [tilespmem:s4+$0xFFFFFFA0]  }
0x3d1: {  	v40 =	vadd.s32 v12, v25;
	[tilespmem:v61+s22+$0x0] =	vst.idx.msk $0xffff, v60;
	v28 =	vld [tilespmem:s4+$0x120]  }
0x3d2: {  	[tilespmem:v54+s22+$0x0] =	vst.idx.msk $0xffff, v53;
	v41 =	vadd.s32 v12, v23;
	v32 =	vld [tilespmem:s4+$0xFFFFFE20]  }
0x3d3: {  	v36 =	vld [tilespmem:s1+$0xFFFFFE38];
	v37 =	vadd.s32 v13, v17;
	[tilespmem:v45+s22+$0x0] =	vst.idx.msk $0xffff, v44  }
0x3d4: {  	v43 =	vadd.s32 v14, v19;
	v42 =	vld [tilespmem:s1+$0xFFFFFFD0];
	[tilespmem:v38+s22+$0x0] =	vst.idx.msk $0xffff, v29  }
0x3d5: {  	v46 =	vadd.s32 v13, v22;
	v29 =	vld [tilespmem:s4+$0x2B8];
	[tilespmem:v39+s22+$0x0] =	vst.idx.msk $0xffff, v26  }
0x3d6: {  	v47 =	vadd.s32 v13, v24;
	[tilespmem:v40+s22+$0x0] =	vst.idx.msk $0xffff, v28;
	v26 =	vld [tilespmem:s4+$0xFFFFFFB8]  }
0x3d7: {  	v48 =	vadd.s32 v13, v25;
	[tilespmem:v41+s22+$0x0] =	vst.idx.msk $0xffff, v32;
	v28 =	vld [tilespmem:s4+$0x138]  }
0x3d8: {  	[tilespmem:v37+s22+$0x0] =	vst.idx.msk $0xffff, v36;
	v49 =	vadd.s32 v13, v23;
	v32 =	vld [tilespmem:s4+$0xFFFFFE38]  }
0x3d9: {  	v51 =	vadd.s32 v14, v17;
	[tilespmem:v43+s22+$0x0] =	vst.idx.msk $0xffff, v42;
	v50 =	vld [tilespmem:s1+$0xFFFFFE50]  }
0x3da: {  	v19 =	vadd.s32 v15, v19;
	v52 =	vld [tilespmem:s1+$0xFFFFFFE8];
	[tilespmem:v46+s22+$0x0] =	vst.idx.msk $0xffff, v29  }
0x3db: {  	v54 =	vadd.s32 v14, v22;
	v53 =	vld [tilespmem:s4+$0x2D0];
	[tilespmem:v47+s22+$0x0] =	vst.idx.msk $0xffff, v26  }
0x3dc: {  	v55 =	vadd.s32 v14, v24;
	[tilespmem:v48+s22+$0x0] =	vst.idx.msk $0xffff, v28;
	v26 =	vld [tilespmem:s4+$0xFFFFFFD0]  }
0x3dd: {  	v56 =	vadd.s32 v14, v25;
	[tilespmem:v49+s22+$0x0] =	vst.idx.msk $0xffff, v32;
	v28 =	vld [tilespmem:s4+$0x150]  }
0x3de: {  	[tilespmem:v51+s22+$0x0] =	vst.idx.msk $0xffff, v50;
	v58 =	vadd.s32 v14, v23;
	v57 =	vld [tilespmem:s4+$0xFFFFFE50]  }
0x3df: {  	v18 =	vadd.s32 v15, v18;
	[tilespmem:v19+s22+$0x0] =	vst.idx.msk $0xffff, v52;
	v59 =	vld [tilespmem:s1+$0x168]  }
0x3e0: {  	v17 =	vadd.s32 v15, v17;
	v19 =	vld [tilespmem:s1+$0xFFFFFE68];
	[tilespmem:v54+s22+$0x0] =	vst.idx.msk $0xffff, v53  }
0x3e1: {  	v61 =	vadd.s32 v15, v22;
	v60 =	vld [tilespmem:s4+$0x2E8];
	[tilespmem:v55+s22+$0x0] =	vst.idx.msk $0xffff, v26  }
0x3e2: {  	v24 =	vadd.s32 v15, v24;
	[tilespmem:v56+s22+$0x0] =	vst.idx.msk $0xffff, v28;
	v62 =	vld [tilespmem:s4+$0xFFFFFFE8]  }
0x3e3: {  	v25 =	vadd.s32 v15, v25;
	[tilespmem:v58+s22+$0x0] =	vst.idx.msk $0xffff, v57;
	v63 =	vld [tilespmem:s4+$0x168]  }
0x3e4: {  	p1 =	seq.s32 s28, $0x1F;
	v23 =	vadd.s32 v15, v23;
	[tilespmem:v18+s22+$0x0] =	vst.idx.msk $0xffff, v59;
	v18 =	vld [tilespmem:s4+$0xFFFFFE68]  }
.Ltmp10:
0x3e5: {  	[tilespmem:v17+s22+$0x0] =	vst.idx.msk $0xffff, v19;
	(pc) =	sbr.rel @p1 .LBB2_20-.Ltmp10, $4  }
0x3e6: {  	[tilespmem:v61+s22+$0x0] =	vst.idx.msk $0xffff, v60  }
0x3e7: {  	[tilespmem:v24+s22+$0x0] =	vst.idx.msk $0xffff, v62  }
0x3e8: {  	[tilespmem:v25+s22+$0x0] =	vst.idx.msk $0xffff, v63  }
0x3e9: {  	[tilespmem:v23+s22+$0x0] =	vst.idx.msk $0xffff, v18  }
0x3ea: {  	_ =	sdelay $0x1  }
0x3eb: {  	s0 =	sadd.s32 $0x4, s30  }
0x3ec: {  	s1 =	sshrl.u32 s0, $0x2  }
0x3ed: {  	s0 =	sshrl.u32 s0, $0x1;
	v17 =	vld.idx.msk [tilespmem:v16+s1+$0x0 ss:$0x1], $0xffff  }
0x3ee: {  	v18 =	vld [tilespmem:s0+$0x0];
	_ =	sdelay $0x3  }
0x3ef: {  	(v2sf) =	vpush v17, $0x0  }
0x3f0: {  	(v2sf) =	vpush v18, $0x0;
	_ =	sdelay $0x1  }
0x3f1: {  	(v2sf) =	vpush v18, $0x1;
	_ =	sdelay $0xb  }
0x3f2: {  	s25 =	spop (v2sf)  }
0x3f3: {  	s1 =	spop (v2sf)  }
0x3f4: {  	p2 =	sgt.s32 s1, $0x0  }
0x3f5: {  	s2 =	spop (v2sf);
	s1 =	simm.s32 @!p2 $0x0  }
0x3f6: {  	p2 =	sgt.s32 s2, $0x0;
	s1 =	smin.u32 s1, $0x70  }
0x3f7: {  	s0 =	sshll.u32 s25, $0x16;
	s2 =	simm.s32 @!p2 $0x0;
	s1 =	sshll.u32 s1, $0x7  }
0x3f8: {  	s26 =	smin.u32 s2, $0x70;
	s0 =	sor.u32 s0, s1  }
0x3f9: {  	s0 =	sor.u32 s26, s0  }
0x3fa: {  	s0 =	sshrl.u32 s0, $0x3  }
0x3fb: {  	s30 =	simm.s32 $0x4F0;
	s1 =	simm.s32 $0x600;
	s0 =	sadd.s32 s8, s0  }
0x3fc: {  	[tilespmem:s30], [sflag:$0x1] =	stream.strided.gather [hbm4b:s0+s18], $0x180, s19, s18, $0x38;
	[tilespmem:$0x1D4F0] =	vst v63  }
.LBB2_19:
0x3fd: {  	p2 =	sne.s32 s1, $0x17A00  }
.Ltmp11:
0x3fe: {  	_ = 	snop;
	(pc) =	sbr.rel @p2 .LBB2_19-.Ltmp11, $4  }
0x3ff: {  	_ = 	snop  }
0x400: {  	s2 =	sshra.s32 s1, $0x2;
	s1 =	sadd.s32 $0x600, s1  }
0x401: {  	s0 =	sadd.s32 $0x800, s0;
	s2 =	sadd.s32 $0x4F0, s2  }
0x402: {  	[tilespmem:s2], [sflag:$0x1] =	stream.strided.gather [hbm4b:s0+s18], $0x180, s19, s18, $0x38;
	[tilespmem:$0x1D4F0] =	vst v63  }
.LBB2_20:
0x403: {  	_ =	swait.ge [sflag:s16], $0x6000  }
0x404: {  	[sflag:s16] =	ssyncset.done $0x0  }
0x405: {  	[sflag:s16] =	ssyncadd.s32 $0xFFFFA000  }
0x406: {  	v17 =	vld [tilespmem:s29+$0x0];
	_ =	sdelay $0x4  }
0x407: {  	(v2sf) =	vpush v17, $0x1;
	_ =	sdelay $0xe  }
0x408: {  	s0 =	spop (v2sf)  }
0x409: {  	p2 =	sgt.s32 s0, $0x0  }
0x40a: {  	s0 =	simm.s32 @!p2 $0x0  }
0x40b: {  	s1 =	simm.s32 $0x43;
	s0 =	smin.u32 s0, $0x70  }
0x40c: {  	s7 =	simm.s32 $0x40;
	v17 =	vmov s1;
	s2 =	sand.u32 $0x7, s0  }
0x40d: {  	v24 =	vand.u32 $0x7F, v17;
	v17 =	vmov s7;
	s1 =	sor.u32 $0x67F0, s2  }
0x40e: {  	s17 =	simm.s32 $0x41;
	v19 =	vadd.s32 v0, v24;
	v23 =	vand.u32 $0x7C, v17;
	v18 =	vld [tilespmem:s1+$0x180]  }
0x40f: {  	v17 =	vmov s17;
	v21 =	vadd.s32 v0, v23;
	v20 =	vld [tilespmem:s1+$0xFFFFFD00]  }
0x410: {  	s20 =	simm.s32 $0x42;
	v22 =	vand.u32 $0x7D, v17  }
0x411: {  	v17 =	vmov s20;
	v26 =	vadd.s32 v0, v22;
	v25 =	vld [tilespmem:s1+$0xFFFFFE80]  }
0x412: {  	v17 =	vand.u32 $0x7E, v17  }
0x413: {  	v28 =	vadd.s32 v0, v17;
	v27 =	vld [tilespmem:s1+$0x0];
	[tilespmem:v19+s22+$0x0] =	vst.idx.msk $0xffff, v18  }
0x414: {  	v19 =	vadd.s32 v1, v24;
	[tilespmem:v21+s22+$0x0] =	vst.idx.msk $0xffff, v20;
	v18 =	vld [tilespmem:s1+$0x198]  }
0x415: {  	v21 =	vadd.s32 v1, v23;
	v20 =	vld [tilespmem:s1+$0xFFFFFD18]  }
0x416: {  	[tilespmem:v26+s22+$0x0] =	vst.idx.msk $0xffff, v25  }
0x417: {  	v26 =	vadd.s32 v1, v22;
	v25 =	vld [tilespmem:s1+$0xFFFFFE98]  }
0x418: {  	[tilespmem:v28+s22+$0x0] =	vst.idx.msk $0xffff, v27  }
0x419: {  	v28 =	vadd.s32 v1, v17;
	v27 =	vld [tilespmem:s1+$0x18];
	[tilespmem:v19+s22+$0x0] =	vst.idx.msk $0xffff, v18  }
0x41a: {  	v19 =	vadd.s32 v2, v24;
	[tilespmem:v21+s22+$0x0] =	vst.idx.msk $0xffff, v20;
	v18 =	vld [tilespmem:s1+$0x1B0]  }
0x41b: {  	v21 =	vadd.s32 v2, v23;
	v20 =	vld [tilespmem:s1+$0xFFFFFD30]  }
0x41c: {  	[tilespmem:v26+s22+$0x0] =	vst.idx.msk $0xffff, v25  }
0x41d: {  	v26 =	vadd.s32 v2, v22;
	v25 =	vld [tilespmem:s1+$0xFFFFFEB0]  }
0x41e: {  	[tilespmem:v28+s22+$0x0] =	vst.idx.msk $0xffff, v27  }
0x41f: {  	v28 =	vadd.s32 v2, v17;
	v27 =	vld [tilespmem:s1+$0x30];
	[tilespmem:v19+s22+$0x0] =	vst.idx.msk $0xffff, v18  }
0x420: {  	v19 =	vadd.s32 v3, v24;
	[tilespmem:v21+s22+$0x0] =	vst.idx.msk $0xffff, v20;
	v18 =	vld [tilespmem:s1+$0x1C8]  }
0x421: {  	v21 =	vadd.s32 v3, v23;
	v20 =	vld [tilespmem:s1+$0xFFFFFD48]  }
0x422: {  	[tilespmem:v26+s22+$0x0] =	vst.idx.msk $0xffff, v25  }
0x423: {  	v26 =	vadd.s32 v3, v22;
	v25 =	vld [tilespmem:s1+$0xFFFFFEC8]  }
0x424: {  	[tilespmem:v28+s22+$0x0] =	vst.idx.msk $0xffff, v27  }
0x425: {  	v28 =	vadd.s32 v3, v17;
	v27 =	vld [tilespmem:s1+$0x48];
	[tilespmem:v19+s22+$0x0] =	vst.idx.msk $0xffff, v18  }
0x426: {  	v19 =	vadd.s32 v4, v24;
	[tilespmem:v21+s22+$0x0] =	vst.idx.msk $0xffff, v20;
	v18 =	vld [tilespmem:s1+$0x1E0]  }
0x427: {  	v21 =	vadd.s32 v4, v23;
	v20 =	vld [tilespmem:s1+$0xFFFFFD60]  }
0x428: {  	[tilespmem:v26+s22+$0x0] =	vst.idx.msk $0xffff, v25  }
0x429: {  	v26 =	vadd.s32 v4, v22;
	v25 =	vld [tilespmem:s1+$0xFFFFFEE0]  }
0x42a: {  	[tilespmem:v28+s22+$0x0] =	vst.idx.msk $0xffff, v27  }
0x42b: {  	v28 =	vadd.s32 v4, v17;
	v27 =	vld [tilespmem:s1+$0x60];
	[tilespmem:v19+s22+$0x0] =	vst.idx.msk $0xffff, v18  }
0x42c: {  	s23 =	sor.u32 $0x78, s0;
	v19 =	vadd.s32 v5, v24;
	[tilespmem:v21+s22+$0x0] =	vst.idx.msk $0xffff, v20;
	v18 =	vld [tilespmem:s1+$0x1F8]  }
0x42d: {  	v21 =	vadd.s32 v5, v23;
	v20 =	vld [tilespmem:s23+$0x64F0]  }
0x42e: {  	s24 =	sor.u32 $0x1F8, s0;
	[tilespmem:v26+s22+$0x0] =	vst.idx.msk $0xffff, v25  }
0x42f: {  	v26 =	vadd.s32 v5, v22;
	v25 =	vld [tilespmem:s24+$0x64F0]  }
0x430: {  	[tilespmem:v28+s22+$0x0] =	vst.idx.msk $0xffff, v27  }
0x431: {  	v28 =	vadd.s32 v5, v17;
	v27 =	vld [tilespmem:s1+$0x78];
	[tilespmem:v19+s22+$0x0] =	vst.idx.msk $0xffff, v18  }
0x432: {  	v19 =	vadd.s32 v6, v24;
	[tilespmem:v21+s22+$0x0] =	vst.idx.msk $0xffff, v20;
	v18 =	vld [tilespmem:s1+$0x210]  }
0x433: {  	v21 =	vadd.s32 v6, v23;
	v20 =	vld [tilespmem:s1+$0xFFFFFD90]  }
0x434: {  	[tilespmem:v26+s22+$0x0] =	vst.idx.msk $0xffff, v25  }
0x435: {  	v26 =	vadd.s32 v6, v22;
	v25 =	vld [tilespmem:s1+$0xFFFFFF10]  }
0x436: {  	[tilespmem:v28+s22+$0x0] =	vst.idx.msk $0xffff, v27  }
0x437: {  	v28 =	vadd.s32 v6, v17;
	v27 =	vld [tilespmem:s1+$0x90];
	[tilespmem:v19+s22+$0x0] =	vst.idx.msk $0xffff, v18  }
0x438: {  	v19 =	vadd.s32 v7, v24;
	[tilespmem:v21+s22+$0x0] =	vst.idx.msk $0xffff, v20;
	v18 =	vld [tilespmem:s1+$0x228]  }
0x439: {  	v21 =	vadd.s32 v7, v23;
	v20 =	vld [tilespmem:s1+$0xFFFFFDA8]  }
0x43a: {  	[tilespmem:v26+s22+$0x0] =	vst.idx.msk $0xffff, v25  }
0x43b: {  	v26 =	vadd.s32 v7, v22;
	v25 =	vld [tilespmem:s1+$0xFFFFFF28]  }
0x43c: {  	[tilespmem:v28+s22+$0x0] =	vst.idx.msk $0xffff, v27  }
0x43d: {  	v28 =	vadd.s32 v7, v17;
	v27 =	vld [tilespmem:s1+$0xA8];
	[tilespmem:v19+s22+$0x0] =	vst.idx.msk $0xffff, v18  }
0x43e: {  	v19 =	vadd.s32 v8, v24;
	[tilespmem:v21+s22+$0x0] =	vst.idx.msk $0xffff, v20;
	v18 =	vld [tilespmem:s1+$0x240]  }
0x43f: {  	v21 =	vadd.s32 v8, v23;
	v20 =	vld [tilespmem:s1+$0xFFFFFDC0]  }
0x440: {  	[tilespmem:v26+s22+$0x0] =	vst.idx.msk $0xffff, v25  }
0x441: {  	v26 =	vadd.s32 v8, v22;
	v25 =	vld [tilespmem:s1+$0xFFFFFF40]  }
0x442: {  	[tilespmem:v28+s22+$0x0] =	vst.idx.msk $0xffff, v27  }
0x443: {  	v28 =	vadd.s32 v8, v17;
	v27 =	vld [tilespmem:s1+$0xC0];
	[tilespmem:v19+s22+$0x0] =	vst.idx.msk $0xffff, v18  }
0x444: {  	v19 =	vadd.s32 v9, v24;
	[tilespmem:v21+s22+$0x0] =	vst.idx.msk $0xffff, v20;
	v18 =	vld [tilespmem:s1+$0x258]  }
0x445: {  	v21 =	vadd.s32 v9, v23;
	v20 =	vld [tilespmem:s1+$0xFFFFFDD8]  }
0x446: {  	[tilespmem:v26+s22+$0x0] =	vst.idx.msk $0xffff, v25  }
0x447: {  	v26 =	vadd.s32 v9, v22;
	v25 =	vld [tilespmem:s1+$0xFFFFFF58]  }
0x448: {  	[tilespmem:v28+s22+$0x0] =	vst.idx.msk $0xffff, v27  }
0x449: {  	v30 =	vadd.s32 v9, v17;
	v29 =	vld [tilespmem:s1+$0xD8];
	[tilespmem:v19+s22+$0x0] =	vst.idx.msk $0xffff, v18  }
0x44a: {  	v28 =	vadd.s32 v10, v24;
	[tilespmem:v21+s22+$0x0] =	vst.idx.msk $0xffff, v20;
	v27 =	vld [tilespmem:s1+$0x270]  }
0x44b: {  	s25 =	simm.s32 $0x47;
	v31 =	vadd.s32 v10, v23;
	v21 =	vld [tilespmem:s1+$0xFFFFFDF0]  }
0x44c: {  	s3 =	simm.s32 $0x44;
	v18 =	vmov s25;
	[tilespmem:v26+s22+$0x0] =	vst.idx.msk $0xffff, v25  }
0x44d: {  	s26 =	simm.s32 $0x45;
	s5 =	sadd.s32 $0x600, s1;
	v20 =	vmov s3;
	v26 =	vadd.s32 v10, v22;
	v19 =	vand.u32 $0x7F, v18;
	v25 =	vld [tilespmem:s1+$0xFFFFFF70]  }
0x44e: {  	v32 =	vld [tilespmem:s5+$0x180];
	[tilespmem:v30+s22+$0x0] =	vst.idx.msk $0xffff, v29;
	v18 =	vand.u32 $0x7C, v20;
	v20 =	vmov s26;
	v33 =	vadd.s32 v0, v19  }
0x44f: {  	s29 =	simm.s32 $0x46;
	v34 =	vld [tilespmem:s5+$0xFFFFFD00];
	v35 =	vadd.s32 v0, v18;
	v20 =	vand.u32 $0x7D, v20;
	[tilespmem:v28+s22+$0x0] =	vst.idx.msk $0xffff, v27  }
0x450: {  	v30 =	vld [tilespmem:s5+$0xFFFFFE80];
	v27 =	vmov s29;
	[tilespmem:v31+s22+$0x0] =	vst.idx.msk $0xffff, v21;
	v31 =	vadd.s32 v0, v20  }
0x451: {  	v29 =	vadd.s32 v11, v24;
	v28 =	vld [tilespmem:s1+$0x288];
	v21 =	vand.u32 $0x7E, v27  }
0x452: {  	[tilespmem:v26+s22+$0x0] =	vst.idx.msk $0xffff, v25;
	v27 =	vld [tilespmem:s5+$0x0];
	v36 =	vadd.s32 v0, v21  }
0x453: {  	v25 =	vld [tilespmem:s1+$0xF0];
	v26 =	vadd.s32 v10, v17;
	[tilespmem:v33+s22+$0x0] =	vst.idx.msk $0xffff, v32  }
0x454: {  	v42 =	vadd.s32 v1, v19;
	[tilespmem:v35+s22+$0x0] =	vst.idx.msk $0xffff, v34;
	v32 =	vld [tilespmem:s5+$0x198]  }
0x455: {  	v43 =	vadd.s32 v1, v18;
	v34 =	vld [tilespmem:s5+$0xFFFFFD18];
	[tilespmem:v31+s22+$0x0] =	vst.idx.msk $0xffff, v30  }
0x456: {  	v31 =	vadd.s32 v1, v20;
	[tilespmem:v29+s22+$0x0] =	vst.idx.msk $0xffff, v28;
	v30 =	vld [tilespmem:s5+$0xFFFFFE98]  }
0x457: {  	v29 =	vadd.s32 v12, v24;
	v28 =	vld [tilespmem:s1+$0x2A0];
	[tilespmem:v36+s22+$0x0] =	vst.idx.msk $0xffff, v27  }
0x458: {  	v44 =	vadd.s32 v1, v21;
	[tilespmem:v26+s22+$0x0] =	vst.idx.msk $0xffff, v25;
	v27 =	vld [tilespmem:s5+$0x18]  }
0x459: {  	v25 =	vld [tilespmem:s1+$0xFFFFFE08];
	v26 =	vadd.s32 v11, v23;
	[tilespmem:v42+s22+$0x0] =	vst.idx.msk $0xffff, v32  }
0x45a: {  	v45 =	vadd.s32 v2, v19;
	[tilespmem:v43+s22+$0x0] =	vst.idx.msk $0xffff, v34;
	v32 =	vld [tilespmem:s5+$0x1B0]  }
0x45b: {  	v46 =	vadd.s32 v2, v18;
	v34 =	vld [tilespmem:s5+$0xFFFFFD30];
	[tilespmem:v31+s22+$0x0] =	vst.idx.msk $0xffff, v30  }
0x45c: {  	v31 =	vadd.s32 v2, v20;
	[tilespmem:v29+s22+$0x0] =	vst.idx.msk $0xffff, v28;
	v30 =	vld [tilespmem:s5+$0xFFFFFEB0]  }
0x45d: {  	v29 =	vadd.s32 v13, v24;
	v28 =	vld [tilespmem:s1+$0x2B8];
	[tilespmem:v44+s22+$0x0] =	vst.idx.msk $0xffff, v27  }
0x45e: {  	v47 =	vadd.s32 v2, v21;
	[tilespmem:v26+s22+$0x0] =	vst.idx.msk $0xffff, v25;
	v27 =	vld [tilespmem:s5+$0x30]  }
0x45f: {  	v25 =	vld [tilespmem:s1+$0xFFFFFF88];
	v26 =	vadd.s32 v11, v22;
	[tilespmem:v45+s22+$0x0] =	vst.idx.msk $0xffff, v32  }
0x460: {  	v48 =	vadd.s32 v3, v19;
	[tilespmem:v46+s22+$0x0] =	vst.idx.msk $0xffff, v34;
	v32 =	vld [tilespmem:s5+$0x1C8]  }
0x461: {  	v49 =	vadd.s32 v3, v18;
	v34 =	vld [tilespmem:s5+$0xFFFFFD48];
	[tilespmem:v31+s22+$0x0] =	vst.idx.msk $0xffff, v30  }
0x462: {  	v31 =	vadd.s32 v3, v20;
	[tilespmem:v29+s22+$0x0] =	vst.idx.msk $0xffff, v28;
	v30 =	vld [tilespmem:s5+$0xFFFFFEC8]  }
0x463: {  	v29 =	vadd.s32 v14, v24;
	v28 =	vld [tilespmem:s1+$0x2D0];
	[tilespmem:v47+s22+$0x0] =	vst.idx.msk $0xffff, v27  }
0x464: {  	v50 =	vadd.s32 v3, v21;
	[tilespmem:v26+s22+$0x0] =	vst.idx.msk $0xffff, v25;
	v27 =	vld [tilespmem:s5+$0x48]  }
0x465: {  	[tilespmem:v48+s22+$0x0] =	vst.idx.msk $0xffff, v32  }
0x466: {  	v25 =	vld [tilespmem:s1+$0x108];
	v26 =	vadd.s32 v11, v17;
	[tilespmem:v49+s22+$0x0] =	vst.idx.msk $0xffff, v34  }
0x467: {  	v51 =	vadd.s32 v4, v19;
	v32 =	vld [tilespmem:s5+$0x1E0];
	[tilespmem:v31+s22+$0x0] =	vst.idx.msk $0xffff, v30  }
0x468: {  	v52 =	vadd.s32 v4, v18;
	v34 =	vld [tilespmem:s5+$0xFFFFFD60];
	[tilespmem:v29+s22+$0x0] =	vst.idx.msk $0xffff, v28  }
0x469: {  	v30 =	vadd.s32 v4, v20;
	v29 =	vld [tilespmem:s5+$0xFFFFFEE0];
	[tilespmem:v50+s22+$0x0] =	vst.idx.msk $0xffff, v27  }
0x46a: {  	v31 =	vadd.s32 v4, v21;
	v27 =	vld [tilespmem:s5+$0x60]  }
0x46b: {  	[tilespmem:v26+s22+$0x0] =	vst.idx.msk $0xffff, v25;
	v25 =	vld [tilespmem:s1+$0xFFFFFE20];
	v26 =	vadd.s32 v12, v23  }
0x46c: {  	s2 =	sadd.s32 $0x600, s0;
	v24 =	vadd.s32 v15, v24;
	v28 =	vld [tilespmem:s1+$0x2E8];
	[tilespmem:v51+s22+$0x0] =	vst.idx.msk $0xffff, v32  }
0x46d: {  	s0 =	sor.u32 $0x78, s2;
	v53 =	vadd.s32 v5, v19;
	[tilespmem:v52+s22+$0x0] =	vst.idx.msk $0xffff, v34;
	v32 =	vld [tilespmem:s5+$0x1F8]  }
0x46e: {  	s30 =	sor.u32 $0x1F8, s2;
	v54 =	vadd.s32 v5, v18;
	v34 =	vld [tilespmem:s0+$0x64F0];
	[tilespmem:v30+s22+$0x0] =	vst.idx.msk $0xffff, v29  }
0x46f: {  	v30 =	vadd.s32 v5, v20;
	v29 =	vld [tilespmem:s30+$0x64F0];
	[tilespmem:v31+s22+$0x0] =	vst.idx.msk $0xffff, v27  }
0x470: {  	[tilespmem:v26+s22+$0x0] =	vst.idx.msk $0xffff, v25;
	v31 =	vadd.s32 v5, v21;
	v27 =	vld [tilespmem:s5+$0x78]  }
0x471: {  	v25 =	vld [tilespmem:s1+$0x120];
	v26 =	vadd.s32 v12, v17;
	[tilespmem:v24+s22+$0x0] =	vst.idx.msk $0xffff, v28  }
0x472: {  	v24 =	vld [tilespmem:s1+$0xFFFFFFA0];
	v28 =	vadd.s32 v12, v22;
	[tilespmem:v53+s22+$0x0] =	vst.idx.msk $0xffff, v32  }
0x473: {  	v55 =	vadd.s32 v6, v19;
	[tilespmem:v54+s22+$0x0] =	vst.idx.msk $0xffff, v34;
	v32 =	vld [tilespmem:s5+$0x210]  }
0x474: {  	v56 =	vadd.s32 v6, v18;
	v34 =	vld [tilespmem:s5+$0xFFFFFD90];
	[tilespmem:v30+s22+$0x0] =	vst.idx.msk $0xffff, v29  }
0x475: {  	v30 =	vadd.s32 v6, v20;
	v29 =	vld [tilespmem:s5+$0xFFFFFF10];
	[tilespmem:v31+s22+$0x0] =	vst.idx.msk $0xffff, v27  }
0x476: {  	[tilespmem:v26+s22+$0x0] =	vst.idx.msk $0xffff, v25;
	v31 =	vadd.s32 v6, v21;
	v27 =	vld [tilespmem:s5+$0x90]  }
0x477: {  	[tilespmem:v28+s22+$0x0] =	vst.idx.msk $0xffff, v24;
	v24 =	vld [tilespmem:s1+$0xFFFFFE38];
	v28 =	vadd.s32 v13, v23  }
0x478: {  	v26 =	vadd.s32 v13, v22;
	v25 =	vld [tilespmem:s1+$0xFFFFFFB8];
	[tilespmem:v55+s22+$0x0] =	vst.idx.msk $0xffff, v32  }
0x479: {  	v57 =	vadd.s32 v7, v19;
	[tilespmem:v56+s22+$0x0] =	vst.idx.msk $0xffff, v34;
	v32 =	vld [tilespmem:s5+$0x228]  }
0x47a: {  	v58 =	vadd.s32 v7, v18;
	v34 =	vld [tilespmem:s5+$0xFFFFFDA8];
	[tilespmem:v30+s22+$0x0] =	vst.idx.msk $0xffff, v29  }
0x47b: {  	v30 =	vadd.s32 v7, v20;
	v29 =	vld [tilespmem:s5+$0xFFFFFF28];
	[tilespmem:v31+s22+$0x0] =	vst.idx.msk $0xffff, v27  }
0x47c: {  	[tilespmem:v28+s22+$0x0] =	vst.idx.msk $0xffff, v24;
	v31 =	vadd.s32 v7, v21;
	v27 =	vld [tilespmem:s5+$0xA8]  }
0x47d: {  	v24 =	vld [tilespmem:s1+$0x138];
	v28 =	vadd.s32 v13, v17;
	[tilespmem:v26+s22+$0x0] =	vst.idx.msk $0xffff, v25  }
0x47e: {  	v25 =	vld [tilespmem:s1+$0xFFFFFE50];
	v26 =	vadd.s32 v14, v23;
	[tilespmem:v57+s22+$0x0] =	vst.idx.msk $0xffff, v32  }
0x47f: {  	v59 =	vadd.s32 v8, v19;
	[tilespmem:v58+s22+$0x0] =	vst.idx.msk $0xffff, v34;
	v32 =	vld [tilespmem:s5+$0x240]  }
0x480: {  	v60 =	vadd.s32 v8, v18;
	v34 =	vld [tilespmem:s5+$0xFFFFFDC0];
	[tilespmem:v30+s22+$0x0] =	vst.idx.msk $0xffff, v29  }
0x481: {  	v30 =	vadd.s32 v8, v20;
	v29 =	vld [tilespmem:s5+$0xFFFFFF40];
	[tilespmem:v31+s22+$0x0] =	vst.idx.msk $0xffff, v27  }
0x482: {  	[tilespmem:v28+s22+$0x0] =	vst.idx.msk $0xffff, v24;
	v31 =	vadd.s32 v8, v21;
	v27 =	vld [tilespmem:s5+$0xC0]  }
0x483: {  	v24 =	vld [tilespmem:s1+$0xFFFFFFD0];
	v28 =	vadd.s32 v14, v22;
	[tilespmem:v26+s22+$0x0] =	vst.idx.msk $0xffff, v25  }
0x484: {  	v61 =	vadd.s32 v14, v17;
	v25 =	vld [tilespmem:s1+$0x150];
	[tilespmem:v59+s22+$0x0] =	vst.idx.msk $0xffff, v32  }
0x485: {  	v62 =	vadd.s32 v9, v19;
	[tilespmem:v60+s22+$0x0] =	vst.idx.msk $0xffff, v34;
	v33 =	vld [tilespmem:s5+$0x258]  }
0x486: {  	v63 =	vadd.s32 v9, v18;
	v35 =	vld [tilespmem:s5+$0xFFFFFDD8];
	[tilespmem:v30+s22+$0x0] =	vst.idx.msk $0xffff, v29  }
0x487: {  	v26 =	vld [tilespmem:s1+$0xFFFFFE68];
	[tilespmem:v31+s22+$0x0] =	vst.idx.msk $0xffff, v27;
	v27 =	vadd.s32 v15, v23  }
0x488: {  	[tilespmem:v28+s22+$0x0] =	vst.idx.msk $0xffff, v24;
	v30 =	vld [tilespmem:s5+$0xFFFFFF58];
	v31 =	vadd.s32 v9, v20  }
0x489: {  	v28 =	vadd.s32 v9, v21;
	[tilespmem:v61+s22+$0x0] =	vst.idx.msk $0xffff, v25;
	v23 =	vld [tilespmem:s5+$0xD8]  }
0x48a: {  	v24 =	vld [tilespmem:s1+$0xFFFFFFE8];
	v25 =	vadd.s32 v15, v22;
	[tilespmem:v62+s22+$0x0] =	vst.idx.msk $0xffff, v33  }
0x48b: {  	s0 =	simm.s32 $0x4;
	v29 =	vadd.s32 v10, v19;
	[tilespmem:v63+s22+$0x0] =	vst.idx.msk $0xffff, v35;
	v22 =	vld [tilespmem:s5+$0x270]  }
.LBB2_21:
0x48c: {  	s3 =	sadd.s32 $0x47, s0;
	v32 =	vld [tilespmem:s5+$0xFFFFFDF0];
	v33 =	vadd.s32 v10, v18;
	[tilespmem:v27+s22+$0x0] =	vst.idx.msk $0xffff, v26;
	s4 =	smov.u32 s0;
	s0 =	sadd.s32 $0x4, s0  }
0x48d: {  	s7 =	sadd.s32 $0x44, s4;
	v26 =	vmov s3;
	p2 =	slt.u32 s0, $0x3C;
	[tilespmem:v31+s22+$0x0] =	vst.idx.msk $0xffff, v30;
	v27 =	vld [tilespmem:s1+$0x168];
	v30 =	vadd.s32 v15, v17;
	v17 =	vmov v21;
	s1 =	smov.u32 s5  }
0x48e: {  	v34 =	vadd.s32 v10, v20;
	s5 =	sadd.s32 $0x600, s5;
	v21 =	vmov s7;
	v26 =	vand.u32 $0x7F, v26;
	v31 =	vld [tilespmem:s1+$0xFFFFFF70];
	[tilespmem:v28+s22+$0x0] =	vst.idx.msk $0xffff, v23  }
0x48f: {  	s3 =	sadd.s32 $0x45, s4;
	v23 =	vand.u32 $0x7C, v21;
	v28 =	vld [tilespmem:s5+$0x180];
	v35 =	vadd.s32 v0, v26;
	[tilespmem:v25+s22+$0x0] =	vst.idx.msk $0xffff, v24  }
0x490: {  	v21 =	vmov s3;
	s3 =	sadd.s32 $0x46, s4;
	v24 =	vld [tilespmem:s5+$0xFFFFFD00];
	v25 =	vadd.s32 v0, v23;
	[tilespmem:v29+s22+$0x0] =	vst.idx.msk $0xffff, v22  }
0x491: {  	v22 =	vand.u32 $0x7D, v21;
	v21 =	vmov s3;
	[tilespmem:v33+s22+$0x0] =	vst.idx.msk $0xffff, v32;
	v29 =	vld [tilespmem:s1+$0x288];
	v32 =	vadd.s32 v11, v19  }
0x492: {  	v36 =	vadd.s32 v0, v22;
	v21 =	vand.u32 $0x7E, v21;
	v33 =	vld [tilespmem:s5+$0xFFFFFE80];
	[tilespmem:v30+s22+$0x0] =	vst.idx.msk $0xffff, v27  }
0x493: {  	v30 =	vadd.s32 v0, v21;
	v27 =	vld [tilespmem:s5+$0x0];
	[tilespmem:v34+s22+$0x0] =	vst.idx.msk $0xffff, v31  }
0x494: {  	v31 =	vadd.s32 v10, v17;
	[tilespmem:v35+s22+$0x0] =	vst.idx.msk $0xffff, v28;
	v28 =	vld [tilespmem:s1+$0xF0]  }
0x495: {  	[tilespmem:v25+s22+$0x0] =	vst.idx.msk $0xffff, v24;
	v24 =	vld [tilespmem:s5+$0x198];
	v25 =	vadd.s32 v1, v26  }
0x496: {  	v35 =	vadd.s32 v1, v23;
	v34 =	vld [tilespmem:s5+$0xFFFFFD18];
	[tilespmem:v32+s22+$0x0] =	vst.idx.msk $0xffff, v29  }
0x497: {  	v32 =	vadd.s32 v12, v19;
	[tilespmem:v36+s22+$0x0] =	vst.idx.msk $0xffff, v33;
	v29 =	vld [tilespmem:s1+$0x2A0]  }
0x498: {  	v36 =	vadd.s32 v1, v22;
	v33 =	vld [tilespmem:s5+$0xFFFFFE98];
	[tilespmem:v30+s22+$0x0] =	vst.idx.msk $0xffff, v27  }
0x499: {  	v30 =	vadd.s32 v1, v21;
	v27 =	vld [tilespmem:s5+$0x18];
	[tilespmem:v31+s22+$0x0] =	vst.idx.msk $0xffff, v28  }
0x49a: {  	[tilespmem:v25+s22+$0x0] =	vst.idx.msk $0xffff, v24;
	v24 =	vld [tilespmem:s1+$0xFFFFFE08];
	v25 =	vadd.s32 v11, v18  }
0x49b: {  	v31 =	vadd.s32 v2, v26;
	[tilespmem:v35+s22+$0x0] =	vst.idx.msk $0xffff, v34;
	v28 =	vld [tilespmem:s5+$0x1B0]  }
0x49c: {  	v35 =	vadd.s32 v2, v23;
	v34 =	vld [tilespmem:s5+$0xFFFFFD30];
	[tilespmem:v32+s22+$0x0] =	vst.idx.msk $0xffff, v29  }
0x49d: {  	v32 =	vadd.s32 v13, v19;
	[tilespmem:v36+s22+$0x0] =	vst.idx.msk $0xffff, v33;
	v29 =	vld [tilespmem:s1+$0x2B8]  }
0x49e: {  	v36 =	vadd.s32 v2, v22;
	v33 =	vld [tilespmem:s5+$0xFFFFFEB0];
	[tilespmem:v30+s22+$0x0] =	vst.idx.msk $0xffff, v27  }
0x49f: {  	v30 =	vadd.s32 v2, v21;
	v27 =	vld [tilespmem:s5+$0x30];
	[tilespmem:v25+s22+$0x0] =	vst.idx.msk $0xffff, v24  }
0x4a0: {  	v25 =	vadd.s32 v11, v20;
	[tilespmem:v31+s22+$0x0] =	vst.idx.msk $0xffff, v28;
	v24 =	vld [tilespmem:s1+$0xFFFFFF88]  }
0x4a1: {  	v31 =	vadd.s32 v3, v26;
	[tilespmem:v35+s22+$0x0] =	vst.idx.msk $0xffff, v34;
	v28 =	vld [tilespmem:s5+$0x1C8]  }
0x4a2: {  	v35 =	vadd.s32 v3, v23;
	v34 =	vld [tilespmem:s5+$0xFFFFFD48];
	[tilespmem:v32+s22+$0x0] =	vst.idx.msk $0xffff, v29  }
0x4a3: {  	v32 =	vadd.s32 v14, v19;
	[tilespmem:v36+s22+$0x0] =	vst.idx.msk $0xffff, v33;
	v29 =	vld [tilespmem:s1+$0x2D0]  }
0x4a4: {  	v36 =	vadd.s32 v3, v22;
	v33 =	vld [tilespmem:s5+$0xFFFFFEC8];
	[tilespmem:v30+s22+$0x0] =	vst.idx.msk $0xffff, v27  }
0x4a5: {  	v30 =	vadd.s32 v3, v21;
	v27 =	vld [tilespmem:s5+$0x48];
	[tilespmem:v25+s22+$0x0] =	vst.idx.msk $0xffff, v24  }
0x4a6: {  	v25 =	vadd.s32 v11, v17;
	[tilespmem:v31+s22+$0x0] =	vst.idx.msk $0xffff, v28;
	v24 =	vld [tilespmem:s1+$0x108]  }
0x4a7: {  	v31 =	vadd.s32 v4, v26;
	[tilespmem:v35+s22+$0x0] =	vst.idx.msk $0xffff, v34;
	v28 =	vld [tilespmem:s5+$0x1E0]  }
0x4a8: {  	v35 =	vadd.s32 v4, v23;
	v34 =	vld [tilespmem:s5+$0xFFFFFD60];
	[tilespmem:v32+s22+$0x0] =	vst.idx.msk $0xffff, v29  }
0x4a9: {  	v32 =	vadd.s32 v15, v19;
	v19 =	vmov v26;
	[tilespmem:v36+s22+$0x0] =	vst.idx.msk $0xffff, v33;
	v29 =	vld [tilespmem:s1+$0x2E8]  }
0x4aa: {  	v33 =	vadd.s32 v4, v22;
	v26 =	vld [tilespmem:s5+$0xFFFFFEE0];
	[tilespmem:v30+s22+$0x0] =	vst.idx.msk $0xffff, v27  }
0x4ab: {  	v30 =	vadd.s32 v4, v21;
	v27 =	vld [tilespmem:s5+$0x60];
	[tilespmem:v25+s22+$0x0] =	vst.idx.msk $0xffff, v24  }
0x4ac: {  	s2 =	sadd.s32 $0x600, s2;
	v25 =	vadd.s32 v12, v18;
	[tilespmem:v31+s22+$0x0] =	vst.idx.msk $0xffff, v28;
	v24 =	vld [tilespmem:s1+$0xFFFFFE20]  }
0x4ad: {  	s3 =	sor.u32 $0x78, s2;
	v31 =	vadd.s32 v5, v19;
	[tilespmem:v35+s22+$0x0] =	vst.idx.msk $0xffff, v34;
	v28 =	vld [tilespmem:s5+$0x1F8]  }
0x4ae: {  	v35 =	vadd.s32 v5, v23;
	v34 =	vld [tilespmem:s3+$0x64F0];
	[tilespmem:v32+s22+$0x0] =	vst.idx.msk $0xffff, v29  }
0x4af: {  	s3 =	sor.u32 $0x1F8, s2;
	v29 =	vadd.s32 v12, v20;
	[tilespmem:v33+s22+$0x0] =	vst.idx.msk $0xffff, v26;
	v26 =	vld [tilespmem:s1+$0xFFFFFFA0]  }
0x4b0: {  	v33 =	vadd.s32 v5, v22;
	v32 =	vld [tilespmem:s3+$0x64F0];
	[tilespmem:v30+s22+$0x0] =	vst.idx.msk $0xffff, v27  }
0x4b1: {  	v30 =	vadd.s32 v5, v21;
	v27 =	vld [tilespmem:s5+$0x78];
	[tilespmem:v25+s22+$0x0] =	vst.idx.msk $0xffff, v24  }
0x4b2: {  	v25 =	vadd.s32 v12, v17;
	[tilespmem:v31+s22+$0x0] =	vst.idx.msk $0xffff, v28;
	v24 =	vld [tilespmem:s1+$0x120]  }
0x4b3: {  	v31 =	vadd.s32 v6, v19;
	[tilespmem:v35+s22+$0x0] =	vst.idx.msk $0xffff, v34;
	v28 =	vld [tilespmem:s5+$0x210]  }
0x4b4: {  	v35 =	vadd.s32 v6, v23;
	v34 =	vld [tilespmem:s5+$0xFFFFFD90];
	[tilespmem:v29+s22+$0x0] =	vst.idx.msk $0xffff, v26  }
0x4b5: {  	v29 =	vadd.s32 v13, v18;
	[tilespmem:v33+s22+$0x0] =	vst.idx.msk $0xffff, v32;
	v26 =	vld [tilespmem:s1+$0xFFFFFE38]  }
0x4b6: {  	v33 =	vadd.s32 v6, v22;
	v32 =	vld [tilespmem:s5+$0xFFFFFF10];
	[tilespmem:v30+s22+$0x0] =	vst.idx.msk $0xffff, v27  }
0x4b7: {  	v30 =	vadd.s32 v6, v21;
	v27 =	vld [tilespmem:s5+$0x90];
	[tilespmem:v25+s22+$0x0] =	vst.idx.msk $0xffff, v24  }
0x4b8: {  	v25 =	vadd.s32 v13, v20;
	[tilespmem:v31+s22+$0x0] =	vst.idx.msk $0xffff, v28;
	v24 =	vld [tilespmem:s1+$0xFFFFFFB8]  }
0x4b9: {  	v31 =	vadd.s32 v7, v19;
	[tilespmem:v35+s22+$0x0] =	vst.idx.msk $0xffff, v34;
	v28 =	vld [tilespmem:s5+$0x228]  }
0x4ba: {  	v35 =	vadd.s32 v7, v23;
	v34 =	vld [tilespmem:s5+$0xFFFFFDA8];
	[tilespmem:v29+s22+$0x0] =	vst.idx.msk $0xffff, v26  }
0x4bb: {  	v29 =	vadd.s32 v13, v17;
	[tilespmem:v33+s22+$0x0] =	vst.idx.msk $0xffff, v32;
	v26 =	vld [tilespmem:s1+$0x138]  }
0x4bc: {  	v33 =	vadd.s32 v7, v22;
	v32 =	vld [tilespmem:s5+$0xFFFFFF28];
	[tilespmem:v30+s22+$0x0] =	vst.idx.msk $0xffff, v27  }
0x4bd: {  	v30 =	vadd.s32 v7, v21;
	v27 =	vld [tilespmem:s5+$0xA8];
	[tilespmem:v25+s22+$0x0] =	vst.idx.msk $0xffff, v24  }
0x4be: {  	v25 =	vadd.s32 v14, v18;
	[tilespmem:v31+s22+$0x0] =	vst.idx.msk $0xffff, v28;
	v24 =	vld [tilespmem:s1+$0xFFFFFE50]  }
0x4bf: {  	v31 =	vadd.s32 v8, v19;
	[tilespmem:v35+s22+$0x0] =	vst.idx.msk $0xffff, v34;
	v28 =	vld [tilespmem:s5+$0x240]  }
0x4c0: {  	v35 =	vadd.s32 v8, v23;
	v34 =	vld [tilespmem:s5+$0xFFFFFDC0];
	[tilespmem:v29+s22+$0x0] =	vst.idx.msk $0xffff, v26  }
0x4c1: {  	v29 =	vadd.s32 v14, v20;
	[tilespmem:v33+s22+$0x0] =	vst.idx.msk $0xffff, v32;
	v26 =	vld [tilespmem:s1+$0xFFFFFFD0]  }
0x4c2: {  	v33 =	vadd.s32 v8, v22;
	v32 =	vld [tilespmem:s5+$0xFFFFFF40];
	[tilespmem:v30+s22+$0x0] =	vst.idx.msk $0xffff, v27  }
0x4c3: {  	v37 =	vadd.s32 v8, v21;
	v36 =	vld [tilespmem:s5+$0xC0];
	[tilespmem:v25+s22+$0x0] =	vst.idx.msk $0xffff, v24  }
0x4c4: {  	v25 =	vadd.s32 v14, v17;
	[tilespmem:v31+s22+$0x0] =	vst.idx.msk $0xffff, v28;
	v24 =	vld [tilespmem:s1+$0x150]  }
0x4c5: {  	[tilespmem:v35+s22+$0x0] =	vst.idx.msk $0xffff, v34;
	v34 =	vld [tilespmem:s5+$0x258];
	v35 =	vadd.s32 v9, v19  }
0x4c6: {  	v39 =	vadd.s32 v9, v23;
	v38 =	vld [tilespmem:s5+$0xFFFFFDD8];
	[tilespmem:v29+s22+$0x0] =	vst.idx.msk $0xffff, v26  }
.Ltmp12:
0x4c7: {  	v27 =	vadd.s32 v15, v18;
	v18 =	vmov v23;
	[tilespmem:v33+s22+$0x0] =	vst.idx.msk $0xffff, v32;
	v26 =	vld [tilespmem:s1+$0xFFFFFE68];
	(pc) =	sbr.rel @p2 .LBB2_21-.Ltmp12, $4  }
0x4c8: {  	v31 =	vadd.s32 v9, v22;
	v30 =	vld [tilespmem:s5+$0xFFFFFF58];
	[tilespmem:v37+s22+$0x0] =	vst.idx.msk $0xffff, v36  }
0x4c9: {  	v28 =	vadd.s32 v9, v21;
	v23 =	vld [tilespmem:s5+$0xD8];
	[tilespmem:v25+s22+$0x0] =	vst.idx.msk $0xffff, v24  }
0x4ca: {  	v25 =	vadd.s32 v15, v20;
	v20 =	vmov v22;
	[tilespmem:v35+s22+$0x0] =	vst.idx.msk $0xffff, v34;
	v24 =	vld [tilespmem:s1+$0xFFFFFFE8]  }
0x4cb: {  	v29 =	vadd.s32 v10, v19;
	[tilespmem:v39+s22+$0x0] =	vst.idx.msk $0xffff, v38;
	v22 =	vld [tilespmem:s5+$0x270]  }
0x4cc: {  	_ =	sdelay $0x3  }
0x4cd: {  	v32 =	vld [tilespmem:s5+$0xFFFFFDF0];
	v33 =	vadd.s32 v10, v18;
	[tilespmem:v31+s22+$0x0] =	vst.idx.msk $0xffff, v30  }
0x4ce: {  	v36 =	vadd.s32 v10, v20;
	v30 =	vld [tilespmem:s5+$0xFFFFFF70];
	[tilespmem:v28+s22+$0x0] =	vst.idx.msk $0xffff, v23  }
0x4cf: {  	v37 =	vadd.s32 v10, v21;
	v23 =	vld [tilespmem:s5+$0xF0];
	_ =	sdelay $0x1  }
0x4d0: {  	[tilespmem:v29+s22+$0x0] =	vst.idx.msk $0xffff, v22  }
0x4d1: {  	v38 =	vadd.s32 v11, v19;
	[tilespmem:v33+s22+$0x0] =	vst.idx.msk $0xffff, v32;
	v22 =	vld [tilespmem:s5+$0x288]  }
0x4d2: {  	v40 =	vadd.s32 v11, v18;
	v39 =	vld [tilespmem:s5+$0xFFFFFE08];
	[tilespmem:v36+s22+$0x0] =	vst.idx.msk $0xffff, v30  }
0x4d3: {  	v42 =	vadd.s32 v11, v20;
	[tilespmem:v37+s22+$0x0] =	vst.idx.msk $0xffff, v23;
	v41 =	vld [tilespmem:s5+$0xFFFFFF88]  }
0x4d4: {  	v44 =	vadd.s32 v11, v21;
	v43 =	vld [tilespmem:s5+$0x108];
	_ =	sdelay $0x1  }
0x4d5: {  	[tilespmem:v38+s22+$0x0] =	vst.idx.msk $0xffff, v22  }
0x4d6: {  	v45 =	vadd.s32 v12, v19;
	v22 =	vld [tilespmem:s5+$0x2A0];
	[tilespmem:v40+s22+$0x0] =	vst.idx.msk $0xffff, v39  }
0x4d7: {  	v47 =	vadd.s32 v12, v18;
	v46 =	vld [tilespmem:s5+$0xFFFFFE20];
	[tilespmem:v42+s22+$0x0] =	vst.idx.msk $0xffff, v41  }
0x4d8: {  	v49 =	vadd.s32 v12, v20;
	[tilespmem:v44+s22+$0x0] =	vst.idx.msk $0xffff, v43;
	v48 =	vld [tilespmem:s5+$0xFFFFFFA0]  }
0x4d9: {  	v50 =	vadd.s32 v12, v21;
	v32 =	vld [tilespmem:s5+$0x120];
	_ =	sdelay $0x1  }
0x4da: {  	[tilespmem:v45+s22+$0x0] =	vst.idx.msk $0xffff, v22  }
0x4db: {  	v51 =	vadd.s32 v13, v19;
	v22 =	vld [tilespmem:s5+$0x2B8];
	[tilespmem:v47+s22+$0x0] =	vst.idx.msk $0xffff, v46  }
0x4dc: {  	v52 =	vadd.s32 v13, v18;
	v23 =	vld [tilespmem:s5+$0xFFFFFE38];
	[tilespmem:v49+s22+$0x0] =	vst.idx.msk $0xffff, v48  }
0x4dd: {  	v53 =	vadd.s32 v13, v20;
	[tilespmem:v50+s22+$0x0] =	vst.idx.msk $0xffff, v32;
	v30 =	vld [tilespmem:s5+$0xFFFFFFB8]  }
0x4de: {  	v54 =	vadd.s32 v13, v21;
	v32 =	vld [tilespmem:s5+$0x138];
	_ =	sdelay $0x1  }
0x4df: {  	[tilespmem:v51+s22+$0x0] =	vst.idx.msk $0xffff, v22  }
0x4e0: {  	v55 =	vadd.s32 v14, v19;
	v22 =	vld [tilespmem:s5+$0x2D0];
	[tilespmem:v52+s22+$0x0] =	vst.idx.msk $0xffff, v23  }
0x4e1: {  	v56 =	vadd.s32 v14, v18;
	v23 =	vld [tilespmem:s5+$0xFFFFFE50];
	[tilespmem:v53+s22+$0x0] =	vst.idx.msk $0xffff, v30  }
0x4e2: {  	v57 =	vadd.s32 v14, v20;
	[tilespmem:v54+s22+$0x0] =	vst.idx.msk $0xffff, v32;
	v30 =	vld [tilespmem:s5+$0xFFFFFFD0]  }
0x4e3: {  	v58 =	vadd.s32 v14, v21;
	v32 =	vld [tilespmem:s5+$0x150]  }
0x4e4: {  	[tilespmem:v27+s22+$0x0] =	vst.idx.msk $0xffff, v26  }
0x4e5: {  	v59 =	vld [tilespmem:s1+$0x168];
	v17 =	vadd.s32 v15, v17;
	[tilespmem:v55+s22+$0x0] =	vst.idx.msk $0xffff, v22  }
0x4e6: {  	v19 =	vadd.s32 v15, v19;
	v22 =	vld [tilespmem:s5+$0x2E8];
	[tilespmem:v56+s22+$0x0] =	vst.idx.msk $0xffff, v23  }
0x4e7: {  	v18 =	vadd.s32 v15, v18;
	v23 =	vld [tilespmem:s5+$0xFFFFFE68];
	[tilespmem:v57+s22+$0x0] =	vst.idx.msk $0xffff, v30  }
0x4e8: {  	v61 =	vadd.s32 v15, v20;
	[tilespmem:v58+s22+$0x0] =	vst.idx.msk $0xffff, v32;
	v60 =	vld [tilespmem:s5+$0xFFFFFFE8]  }
0x4e9: {  	v63 =	vadd.s32 v15, v21;
	[tilespmem:v25+s22+$0x0] =	vst.idx.msk $0xffff, v24;
	v62 =	vld [tilespmem:s5+$0x168]  }
.Ltmp13:
0x4ea: {  	[tilespmem:v17+s22+$0x0] =	vst.idx.msk $0xffff, v59;
	(pc) =	sbr.rel @p1 .LBB2_25-.Ltmp13, $4  }
0x4eb: {  	[tilespmem:v19+s22+$0x0] =	vst.idx.msk $0xffff, v22  }
0x4ec: {  	[tilespmem:v18+s22+$0x0] =	vst.idx.msk $0xffff, v23  }
0x4ed: {  	[tilespmem:v61+s22+$0x0] =	vst.idx.msk $0xffff, v60  }
0x4ee: {  	[tilespmem:v63+s22+$0x0] =	vst.idx.msk $0xffff, v62  }
0x4ef: {  	_ =	sdelay $0x1  }
0x4f0: {  	s0 =	sadd.s32 $0x1, s28  }
0x4f1: {  	s1 =	sshll.u32 s0, $0x1  }
0x4f2: {  	v17 =	vld.idx.msk [tilespmem:v16+s0+$0x0 ss:$0x1], $0xffff;
	s25 =	sand.u32 $0x3FFFFFFE, s1  }
0x4f3: {  	v18 =	vld [tilespmem:s25+$0x0];
	_ =	sdelay $0x3  }
0x4f4: {  	(v2sf) =	vpush v17, $0x0  }
0x4f5: {  	(v2sf) =	vpush v18, $0x0;
	_ =	sdelay $0x1  }
0x4f6: {  	(v2sf) =	vpush v18, $0x1;
	_ =	sdelay $0xb  }
0x4f7: {  	s26 =	spop (v2sf)  }
0x4f8: {  	s1 =	spop (v2sf)  }
0x4f9: {  	p1 =	sgt.s32 s1, $0x0  }
0x4fa: {  	s2 =	spop (v2sf);
	s1 =	simm.s32 @!p1 $0x0  }
0x4fb: {  	p1 =	sgt.s32 s2, $0x0;
	s1 =	smin.u32 s1, $0x70  }
0x4fc: {  	s0 =	sshll.u32 s26, $0x16;
	s2 =	simm.s32 @!p1 $0x0;
	s1 =	sshll.u32 s1, $0x7  }
0x4fd: {  	s29 =	smin.u32 s2, $0x70;
	s0 =	sor.u32 s0, s1  }
0x4fe: {  	s0 =	sor.u32 s29, s0  }
0x4ff: {  	s0 =	sshrl.u32 s0, $0x3  }
0x500: {  	s30 =	simm.s32 $0x64F0;
	s1 =	simm.s32 $0x600;
	s0 =	sadd.s32 s0, s12  }
0x501: {  	[tilespmem:s30], [sflag:$0x1] =	stream.strided.gather [hbm4b:s0+s18], $0x180, s19, s18, $0x38;
	[tilespmem:$0x1D4F0] =	vst v63  }
.LBB2_24:
0x502: {  	p1 =	sne.s32 s1, $0x17A00  }
.Ltmp14:
0x503: {  	_ = 	snop;
	(pc) =	sbr.rel @p1 .LBB2_24-.Ltmp14, $4  }
0x504: {  	_ = 	snop  }
0x505: {  	s2 =	sshra.s32 s1, $0x2;
	s1 =	sadd.s32 $0x600, s1  }
0x506: {  	s0 =	sadd.s32 $0x800, s0;
	s2 =	sadd.s32 $0x64F0, s2  }
0x507: {  	[tilespmem:s2], [sflag:$0x1] =	stream.strided.gather [hbm4b:s0+s18], $0x180, s19, s18, $0x38;
	[tilespmem:$0x1D4F0] =	vst v63  }
.LBB2_25:
0x508: {  	s1 =	sadd.s32 s31, s15;
	s0 =	simm.s32 $0x14CF0  }
0x509: {  	[hbm4b:s1+s6] =	stream.linear.scatter [tilespmem:s0], [sflag:$0x2], $0x80, $0x38;
	[tilespmem:$0x1D4F0] =	vst v63  }
0x50a: {  	s5 =	simm.s32 $0x14D78;
	s2 =	sadd.s32 $0x10, s1  }
0x50b: {  	[hbm4b:s2+s6] =	stream.linear.scatter [tilespmem:s5], [sflag:$0x2], $0x80, $0x38;
	[tilespmem:$0x1D4F0] =	vst v63  }
0x50c: {  	s7 =	simm.s32 $0x14E00;
	s20 =	simm.s32 $0x14E88;
	s17 =	sadd.s32 $0x20, s1  }
0x50d: {  	[hbm4b:s17+s6] =	stream.linear.scatter [tilespmem:s7], [sflag:$0x2], $0x80, $0x38;
	[tilespmem:$0x1D4F0] =	vst v63  }
0x50e: {  	s24 =	simm.s32 $0x14F10;
	s26 =	simm.s32 $0x14F98;
	s23 =	sadd.s32 $0x30, s1  }
0x50f: {  	[hbm4b:s23+s6] =	stream.linear.scatter [tilespmem:s20], [sflag:$0x2], $0x80, $0x38;
	[tilespmem:$0x1D4F0] =	vst v63  }
0x510: {  	s30 =	simm.s32 $0x15020;
	s3 =	simm.s32 $0x150A8;
	s25 =	sadd.s32 $0x40, s1  }
0x511: {  	[hbm4b:s25+s6] =	stream.linear.scatter [tilespmem:s24], [sflag:$0x2], $0x80, $0x38;
	[tilespmem:$0x1D4F0] =	vst v63  }
0x512: {  	s29 =	sadd.s32 $0x50, s1;
	s31 =	sadd.s32 $0x60, s1;
	s0 =	simm.s32 $0x440  }
0x513: {  	[hbm4b:s29+s6] =	stream.linear.scatter [tilespmem:s26], [sflag:$0x2], $0x80, $0x38;
	[tilespmem:$0x1D4F0] =	vst v63  }
0x514: {  	s4 =	sadd.s32 $0x70, s1;
	s1 =	sadd.s32 $0x100, s1;
	s2 =	simm.s32 $0x2200  }
0x515: {  	[hbm4b:s31+s6] =	stream.linear.scatter [tilespmem:s30], [sflag:$0x2], $0x80, $0x38;
	[tilespmem:$0x1D4F0] =	vst v63  }
.LBB2_26:
0x516: {  	[hbm4b:s4+s6] =	stream.linear.scatter [tilespmem:s3], [sflag:$0x2], $0x80, $0x38;
	[tilespmem:$0x1D4F0] =	vst v63  }
0x517: {  	s3 =	smov.u32 s0;
	s0 =	smov.u32 s2  }
0x518: {  	s5 =	sadd.s32 $0x1100, s2;
	s0 =	sshra.s32 s0, $0x2;
	s4 =	sadd.s32 $0x14CF0, s3  }
0x519: {  	[hbm4b:s1+s6] =	stream.linear.scatter [tilespmem:s4], [sflag:$0x2], $0x80, $0x38;
	[tilespmem:$0x1D4F0] =	vst v63  }
0x51a: {  	p1 =	sne.s32 s2, $0x20F00;
	s2 =	sadd.s32 $0x14D78, s3;
	s4 =	sadd.s32 $0x10, s1  }
0x51b: {  	[hbm4b:s4+s6] =	stream.linear.scatter [tilespmem:s2], [sflag:$0x2], $0x80, $0x38;
	[tilespmem:$0x1D4F0] =	vst v63  }
0x51c: {  	s2 =	sadd.s32 $0x14E00, s3;
	s4 =	sadd.s32 $0x20, s1  }
0x51d: {  	[hbm4b:s4+s6] =	stream.linear.scatter [tilespmem:s2], [sflag:$0x2], $0x80, $0x38;
	[tilespmem:$0x1D4F0] =	vst v63  }
0x51e: {  	s2 =	sadd.s32 $0x14E88, s3;
	s4 =	sadd.s32 $0x30, s1  }
0x51f: {  	[hbm4b:s4+s6] =	stream.linear.scatter [tilespmem:s2], [sflag:$0x2], $0x80, $0x38;
	[tilespmem:$0x1D4F0] =	vst v63  }
0x520: {  	s2 =	sadd.s32 $0x14F10, s3;
	s4 =	sadd.s32 $0x40, s1  }
0x521: {  	[hbm4b:s4+s6] =	stream.linear.scatter [tilespmem:s2], [sflag:$0x2], $0x80, $0x38;
	[tilespmem:$0x1D4F0] =	vst v63  }
.Ltmp15:
0x522: {  	s2 =	sadd.s32 $0x14F98, s3;
	s4 =	sadd.s32 $0x50, s1;
	(pc) =	sbr.rel @p1 .LBB2_26-.Ltmp15, $4  }
0x523: {  	[hbm4b:s4+s6] =	stream.linear.scatter [tilespmem:s2], [sflag:$0x2], $0x80, $0x38;
	[tilespmem:$0x1D4F0] =	vst v63  }
0x524: {  	s2 =	sadd.s32 $0x15020, s3;
	s4 =	sadd.s32 $0x60, s1;
	s3 =	sadd.s32 $0x150A8, s3  }
0x525: {  	[hbm4b:s4+s6] =	stream.linear.scatter [tilespmem:s2], [sflag:$0x2], $0x80, $0x38;
	[tilespmem:$0x1D4F0] =	vst v63  }
0x526: {  	s4 =	sadd.s32 $0x70, s1;
	s1 =	sadd.s32 $0x100, s1;
	s2 =	smov.u32 s5  }
0x527: {  	[hbm4b:s4+s6] =	stream.linear.scatter [tilespmem:s3], [sflag:$0x2], $0x80, $0x38;
	[tilespmem:$0x1D4F0] =	vst v63  }
0x528: {  	s2 =	sadd.s32 $0x14CF0, s0  }
0x529: {  	[hbm4b:s1+s6] =	stream.linear.scatter [tilespmem:s2], [sflag:$0x2], $0x80, $0x38;
	[tilespmem:$0x1D4F0] =	vst v63  }
0x52a: {  	s30 =	sadd.s32 $0x14D78, s0;
	s31 =	sadd.s32 $0x10, s1  }
0x52b: {  	[hbm4b:s31+s6] =	stream.linear.scatter [tilespmem:s30], [sflag:$0x2], $0x80, $0x38;
	[tilespmem:$0x1D4F0] =	vst v63  }
0x52c: {  	s4 =	sadd.s32 $0x14E00, s0;
	s5 =	sadd.s32 $0x20, s1  }
0x52d: {  	[hbm4b:s5+s6] =	stream.linear.scatter [tilespmem:s4], [sflag:$0x2], $0x80, $0x38;
	[tilespmem:$0x1D4F0] =	vst v63  }
0x52e: {  	s7 =	sadd.s32 $0x14E88, s0;
	s17 =	sadd.s32 $0x30, s1  }
0x52f: {  	[hbm4b:s17+s6] =	stream.linear.scatter [tilespmem:s7], [sflag:$0x2], $0x80, $0x38;
	[tilespmem:$0x1D4F0] =	vst v63  }
0x530: {  	s20 =	sadd.s32 $0x14F10, s0;
	s23 =	sadd.s32 $0x40, s1;
	s28 =	sadd.s32 $0x1, s28  }
0x531: {  	[hbm4b:s23+s6] =	stream.linear.scatter [tilespmem:s20], [sflag:$0x2], $0x80, $0x38;
	[tilespmem:$0x1D4F0] =	vst v63  }
0x532: {  	s24 =	sadd.s32 $0x14F98, s0;
	s25 =	sadd.s32 $0x50, s1;
	p1 =	sne.s32 s28, $0x20  }
0x533: {  	[hbm4b:s25+s6] =	stream.linear.scatter [tilespmem:s24], [sflag:$0x2], $0x80, $0x38;
	[tilespmem:$0x1D4F0] =	vst v63  }
.Ltmp16:
0x534: {  	_ = 	snop;
	(pc) =	sbr.rel @p1 .LBB2_5-.Ltmp16, $4  }
0x535: {  	s26 =	sadd.s32 $0x15020, s0;
	s29 =	sadd.s32 $0x60, s1  }
0x536: {  	[hbm4b:s29+s6] =	stream.linear.scatter [tilespmem:s26], [sflag:$0x2], $0x80, $0x38;
	[tilespmem:$0x1D4F0] =	vst v63  }
0x537: {  	s30 =	sadd.s32 $0x150A8, s0;
	s31 =	sadd.s32 $0x70, s1  }
0x538: {  	[hbm4b:s31+s6] =	stream.linear.scatter [tilespmem:s30], [sflag:$0x2], $0x80, $0x38;
	[tilespmem:$0x1D4F0] =	vst v63  }
0x539: {  	s0 =	simm.s32 $0x2  }
0x53a: {  	_ =	swait.ge [sflag:s0], $0x8000  }
0x53b: {  	[sflag:s0] =	ssyncset.done $0x0  }
0x53c: {  	[sflag:s0] =	ssyncadd.s32 $0xFFFF8000  }
0x53d: {  	_ =	swait.ge [sflag:s0], $0x8000  }
0x53e: {  	[sflag:s0] =	ssyncset.done $0x0  }
0x53f: {  	[sflag:s0] =	ssyncadd.s32 $0xFFFF8000  }
0x540: {  	v17 =	vld [tilespmem:$0x0];
	_ =	sdelay $0x4  }
0x541: {  	(v2sf) =	vpush v17, $0x0  }
0x542: {  	(v2sf) =	vpush v17, $0x1  }
0x543: {  	(v2sf) =	vpush v17, $0x2;
	_ =	sdelay $0x1  }
0x544: {  	(v2sf) =	vpush v17, $0x3  }
0x545: {  	v18 =	vld [tilespmem:$0x8];
	(v2sf) =	vpush v17, $0x4  }
0x546: {  	(v2sf) =	vpush v17, $0x5;
	_ =	sdelay $0x1  }
0x547: {  	(v2sf) =	vpush v17, $0x6  }
0x548: {  	(v2sf) =	vpush v17, $0x7  }
0x549: {  	(v2sf) =	vpush v18, $0x0;
	_ =	sdelay $0x1  }
0x54a: {  	(v2sf) =	vpush v18, $0x1  }
0x54b: {  	(v2sf) =	vpush v18, $0x2;
	_ =	sdelay $0x1  }
0x54c: {  	(v2sf) =	vpush v18, $0x3;
	s0 =	spop (v2sf)  }
0x54d: {  	s1 =	spop (v2sf);
	p1 =	sgt.s32 s0, $0x0  }
0x54e: {  	(v2sf) =	vpush v18, $0x4;
	s0 =	simm.s32 @!p1 $0x0;
	p1 =	sgt.s32 s1, $0x0;
	s2 =	spop (v2sf)  }
0x54f: {  	v17 =	vld [tilespmem:$0x10];
	(v2sf) =	vpush v18, $0x5;
	s15 =	smin.u32 s0, $0x70;
	s1 =	simm.s32 @!p1 $0x0;
	p1 =	sgt.s32 s2, $0x0  }
0x550: {  	s0 =	spop (v2sf);
	s20 =	smin.u32 s1, $0x70;
	s2 =	simm.s32 @!p1 $0x0  }
0x551: {  	(v2sf) =	vpush v18, $0x6;
	p1 =	sgt.s32 s0, $0x0;
	s1 =	spop (v2sf);
	s30 =	smin.u32 s2, $0x70  }
0x552: {  	s0 =	simm.s32 @!p1 $0x0;
	s2 =	spop (v2sf);
	p1 =	sgt.s32 s1, $0x0  }
0x553: {  	(v2sf) =	vpush v18, $0x7;
	s11 =	smin.u32 s0, $0x70;
	s1 =	simm.s32 @!p1 $0x0;
	p1 =	sgt.s32 s2, $0x0  }
0x554: {  	(v2sf) =	vpush v17, $0x0;
	s0 =	spop (v2sf);
	s23 =	smin.u32 s1, $0x70;
	s2 =	simm.s32 @!p1 $0x0  }
0x555: {  	(v2sf) =	vpush v17, $0x1;
	s1 =	spop (v2sf);
	p1 =	sgt.s32 s0, $0x0;
	s26 =	smin.u32 s2, $0x70  }
0x556: {  	s0 =	simm.s32 @!p1 $0x0;
	p1 =	sgt.s32 s1, $0x0;
	s2 =	spop (v2sf)  }
0x557: {  	(v2sf) =	vpush v17, $0x2;
	s0 =	smin.u32 s0, $0x70;
	s1 =	simm.s32 @!p1 $0x0;
	p1 =	sgt.s32 s2, $0x0  }
0x558: {  	(v2sf) =	vpush v17, $0x3;
	[dreg:$0x19] =	wrdreg s0;
	s4 =	smin.u32 s1, $0x70;
	s0 =	spop (v2sf)  }
0x559: {  	(v2sf) =	vpush v17, $0x4;
	s2 =	simm.s32 @!p1 $0x0;
	p1 =	sgt.s32 s0, $0x0;
	s1 =	spop (v2sf)  }
0x55a: {  	[smem:$0x7E3] =	sst s4;
	s0 =	simm.s32 @!p1 $0x0;
	p1 =	sgt.s32 s1, $0x0  }
0x55b: {  	s31 =	smin.u32 s2, $0x70;
	s2 =	spop (v2sf);
	s1 =	simm.s32 @!p1 $0x0  }
0x55c: {  	v18 =	vld [tilespmem:$0x18];
	(v2sf) =	vpush v17, $0x5;
	s12 =	smin.u32 s0, $0x70;
	p1 =	sgt.s32 s2, $0x0;
	s5 =	smin.u32 s1, $0x70  }
0x55d: {  	(v2sf) =	vpush v17, $0x6;
	s2 =	simm.s32 @!p1 $0x0;
	[dreg:$0x1a] =	wrdreg s5;
	s0 =	spop (v2sf)  }
0x55e: {  	s7 =	smin.u32 s2, $0x70;
	s1 =	spop (v2sf);
	p1 =	sgt.s32 s0, $0x0  }
0x55f: {  	(v2sf) =	vpush v17, $0x7;
	[dreg:$0x18] =	wrdreg s7;
	s0 =	simm.s32 @!p1 $0x0;
	p1 =	sgt.s32 s1, $0x0  }
0x560: {  	s2 =	spop (v2sf);
	s0 =	smin.u32 s0, $0x70;
	s1 =	simm.s32 @!p1 $0x0  }
0x561: {  	(v2sf) =	vpush v18, $0x0;
	p1 =	sgt.s32 s2, $0x0;
	[smem:$0x7E4] =	sst s0;
	s8 =	smin.u32 s1, $0x70  }
0x562: {  	(v2sf) =	vpush v18, $0x1;
	s0 =	spop (v2sf);
	s2 =	simm.s32 @!p1 $0x0;
	[dreg:$0x1c] =	wrdreg s8  }
0x563: {  	(v2sf) =	vpush v18, $0x2;
	s4 =	smin.u32 s2, $0x70;
	p1 =	sgt.s32 s0, $0x0;
	s1 =	spop (v2sf)  }
0x564: {  	s0 =	simm.s32 @!p1 $0x0;
	s2 =	spop (v2sf);
	p1 =	sgt.s32 s1, $0x0  }
0x565: {  	(v2sf) =	vpush v18, $0x3;
	s10 =	smin.u32 s0, $0x70;
	s1 =	simm.s32 @!p1 $0x0;
	p1 =	sgt.s32 s2, $0x0  }
0x566: {  	s0 =	spop (v2sf);
	s29 =	smin.u32 s1, $0x70;
	s2 =	simm.s32 @!p1 $0x0  }
0x567: {  	v17 =	vld [tilespmem:$0x20];
	(v2sf) =	vpush v18, $0x4;
	s1 =	spop (v2sf);
	p1 =	sgt.s32 s0, $0x0;
	s9 =	smin.u32 s2, $0x70  }
0x568: {  	(v2sf) =	vpush v18, $0x5;
	s0 =	simm.s32 @!p1 $0x0;
	p1 =	sgt.s32 s1, $0x0;
	s2 =	spop (v2sf)  }
0x569: {  	[dreg:$0x1f] =	wrdreg s9;
	s0 =	smin.u32 s0, $0x70;
	s1 =	simm.s32 @!p1 $0x0  }
0x56a: {  	(v2sf) =	vpush v18, $0x6;
	p1 =	sgt.s32 s2, $0x0;
	[smem:$0x7E5] =	sst s0;
	s13 =	smin.u32 s1, $0x70  }
0x56b: {  	(v2sf) =	vpush v18, $0x7;
	s0 =	spop (v2sf);
	s2 =	simm.s32 @!p1 $0x0;
	[dreg:$0x1d] =	wrdreg s13  }
0x56c: {  	(v2sf) =	vpush v17, $0x0;
	s14 =	smin.u32 s2, $0x70;
	p1 =	sgt.s32 s0, $0x0;
	s1 =	spop (v2sf)  }
0x56d: {  	[dreg:$0x1b] =	wrdreg s14;
	s0 =	simm.s32 @!p1 $0x0;
	p1 =	sgt.s32 s1, $0x0  }
0x56e: {  	s2 =	spop (v2sf);
	s0 =	smin.u32 s0, $0x70;
	s1 =	simm.s32 @!p1 $0x0  }
0x56f: {  	(v2sf) =	vpush v17, $0x1;
	p1 =	sgt.s32 s2, $0x0;
	[dreg:$0x1e] =	wrdreg s0;
	s16 =	smin.u32 s1, $0x70  }
0x570: {  	(v2sf) =	vpush v17, $0x2;
	s2 =	simm.s32 @!p1 $0x0;
	s0 =	spop (v2sf);
	[smem:$0x7E7] =	sst s16  }
0x571: {  	(v2sf) =	vpush v17, $0x3;
	s17 =	smin.u32 s2, $0x70;
	s1 =	spop (v2sf);
	p1 =	sgt.s32 s0, $0x0  }
0x572: {  	s0 =	simm.s32 @!p1 $0x0;
	p1 =	sgt.s32 s1, $0x0;
	s2 =	spop (v2sf)  }
0x573: {  	(v2sf) =	vpush v17, $0x4;
	[smem:$0x7E6] =	sst s17;
	s1 =	simm.s32 @!p1 $0x0;
	p1 =	sgt.s32 s2, $0x0  }
0x574: {  	v18 =	vld [tilespmem:$0x28];
	(v2sf) =	vpush v17, $0x5;
	s25 =	smin.u32 s0, $0x70;
	s2 =	simm.s32 @!p1 $0x0;
	s0 =	spop (v2sf)  }
0x575: {  	(v2sf) =	vpush v17, $0x6;
	s28 =	smin.u32 s1, $0x70;
	s24 =	smin.u32 s2, $0x70;
	p1 =	sgt.s32 s0, $0x0  }
0x576: {  	s1 =	spop (v2sf);
	[smem:$0x7E8] =	sst s24;
	s0 =	simm.s32 @!p1 $0x0  }
0x577: {  	p1 =	sgt.s32 s1, $0x0;
	s2 =	spop (v2sf);
	s0 =	smin.u32 s0, $0x70  }
0x578: {  	(v2sf) =	vpush v17, $0x7;
	s1 =	simm.s32 @!p1 $0x0;
	p1 =	sgt.s32 s2, $0x0;
	[smem:$0x7E9] =	sst s0  }
0x579: {  	(v2sf) =	vpush v18, $0x0;
	s8 =	smin.u32 s1, $0x70;
	s2 =	simm.s32 @!p1 $0x0;
	s0 =	spop (v2sf)  }
0x57a: {  	s5 =	smin.u32 s2, $0x70;
	p1 =	sgt.s32 s0, $0x0;
	s1 =	spop (v2sf)  }
0x57b: {  	(v2sf) =	vpush v18, $0x1;
	s0 =	simm.s32 @!p1 $0x0;
	p1 =	sgt.s32 s1, $0x0;
	s2 =	spop (v2sf)  }
0x57c: {  	s0 =	smin.u32 s0, $0x70;
	s1 =	simm.s32 @!p1 $0x0;
	p1 =	sgt.s32 s2, $0x0  }
0x57d: {  	(v2sf) =	vpush v18, $0x2;
	[smem:$0x7EB] =	sst s0;
	s1 =	smin.u32 s1, $0x70;
	s2 =	simm.s32 @!p1 $0x0  }
0x57e: {  	s0 =	spop (v2sf);
	[smem:$0x7EA] =	sst s1;
	s3 =	smin.u32 s2, $0x70  }
0x57f: {  	(v2sf) =	vpush v18, $0x3;
	p1 =	sgt.s32 s0, $0x0;
	s1 =	spop (v2sf);
	[smem:$0x7EC] =	sst s3  }
0x580: {  	(v2sf) =	vpush v18, $0x4;
	s0 =	simm.s32 @!p1 $0x0;
	p1 =	sgt.s32 s1, $0x0;
	s2 =	spop (v2sf)  }
0x581: {  	s14 =	smin.u32 s0, $0x70;
	s1 =	simm.s32 @!p1 $0x0;
	p1 =	sgt.s32 s2, $0x0  }
0x582: {  	s0 =	spop (v2sf);
	s13 =	smin.u32 s1, $0x70;
	s2 =	simm.s32 @!p1 $0x0  }
0x583: {  	(v2sf) =	vpush v18, $0x5;
	p1 =	sgt.s32 s0, $0x0;
	s1 =	spop (v2sf);
	s24 =	smin.u32 s2, $0x70  }
0x584: {  	s0 =	simm.s32 @!p1 $0x0;
	p1 =	sgt.s32 s1, $0x0;
	s2 =	spop (v2sf)  }
0x585: {  	(v2sf) =	vpush v18, $0x6;
	s0 =	smin.u32 s0, $0x70;
	s1 =	simm.s32 @!p1 $0x0;
	p1 =	sgt.s32 s2, $0x0  }
0x586: {  	v20 =	vld [tilespmem:$0x30];
	[smem:$0x7ED] =	sst s0;
	s7 =	smin.u32 s1, $0x70;
	s2 =	simm.s32 @!p1 $0x0  }
0x587: {  	(v2sf) =	vpush v18, $0x7;
	s0 =	spop (v2sf);
	[smem:$0x7EE] =	sst s7;
	s9 =	smin.u32 s2, $0x70  }
0x588: {  	p1 =	sgt.s32 s0, $0x0;
	s1 =	spop (v2sf);
	s2 =	sadd.s32 $0x10, s15  }
0x589: {  	v17 =	vmov s15;
	s15 =	smov.u32 s20;
	s20 =	sadd.s32 $0x10, s20;
	[smem:$0x7F0] =	sst s9  }
0x58a: {  	s0 =	simm.s32 @!p1 $0x0;
	p1 =	sgt.s32 s1, $0x0;
	s3 =	spop (v2sf)  }
0x58b: {  	(v2sf) =	vpush v20, $0x0;
	s0 =	smin.u32 s0, $0x70;
	s1 =	simm.s32 @!p1 $0x0;
	p1 =	sgt.s32 s3, $0x0  }
0x58c: {  	[smem:$0x7EF] =	sst s0;
	s3 =	simm.s32 @!p1 $0x0;
	s0 =	spop (v2sf)  }
0x58d: {  	(v2sf) =	vpush v20, $0x1;
	s17 =	smin.u32 s1, $0x70;
	s16 =	smin.u32 s3, $0x70;
	p1 =	sgt.s32 s0, $0x0  }
0x58e: {  	s1 =	spop (v2sf);
	s3 =	sadd.s32 $0x10, s23;
	[smem:$0x7F1] =	sst s16  }
0x58f: {  	v18 =	vmov s30;
	s0 =	simm.s32 @!p1 $0x0;
	p1 =	sgt.s32 s1, $0x0;
	s7 =	spop (v2sf)  }
0x590: {  	v18 =	vsel vm3, s11, v18;
	s16 =	sadd.s32 $0x10, s30;
	s30 =	sadd.s32 $0x10, s11;
	s11 =	sadd.s32 $0x10, s26  }
0x591: {  	s0 =	smin.u32 s0, $0x70;
	s1 =	simm.s32 @!p1 $0x0;
	p1 =	sgt.s32 s7, $0x0  }
0x592: {  	v19 =	vmov s23;
	(v2sf) =	vpush v20, $0x2;
	v18 =	vsel vm4, s16, v18;
	[smem:$0x7F2] =	sst s0;
	s7 =	simm.s32 @!p1 $0x0;
	s9 =	spop (v2sf)  }
0x593: {  	v17 =	vsel vm0, s15, v17;
	(v2sf) =	vpush v20, $0x3;
	s16 =	smin.u32 s1, $0x70;
	v18 =	vsel vm5, s30, v18;
	s30 =	sld [smem:$0x7E3];
	p1 =	sgt.s32 s9, $0x0  }
0x594: {  	v19 =	vsel vm7, s26, v19;
	v17 =	vsel vm1, s2, v17;
	s26 =	smin.u32 s7, $0x70;
	s15 =	spop (v2sf);
	s9 =	simm.s32 @!p1 $0x0  }
0x595: {  	v17 =	vsel vm2, s20, v17;
	s7 =	rddreg [dreg:$0x19];
	p1 =	sgt.s32 s15, $0x0;
	s20 =	smin.u32 s9, $0x70  }
0x596: {  	v19 =	vsel vm8, s3, v19;
	s3 =	sadd.s32 $0x10, s30;
	s2 =	spop (v2sf);
	[smem:$0x7F3] =	sst s20  }
0x597: {  	v22 =	vmov s31;
	(v2sf) =	vpush v20, $0x4;
	s15 =	simm.s32 @!p1 $0x0;
	v21 =	vmov s3;
	s20 =	sadd.s32 $0x10, s12;
	s3 =	sld [smem:$0x7E4]  }
0x598: {  	v56 =	vsel vm0, s12, v22;
	v25 =	vmov s29;
	s12 =	sadd.s32 $0x10, s29;
	s29 =	rddreg [dreg:$0x1d];
	s23 =	smin.u32 s15, $0x70  }
0x599: {  	v19 =	vsel vm9, s11, v19;
	s11 =	sadd.s32 $0x10, s7;
	p1 =	sgt.s32 s2, $0x0;
	[smem:$0x7F4] =	sst s23  }
0x59a: {  	(v2sf) =	vpush v20, $0x5;
	s15 =	sadd.s32 $0x10, s31;
	v21 =	vsel vm11, s7, v21;
	s7 =	spop (v2sf);
	s23 =	rddreg [dreg:$0x1a]  }
0x59b: {  	(v2sf) =	vpush v20, $0x6;
	s2 =	simm.s32 @!p1 $0x0;
	v55 =	vsel vm12, s30, v21;
	p1 =	sgt.s32 s7, $0x0;
	s30 =	rddreg [dreg:$0x18]  }
0x59c: {  	(v2sf) =	vpush v20, $0x7;
	s9 =	spop (v2sf);
	s7 =	simm.s32 @!p1 $0x0;
	s0 =	sadd.s32 $0x10, s23  }
0x59d: {  	v21 =	vsel vm1, s15, v56;
	v20 =	vsel vm13, s11, v55;
	v57 =	vmov s23;
	s1 =	sadd.s32 $0x10, s30;
	s23 =	rddreg [dreg:$0x1c];
	s11 =	sadd.s32 $0x10, s10  }
0x59e: {  	v32 =	vld [tilespmem:$0x38];
	v21 =	vsel vm2, s20, v21;
	s20 =	sadd.s32 $0x10, s3;
	s7 =	smin.u32 s7, $0x70;
	v24 =	vmov s11;
	s11 =	sld [smem:$0x7E5]  }
0x59f: {  	v23 =	vmov s3;
	p1 =	sgt.s32 s9, $0x0;
	v22 =	vsel vm3, s30, v57;
	s30 =	sadd.s32 $0x10, s23;
	[smem:$0x7F5] =	sst s7  }
0x5a0: {  	v23 =	vsel vm7, s23, v23;
	s23 =	smin.u32 s2, $0x70;
	v22 =	vsel vm4, s0, v22;
	s0 =	sadd.s32 $0x10, s4;
	v24 =	vsel vm11, s4, v24;
	s4 =	rddreg [dreg:$0x1b]  }
0x5a1: {  	s15 =	spop (v2sf);
	s9 =	simm.s32 @!p1 $0x0;
	v23 =	vsel vm8, s20, v23;
	s7 =	sld [smem:$0x7E8]  }
0x5a2: {  	p1 =	sgt.s32 s15, $0x0;
	s2 =	spop (v2sf);
	v23 =	vsel vm9, s30, v23;
	s30 =	rddreg [dreg:$0x1f]  }
0x5a3: {  	(v2sf) =	vpush v32, $0x0;
	s9 =	smin.u32 s9, $0x70;
	v24 =	vsel vm12, s10, v24;
	s10 =	sld [smem:$0x7E6];
	s15 =	simm.s32 @!p1 $0x0  }
0x5a4: {  	p1 =	sgt.s32 s2, $0x0;
	s3 =	sadd.s32 $0x10, s30;
	v25 =	vsel vm0, s30, v25;
	[smem:$0x7F6] =	sst s9  }
0x5a5: {  	s20 =	sadd.s32 $0x10, s11;
	s30 =	sadd.s32 $0x10, s29;
	v25 =	vsel vm1, s12, v25;
	s12 =	smin.u32 s15, $0x70  }
0x5a6: {  	(v2sf) =	vpush v32, $0x1;
	v26 =	vmov s11;
	v24 =	vsel vm13, s0, v24;
	s0 =	spop (v2sf);
	s9 =	sadd.s32 $0x10, s4;
	[smem:$0x7F7] =	sst s12  }
0x5a7: {  	(v2sf) =	vpush v32, $0x2;
	v27 =	vmov s4;
	s4 =	sadd.s32 $0x10, s28;
	s2 =	simm.s32 @!p1 $0x0;
	v26 =	vsel vm3, s29, v26;
	s12 =	rddreg [dreg:$0x1e]  }
0x5a8: {  	p1 =	sgt.s32 s0, $0x0;
	s15 =	smin.u32 s2, $0x70;
	v26 =	vsel vm4, s20, v26;
	s20 =	sld [smem:$0x7E7]  }
0x5a9: {  	(v2sf) =	vpush v32, $0x3;
	s11 =	sadd.s32 $0x10, s10;
	s2 =	sadd.s32 $0x10, s16;
	[smem:$0x7F8] =	sst s15  }
0x5aa: {  	v25 =	vsel vm2, s3, v25;
	s0 =	simm.s32 @!p1 $0x0;
	s3 =	sadd.s32 $0x10, s26;
	[smem:$0x7FB] =	sst s2  }
0x5ab: {  	(v2sf) =	vpush v32, $0x4;
	s15 =	sadd.s32 $0x10, s12;
	v27 =	vsel vm7, s12, v27;
	s12 =	spop (v2sf);
	[smem:$0x7FC] =	sst s3  }
0x5ac: {  	v30 =	vmov s25;
	v26 =	vsel vm5, s30, v26;
	s30 =	sadd.s32 $0x10, s25;
	s0 =	smin.u32 s0, $0x70;
	s2 =	sld [smem:$0x7F6]  }
0x5ad: {  	v60 =	vsel vm0, s28, v30;
	v31 =	vmov s8;
	v28 =	vmov s11;
	s11 =	sadd.s32 $0x10, s8;
	[smem:$0x7F9] =	sst s0;
	p1 =	sgt.s32 s12, $0x0  }
0x5ae: {  	v31 =	vsel vm7, s5, v31;
	v61 =	vmov s7;
	v27 =	vsel vm8, s9, v27;
	s28 =	spop (v2sf);
	s9 =	sadd.s32 $0x10, s7;
	s7 =	sld [smem:$0x7EA]  }
0x5af: {  	(v2sf) =	vpush v32, $0x5;
	v33 =	vsel vm8, s11, v31;
	s0 =	sld [smem:$0x7EB];
	s11 =	sadd.s32 $0x10, s13;
	s29 =	sadd.s32 $0x10, s20  }
0x5b0: {  	(v2sf) =	vpush v32, $0x6;
	v28 =	vsel vm11, s20, v28;
	s20 =	sld [smem:$0x7E9];
	s12 =	simm.s32 @!p1 $0x0;
	p1 =	sgt.s32 s28, $0x0  }
0x5b1: {  	v58 =	vsel vm9, s15, v27;
	s15 =	sadd.s32 $0x10, s14;
	v29 =	vsel vm12, s10, v28;
	s10 =	spop (v2sf);
	s28 =	simm.s32 @!p1 $0x0  }
0x5b2: {  	v59 =	vsel vm13, s29, v29;
	v29 =	vsel vm1, s30, v60;
	s29 =	sadd.s32 $0x10, s5;
	s5 =	spop (v2sf);
	s30 =	sadd.s32 $0x10, s7  }
0x5b3: {  	v35 =	vmov s13;
	v22 =	vsel vm5, s1, v22;
	s1 =	sadd.s32 $0x10, s0;
	p1 =	sgt.s32 s10, $0x0;
	v29 =	vsel vm2, s4, v29;
	s4 =	sld [smem:$0x7EC]  }
0x5b4: {  	v54 =	vsel vm3, s24, v35;
	s25 =	sadd.s32 $0x10, s20;
	v34 =	vmov s30;
	s30 =	smin.u32 s12, $0x70;
	s12 =	sld [smem:$0x7EF]  }
0x5b5: {  	v37 =	vmov s17;
	v17 =	vsel vm6, v17, v18;
	v30 =	vsel vm3, s20, v61;
	s20 =	spop (v2sf);
	s10 =	simm.s32 @!p1 $0x0;
	[smem:$0x7FA] =	sst s30  }
0x5b6: {  	v39 =	vmov s26;
	v63 =	vsel vm9, s29, v33;
	p1 =	sgt.s32 s5, $0x0;
	v50 =	vsel vm11, s0, v34;
	s29 =	spop (v2sf);
	s0 =	sld [smem:$0x7ED]  }
0x5b7: {  	v17 =	vsel vm10, v17, v19;
	v30 =	vsel vm4, s9, v30;
	v34 =	vsel vm4, s11, v54;
	s11 =	sld [smem:$0x7EE];
	s5 =	simm.s32 @!p1 $0x0;
	p1 =	sgt.s32 s20, $0x0  }
0x5b8: {  	v18 =	vsel vm6, v21, v22;
	v19 =	vsel vm6, v25, v26;
	v62 =	vsel vm5, s25, v30;
	s9 =	spop (v2sf);
	s25 =	sadd.s32 $0x10, s24;
	s3 =	sld [smem:$0x7FA]  }
0x5b9: {  	v17 =	vsel vm14, v17, v20;
	v18 =	vsel vm10, v18, v23;
	v19 =	vsel vm10, v19, v58;
	s5 =	smin.u32 s5, $0x70;
	s20 =	simm.s32 @!p1 $0x0;
	p1 =	sgt.s32 s29, $0x0  }
0x5ba: {  	v18 =	vsel vm14, v18, v24;
	v19 =	vsel vm14, v19, v59;
	(v2sf) =	vpush v32, $0x7;
	s8 =	sadd.s32 $0x10, s4;
	s31 =	spop (v2sf);
	s24 =	sadd.s32 $0x10, s12  }
0x5bb: {  	v52 =	vsel vm12, s7, v50;
	v51 =	vmov s4;
	v34 =	vsel vm5, s25, v34;
	s25 =	sadd.s32 $0x10, s17;
	s4 =	sld [smem:$0x7F1];
	s29 =	simm.s32 @!p1 $0x0  }
0x5bc: {  	v32 =	vsel vm13, s1, v52;
	p1 =	sgt.s32 s9, $0x0;
	v53 =	vsel vm0, s14, v51;
	v36 =	vmov s24;
	s24 =	smov.u32 s16;
	s16 =	sld [smem:$0x7F5]  }
0x5bd: {  	v45 =	vmov s5;
	s1 =	sadd.s32 $0x10, s0;
	v55 =	vmov s0;
	s13 =	sadd.s32 $0x10, s11;
	s0 =	sld [smem:$0x7F9];
	v33 =	vsel vm1, s8, v53  }
0x5be: {  	v56 =	vsel vm6, v29, v62;
	s9 =	simm.s32 @!p1 $0x0;
	s8 =	spop (v2sf);
	v35 =	vsel vm7, s11, v55;
	v33 =	vsel vm2, s15, v33;
	s15 =	sld [smem:$0x7F0]  }
0x5bf: {  	[tilespmem:$0x460] =	vst v17;
	p1 =	sgt.s32 s31, $0x0;
	v17 =	vsel vm10, v56, v63;
	s14 =	spop (v2sf);
	v35 =	vsel vm8, s1, v35;
	v37 =	vsel vm0, s4, v37;
	s1 =	sld [smem:$0x7F2]  }
0x5c0: {  	s31 =	simm.s32 @!p1 $0x0;
	v17 =	vsel vm14, v17, v32;
	p1 =	sgt.s32 s8, $0x0;
	[smem:$0x7FD] =	sst s14;
	v35 =	vsel vm9, s13, v35;
	v37 =	vsel vm1, s25, v37  }
0x5c1: {  	s14 =	sadd.s32 $0x10, s4;
	s13 =	sld [smem:$0x7F3];
	s4 =	sadd.s32 $0x10, s23;
	v41 =	vmov s16;
	v43 =	vmov s0;
	v57 =	vsel vm6, v33, v34  }
0x5c2: {  	s25 =	sld [smem:$0x7F4];
	s26 =	sadd.s32 $0x10, s0;
	s0 =	smin.u32 s20, $0x70;
	v37 =	vsel vm2, s14, v37;
	v40 =	vmov s4;
	v41 =	vsel vm0, s2, v41  }
0x5c3: {  	[tilespmem:$0x470] =	vst v18;
	s8 =	simm.s32 @!p1 $0x0;
	s4 =	sld [smem:$0x7F8];
	v43 =	vsel vm7, s3, v43;
	v45 =	vsel vm0, s0, v45;
	v18 =	vsel vm10, v57, v35  }
0x5c4: {  	s20 =	smin.u32 s8, $0x70;
	s17 =	sadd.s32 $0x10, s15;
	v36 =	vsel vm11, s15, v36;
	s7 =	sadd.s32 $0x10, s1;
	v38 =	vmov s1;
	v43 =	vsel vm8, s26, v43  }
0x5c5: {  	s15 =	sadd.s32 $0x10, s16;
	s1 =	sld [smem:$0x7F7];
	s16 =	smin.u32 s31, $0x70;
	v36 =	vsel vm12, s12, v36;
	v38 =	vsel vm3, s24, v38;
	v39 =	vsel vm7, s13, v39  }
0x5c6: {  	s11 =	sadd.s32 $0x10, s13;
	s12 =	sadd.s32 $0x10, s25;
	v40 =	vsel vm11, s25, v40;
	s13 =	sld [smem:$0x7FB];
	v41 =	vsel vm1, s15, v41;
	v47 =	vmov s16  }
0x5c7: {  	s24 =	sadd.s32 $0x10, s3;
	s25 =	smin.u32 s28, $0x70;
	s28 =	sld [smem:$0x7FC];
	v36 =	vsel vm13, s17, v36;
	v38 =	vsel vm4, s7, v38;
	v40 =	vsel vm12, s23, v40  }
0x5c8: {  	s17 =	sadd.s32 $0x10, s2;
	v43 =	vsel vm9, s24, v43;
	s23 =	sadd.s32 $0x10, s16;
	v47 =	vsel vm7, s20, v47;
	v40 =	vsel vm13, s12, v40  }
0x5c9: {  	s10 =	smin.u32 s10, $0x70;
	s3 =	sadd.s32 $0x10, s0;
	s0 =	sld [smem:$0x7FD];
	v42 =	vmov s1;
	v41 =	vsel vm2, s17, v41;
	v47 =	vsel vm8, s23, v47  }
0x5ca: {  	s30 =	sadd.s32 $0x10, s4;
	s14 =	sadd.s32 $0x10, s1;
	s1 =	sadd.s32 $0x10, s5;
	v18 =	vsel vm14, v18, v36;
	v38 =	vsel vm5, s13, v38;
	v39 =	vsel vm8, s28, v39  }
0x5cb: {  	s28 =	sadd.s32 $0x10, s10;
	v42 =	vsel vm3, s4, v42;
	s4 =	smin.u32 s29, $0x70;
	v45 =	vsel vm1, s1, v45;
	v39 =	vsel vm9, s11, v39;
	s2 =	spop (v2sf)  }
0x5cc: {  	s1 =	sadd.s32 $0x10, s20;
	v42 =	vsel vm4, s14, v42;
	v44 =	vmov s28;
	v46 =	vmov s4;
	p1 =	sgt.s32 s2, $0x0  }
0x5cd: {  	s14 =	smin.u32 s9, $0x70;
	v45 =	vsel vm2, s3, v45;
	v58 =	vsel vm6, v37, v38;
	v63 =	vsel vm9, s1, v47;
	s2 =	simm.s32 @!p1 $0x0  }
0x5ce: {  	s15 =	sadd.s32 $0x10, s4;
	v42 =	vsel vm5, s30, v42;
	v44 =	vsel vm11, s25, v44;
	v46 =	vsel vm3, s14, v46;
	p1 =	sgt.s32 s0, $0x0;
	s2 =	smin.u32 s2, $0x70  }
0x5cf: {  	v59 =	vsel vm10, v58, v39;
	v44 =	vsel vm12, s10, v44;
	v46 =	vsel vm4, s15, v46;
	s0 =	simm.s32 @!p1 $0x0;
	s24 =	sadd.s32 $0x10, s2  }
0x5d0: {  	[tilespmem:$0x480] =	vst v19;
	s17 =	sadd.s32 $0x10, s14;
	v19 =	vsel vm14, v59, v40;
	v60 =	vsel vm6, v41, v42;
	s0 =	smin.u32 s0, $0x70;
	v48 =	vmov s24  }
0x5d1: {  	[tilespmem:$0x490] =	vst v17;
	s26 =	sadd.s32 $0x10, s25;
	v46 =	vsel vm5, s17, v46;
	v17 =	vsel vm10, v60, v43;
	v62 =	vsel vm11, s0, v48  }
0x5d2: {  	[tilespmem:$0x4A0] =	vst v18;
	v18 =	vsel vm13, s26, v44;
	v61 =	vsel vm6, v45, v46;
	s0 =	sadd.s32 $0x10, s0;
	v21 =	vsel vm12, s2, v62  }
0x5d3: {  	[tilespmem:$0x4B0] =	vst v19;
	v17 =	vsel vm14, v17, v18;
	v18 =	vsel vm10, v61, v63;
	v19 =	vsel vm13, s0, v21  }
0x5d4: {  	s29 =	simm.s32 $0x460;
	[tilespmem:$0x4C0] =	vst v17;
	v17 =	vsel vm14, v18, v19  }
.Ltmp17:
0x5d5: {  	s28 =	rddreg [dreg:$0xe];
	s30 =	simm.s32 $0x3;
	[tilespmem:$0x4D0] =	vst v17;
	(pc) =	sbr.rel @p0 .LBB2_30-.Ltmp17, $4  }
0x5d6: {  	[hbm4b:s28+s6] =	stream.linear.scatter [tilespmem:s29], [sflag:$0x3], $0x80, $0x38;
	[tilespmem:$0x1D4F0] =	vst v63  }
0x5d7: {  	_ =	swait.ge [sflag:s30], $0x80  }
0x5d8: {  	[sflag:s30] =	ssyncset.done $0x0  }
0x5d9: {  	s31 =	rddreg [dreg:$0x10];
	[sflag:s30] =	ssyncadd.s32 $0xFFFFFF80  }
0x5da: {  	v17 =	vld [tilespmem:$0x250];
	_ =	sdelay $0x4  }
0x5db: {  	(v2sf) =	vpush v17, $0x0;
	_ =	sdelay $0xe  }
0x5dc: {  	s15 =	spop (v2sf)  }
0x5dd: {  	s0 =	simm.s32 $0x100;
	p1 =	sgt.s32 s15, $0x0  }
0x5de: {  	s0 =	simm.s32 @!p1 $0x300  }
0x5df: {  	v17 =	vld [tilespmem:s0+$0x50];
	_ =	sdelay $0x4  }
0x5e0: {  	(v2sf) =	vpush v17, $0x0;
	_ =	sdelay $0xe  }
0x5e1: {  	s4 =	simm.s32 $0x200;
	s1 =	spop (v2sf)  }
0x5e2: {  	s2 =	simm.s32 $0x0;
	s4 =	simm.s32 @!p1 $0x400;
	p2 =	sgt.s32 s1, $0x0  }
0x5e3: {  	s2 =	simm.s32 @!p1 $0x201;
	s1 =	sor.u32 $0x1, s0;
	s4 =	smov.u32 @p2 s0  }
0x5e4: {  	s1 =	smov.u32 @p2 s2;
	s0 =	sadd.s32 $0xFFFFFFFF, s4  }
0x5e5: {  	s2 =	sxor.u32 s0, s1  }
0x5e6: {  	s0 =	sor.u32 s0, s1;
	s2 =	sshrl.u32 s2, $0x1  }
0x5e7: {  	s0 =	ssub.s32 s0, s2  }
0x5e8: {  	s2 =	sor.u32 $0x50, s0  }
0x5e9: {  	v17 =	vld [tilespmem:s2+$0x0];
	_ =	sdelay $0x4  }
0x5ea: {  	(v2sf) =	vpush v17, $0x0;
	_ =	sdelay $0xe  }
0x5eb: {  	s25 =	spop (v2sf)  }
0x5ec: {  	s2 =	sor.u32 $0x1, s0;
	p1 =	sgt.s32 s25, $0x0  }
0x5ed: {  	s2 =	smov.u32 @p1 s1;
	s4 =	smov.u32 @p1 s0  }
0x5ee: {  	s0 =	sxor.u32 s2, s4  }
0x5ef: {  	s1 =	sand.u32 s2, s4;
	s0 =	sshrl.u32 s0, $0x1  }
0x5f0: {  	s0 =	sadd.s32 s0, s1  }
0x5f1: {  	v17 =	vld [tilespmem:s0+$0x50];
	_ =	sdelay $0x4  }
0x5f2: {  	(v2sf) =	vpush v17, $0x0;
	_ =	sdelay $0xe  }
0x5f3: {  	s26 =	spop (v2sf)  }
0x5f4: {  	s1 =	sadd.s32 $0x1, s0;
	p1 =	sgt.s32 s26, $0x0  }
0x5f5: {  	s1 =	smov.u32 @p1 s2;
	s4 =	smov.u32 @p1 s0  }
0x5f6: {  	s0 =	sxor.u32 s1, s4  }
0x5f7: {  	s2 =	sand.u32 s1, s4;
	s0 =	sshrl.u32 s0, $0x1  }
0x5f8: {  	s0 =	sadd.s32 s0, s2  }
0x5f9: {  	v17 =	vld [tilespmem:s0+$0x50];
	_ =	sdelay $0x4  }
0x5fa: {  	(v2sf) =	vpush v17, $0x0;
	_ =	sdelay $0xe  }
0x5fb: {  	s28 =	spop (v2sf)  }
0x5fc: {  	s2 =	sadd.s32 $0x1, s0;
	p1 =	sgt.s32 s28, $0x0  }
0x5fd: {  	s2 =	smov.u32 @p1 s1;
	s4 =	smov.u32 @p1 s0  }
0x5fe: {  	s0 =	sadd.s32 s2, s4  }
0x5ff: {  	s0 =	sshrl.u32 s0, $0x1  }
0x600: {  	v17 =	vld [tilespmem:s0+$0x50];
	_ =	sdelay $0x4  }
0x601: {  	(v2sf) =	vpush v17, $0x0;
	_ =	sdelay $0xe  }
0x602: {  	s29 =	spop (v2sf)  }
0x603: {  	s1 =	sadd.s32 $0x1, s0;
	p1 =	sgt.s32 s29, $0x0  }
0x604: {  	s1 =	smov.u32 @p1 s2;
	s4 =	smov.u32 @p1 s0  }
0x605: {  	s0 =	sadd.s32 s1, s4  }
0x606: {  	s0 =	sshrl.u32 s0, $0x1  }
0x607: {  	v17 =	vld [tilespmem:s0+$0x50];
	_ =	sdelay $0x4  }
0x608: {  	(v2sf) =	vpush v17, $0x0;
	_ =	sdelay $0xe  }
0x609: {  	s30 =	spop (v2sf)  }
0x60a: {  	s2 =	sadd.s32 $0x1, s0;
	p1 =	sgt.s32 s30, $0x0  }
0x60b: {  	s2 =	smov.u32 @p1 s1;
	s4 =	smov.u32 @p1 s0  }
0x60c: {  	s0 =	sadd.s32 s2, s4  }
0x60d: {  	s0 =	sshrl.u32 s0, $0x1  }
0x60e: {  	v17 =	vld [tilespmem:s0+$0x50];
	_ =	sdelay $0x4  }
0x60f: {  	(v2sf) =	vpush v17, $0x0;
	_ =	sdelay $0xe  }
0x610: {  	s3 =	spop (v2sf)  }
0x611: {  	s29 =	sadd.s32 $0x1, s0;
	p1 =	sgt.s32 s3, $0x0  }
0x612: {  	s29 =	smov.u32 @p1 s2;
	s4 =	smov.u32 @p1 s0  }
0x613: {  	s0 =	sadd.s32 s29, s4  }
0x614: {  	p1 =	sgt.s32 s15, $0x1;
	s31 =	sshrl.u32 s0, $0x1;
	s0 =	simm.s32 $0x100  }
0x615: {  	v17 =	vld [tilespmem:s31+$0x50];
	s0 =	simm.s32 @!p1 $0x300  }
0x616: {  	v18 =	vld [tilespmem:s0+$0x50];
	_ =	sdelay $0x3  }
0x617: {  	(v2sf) =	vpush v17, $0x0  }
0x618: {  	(v2sf) =	vpush v18, $0x0;
	_ =	sdelay $0xd  }
0x619: {  	s5 =	spop (v2sf)  }
0x61a: {  	s28 =	simm.s32 $0x200;
	s7 =	spop (v2sf)  }
0x61b: {  	s2 =	simm.s32 $0x0;
	s28 =	simm.s32 @!p1 $0x400;
	p2 =	sgt.s32 s7, $0x1  }
0x61c: {  	s2 =	simm.s32 @!p1 $0x201;
	s1 =	sor.u32 $0x1, s0;
	s28 =	smov.u32 @p2 s0  }
0x61d: {  	s1 =	smov.u32 @p2 s2;
	s0 =	sadd.s32 $0xFFFFFFFF, s28  }
0x61e: {  	s2 =	sxor.u32 s0, s1  }
0x61f: {  	s0 =	sor.u32 s0, s1;
	s2 =	sshrl.u32 s2, $0x1  }
0x620: {  	s0 =	ssub.s32 s0, s2  }
0x621: {  	s2 =	sor.u32 $0x50, s0  }
0x622: {  	v17 =	vld [tilespmem:s2+$0x0];
	_ =	sdelay $0x4  }
0x623: {  	(v2sf) =	vpush v17, $0x0;
	_ =	sdelay $0xe  }
0x624: {  	s8 =	spop (v2sf)  }
0x625: {  	s2 =	sor.u32 $0x1, s0;
	p1 =	sgt.s32 s8, $0x1  }
0x626: {  	s2 =	smov.u32 @p1 s1;
	s28 =	smov.u32 @p1 s0  }
0x627: {  	s0 =	sxor.u32 s2, s28  }
0x628: {  	s1 =	sand.u32 s2, s28;
	s0 =	sshrl.u32 s0, $0x1  }
0x629: {  	s0 =	sadd.s32 s0, s1  }
0x62a: {  	v17 =	vld [tilespmem:s0+$0x50];
	_ =	sdelay $0x4  }
0x62b: {  	(v2sf) =	vpush v17, $0x0;
	_ =	sdelay $0xe  }
0x62c: {  	s9 =	spop (v2sf)  }
0x62d: {  	s1 =	sadd.s32 $0x1, s0;
	p1 =	sgt.s32 s9, $0x1  }
0x62e: {  	s1 =	smov.u32 @p1 s2;
	s28 =	smov.u32 @p1 s0  }
0x62f: {  	s0 =	sxor.u32 s1, s28  }
0x630: {  	s2 =	sand.u32 s1, s28;
	s0 =	sshrl.u32 s0, $0x1  }
0x631: {  	s0 =	sadd.s32 s0, s2  }
0x632: {  	v17 =	vld [tilespmem:s0+$0x50];
	_ =	sdelay $0x4  }
0x633: {  	(v2sf) =	vpush v17, $0x0;
	_ =	sdelay $0xe  }
0x634: {  	s10 =	spop (v2sf)  }
0x635: {  	s2 =	sadd.s32 $0x1, s0;
	p1 =	sgt.s32 s10, $0x1  }
0x636: {  	s2 =	smov.u32 @p1 s1;
	s28 =	smov.u32 @p1 s0  }
0x637: {  	s0 =	sadd.s32 s2, s28  }
0x638: {  	s0 =	sshrl.u32 s0, $0x1  }
0x639: {  	v17 =	vld [tilespmem:s0+$0x50];
	_ =	sdelay $0x4  }
0x63a: {  	(v2sf) =	vpush v17, $0x0;
	_ =	sdelay $0xe  }
0x63b: {  	s11 =	spop (v2sf)  }
0x63c: {  	s1 =	sadd.s32 $0x1, s0;
	p1 =	sgt.s32 s11, $0x1  }
0x63d: {  	s1 =	smov.u32 @p1 s2;
	s28 =	smov.u32 @p1 s0  }
0x63e: {  	s0 =	sadd.s32 s1, s28  }
0x63f: {  	s0 =	sshrl.u32 s0, $0x1  }
0x640: {  	v17 =	vld [tilespmem:s0+$0x50];
	_ =	sdelay $0x4  }
0x641: {  	(v2sf) =	vpush v17, $0x0;
	_ =	sdelay $0xe  }
0x642: {  	s12 =	spop (v2sf)  }
0x643: {  	s2 =	sadd.s32 $0x1, s0;
	p1 =	sgt.s32 s12, $0x1  }
0x644: {  	s2 =	smov.u32 @p1 s1;
	s28 =	smov.u32 @p1 s0  }
0x645: {  	s0 =	sadd.s32 s2, s28  }
0x646: {  	s0 =	sshrl.u32 s0, $0x1  }
0x647: {  	v17 =	vld [tilespmem:s0+$0x50];
	_ =	sdelay $0x4  }
0x648: {  	(v2sf) =	vpush v17, $0x0;
	_ =	sdelay $0xe  }
0x649: {  	s13 =	spop (v2sf)  }
0x64a: {  	s1 =	sadd.s32 $0x1, s0;
	p1 =	sgt.s32 s13, $0x1  }
0x64b: {  	s1 =	smov.u32 @p1 s2;
	s28 =	smov.u32 @p1 s0  }
0x64c: {  	s0 =	sadd.s32 s1, s28  }
0x64d: {  	p1 =	sgt.s32 s15, $0x2;
	s30 =	sshrl.u32 s0, $0x1;
	s0 =	simm.s32 $0x100  }
0x64e: {  	v17 =	vld [tilespmem:s30+$0x50];
	s0 =	simm.s32 @!p1 $0x300  }
0x64f: {  	v18 =	vld [tilespmem:s0+$0x50];
	_ =	sdelay $0x3  }
0x650: {  	(v2sf) =	vpush v17, $0x0  }
0x651: {  	(v2sf) =	vpush v18, $0x0;
	_ =	sdelay $0xd  }
0x652: {  	s10 =	spop (v2sf)  }
0x653: {  	s26 =	simm.s32 $0x200;
	s2 =	simm.s32 $0x0;
	s14 =	spop (v2sf)  }
0x654: {  	[dreg:$0x12] =	wrdreg s1;
	s26 =	simm.s32 @!p1 $0x400;
	p2 =	sgt.s32 s14, $0x2  }
0x655: {  	s2 =	simm.s32 @!p1 $0x201;
	s1 =	sor.u32 $0x1, s0;
	s26 =	smov.u32 @p2 s0  }
0x656: {  	s1 =	smov.u32 @p2 s2;
	s0 =	sadd.s32 $0xFFFFFFFF, s26  }
0x657: {  	s2 =	sxor.u32 s0, s1  }
0x658: {  	s0 =	sor.u32 s0, s1;
	s2 =	sshrl.u32 s2, $0x1  }
0x659: {  	s0 =	ssub.s32 s0, s2  }
0x65a: {  	s2 =	sor.u32 $0x50, s0  }
0x65b: {  	v17 =	vld [tilespmem:s2+$0x0];
	_ =	sdelay $0x4  }
0x65c: {  	(v2sf) =	vpush v17, $0x0;
	_ =	sdelay $0xe  }
0x65d: {  	s16 =	spop (v2sf)  }
0x65e: {  	s2 =	sor.u32 $0x1, s0;
	p1 =	sgt.s32 s16, $0x2  }
0x65f: {  	s2 =	smov.u32 @p1 s1;
	s26 =	smov.u32 @p1 s0  }
0x660: {  	s0 =	sxor.u32 s2, s26  }
0x661: {  	s1 =	sand.u32 s2, s26;
	s0 =	sshrl.u32 s0, $0x1  }
0x662: {  	s0 =	sadd.s32 s0, s1  }
0x663: {  	v17 =	vld [tilespmem:s0+$0x50];
	_ =	sdelay $0x4  }
0x664: {  	(v2sf) =	vpush v17, $0x0;
	_ =	sdelay $0xe  }
0x665: {  	s17 =	spop (v2sf)  }
0x666: {  	s1 =	sadd.s32 $0x1, s0;
	p1 =	sgt.s32 s17, $0x2  }
0x667: {  	s1 =	smov.u32 @p1 s2;
	s26 =	smov.u32 @p1 s0  }
0x668: {  	s0 =	sxor.u32 s1, s26  }
0x669: {  	s2 =	sand.u32 s1, s26;
	s0 =	sshrl.u32 s0, $0x1  }
0x66a: {  	s0 =	sadd.s32 s0, s2  }
0x66b: {  	v17 =	vld [tilespmem:s0+$0x50];
	_ =	sdelay $0x4  }
0x66c: {  	(v2sf) =	vpush v17, $0x0;
	_ =	sdelay $0xe  }
0x66d: {  	s20 =	spop (v2sf)  }
0x66e: {  	s2 =	sadd.s32 $0x1, s0;
	p1 =	sgt.s32 s20, $0x2  }
0x66f: {  	s2 =	smov.u32 @p1 s1;
	s26 =	smov.u32 @p1 s0  }
0x670: {  	s0 =	sadd.s32 s2, s26  }
0x671: {  	s0 =	sshrl.u32 s0, $0x1  }
0x672: {  	v17 =	vld [tilespmem:s0+$0x50];
	_ =	sdelay $0x4  }
0x673: {  	(v2sf) =	vpush v17, $0x0;
	_ =	sdelay $0xe  }
0x674: {  	s23 =	spop (v2sf)  }
0x675: {  	s1 =	sadd.s32 $0x1, s0;
	p1 =	sgt.s32 s23, $0x2  }
0x676: {  	s1 =	smov.u32 @p1 s2;
	s26 =	smov.u32 @p1 s0  }
0x677: {  	s0 =	sadd.s32 s1, s26  }
0x678: {  	s0 =	sshrl.u32 s0, $0x1  }
0x679: {  	v17 =	vld [tilespmem:s0+$0x50];
	_ =	sdelay $0x4  }
0x67a: {  	(v2sf) =	vpush v17, $0x0;
	_ =	sdelay $0xe  }
0x67b: {  	s24 =	spop (v2sf)  }
0x67c: {  	s2 =	sadd.s32 $0x1, s0;
	p1 =	sgt.s32 s24, $0x2  }
0x67d: {  	s2 =	smov.u32 @p1 s1;
	s26 =	smov.u32 @p1 s0  }
0x67e: {  	s0 =	sadd.s32 s2, s26  }
0x67f: {  	s0 =	sshrl.u32 s0, $0x1  }
0x680: {  	v17 =	vld [tilespmem:s0+$0x50];
	_ =	sdelay $0x4  }
0x681: {  	(v2sf) =	vpush v17, $0x0;
	_ =	sdelay $0xe  }
0x682: {  	s25 =	spop (v2sf)  }
0x683: {  	s1 =	sadd.s32 $0x1, s0;
	p1 =	sgt.s32 s25, $0x2  }
0x684: {  	s1 =	smov.u32 @p1 s2;
	s26 =	smov.u32 @p1 s0  }
0x685: {  	p1 =	sgt.s32 s15, $0x3;
	s0 =	sadd.s32 s1, s26  }
0x686: {  	[dreg:$0x13] =	wrdreg s1;
	s1 =	sshrl.u32 s0, $0x1;
	s0 =	simm.s32 $0x100  }
0x687: {  	v17 =	vld [tilespmem:s1+$0x50];
	s0 =	simm.s32 @!p1 $0x300  }
0x688: {  	v18 =	vld [tilespmem:s0+$0x50];
	_ =	sdelay $0x3  }
0x689: {  	(v2sf) =	vpush v17, $0x0  }
0x68a: {  	(v2sf) =	vpush v18, $0x0;
	_ =	sdelay $0xd  }
0x68b: {  	[dreg:$0x11] =	wrdreg s5;
	s3 =	spop (v2sf)  }
0x68c: {  	s14 =	simm.s32 $0x200;
	s2 =	simm.s32 $0x0;
	s5 =	spop (v2sf)  }
0x68d: {  	s14 =	simm.s32 @!p1 $0x400;
	s2 =	simm.s32 @!p1 $0x201;
	p2 =	sgt.s32 s5, $0x3  }
0x68e: {  	[dreg:$0x14] =	wrdreg s1;
	s1 =	sor.u32 $0x1, s0;
	s14 =	smov.u32 @p2 s0  }
0x68f: {  	s1 =	smov.u32 @p2 s2;
	s0 =	sadd.s32 $0xFFFFFFFF, s14  }
0x690: {  	s2 =	sxor.u32 s0, s1  }
0x691: {  	s0 =	sor.u32 s0, s1;
	s2 =	sshrl.u32 s2, $0x1  }
0x692: {  	s0 =	ssub.s32 s0, s2  }
0x693: {  	s2 =	sor.u32 $0x50, s0  }
0x694: {  	v17 =	vld [tilespmem:s2+$0x0];
	_ =	sdelay $0x4  }
0x695: {  	(v2sf) =	vpush v17, $0x0;
	_ =	sdelay $0xe  }
0x696: {  	s7 =	spop (v2sf)  }
0x697: {  	s2 =	sor.u32 $0x1, s0;
	p1 =	sgt.s32 s7, $0x3  }
0x698: {  	s2 =	smov.u32 @p1 s1;
	s14 =	smov.u32 @p1 s0  }
0x699: {  	s0 =	sxor.u32 s2, s14  }
0x69a: {  	s1 =	sand.u32 s2, s14;
	s0 =	sshrl.u32 s0, $0x1  }
0x69b: {  	s0 =	sadd.s32 s0, s1  }
0x69c: {  	v17 =	vld [tilespmem:s0+$0x50];
	_ =	sdelay $0x4  }
0x69d: {  	(v2sf) =	vpush v17, $0x0;
	_ =	sdelay $0xe  }
0x69e: {  	s8 =	spop (v2sf)  }
0x69f: {  	s1 =	sadd.s32 $0x1, s0;
	p1 =	sgt.s32 s8, $0x3  }
0x6a0: {  	s1 =	smov.u32 @p1 s2;
	s14 =	smov.u32 @p1 s0  }
0x6a1: {  	s0 =	sxor.u32 s1, s14  }
0x6a2: {  	s2 =	sand.u32 s1, s14;
	s0 =	sshrl.u32 s0, $0x1  }
0x6a3: {  	s0 =	sadd.s32 s0, s2  }
0x6a4: {  	v17 =	vld [tilespmem:s0+$0x50];
	_ =	sdelay $0x4  }
0x6a5: {  	(v2sf) =	vpush v17, $0x0;
	_ =	sdelay $0xe  }
0x6a6: {  	s9 =	spop (v2sf)  }
0x6a7: {  	s2 =	sadd.s32 $0x1, s0;
	p1 =	sgt.s32 s9, $0x3  }
0x6a8: {  	s2 =	smov.u32 @p1 s1;
	s14 =	smov.u32 @p1 s0  }
0x6a9: {  	s0 =	sadd.s32 s2, s14  }
0x6aa: {  	s0 =	sshrl.u32 s0, $0x1  }
0x6ab: {  	v17 =	vld [tilespmem:s0+$0x50];
	_ =	sdelay $0x4  }
0x6ac: {  	(v2sf) =	vpush v17, $0x0;
	_ =	sdelay $0xe  }
0x6ad: {  	s11 =	spop (v2sf)  }
0x6ae: {  	s1 =	sadd.s32 $0x1, s0;
	p1 =	sgt.s32 s11, $0x3  }
0x6af: {  	s1 =	smov.u32 @p1 s2;
	s14 =	smov.u32 @p1 s0  }
0x6b0: {  	s0 =	sadd.s32 s1, s14  }
0x6b1: {  	s0 =	sshrl.u32 s0, $0x1  }
0x6b2: {  	v17 =	vld [tilespmem:s0+$0x50];
	_ =	sdelay $0x4  }
0x6b3: {  	(v2sf) =	vpush v17, $0x0;
	_ =	sdelay $0xe  }
0x6b4: {  	s12 =	spop (v2sf)  }
0x6b5: {  	s2 =	sadd.s32 $0x1, s0;
	p1 =	sgt.s32 s12, $0x3  }
0x6b6: {  	s2 =	smov.u32 @p1 s1;
	s14 =	smov.u32 @p1 s0  }
0x6b7: {  	s0 =	sadd.s32 s2, s14  }
0x6b8: {  	s0 =	sshrl.u32 s0, $0x1  }
0x6b9: {  	v17 =	vld [tilespmem:s0+$0x50];
	_ =	sdelay $0x4  }
0x6ba: {  	(v2sf) =	vpush v17, $0x0;
	_ =	sdelay $0xe  }
0x6bb: {  	s13 =	spop (v2sf)  }
0x6bc: {  	s23 =	sadd.s32 $0x1, s0;
	p1 =	sgt.s32 s13, $0x3  }
0x6bd: {  	s23 =	smov.u32 @p1 s2;
	s14 =	smov.u32 @p1 s0  }
0x6be: {  	s0 =	sadd.s32 s23, s14  }
0x6bf: {  	p1 =	sgt.s32 s15, $0x4;
	s24 =	sshrl.u32 s0, $0x1;
	s0 =	simm.s32 $0x100  }
0x6c0: {  	v17 =	vld [tilespmem:s24+$0x50];
	s0 =	simm.s32 @!p1 $0x300  }
0x6c1: {  	v18 =	vld [tilespmem:s0+$0x50];
	_ =	sdelay $0x3  }
0x6c2: {  	(v2sf) =	vpush v17, $0x0  }
0x6c3: {  	(v2sf) =	vpush v18, $0x0;
	_ =	sdelay $0xd  }
0x6c4: {  	s16 =	spop (v2sf)  }
0x6c5: {  	s25 =	simm.s32 $0x200;
	s17 =	spop (v2sf)  }
0x6c6: {  	s2 =	simm.s32 $0x0;
	s25 =	simm.s32 @!p1 $0x400;
	p2 =	sgt.s32 s17, $0x4  }
0x6c7: {  	s2 =	simm.s32 @!p1 $0x201;
	s1 =	sor.u32 $0x1, s0;
	s25 =	smov.u32 @p2 s0  }
0x6c8: {  	s1 =	smov.u32 @p2 s2;
	s0 =	sadd.s32 $0xFFFFFFFF, s25  }
0x6c9: {  	s2 =	sxor.u32 s0, s1  }
0x6ca: {  	s0 =	sor.u32 s0, s1;
	s2 =	sshrl.u32 s2, $0x1  }
0x6cb: {  	s0 =	ssub.s32 s0, s2  }
0x6cc: {  	s2 =	sor.u32 $0x50, s0  }
0x6cd: {  	v17 =	vld [tilespmem:s2+$0x0];
	_ =	sdelay $0x4  }
0x6ce: {  	(v2sf) =	vpush v17, $0x0;
	_ =	sdelay $0xe  }
0x6cf: {  	s20 =	spop (v2sf)  }
0x6d0: {  	s2 =	sor.u32 $0x1, s0;
	p1 =	sgt.s32 s20, $0x4  }
0x6d1: {  	s2 =	smov.u32 @p1 s1;
	s25 =	smov.u32 @p1 s0  }
0x6d2: {  	s0 =	sxor.u32 s2, s25  }
0x6d3: {  	s1 =	sand.u32 s2, s25;
	s0 =	sshrl.u32 s0, $0x1  }
0x6d4: {  	s0 =	sadd.s32 s0, s1  }
0x6d5: {  	v17 =	vld [tilespmem:s0+$0x50];
	_ =	sdelay $0x4  }
0x6d6: {  	(v2sf) =	vpush v17, $0x0;
	_ =	sdelay $0xe  }
0x6d7: {  	[dreg:$0x15] =	wrdreg s3;
	s3 =	spop (v2sf)  }
0x6d8: {  	s1 =	sadd.s32 $0x1, s0;
	p1 =	sgt.s32 s3, $0x4  }
0x6d9: {  	s1 =	smov.u32 @p1 s2;
	s25 =	smov.u32 @p1 s0  }
0x6da: {  	s0 =	sxor.u32 s1, s25  }
0x6db: {  	s2 =	sand.u32 s1, s25;
	s0 =	sshrl.u32 s0, $0x1  }
0x6dc: {  	s0 =	sadd.s32 s0, s2  }
0x6dd: {  	v17 =	vld [tilespmem:s0+$0x50];
	_ =	sdelay $0x4  }
0x6de: {  	(v2sf) =	vpush v17, $0x0;
	_ =	sdelay $0xe  }
0x6df: {  	s5 =	spop (v2sf)  }
0x6e0: {  	s2 =	sadd.s32 $0x1, s0;
	p1 =	sgt.s32 s5, $0x4  }
0x6e1: {  	s2 =	smov.u32 @p1 s1;
	s25 =	smov.u32 @p1 s0  }
0x6e2: {  	s0 =	sadd.s32 s2, s25  }
0x6e3: {  	s0 =	sshrl.u32 s0, $0x1  }
0x6e4: {  	v17 =	vld [tilespmem:s0+$0x50];
	_ =	sdelay $0x4  }
0x6e5: {  	(v2sf) =	vpush v17, $0x0;
	_ =	sdelay $0xe  }
0x6e6: {  	s7 =	spop (v2sf)  }
0x6e7: {  	s1 =	sadd.s32 $0x1, s0;
	p1 =	sgt.s32 s7, $0x4  }
0x6e8: {  	s1 =	smov.u32 @p1 s2;
	s25 =	smov.u32 @p1 s0  }
0x6e9: {  	s0 =	sadd.s32 s1, s25  }
0x6ea: {  	s0 =	sshrl.u32 s0, $0x1  }
0x6eb: {  	v17 =	vld [tilespmem:s0+$0x50];
	_ =	sdelay $0x4  }
0x6ec: {  	(v2sf) =	vpush v17, $0x0;
	_ =	sdelay $0xe  }
0x6ed: {  	s8 =	spop (v2sf)  }
0x6ee: {  	s2 =	sadd.s32 $0x1, s0;
	p1 =	sgt.s32 s8, $0x4  }
0x6ef: {  	s2 =	smov.u32 @p1 s1;
	s25 =	smov.u32 @p1 s0  }
0x6f0: {  	s0 =	sadd.s32 s2, s25  }
0x6f1: {  	s0 =	sshrl.u32 s0, $0x1  }
0x6f2: {  	v17 =	vld [tilespmem:s0+$0x50];
	_ =	sdelay $0x4  }
0x6f3: {  	(v2sf) =	vpush v17, $0x0;
	_ =	sdelay $0xe  }
0x6f4: {  	s9 =	spop (v2sf)  }
0x6f5: {  	s20 =	sadd.s32 $0x1, s0;
	p1 =	sgt.s32 s9, $0x4  }
0x6f6: {  	s20 =	smov.u32 @p1 s2;
	s25 =	smov.u32 @p1 s0  }
0x6f7: {  	s0 =	sadd.s32 s20, s25  }
0x6f8: {  	p1 =	sgt.s32 s15, $0x5;
	s8 =	sshrl.u32 s0, $0x1;
	s0 =	simm.s32 $0x100  }
0x6f9: {  	v17 =	vld [tilespmem:s8+$0x50];
	s0 =	simm.s32 @!p1 $0x300  }
0x6fa: {  	v18 =	vld [tilespmem:s0+$0x50];
	_ =	sdelay $0x3  }
0x6fb: {  	(v2sf) =	vpush v17, $0x0  }
0x6fc: {  	(v2sf) =	vpush v18, $0x0;
	_ =	sdelay $0xd  }
0x6fd: {  	s11 =	spop (v2sf)  }
0x6fe: {  	s17 =	simm.s32 $0x200;
	s12 =	spop (v2sf)  }
0x6ff: {  	s3 =	simm.s32 $0x0;
	s17 =	simm.s32 @!p1 $0x400;
	p2 =	sgt.s32 s12, $0x5  }
0x700: {  	s3 =	simm.s32 @!p1 $0x201;
	s1 =	sor.u32 $0x1, s0;
	s17 =	smov.u32 @p2 s0  }
0x701: {  	s1 =	smov.u32 @p2 s3;
	s0 =	sadd.s32 $0xFFFFFFFF, s17  }
0x702: {  	s3 =	sxor.u32 s0, s1  }
0x703: {  	s0 =	sor.u32 s0, s1;
	s3 =	sshrl.u32 s3, $0x1  }
0x704: {  	s0 =	ssub.s32 s0, s3  }
0x705: {  	s3 =	sor.u32 $0x50, s0  }
0x706: {  	v17 =	vld [tilespmem:s3+$0x0];
	_ =	sdelay $0x4  }
0x707: {  	(v2sf) =	vpush v17, $0x0;
	_ =	sdelay $0xe  }
0x708: {  	s13 =	spop (v2sf)  }
0x709: {  	s3 =	sor.u32 $0x1, s0;
	p1 =	sgt.s32 s13, $0x5  }
0x70a: {  	s3 =	smov.u32 @p1 s1;
	s17 =	smov.u32 @p1 s0  }
0x70b: {  	s0 =	sxor.u32 s3, s17  }
0x70c: {  	s1 =	sand.u32 s3, s17;
	s0 =	sshrl.u32 s0, $0x1  }
0x70d: {  	s0 =	sadd.s32 s0, s1  }
0x70e: {  	v17 =	vld [tilespmem:s0+$0x50];
	_ =	sdelay $0x4  }
0x70f: {  	(v2sf) =	vpush v17, $0x0;
	_ =	sdelay $0xe  }
0x710: {  	[dreg:$0x16] =	wrdreg s16;
	s16 =	spop (v2sf)  }
0x711: {  	s1 =	sadd.s32 $0x1, s0;
	p1 =	sgt.s32 s16, $0x5  }
0x712: {  	s1 =	smov.u32 @p1 s3;
	s17 =	smov.u32 @p1 s0  }
0x713: {  	s0 =	sxor.u32 s1, s17  }
0x714: {  	s3 =	sand.u32 s1, s17;
	s0 =	sshrl.u32 s0, $0x1  }
0x715: {  	s0 =	sadd.s32 s0, s3  }
0x716: {  	v17 =	vld [tilespmem:s0+$0x50];
	_ =	sdelay $0x4  }
0x717: {  	(v2sf) =	vpush v17, $0x0;
	_ =	sdelay $0xe  }
0x718: {  	s2 =	spop (v2sf)  }
0x719: {  	s3 =	sadd.s32 $0x1, s0;
	p1 =	sgt.s32 s2, $0x5  }
0x71a: {  	s3 =	smov.u32 @p1 s1;
	s17 =	smov.u32 @p1 s0  }
0x71b: {  	s0 =	sadd.s32 s3, s17  }
0x71c: {  	s0 =	sshrl.u32 s0, $0x1  }
0x71d: {  	v17 =	vld [tilespmem:s0+$0x50];
	_ =	sdelay $0x4  }
0x71e: {  	(v2sf) =	vpush v17, $0x0;
	_ =	sdelay $0xe  }
0x71f: {  	s5 =	spop (v2sf)  }
0x720: {  	s1 =	sadd.s32 $0x1, s0;
	p1 =	sgt.s32 s5, $0x5  }
0x721: {  	s1 =	smov.u32 @p1 s3;
	s17 =	smov.u32 @p1 s0  }
0x722: {  	s0 =	sadd.s32 s1, s17  }
0x723: {  	s0 =	sshrl.u32 s0, $0x1  }
0x724: {  	v17 =	vld [tilespmem:s0+$0x50];
	_ =	sdelay $0x4  }
0x725: {  	(v2sf) =	vpush v17, $0x0;
	_ =	sdelay $0xe  }
0x726: {  	s7 =	spop (v2sf)  }
0x727: {  	p1 =	sgt.s32 s7, $0x5;
	s7 =	sadd.s32 $0x1, s0  }
0x728: {  	s7 =	smov.u32 @p1 s1;
	s17 =	smov.u32 @p1 s0  }
0x729: {  	s0 =	sadd.s32 s7, s17  }
0x72a: {  	s0 =	sshrl.u32 s0, $0x1  }
0x72b: {  	v17 =	vld [tilespmem:s0+$0x50];
	_ =	sdelay $0x4  }
0x72c: {  	(v2sf) =	vpush v17, $0x0;
	_ =	sdelay $0xe  }
0x72d: {  	s9 =	spop (v2sf)  }
0x72e: {  	s5 =	sadd.s32 $0x1, s0;
	p1 =	sgt.s32 s9, $0x5  }
0x72f: {  	s5 =	smov.u32 @p1 s7;
	s17 =	smov.u32 @p1 s0  }
0x730: {  	s0 =	sadd.s32 s5, s17  }
0x731: {  	p1 =	sgt.s32 s15, $0x6;
	s7 =	sshrl.u32 s0, $0x1;
	s0 =	simm.s32 $0x100  }
0x732: {  	v17 =	vld [tilespmem:s7+$0x50];
	s0 =	simm.s32 @!p1 $0x300  }
0x733: {  	v18 =	vld [tilespmem:s0+$0x50];
	_ =	sdelay $0x3  }
0x734: {  	(v2sf) =	vpush v17, $0x0  }
0x735: {  	(v2sf) =	vpush v18, $0x0;
	_ =	sdelay $0xd  }
0x736: {  	[dreg:$0x17] =	wrdreg s11;
	s11 =	spop (v2sf)  }
0x737: {  	s9 =	simm.s32 $0x200;
	s12 =	spop (v2sf)  }
0x738: {  	s1 =	simm.s32 $0x0;
	s9 =	simm.s32 @!p1 $0x400;
	p2 =	sgt.s32 s12, $0x6  }
0x739: {  	s1 =	simm.s32 @!p1 $0x201;
	s9 =	smov.u32 @p2 s0;
	s0 =	sor.u32 $0x1, s0  }
0x73a: {  	s0 =	smov.u32 @p2 s1;
	s13 =	sadd.s32 $0xFFFFFFFF, s9  }
0x73b: {  	s12 =	sxor.u32 s13, s0  }
0x73c: {  	s1 =	sor.u32 s13, s0;
	s12 =	sshrl.u32 s12, $0x1  }
0x73d: {  	s1 =	ssub.s32 s1, s12  }
0x73e: {  	s12 =	sor.u32 $0x50, s1  }
0x73f: {  	v17 =	vld [tilespmem:s12+$0x0];
	_ =	sdelay $0x4  }
0x740: {  	(v2sf) =	vpush v17, $0x0;
	_ =	sdelay $0xe  }
0x741: {  	s16 =	spop (v2sf)  }
0x742: {  	s12 =	sor.u32 $0x1, s1;
	p1 =	sgt.s32 s16, $0x6  }
0x743: {  	s12 =	smov.u32 @p1 s0;
	s9 =	smov.u32 @p1 s1  }
0x744: {  	s0 =	sxor.u32 s12, s9  }
0x745: {  	s1 =	sand.u32 s12, s9;
	s0 =	sshrl.u32 s0, $0x1  }
0x746: {  	s0 =	sadd.s32 s0, s1  }
0x747: {  	v17 =	vld [tilespmem:s0+$0x50];
	_ =	sdelay $0x4  }
0x748: {  	(v2sf) =	vpush v17, $0x0;
	_ =	sdelay $0xe  }
0x749: {  	s2 =	spop (v2sf)  }
0x74a: {  	s1 =	sadd.s32 $0x1, s0;
	p1 =	sgt.s32 s2, $0x6  }
0x74b: {  	s1 =	smov.u32 @p1 s12;
	s9 =	smov.u32 @p1 s0  }
0x74c: {  	s0 =	sxor.u32 s1, s9  }
0x74d: {  	s12 =	sand.u32 s1, s9;
	s0 =	sshrl.u32 s0, $0x1  }
0x74e: {  	s0 =	sadd.s32 s0, s12  }
0x74f: {  	v17 =	vld [tilespmem:s0+$0x50];
	_ =	sdelay $0x4  }
0x750: {  	(v2sf) =	vpush v17, $0x0;
	_ =	sdelay $0xe  }
0x751: {  	s3 =	spop (v2sf)  }
0x752: {  	s12 =	sadd.s32 $0x1, s0;
	p1 =	sgt.s32 s3, $0x6  }
0x753: {  	s12 =	smov.u32 @p1 s1;
	s9 =	smov.u32 @p1 s0  }
0x754: {  	s0 =	sadd.s32 s12, s9  }
0x755: {  	s0 =	sshrl.u32 s0, $0x1  }
0x756: {  	v17 =	vld [tilespmem:s0+$0x50];
	_ =	sdelay $0x4  }
0x757: {  	(v2sf) =	vpush v17, $0x0;
	_ =	sdelay $0xe  }
0x758: {  	[smem:$0x7E2] =	sst s11;
	s11 =	spop (v2sf)  }
0x759: {  	s1 =	sadd.s32 $0x1, s0;
	p1 =	sgt.s32 s11, $0x6  }
0x75a: {  	s1 =	smov.u32 @p1 s12;
	s9 =	smov.u32 @p1 s0  }
0x75b: {  	s0 =	sadd.s32 s1, s9  }
0x75c: {  	s0 =	sshrl.u32 s0, $0x1  }
0x75d: {  	v17 =	vld [tilespmem:s0+$0x50];
	_ =	sdelay $0x4  }
0x75e: {  	(v2sf) =	vpush v17, $0x0;
	_ =	sdelay $0xe  }
0x75f: {  	s13 =	spop (v2sf)  }
0x760: {  	p1 =	sgt.s32 s13, $0x6;
	s13 =	sadd.s32 $0x1, s0  }
0x761: {  	s13 =	smov.u32 @p1 s1;
	s9 =	smov.u32 @p1 s0  }
0x762: {  	s0 =	sadd.s32 s13, s9  }
0x763: {  	s0 =	sshrl.u32 s0, $0x1  }
0x764: {  	v17 =	vld [tilespmem:s0+$0x50];
	_ =	sdelay $0x4  }
0x765: {  	(v2sf) =	vpush v17, $0x0;
	_ =	sdelay $0xe  }
0x766: {  	s16 =	spop (v2sf)  }
0x767: {  	s12 =	sadd.s32 $0x1, s0;
	p1 =	sgt.s32 s16, $0x6  }
0x768: {  	s12 =	smov.u32 @p1 s13;
	s9 =	smov.u32 @p1 s0  }
0x769: {  	s0 =	sadd.s32 s12, s9  }
0x76a: {  	p1 =	sgt.s32 s15, $0x7;
	s15 =	sshrl.u32 s0, $0x1;
	s0 =	simm.s32 $0x100  }
0x76b: {  	v17 =	vld [tilespmem:s15+$0x50];
	s0 =	simm.s32 @!p1 $0x300  }
0x76c: {  	v18 =	vld [tilespmem:s0+$0x50];
	_ =	sdelay $0x3  }
0x76d: {  	(v2sf) =	vpush v17, $0x0  }
0x76e: {  	(v2sf) =	vpush v18, $0x0;
	_ =	sdelay $0xd  }
0x76f: {  	s11 =	spop (v2sf)  }
0x770: {  	s13 =	simm.s32 $0x200;
	s2 =	spop (v2sf)  }
0x771: {  	s1 =	simm.s32 $0x0;
	s13 =	simm.s32 @!p1 $0x400;
	p2 =	sgt.s32 s2, $0x7  }
0x772: {  	s1 =	simm.s32 @!p1 $0x201;
	s13 =	smov.u32 @p2 s0;
	s0 =	sor.u32 $0x1, s0  }
0x773: {  	s0 =	smov.u32 @p2 s1;
	s3 =	sadd.s32 $0xFFFFFFFF, s13  }
0x774: {  	s16 =	sxor.u32 s3, s0  }
0x775: {  	s1 =	sor.u32 s3, s0;
	s2 =	sshrl.u32 s16, $0x1  }
0x776: {  	s1 =	ssub.s32 s1, s2  }
0x777: {  	s2 =	sor.u32 $0x50, s1  }
0x778: {  	v17 =	vld [tilespmem:s2+$0x0];
	_ =	sdelay $0x4  }
0x779: {  	(v2sf) =	vpush v17, $0x0;
	_ =	sdelay $0xe  }
0x77a: {  	s3 =	spop (v2sf)  }
0x77b: {  	s2 =	sor.u32 $0x1, s1;
	p1 =	sgt.s32 s3, $0x7  }
0x77c: {  	s2 =	smov.u32 @p1 s0;
	s13 =	smov.u32 @p1 s1  }
0x77d: {  	s0 =	sxor.u32 s2, s13  }
0x77e: {  	s1 =	sand.u32 s2, s13;
	s0 =	sshrl.u32 s0, $0x1  }
0x77f: {  	s0 =	sadd.s32 s0, s1  }
0x780: {  	v17 =	vld [tilespmem:s0+$0x50];
	_ =	sdelay $0x4  }
0x781: {  	(v2sf) =	vpush v17, $0x0;
	_ =	sdelay $0xe  }
0x782: {  	s16 =	spop (v2sf)  }
0x783: {  	s1 =	sadd.s32 $0x1, s0;
	p1 =	sgt.s32 s16, $0x7  }
0x784: {  	s1 =	smov.u32 @p1 s2;
	s13 =	smov.u32 @p1 s0  }
0x785: {  	s0 =	sxor.u32 s1, s13  }
0x786: {  	s2 =	sand.u32 s1, s13;
	s0 =	sshrl.u32 s0, $0x1  }
0x787: {  	s0 =	sadd.s32 s0, s2  }
0x788: {  	v17 =	vld [tilespmem:s0+$0x50];
	_ =	sdelay $0x4  }
0x789: {  	(v2sf) =	vpush v17, $0x0;
	_ =	sdelay $0xe  }
0x78a: {  	s3 =	spop (v2sf)  }
0x78b: {  	s2 =	sadd.s32 $0x1, s0;
	p1 =	sgt.s32 s3, $0x7  }
0x78c: {  	s2 =	smov.u32 @p1 s1;
	s13 =	smov.u32 @p1 s0  }
0x78d: {  	s0 =	sadd.s32 s2, s13  }
0x78e: {  	s0 =	sshrl.u32 s0, $0x1  }
0x78f: {  	v17 =	vld [tilespmem:s0+$0x50];
	_ =	sdelay $0x4  }
0x790: {  	(v2sf) =	vpush v17, $0x0;
	_ =	sdelay $0xe  }
0x791: {  	s16 =	spop (v2sf)  }
0x792: {  	s1 =	sadd.s32 $0x1, s0;
	p1 =	sgt.s32 s16, $0x7  }
0x793: {  	s1 =	smov.u32 @p1 s2;
	s13 =	smov.u32 @p1 s0  }
0x794: {  	s0 =	sadd.s32 s1, s13  }
0x795: {  	s0 =	sshrl.u32 s0, $0x1  }
0x796: {  	v17 =	vld [tilespmem:s0+$0x50];
	_ =	sdelay $0x4  }
0x797: {  	(v2sf) =	vpush v17, $0x0;
	_ =	sdelay $0xe  }
0x798: {  	s3 =	spop (v2sf)  }
0x799: {  	s2 =	sadd.s32 $0x1, s0;
	p1 =	sgt.s32 s3, $0x7  }
0x79a: {  	s2 =	smov.u32 @p1 s1;
	s13 =	smov.u32 @p1 s0  }
0x79b: {  	s0 =	sadd.s32 s2, s13  }
0x79c: {  	s0 =	sshrl.u32 s0, $0x1  }
0x79d: {  	v17 =	vld [tilespmem:s0+$0x50];
	_ =	sdelay $0x4  }
0x79e: {  	(v2sf) =	vpush v17, $0x0;
	_ =	sdelay $0xe  }
0x79f: {  	s16 =	spop (v2sf)  }
0x7a0: {  	s1 =	sadd.s32 $0x1, s0;
	p1 =	sgt.s32 s16, $0x7  }
0x7a1: {  	s1 =	smov.u32 @p1 s2;
	s13 =	smov.u32 @p1 s0  }
0x7a2: {  	s0 =	sadd.s32 s1, s13  }
0x7a3: {  	s0 =	sshrl.u32 s0, $0x1  }
0x7a4: {  	v17 =	vld [tilespmem:s0+$0x50];
	_ =	sdelay $0x4  }
0x7a5: {  	(v2sf) =	vpush v17, $0x0;
	_ =	sdelay $0x4  }
0x7a6: {  	p2 =	sgt.s32 s10, $0x1;
	s10 =	rddreg [dreg:$0x16]  }
0x7a7: {  	p3 =	sgt.s32 s10, $0x3;
	s3 =	rddreg [dreg:$0x11]  }
0x7a8: {  	s14 =	smov.u32 @p3 s24;
	p1 =	sgt.s32 s3, $0x0;
	s2 =	sadd.s32 $0x1, s31  }
0x7a9: {  	s16 =	rddreg [dreg:$0x17];
	s2 =	smov.u32 @p1 s29;
	s29 =	sadd.s32 $0x1, s24  }
0x7aa: {  	s29 =	smov.u32 @p3 s23;
	p3 =	sgt.s32 s16, $0x4;
	s23 =	sadd.s32 $0x1, s8  }
0x7ab: {  	s23 =	smov.u32 @p3 s20;
	s20 =	sld [smem:$0x7E2]  }
0x7ac: {  	s10 =	rddreg [dreg:$0x12];
	s3 =	sadd.s32 $0x1, s30  }
0x7ad: {  	s3 =	smov.u32 @p2 s10  }
0x7ae: {  	s25 =	smov.u32 @p3 s8;
	s8 =	sadd.s32 $0x1, s7;
	p3 =	sgt.s32 s20, $0x5  }
0x7af: {  	s10 =	sadd.s32 $0x1, s0;
	s20 =	sadd.s32 s29, s14;
	s8 =	smov.u32 @p3 s5  }
0x7b0: {  	s17 =	smov.u32 @p3 s7;
	p3 =	sgt.s32 s11, $0x6;
	s24 =	spop (v2sf)  }
0x7b1: {  	s5 =	sadd.s32 $0x1, s15;
	s11 =	rddreg [dreg:$0x13];
	p4 =	sgt.s32 s24, $0x7  }
0x7b2: {  	s5 =	smov.u32 @p3 s12;
	s10 =	smov.u32 @p4 s1;
	s13 =	smov.u32 @p4 s0  }
0x7b3: {  	s9 =	smov.u32 @p3 s15;
	s12 =	rddreg [dreg:$0x14];
	s0 =	sadd.s32 s10, s13  }
0x7b4: {  	s16 =	sadd.s32 s8, s17;
	s15 =	sadd.s32 s5, s9;
	s7 =	sshrl.u32 s0, $0x1  }
0x7b5: {  	s17 =	sadd.s32 s23, s25;
	s1 =	sshrl.u32 s15, $0x1;
	s13 =	rddreg [dreg:$0x15];
	v17 =	vld [tilespmem:s7+$0x50]  }
0x7b6: {  	s9 =	sshrl.u32 s16, $0x1;
	v18 =	vld [tilespmem:s1+$0x50];
	p3 =	sgt.s32 s13, $0x2;
	s0 =	sadd.s32 $0x1, s12  }
0x7b7: {  	v19 =	vld [tilespmem:s9+$0x50];
	s0 =	smov.u32 @p3 s11;
	s26 =	smov.u32 @p3 s12;
	s11 =	sshrl.u32 s17, $0x1  }
0x7b8: {  	s28 =	smov.u32 @p2 s30;
	s12 =	sshrl.u32 s20, $0x1;
	s24 =	sadd.s32 s0, s26;
	v20 =	vld [tilespmem:s11+$0x50]  }
0x7b9: {  	s4 =	smov.u32 @p1 s31;
	s25 =	sadd.s32 s3, s28;
	v21 =	vld [tilespmem:s12+$0x50];
	s13 =	sshrl.u32 s24, $0x1  }
0x7ba: {  	s4 =	sadd.s32 s2, s4;
	s14 =	sshrl.u32 s25, $0x1;
	v22 =	vld [tilespmem:s13+$0x50];
	(v2sf) =	vpush v17, $0x0  }
0x7bb: {  	s4 =	sshrl.u32 s4, $0x1;
	v17 =	vld [tilespmem:s14+$0x50];
	(v2sf) =	vpush v18, $0x0  }
0x7bc: {  	v18 =	vld [tilespmem:s4+$0x50];
	(v2sf) =	vpush v19, $0x0  }
0x7bd: {  	(v2sf) =	vpush v20, $0x0  }
0x7be: {  	(v2sf) =	vpush v21, $0x0  }
0x7bf: {  	(v2sf) =	vpush v22, $0x0  }
0x7c0: {  	(v2sf) =	vpush v17, $0x0  }
0x7c1: {  	(v2sf) =	vpush v18, $0x0;
	_ =	sdelay $0x7  }
0x7c2: {  	s15 =	spop (v2sf)  }
0x7c3: {  	s17 =	spop (v2sf)  }
0x7c4: {  	s20 =	spop (v2sf)  }
0x7c5: {  	s26 =	spop (v2sf)  }
0x7c6: {  	s24 =	spop (v2sf)  }
0x7c7: {  	s28 =	spop (v2sf)  }
0x7c8: {  	s11 =	sadd.s32 $0x1, s11;
	p1 =	sgt.s32 s26, $0x4;
	s30 =	spop (v2sf)  }
0x7c9: {  	s4 =	sadd.s32 $0x1, s4;
	s11 =	smov.u32 @p1 s23;
	s16 =	spop (v2sf)  }
0x7ca: {  	p1 =	sgt.s32 s28, $0x2;
	p2 =	sgt.s32 s30, $0x1;
	p3 =	sgt.s32 s16, $0x0  }
0x7cb: {  	s4 =	smov.u32 @p3 s2;
	s2 =	sadd.s32 $0x1, s13;
	s13 =	sadd.s32 $0x1, s14  }
0x7cc: {  	vm15 =	vcmask $0x300;
	s1 =	sadd.s32 $0x1, s1;
	s2 =	smov.u32 @p1 s0;
	s13 =	smov.u32 @p2 s3;
	v17 =	vmov s4  }
0x7cd: {  	p2 =	sgt.s32 s24, $0x3;
	s0 =	sadd.s32 $0x1, s12;
	s3 =	ssub.s32 s13, s4;
	v17 =	vnsel vm15, $0x0, v17  }
0x7ce: {  	p1 =	sgt.s32 s17, $0x6;
	s0 =	smov.u32 @p2 s29;
	s24 =	ssub.s32 s2, s13;
	v17 =	vsel vm0, s3, v17  }
0x7cf: {  	p2 =	sgt.s32 s20, $0x5;
	s3 =	sadd.s32 $0x1, s9;
	s2 =	ssub.s32 s0, s2;
	v17 =	vsel vm1, s24, v17  }
0x7d0: {  	s1 =	smov.u32 @p1 s5;
	vm15 =	vcmask $0x1310;
	s0 =	ssub.s32 s11, s0;
	s3 =	smov.u32 @p2 s8;
	v17 =	vsel vm2, s2, v17  }
0x7d1: {  	p1 =	sgt.s32 s15, $0x7;
	s2 =	sadd.s32 $0x1, s7;
	s25 =	ssub.s32 s3, s11;
	v17 =	vsel vm15, s0, v17  }
0x7d2: {  	s26 =	ssub.s32 s1, s3;
	s2 =	smov.u32 @p1 s10;
	v17 =	vsel vm3, s25, v17  }
0x7d3: {  	s1 =	ssub.s32 s2, s1;
	v17 =	vsel vm4, s26, v17  }
0x7d4: {  	s28 =	rddreg [dreg:$0x5];
	v17 =	vsel vm5, s1, v17  }
.Ltmp18:
0x7d5: {  	s30 =	simm.s32 $0x3;
	s29 =	simm.s32 $0x4E0;
	[tilespmem:$0x4E0] =	vst v17;
	(pc) =	sbr.rel .LBB2_30-.Ltmp18, $4  }
0x7d6: {  	[hbm4b:s28+s6] =	stream.linear.scatter [tilespmem:s29], [sflag:$0x3], $0x8, $0x38;
	[tilespmem:$0x1D4F0] =	vst v63  }
0x7d7: {  	s31 =	rddreg [dreg:$0x10];
	_ =	swait.ge [sflag:s30], $0x8  }
0x7d8: {  	[sflag:s30] =	ssyncset.done $0x0  }
0x7d9: {  	[sflag:s30] =	ssyncadd.s32 $0xFFFFFFF8  }
.LBB2_31:
0x7da: {  	_ =	sfence.sel $0x180000  }
0x7db: {  	[bflag:$0x0] =	sbarrier.arrive $0xFFFF  }
0x7dc: {  	_ =	strace $0x90000047  }
0x7dd: {  	s0 =	stileid.u32;
	[bflag:$0x2] =	sbarrier.arrive $0xFFFF  }
0x7de: {  	p0 =	sne.s32 s0, $0x0;
	s0 =	rddreg [dreg:$0x6]  }
0x7df: {  	s0 =	sadd.s32 @!p0 $0x100000, s0  }
0x7e0: {  	[sflag:s0] =	ssyncadd.tile.s32 @!p0 $0x1;
	_ =	shalt  }
.Lfunc_end2:
_tile_overlayer_lowered:
.L_overlay_start_2:
0x7e1: {  	(tag) =	ssettag $0x2  }
0x7e2: {  	s0 =	rddreg [dreg:$0x0];
	s2 =	stileid.u32  }
0x7e3: {  	s1 =	rddreg [dreg:$0x1];
	p0 =	sne.s32 s2, $0x0  }
0x7e4: {  	s3 =	rddreg [dreg:$0x2];
	[bflag:$0x3] =	sbarrier.arrive $0xFFFF;
	s2 =	simm.s32 @!p0 $0x1C03  }
0x7e5: {  	[timem:s3], [sflag:s2] =	dma.local @!p0 [hbm:s0], s1  }
0x7e6: {  	s0 =	simm.s32 @!p0 $0x3  }
0x7e7: {  	_ =	swait.ge @!p0 [sflag:s0], s1  }
0x7e8: {  	s1 =	ssub.s32 @!p0 $0x0, s1;
	[sflag:s0] =	ssyncset.done @!p0 $0x0  }
0x7e9: {  	[sflag:s0] =	ssyncadd.s32 @!p0 s1  }
0x7ea: {  	[bflag:$0x3] =	sbarrier.arrive $0xFFFF  }
0x7eb: {  	_ =	shalt  }

</sc_bundles>
